<compile_context>
chip_gen: v7x
topology: tpu7x:2x2x1
jax: 0.10.2.dev20260603
libtpu: 0.0.44.dev20260713+nightly
codegen_flags: <defaults>
</compile_context>

<pallas_src>
import functools

import numpy as np

import jax
import jax.numpy as jnp
from jax import lax
from jax.experimental import pallas as pl
from jax.experimental.pallas import tpu as pltpu
from jax.experimental.pallas import tpu_sc as plsc

_RADIUS2 = 0.2 * 0.2
_NSAMPLE = 64
_L = 16
_UNROLL = 16
_QGROUP = 8
_BUFSZ = 8256


def _ball_query_body(nbatch, xyz_hbm, q_hbm, out_hbm,
                     xk_v, yk_v, zk_v, qx_v, qy_v, qz_v, buf_v, out_v):
    n = xyz_hbm.shape[0] // (3 * nbatch)
    m = q_hbm.shape[0] // (3 * nbatch)
    sentinel = n + 1
    w = lax.axis_index("s") * 2 + lax.axis_index("c")
    workers_per_batch = 32 // nbatch
    qs_per_worker = m // workers_per_batch
    b = w // workers_per_batch
    q0 = (w % workers_per_batch) * qs_per_worker

    pltpu.sync_copy(xyz_hbm.at[pl.ds((b * 3 + 0) * n, n)], xk_v)
    pltpu.sync_copy(xyz_hbm.at[pl.ds((b * 3 + 1) * n, n)], yk_v)
    pltpu.sync_copy(xyz_hbm.at[pl.ds((b * 3 + 2) * n, n)], zk_v)
    pltpu.sync_copy(q_hbm.at[pl.ds((b * 3 + 0) * m, m)], qx_v)
    pltpu.sync_copy(q_hbm.at[pl.ds((b * 3 + 1) * m, m)], qy_v)
    pltpu.sync_copy(q_hbm.at[pl.ds((b * 3 + 2) * m, m)], qz_v)

    lanes = lax.broadcasted_iota(jnp.int32, (_L,), 0)
    zeros = jnp.zeros((_L,), jnp.int32)
    num_chunks = n // _L

    ones = jnp.ones((_L,), jnp.int32)
    biases = [jnp.full((_L,), q * _BUFSZ - 1, jnp.int32) for q in range(_QGROUP)]

    def per_group(g, carry):
        qxs, qys, qzs = [], [], []
        for q in range(_QGROUP):
            qi = jnp.full((_L,), q0 + g * _QGROUP + q, jnp.int32)
            qxs.append(plsc.load_gather(qx_v, [qi]))
            qys.append(plsc.load_gather(qy_v, [qi]))
            qzs.append(plsc.load_gather(qz_v, [qi]))
            buf_v[pl.ds(q * _BUFSZ, _L)] = jnp.full((_L,), sentinel, jnp.int32)

        def cond(c):
            chunk, bcs = c
            mn = bcs[0] - biases[0]
            for q in range(1, _QGROUP):
                mn = jnp.minimum(mn, bcs[q] - biases[q])
            return (mn[0] < _NSAMPLE) & (chunk < num_chunks)

        def scan_step(c):
            chunk, bcs = c
            bcs = list(bcs)
            for u in range(_UNROLL):
                base = pl.multiple_of((chunk + u) * _L, _L)
                xk = xk_v[pl.ds(base, _L)]
                yk = yk_v[pl.ds(base, _L)]
                zk = zk_v[pl.ds(base, _L)]
                idx = base + lanes
                for q in range(_QGROUP):
                    dx = xk - qxs[q]
                    dy = yk - qys[q]
                    dz = zk - qzs[q]
                    d2 = dx * dx + dy * dy + dz * dz
                    msk = d2 < jnp.float32(_RADIUS2)
                    pos = bcs[q] + plsc.cumsum(ones, mask=msk)
                    plsc.store_scatter(buf_v, [pos], idx, mask=msk)
                    bcs[q] = bcs[q] + plsc.all_reduce_population_count(msk)
            return (chunk + _UNROLL, tuple(bcs))

        _, bcs = lax.while_loop(
            cond, scan_step, (jnp.int32(0), tuple(biases)))

        for q in range(_QGROUP):
            cnt_v = bcs[q] - biases[q]
            vals0 = buf_v[pl.ds(q * _BUFSZ, _L)]
            first = jnp.take_along_axis(vals0, zeros, axis=0)
            for j in range(_NSAMPLE // _L):
                vals = vals0 if j == 0 else buf_v[pl.ds(q * _BUFSZ + j * _L, _L)]
                valid = (lanes + j * _L) < cnt_v
                off = pl.multiple_of((g * _QGROUP + q) * _NSAMPLE + j * _L, _L)
                out_v[pl.ds(off, _L)] = jnp.where(valid, vals, first)
        return carry

    lax.fori_loop(0, qs_per_worker // _QGROUP, per_group, 0)
    pltpu.sync_copy(out_v, out_hbm.at[pl.ds(w * qs_per_worker * _NSAMPLE,
                                            qs_per_worker * _NSAMPLE)])


def kernel(xyz, new_xyz):
    b, m, _ = new_xyz.shape
    n = xyz.shape[1]
    qs_per_worker = (b * m) // 32
    xyz_t = jnp.transpose(xyz, (0, 2, 1)).reshape(-1)

    r = jnp.float32(0.04 ** 0.5)
    span = jnp.minimum(new_xyz + r, 1.0) - jnp.maximum(new_xyz - r, 0.0)
    vol = jnp.prod(span, axis=2)
    order = jnp.argsort(vol, axis=1)
    ngroups = m // _QGROUP
    g2 = np.arange(ngroups)
    per_tec = ngroups // (32 // b)
    idx_g = (g2 % per_tec) * (32 // b) + g2 // per_tec
    arranged = order.reshape(b, ngroups, _QGROUP)[:, idx_g, :].reshape(b, m)
    inv = jnp.argsort(arranged, axis=1)

    q_t3 = jnp.transpose(new_xyz, (0, 2, 1))
    q_t3 = jnp.take_along_axis(
        q_t3, jnp.broadcast_to(arranged[:, None, :], (b, 3, m)), axis=2)
    q_t = q_t3.reshape(-1)

    run = pl.kernel(
        functools.partial(_ball_query_body, b),
        out_type=jax.ShapeDtypeStruct((b * m * _NSAMPLE,), jnp.int32),
        mesh=plsc.VectorSubcoreMesh(core_axis_name="c", subcore_axis_name="s"),
        compiler_params=pltpu.CompilerParams(needs_layout_passes=False),
        scratch_types=[
            pltpu.VMEM((n,), jnp.float32),
            pltpu.VMEM((n,), jnp.float32),
            pltpu.VMEM((n,), jnp.float32),
            pltpu.VMEM((m,), jnp.float32),
            pltpu.VMEM((m,), jnp.float32),
            pltpu.VMEM((m,), jnp.float32),
            pltpu.VMEM((_QGROUP * _BUFSZ,), jnp.int32),
            pltpu.VMEM((qs_per_worker * _NSAMPLE,), jnp.int32),
        ],
    )
    out = run(xyz_t, q_t).reshape(b, m, _NSAMPLE)
    return jnp.take_along_axis(out, inv[:, :, None], axis=1)

# --- scband reference (transcript-rebuilt; emitter-appended) ---
"""Pipeline reference for scband-ball-query-16346645529138 (READ-ONLY COPY).

The authoritative reference and input builder live on the scoring server;
editing this copy changes nothing except your own understanding.
"""

import jax, jax.numpy as jnp
import numpy as np

RADIUS = 0.2
NSAMPLE = 64


def setup_inputs(seed: int = 0) -> dict:
    key = jax.random.key(seed)
    k1, k2 = jax.random.split(key)
    xyz = jax.random.uniform(k1, (4, 8192, 3), dtype=jnp.float32)
    new_xyz = jax.random.uniform(k2, (4, 1024, 3), dtype=jnp.float32)
    return {"xyz": xyz, "new_xyz": new_xyz}


def reference(xyz, new_xyz):
    b, m, _ = new_xyz.shape
    n = xyz.shape[1]
    radius2 = RADIUS * RADIUS
    diff = new_xyz[:, :, None, :] - xyz[:, None, :, :]
    dist2 = jnp.sum(diff ** 2, axis=3)
    mask = dist2 < radius2
    arange_n = jnp.broadcast_to(jnp.arange(n, dtype=jnp.int32)[None, None, :], (b, m, n))
    sentinel = jnp.full_like(arange_n, n + 1)
    arange_n_masked = jnp.where(mask, arange_n, sentinel)
    sorted_indices = jnp.sort(arange_n_masked, axis=2)
    first_nsample = sorted_indices[:, :, :NSAMPLE]
    invalid_mask = first_nsample == (n + 1)
    first_valid = jnp.broadcast_to(first_nsample[:, :, 0:1], first_nsample.shape)
    out = jnp.where(invalid_mask, first_valid, first_nsample)
    return out.astype(jnp.int32)

if __name__ == "__main__":
    import jax
    _d = setup_inputs()
    print(jax.jit(kernel)(*tuple(_d.values())))

</pallas_src>

<mosaic_0001>
#map = affine_map<(d0, d1) -> (0)>
module attributes {stable_mosaic.version = 14 : i64} {
  func.func @_ball_query_body(%arg0: i32, %arg1: i32, %arg2: memref<98304xf32, #tpu.memory_space<hbm>>, %arg3: memref<12288xf32, #tpu.memory_space<hbm>>, %arg4: memref<262144xi32, #tpu.memory_space<hbm>>, %arg5: memref<8192xf32, #tpu.memory_space<vmem>>, %arg6: memref<8192xf32, #tpu.memory_space<vmem>>, %arg7: memref<8192xf32, #tpu.memory_space<vmem>>, %arg8: memref<1024xf32, #tpu.memory_space<vmem>>, %arg9: memref<1024xf32, #tpu.memory_space<vmem>>, %arg10: memref<1024xf32, #tpu.memory_space<vmem>>, %arg11: memref<66048xi32, #tpu.memory_space<vmem>>, %arg12: memref<8192xi32, #tpu.memory_space<vmem>>) attributes {dimension_semantics = [#tpu.dimension_semantics<core_parallel>, #tpu.dimension_semantics<subcore_parallel>], iteration_bounds = array<i64: 2, 16>, scalar_prefetch = 0 : i64, scratch_operands = 8 : i64, tpu.core_type = #tpu.core_type<sc_vector_subcore>, window_params = [{transform_indices = #map}, {transform_indices = #map}, {transform_indices = #map}]} {
    %mul3A = arith.constant 2 : i32
    %mul3A_0 = arith.muli %arg1, %mul3A : i32
    %add3A = arith.addi %mul3A_0, %arg0 : i32
    %jit3A = arith.constant 8 : i32
    %div3A = arith.divsi %add3A, %jit3A : i32
    %sign3A = arith.constant 0 : i32
    %sign3A_1 = arith.cmpi sgt, %add3A, %sign3A : i32
    %sign3A_2 = arith.extui %sign3A_1 : i1 to i32
    %sign3A_3 = arith.constant 0 : i32
    %sign3A_4 = arith.cmpi slt, %add3A, %sign3A_3 : i32
    %sign3A_5 = arith.extui %sign3A_4 : i1 to i32
    %sign3A_6 = arith.subi %sign3A_2, %sign3A_5 : i32
    %sign3A_7 = arith.constant 0 : i32
    %sign3A_8 = arith.cmpi sgt, %jit3A, %sign3A_7 : i32
    %sign3A_9 = arith.extui %sign3A_8 : i1 to i32
    %sign3A_10 = arith.constant 0 : i32
    %sign3A_11 = arith.cmpi slt, %jit3A, %sign3A_10 : i32
    %sign3A_12 = arith.extui %sign3A_11 : i1 to i32
    %sign3A_13 = arith.subi %sign3A_9, %sign3A_12 : i32
    %ne3A = arith.cmpi ne, %sign3A_6, %sign3A_13 : i32
    %rem3A = arith.remsi %add3A, %jit3A : i32
    %ne3A_14 = arith.constant 0 : i32
    %ne3A_15 = arith.cmpi ne, %rem3A, %ne3A_14 : i32
    %and3A = arith.andi %ne3A, %ne3A_15 : i1
    %sub3A = arith.constant 1 : i32
    %sub3A_16 = arith.subi %div3A, %sub3A : i32
    %select_n3A = arith.select %and3A, %sub3A_16, %div3A : i32
    %jit3A_17 = arith.constant 8 : i32
    %eq3A = arith.constant 0 : i32
    %eq3A_18 = arith.cmpi eq, %jit3A_17, %eq3A : i32
    %jit3A_19 = arith.constant 1 : i32
    %select_n3A_20 = arith.select %eq3A_18, %jit3A_19, %jit3A_17 : i32
    %rem3A_21 = arith.remsi %add3A, %select_n3A_20 : i32
    %ne3A_22 = arith.constant 0 : i32
    %ne3A_23 = arith.cmpi ne, %rem3A_21, %ne3A_22 : i32
    %lt3A = arith.constant 0 : i32
    %lt3A_24 = arith.cmpi slt, %rem3A_21, %lt3A : i32
    %lt3A_25 = arith.constant 0 : i32
    %lt3A_26 = arith.cmpi slt, %select_n3A_20, %lt3A_25 : i32
    %ne3A_27 = arith.xori %lt3A_24, %lt3A_26 : i1
    %and3A_28 = arith.andi %ne3A_27, %ne3A_23 : i1
    %add3A_29 = arith.addi %rem3A_21, %select_n3A_20 : i32
    %select_n3A_30 = arith.select %and3A_28, %add3A_29, %rem3A_21 : i32
    %mul3A_31 = arith.constant 128 : i32
    %mul3A_32 = arith.muli %select_n3A_30, %mul3A_31 : i32
    %mul3A_33 = arith.constant 3 : i32
    %mul3A_34 = arith.muli %select_n3A, %mul3A_33 : i32
    %add3A_35 = arith.constant 0 : i32
    %add3A_36 = arith.addi %mul3A_34, %add3A_35 : i32
    %mul3A_37 = arith.constant 8192 : i32
    %mul3A_38 = arith.muli %add3A_36, %mul3A_37 : i32
    "tpu.region"() ({
      %run_scoped3A = tpu.sem_alloc : memref<!tpu.dma_semaphore, #tpu.memory_space<semaphore_mem>>
      %dma_start3A = tpu.memref_slice %arg2[%mul3A_38] : memref<98304xf32, #tpu.memory_space<hbm>> -> memref<8192xf32, #tpu.memory_space<hbm>>
      %dma_start3A_97 = tpu.memref_slice %arg2[%mul3A_38] : memref<98304xf32, #tpu.memory_space<hbm>> -> memref<8192xf32, #tpu.memory_space<hbm>>
      tpu.enqueue_dma source(%dma_start3A_97 : memref<8192xf32, #tpu.memory_space<hbm>>) target(%arg5 : memref<8192xf32, #tpu.memory_space<vmem>>) target_semaphore(%run_scoped3A : memref<!tpu.dma_semaphore, #tpu.memory_space<semaphore_mem>>)
      %dma_wait3A = tpu.memref_slice %arg2[%mul3A_38] : memref<98304xf32, #tpu.memory_space<hbm>> -> memref<8192xf32, #tpu.memory_space<hbm>>
      %dma_wait3A_98 = tpu.memref_slice %arg2[%mul3A_38] : memref<98304xf32, #tpu.memory_space<hbm>> -> memref<8192xf32, #tpu.memory_space<hbm>>
      tpu.wait_dma2 semaphore(%run_scoped3A : memref<!tpu.dma_semaphore, #tpu.memory_space<semaphore_mem>>) src(%dma_wait3A_98 : memref<8192xf32, #tpu.memory_space<hbm>>) dst(%arg5 : memref<8192xf32, #tpu.memory_space<vmem>>)
      tpu.yield
    }) : () -> ()
    %mul3A_39 = arith.constant 3 : i32
    %mul3A_40 = arith.muli %select_n3A, %mul3A_39 : i32
    %add3A_41 = arith.constant 1 : i32
    %add3A_42 = arith.addi %mul3A_40, %add3A_41 : i32
    %mul3A_43 = arith.constant 8192 : i32
    %mul3A_44 = arith.muli %add3A_42, %mul3A_43 : i32
    "tpu.region"() ({
      %run_scoped3A = tpu.sem_alloc : memref<!tpu.dma_semaphore, #tpu.memory_space<semaphore_mem>>
      %dma_start3A = tpu.memref_slice %arg2[%mul3A_44] : memref<98304xf32, #tpu.memory_space<hbm>> -> memref<8192xf32, #tpu.memory_space<hbm>>
      %dma_start3A_97 = tpu.memref_slice %arg2[%mul3A_44] : memref<98304xf32, #tpu.memory_space<hbm>> -> memref<8192xf32, #tpu.memory_space<hbm>>
      tpu.enqueue_dma source(%dma_start3A_97 : memref<8192xf32, #tpu.memory_space<hbm>>) target(%arg6 : memref<8192xf32, #tpu.memory_space<vmem>>) target_semaphore(%run_scoped3A : memref<!tpu.dma_semaphore, #tpu.memory_space<semaphore_mem>>)
      %dma_wait3A = tpu.memref_slice %arg2[%mul3A_44] : memref<98304xf32, #tpu.memory_space<hbm>> -> memref<8192xf32, #tpu.memory_space<hbm>>
      %dma_wait3A_98 = tpu.memref_slice %arg2[%mul3A_44] : memref<98304xf32, #tpu.memory_space<hbm>> -> memref<8192xf32, #tpu.memory_space<hbm>>
      tpu.wait_dma2 semaphore(%run_scoped3A : memref<!tpu.dma_semaphore, #tpu.memory_space<semaphore_mem>>) src(%dma_wait3A_98 : memref<8192xf32, #tpu.memory_space<hbm>>) dst(%arg6 : memref<8192xf32, #tpu.memory_space<vmem>>)
      tpu.yield
    }) : () -> ()
    %mul3A_45 = arith.constant 3 : i32
    %mul3A_46 = arith.muli %select_n3A, %mul3A_45 : i32
    %add3A_47 = arith.constant 2 : i32
    %add3A_48 = arith.addi %mul3A_46, %add3A_47 : i32
    %mul3A_49 = arith.constant 8192 : i32
    %mul3A_50 = arith.muli %add3A_48, %mul3A_49 : i32
    "tpu.region"() ({
      %run_scoped3A = tpu.sem_alloc : memref<!tpu.dma_semaphore, #tpu.memory_space<semaphore_mem>>
      %dma_start3A = tpu.memref_slice %arg2[%mul3A_50] : memref<98304xf32, #tpu.memory_space<hbm>> -> memref<8192xf32, #tpu.memory_space<hbm>>
      %dma_start3A_97 = tpu.memref_slice %arg2[%mul3A_50] : memref<98304xf32, #tpu.memory_space<hbm>> -> memref<8192xf32, #tpu.memory_space<hbm>>
      tpu.enqueue_dma source(%dma_start3A_97 : memref<8192xf32, #tpu.memory_space<hbm>>) target(%arg7 : memref<8192xf32, #tpu.memory_space<vmem>>) target_semaphore(%run_scoped3A : memref<!tpu.dma_semaphore, #tpu.memory_space<semaphore_mem>>)
      %dma_wait3A = tpu.memref_slice %arg2[%mul3A_50] : memref<98304xf32, #tpu.memory_space<hbm>> -> memref<8192xf32, #tpu.memory_space<hbm>>
      %dma_wait3A_98 = tpu.memref_slice %arg2[%mul3A_50] : memref<98304xf32, #tpu.memory_space<hbm>> -> memref<8192xf32, #tpu.memory_space<hbm>>
      tpu.wait_dma2 semaphore(%run_scoped3A : memref<!tpu.dma_semaphore, #tpu.memory_space<semaphore_mem>>) src(%dma_wait3A_98 : memref<8192xf32, #tpu.memory_space<hbm>>) dst(%arg7 : memref<8192xf32, #tpu.memory_space<vmem>>)
      tpu.yield
    }) : () -> ()
    %mul3A_51 = arith.constant 3 : i32
    %mul3A_52 = arith.muli %select_n3A, %mul3A_51 : i32
    %add3A_53 = arith.constant 0 : i32
    %add3A_54 = arith.addi %mul3A_52, %add3A_53 : i32
    %mul3A_55 = arith.constant 1024 : i32
    %mul3A_56 = arith.muli %add3A_54, %mul3A_55 : i32
    "tpu.region"() ({
      %run_scoped3A = tpu.sem_alloc : memref<!tpu.dma_semaphore, #tpu.memory_space<semaphore_mem>>
      %dma_start3A = tpu.memref_slice %arg3[%mul3A_56] : memref<12288xf32, #tpu.memory_space<hbm>> -> memref<1024xf32, #tpu.memory_space<hbm>>
      %dma_start3A_97 = tpu.memref_slice %arg3[%mul3A_56] : memref<12288xf32, #tpu.memory_space<hbm>> -> memref<1024xf32, #tpu.memory_space<hbm>>
      tpu.enqueue_dma source(%dma_start3A_97 : memref<1024xf32, #tpu.memory_space<hbm>>) target(%arg8 : memref<1024xf32, #tpu.memory_space<vmem>>) target_semaphore(%run_scoped3A : memref<!tpu.dma_semaphore, #tpu.memory_space<semaphore_mem>>)
      %dma_wait3A = tpu.memref_slice %arg3[%mul3A_56] : memref<12288xf32, #tpu.memory_space<hbm>> -> memref<1024xf32, #tpu.memory_space<hbm>>
      %dma_wait3A_98 = tpu.memref_slice %arg3[%mul3A_56] : memref<12288xf32, #tpu.memory_space<hbm>> -> memref<1024xf32, #tpu.memory_space<hbm>>
      tpu.wait_dma2 semaphore(%run_scoped3A : memref<!tpu.dma_semaphore, #tpu.memory_space<semaphore_mem>>) src(%dma_wait3A_98 : memref<1024xf32, #tpu.memory_space<hbm>>) dst(%arg8 : memref<1024xf32, #tpu.memory_space<vmem>>)
      tpu.yield
    }) : () -> ()
    %mul3A_57 = arith.constant 3 : i32
    %mul3A_58 = arith.muli %select_n3A, %mul3A_57 : i32
    %add3A_59 = arith.constant 1 : i32
    %add3A_60 = arith.addi %mul3A_58, %add3A_59 : i32
    %mul3A_61 = arith.constant 1024 : i32
    %mul3A_62 = arith.muli %add3A_60, %mul3A_61 : i32
    "tpu.region"() ({
      %run_scoped3A = tpu.sem_alloc : memref<!tpu.dma_semaphore, #tpu.memory_space<semaphore_mem>>
      %dma_start3A = tpu.memref_slice %arg3[%mul3A_62] : memref<12288xf32, #tpu.memory_space<hbm>> -> memref<1024xf32, #tpu.memory_space<hbm>>
      %dma_start3A_97 = tpu.memref_slice %arg3[%mul3A_62] : memref<12288xf32, #tpu.memory_space<hbm>> -> memref<1024xf32, #tpu.memory_space<hbm>>
      tpu.enqueue_dma source(%dma_start3A_97 : memref<1024xf32, #tpu.memory_space<hbm>>) target(%arg9 : memref<1024xf32, #tpu.memory_space<vmem>>) target_semaphore(%run_scoped3A : memref<!tpu.dma_semaphore, #tpu.memory_space<semaphore_mem>>)
      %dma_wait3A = tpu.memref_slice %arg3[%mul3A_62] : memref<12288xf32, #tpu.memory_space<hbm>> -> memref<1024xf32, #tpu.memory_space<hbm>>
      %dma_wait3A_98 = tpu.memref_slice %arg3[%mul3A_62] : memref<12288xf32, #tpu.memory_space<hbm>> -> memref<1024xf32, #tpu.memory_space<hbm>>
      tpu.wait_dma2 semaphore(%run_scoped3A : memref<!tpu.dma_semaphore, #tpu.memory_space<semaphore_mem>>) src(%dma_wait3A_98 : memref<1024xf32, #tpu.memory_space<hbm>>) dst(%arg9 : memref<1024xf32, #tpu.memory_space<vmem>>)
      tpu.yield
    }) : () -> ()
    %mul3A_63 = arith.constant 3 : i32
    %mul3A_64 = arith.muli %select_n3A, %mul3A_63 : i32
    %add3A_65 = arith.constant 2 : i32
    %add3A_66 = arith.addi %mul3A_64, %add3A_65 : i32
    %mul3A_67 = arith.constant 1024 : i32
    %mul3A_68 = arith.muli %add3A_66, %mul3A_67 : i32
    "tpu.region"() ({
      %run_scoped3A = tpu.sem_alloc : memref<!tpu.dma_semaphore, #tpu.memory_space<semaphore_mem>>
      %dma_start3A = tpu.memref_slice %arg3[%mul3A_68] : memref<12288xf32, #tpu.memory_space<hbm>> -> memref<1024xf32, #tpu.memory_space<hbm>>
      %dma_start3A_97 = tpu.memref_slice %arg3[%mul3A_68] : memref<12288xf32, #tpu.memory_space<hbm>> -> memref<1024xf32, #tpu.memory_space<hbm>>
      tpu.enqueue_dma source(%dma_start3A_97 : memref<1024xf32, #tpu.memory_space<hbm>>) target(%arg10 : memref<1024xf32, #tpu.memory_space<vmem>>) target_semaphore(%run_scoped3A : memref<!tpu.dma_semaphore, #tpu.memory_space<semaphore_mem>>)
      %dma_wait3A = tpu.memref_slice %arg3[%mul3A_68] : memref<12288xf32, #tpu.memory_space<hbm>> -> memref<1024xf32, #tpu.memory_space<hbm>>
      %dma_wait3A_98 = tpu.memref_slice %arg3[%mul3A_68] : memref<12288xf32, #tpu.memory_space<hbm>> -> memref<1024xf32, #tpu.memory_space<hbm>>
      tpu.wait_dma2 semaphore(%run_scoped3A : memref<!tpu.dma_semaphore, #tpu.memory_space<semaphore_mem>>) src(%dma_wait3A_98 : memref<1024xf32, #tpu.memory_space<hbm>>) dst(%arg10 : memref<1024xf32, #tpu.memory_space<vmem>>)
      tpu.yield
    }) : () -> ()
    %iota3A = tpu.iota {dimensions = array<i32: 0>} : vector<16xi32>
    %broadcast_in_dim3A = arith.constant 0 : i32
    %broadcast_in_dim3A_69 = vector.broadcast %broadcast_in_dim3A : i32 to vector<16xi32>
    %broadcast_in_dim3A_70 = arith.constant 1 : i32
    %broadcast_in_dim3A_71 = vector.broadcast %broadcast_in_dim3A_70 : i32 to vector<16xi32>
    %broadcast_in_dim3A_72 = arith.constant -1 : i32
    %broadcast_in_dim3A_73 = vector.broadcast %broadcast_in_dim3A_72 : i32 to vector<16xi32>
    %broadcast_in_dim3A_74 = arith.constant 8255 : i32
    %broadcast_in_dim3A_75 = vector.broadcast %broadcast_in_dim3A_74 : i32 to vector<16xi32>
    %broadcast_in_dim3A_76 = arith.constant 16511 : i32
    %broadcast_in_dim3A_77 = vector.broadcast %broadcast_in_dim3A_76 : i32 to vector<16xi32>
    %broadcast_in_dim3A_78 = arith.constant 24767 : i32
    %broadcast_in_dim3A_79 = vector.broadcast %broadcast_in_dim3A_78 : i32 to vector<16xi32>
    %broadcast_in_dim3A_80 = arith.constant 33023 : i32
    %broadcast_in_dim3A_81 = vector.broadcast %broadcast_in_dim3A_80 : i32 to vector<16xi32>
    %broadcast_in_dim3A_82 = arith.constant 41279 : i32
    %broadcast_in_dim3A_83 = vector.broadcast %broadcast_in_dim3A_82 : i32 to vector<16xi32>
    %broadcast_in_dim3A_84 = arith.constant 49535 : i32
    %broadcast_in_dim3A_85 = vector.broadcast %broadcast_in_dim3A_84 : i32 to vector<16xi32>
    %broadcast_in_dim3A_86 = arith.constant 57791 : i32
    %broadcast_in_dim3A_87 = vector.broadcast %broadcast_in_dim3A_86 : i32 to vector<16xi32>
    %scan3A = arith.constant 0 : i32
    %scan3A_88 = arith.constant 0 : i32
    %scan3A_89 = arith.constant 16 : i32
    %scan3A_90 = arith.addi %scan3A_88, %scan3A_89 : i32
    %scan3A_91 = arith.constant 1 : i32
    scf.for %scan3A_97 = %scan3A_88 to %scan3A_90 step %scan3A_91  : i32 {
      %mul3A_98 = arith.constant 8 : i32
      %mul3A_99 = arith.muli %scan3A_97, %mul3A_98 : i32
      %add3A_100 = arith.addi %mul3A_32, %mul3A_99 : i32
      %add3A_101 = arith.constant 0 : i32
      %add3A_102 = arith.addi %add3A_100, %add3A_101 : i32
      %broadcast_in_dim3A_103 = vector.broadcast %add3A_102 : i32 to vector<16xi32>
      %gather3A = tpu.vector_load_idx %arg8[%broadcast_in_dim3A_103] : memref<1024xf32, #tpu.memory_space<vmem>>[vector<16xi32>], vector<16xf32>,
      %gather3A_104 = tpu.vector_load_idx %arg9[%broadcast_in_dim3A_103] : memref<1024xf32, #tpu.memory_space<vmem>>[vector<16xi32>], vector<16xf32>,
      %gather3A_105 = tpu.vector_load_idx %arg10[%broadcast_in_dim3A_103] : memref<1024xf32, #tpu.memory_space<vmem>>[vector<16xi32>], vector<16xf32>,
      %broadcast_in_dim3A_106 = arith.constant 8193 : i32
      %broadcast_in_dim3A_107 = vector.broadcast %broadcast_in_dim3A_106 : i32 to vector<16xi32>
      %swap3A = arith.constant 0 : index
      %swap3A_108 = tpu.vector_load %arg11[%swap3A] {strides = array<i32>} : memref<66048xi32, #tpu.memory_space<vmem>>, vector<16xi32>,
      tpu.vector_store %arg11[%swap3A], %broadcast_in_dim3A_107 {strides = array<i32>} : memref<66048xi32, #tpu.memory_space<vmem>>, vector<16xi32>,
      %mul3A_109 = arith.constant 8 : i32
      %mul3A_110 = arith.muli %scan3A_97, %mul3A_109 : i32
      %add3A_111 = arith.addi %mul3A_32, %mul3A_110 : i32
      %add3A_112 = arith.constant 1 : i32
      %add3A_113 = arith.addi %add3A_111, %add3A_112 : i32
      %broadcast_in_dim3A_114 = vector.broadcast %add3A_113 : i32 to vector<16xi32>
      %gather3A_115 = tpu.vector_load_idx %arg8[%broadcast_in_dim3A_114] : memref<1024xf32, #tpu.memory_space<vmem>>[vector<16xi32>], vector<16xf32>,
      %gather3A_116 = tpu.vector_load_idx %arg9[%broadcast_in_dim3A_114] : memref<1024xf32, #tpu.memory_space<vmem>>[vector<16xi32>], vector<16xf32>,
      %gather3A_117 = tpu.vector_load_idx %arg10[%broadcast_in_dim3A_114] : memref<1024xf32, #tpu.memory_space<vmem>>[vector<16xi32>], vector<16xf32>,
      %broadcast_in_dim3A_118 = arith.constant 8193 : i32
      %broadcast_in_dim3A_119 = vector.broadcast %broadcast_in_dim3A_118 : i32 to vector<16xi32>
      %swap3A_120 = arith.constant 8256 : index
      %swap3A_121 = tpu.vector_load %arg11[%swap3A_120] {strides = array<i32>} : memref<66048xi32, #tpu.memory_space<vmem>>, vector<16xi32>,
      tpu.vector_store %arg11[%swap3A_120], %broadcast_in_dim3A_119 {strides = array<i32>} : memref<66048xi32, #tpu.memory_space<vmem>>, vector<16xi32>,
      %mul3A_122 = arith.constant 8 : i32
      %mul3A_123 = arith.muli %scan3A_97, %mul3A_122 : i32
      %add3A_124 = arith.addi %mul3A_32, %mul3A_123 : i32
      %add3A_125 = arith.constant 2 : i32
      %add3A_126 = arith.addi %add3A_124, %add3A_125 : i32
      %broadcast_in_dim3A_127 = vector.broadcast %add3A_126 : i32 to vector<16xi32>
      %gather3A_128 = tpu.vector_load_idx %arg8[%broadcast_in_dim3A_127] : memref<1024xf32, #tpu.memory_space<vmem>>[vector<16xi32>], vector<16xf32>,
      %gather3A_129 = tpu.vector_load_idx %arg9[%broadcast_in_dim3A_127] : memref<1024xf32, #tpu.memory_space<vmem>>[vector<16xi32>], vector<16xf32>,
      %gather3A_130 = tpu.vector_load_idx %arg10[%broadcast_in_dim3A_127] : memref<1024xf32, #tpu.memory_space<vmem>>[vector<16xi32>], vector<16xf32>,
      %broadcast_in_dim3A_131 = arith.constant 8193 : i32
      %broadcast_in_dim3A_132 = vector.broadcast %broadcast_in_dim3A_131 : i32 to vector<16xi32>
      %swap3A_133 = arith.constant 16512 : index
      %swap3A_134 = tpu.vector_load %arg11[%swap3A_133] {strides = array<i32>} : memref<66048xi32, #tpu.memory_space<vmem>>, vector<16xi32>,
      tpu.vector_store %arg11[%swap3A_133], %broadcast_in_dim3A_132 {strides = array<i32>} : memref<66048xi32, #tpu.memory_space<vmem>>, vector<16xi32>,
      %mul3A_135 = arith.constant 8 : i32
      %mul3A_136 = arith.muli %scan3A_97, %mul3A_135 : i32
      %add3A_137 = arith.addi %mul3A_32, %mul3A_136 : i32
      %add3A_138 = arith.constant 3 : i32
      %add3A_139 = arith.addi %add3A_137, %add3A_138 : i32
      %broadcast_in_dim3A_140 = vector.broadcast %add3A_139 : i32 to vector<16xi32>
      %gather3A_141 = tpu.vector_load_idx %arg8[%broadcast_in_dim3A_140] : memref<1024xf32, #tpu.memory_space<vmem>>[vector<16xi32>], vector<16xf32>,
      %gather3A_142 = tpu.vector_load_idx %arg9[%broadcast_in_dim3A_140] : memref<1024xf32, #tpu.memory_space<vmem>>[vector<16xi32>], vector<16xf32>,
      %gather3A_143 = tpu.vector_load_idx %arg10[%broadcast_in_dim3A_140] : memref<1024xf32, #tpu.memory_space<vmem>>[vector<16xi32>], vector<16xf32>,
      %broadcast_in_dim3A_144 = arith.constant 8193 : i32
      %broadcast_in_dim3A_145 = vector.broadcast %broadcast_in_dim3A_144 : i32 to vector<16xi32>
      %swap3A_146 = arith.constant 24768 : index
      %swap3A_147 = tpu.vector_load %arg11[%swap3A_146] {strides = array<i32>} : memref<66048xi32, #tpu.memory_space<vmem>>, vector<16xi32>,
      tpu.vector_store %arg11[%swap3A_146], %broadcast_in_dim3A_145 {strides = array<i32>} : memref<66048xi32, #tpu.memory_space<vmem>>, vector<16xi32>,
      %mul3A_148 = arith.constant 8 : i32
      %mul3A_149 = arith.muli %scan3A_97, %mul3A_148 : i32
      %add3A_150 = arith.addi %mul3A_32, %mul3A_149 : i32
      %add3A_151 = arith.constant 4 : i32
      %add3A_152 = arith.addi %add3A_150, %add3A_151 : i32
      %broadcast_in_dim3A_153 = vector.broadcast %add3A_152 : i32 to vector<16xi32>
      %gather3A_154 = tpu.vector_load_idx %arg8[%broadcast_in_dim3A_153] : memref<1024xf32, #tpu.memory_space<vmem>>[vector<16xi32>], vector<16xf32>,
      %gather3A_155 = tpu.vector_load_idx %arg9[%broadcast_in_dim3A_153] : memref<1024xf32, #tpu.memory_space<vmem>>[vector<16xi32>], vector<16xf32>,
      %gather3A_156 = tpu.vector_load_idx %arg10[%broadcast_in_dim3A_153] : memref<1024xf32, #tpu.memory_space<vmem>>[vector<16xi32>], vector<16xf32>,
      %broadcast_in_dim3A_157 = arith.constant 8193 : i32
      %broadcast_in_dim3A_158 = vector.broadcast %broadcast_in_dim3A_157 : i32 to vector<16xi32>
      %swap3A_159 = arith.constant 33024 : index
      %swap3A_160 = tpu.vector_load %arg11[%swap3A_159] {strides = array<i32>} : memref<66048xi32, #tpu.memory_space<vmem>>, vector<16xi32>,
      tpu.vector_store %arg11[%swap3A_159], %broadcast_in_dim3A_158 {strides = array<i32>} : memref<66048xi32, #tpu.memory_space<vmem>>, vector<16xi32>,
      %mul3A_161 = arith.constant 8 : i32
      %mul3A_162 = arith.muli %scan3A_97, %mul3A_161 : i32
      %add3A_163 = arith.addi %mul3A_32, %mul3A_162 : i32
      %add3A_164 = arith.constant 5 : i32
      %add3A_165 = arith.addi %add3A_163, %add3A_164 : i32
      %broadcast_in_dim3A_166 = vector.broadcast %add3A_165 : i32 to vector<16xi32>
      %gather3A_167 = tpu.vector_load_idx %arg8[%broadcast_in_dim3A_166] : memref<1024xf32, #tpu.memory_space<vmem>>[vector<16xi32>], vector<16xf32>,
      %gather3A_168 = tpu.vector_load_idx %arg9[%broadcast_in_dim3A_166] : memref<1024xf32, #tpu.memory_space<vmem>>[vector<16xi32>], vector<16xf32>,
      %gather3A_169 = tpu.vector_load_idx %arg10[%broadcast_in_dim3A_166] : memref<1024xf32, #tpu.memory_space<vmem>>[vector<16xi32>], vector<16xf32>,
      %broadcast_in_dim3A_170 = arith.constant 8193 : i32
      %broadcast_in_dim3A_171 = vector.broadcast %broadcast_in_dim3A_170 : i32 to vector<16xi32>
      %swap3A_172 = arith.constant 41280 : index
      %swap3A_173 = tpu.vector_load %arg11[%swap3A_172] {strides = array<i32>} : memref<66048xi32, #tpu.memory_space<vmem>>, vector<16xi32>,
      tpu.vector_store %arg11[%swap3A_172], %broadcast_in_dim3A_171 {strides = array<i32>} : memref<66048xi32, #tpu.memory_space<vmem>>, vector<16xi32>,
      %mul3A_174 = arith.constant 8 : i32
      %mul3A_175 = arith.muli %scan3A_97, %mul3A_174 : i32
      %add3A_176 = arith.addi %mul3A_32, %mul3A_175 : i32
      %add3A_177 = arith.constant 6 : i32
      %add3A_178 = arith.addi %add3A_176, %add3A_177 : i32
      %broadcast_in_dim3A_179 = vector.broadcast %add3A_178 : i32 to vector<16xi32>
      %gather3A_180 = tpu.vector_load_idx %arg8[%broadcast_in_dim3A_179] : memref<1024xf32, #tpu.memory_space<vmem>>[vector<16xi32>], vector<16xf32>,
      %gather3A_181 = tpu.vector_load_idx %arg9[%broadcast_in_dim3A_179] : memref<1024xf32, #tpu.memory_space<vmem>>[vector<16xi32>], vector<16xf32>,
      %gather3A_182 = tpu.vector_load_idx %arg10[%broadcast_in_dim3A_179] : memref<1024xf32, #tpu.memory_space<vmem>>[vector<16xi32>], vector<16xf32>,
      %broadcast_in_dim3A_183 = arith.constant 8193 : i32
      %broadcast_in_dim3A_184 = vector.broadcast %broadcast_in_dim3A_183 : i32 to vector<16xi32>
      %swap3A_185 = arith.constant 49536 : index
      %swap3A_186 = tpu.vector_load %arg11[%swap3A_185] {strides = array<i32>} : memref<66048xi32, #tpu.memory_space<vmem>>, vector<16xi32>,
      tpu.vector_store %arg11[%swap3A_185], %broadcast_in_dim3A_184 {strides = array<i32>} : memref<66048xi32, #tpu.memory_space<vmem>>, vector<16xi32>,
      %mul3A_187 = arith.constant 8 : i32
      %mul3A_188 = arith.muli %scan3A_97, %mul3A_187 : i32
      %add3A_189 = arith.addi %mul3A_32, %mul3A_188 : i32
      %add3A_190 = arith.constant 7 : i32
      %add3A_191 = arith.addi %add3A_189, %add3A_190 : i32
      %broadcast_in_dim3A_192 = vector.broadcast %add3A_191 : i32 to vector<16xi32>
      %gather3A_193 = tpu.vector_load_idx %arg8[%broadcast_in_dim3A_192] : memref<1024xf32, #tpu.memory_space<vmem>>[vector<16xi32>], vector<16xf32>,
      %gather3A_194 = tpu.vector_load_idx %arg9[%broadcast_in_dim3A_192] : memref<1024xf32, #tpu.memory_space<vmem>>[vector<16xi32>], vector<16xf32>,
      %gather3A_195 = tpu.vector_load_idx %arg10[%broadcast_in_dim3A_192] : memref<1024xf32, #tpu.memory_space<vmem>>[vector<16xi32>], vector<16xf32>,
      %broadcast_in_dim3A_196 = arith.constant 8193 : i32
      %broadcast_in_dim3A_197 = vector.broadcast %broadcast_in_dim3A_196 : i32 to vector<16xi32>
      %swap3A_198 = arith.constant 57792 : index
      %swap3A_199 = tpu.vector_load %arg11[%swap3A_198] {strides = array<i32>} : memref<66048xi32, #tpu.memory_space<vmem>>, vector<16xi32>,
      tpu.vector_store %arg11[%swap3A_198], %broadcast_in_dim3A_197 {strides = array<i32>} : memref<66048xi32, #tpu.memory_space<vmem>>, vector<16xi32>,
      %while3A = arith.constant 0 : i32
      %while3A_200:9 = scf.while (%while3A_862 = %while3A, %while3A_863 = %broadcast_in_dim3A_73, %while3A_864 = %broadcast_in_dim3A_75, %while3A_865 = %broadcast_in_dim3A_77, %while3A_866 = %broadcast_in_dim3A_79, %while3A_867 = %broadcast_in_dim3A_81, %while3A_868 = %broadcast_in_dim3A_83, %while3A_869 = %broadcast_in_dim3A_85, %while3A_870 = %broadcast_in_dim3A_87) : (i32, vector<16xi32>, vector<16xi32>, vector<16xi32>, vector<16xi32>, vector<16xi32>, vector<16xi32>, vector<16xi32>, vector<16xi32>) -> (i32, vector<16xi32>, vector<16xi32>, vector<16xi32>, vector<16xi32>, vector<16xi32>, vector<16xi32>, vector<16xi32>, vector<16xi32>) {
        %sub3A_871 = arith.subi %while3A_863, %broadcast_in_dim3A_73 : vector<16xi32>
        %sub3A_872 = arith.subi %while3A_864, %broadcast_in_dim3A_75 : vector<16xi32>
        %min3A = arith.minsi %sub3A_871, %sub3A_872 : vector<16xi32>
        %sub3A_873 = arith.subi %while3A_865, %broadcast_in_dim3A_77 : vector<16xi32>
        %min3A_874 = arith.minsi %min3A, %sub3A_873 : vector<16xi32>
        %sub3A_875 = arith.subi %while3A_866, %broadcast_in_dim3A_79 : vector<16xi32>
        %min3A_876 = arith.minsi %min3A_874, %sub3A_875 : vector<16xi32>
        %sub3A_877 = arith.subi %while3A_867, %broadcast_in_dim3A_81 : vector<16xi32>
        %min3A_878 = arith.minsi %min3A_876, %sub3A_877 : vector<16xi32>
        %sub3A_879 = arith.subi %while3A_868, %broadcast_in_dim3A_83 : vector<16xi32>
        %min3A_880 = arith.minsi %min3A_878, %sub3A_879 : vector<16xi32>
        %sub3A_881 = arith.subi %while3A_869, %broadcast_in_dim3A_85 : vector<16xi32>
        %min3A_882 = arith.minsi %min3A_880, %sub3A_881 : vector<16xi32>
        %sub3A_883 = arith.subi %while3A_870, %broadcast_in_dim3A_87 : vector<16xi32>
        %min3A_884 = arith.minsi %min3A_882, %sub3A_883 : vector<16xi32>
        %slice3A = vector.extract_strided_slice %min3A_884 {offsets = [0], sizes = [1], strides = [1]} : vector<16xi32> to vector<1xi32>
        %squeeze3A = vector.extract %slice3A[0] : i32 from vector<1xi32>
        %lt3A_885 = arith.constant 64 : i32
        %lt3A_886 = arith.cmpi slt, %squeeze3A, %lt3A_885 : i32
        %lt3A_887 = arith.constant 512 : i32
        %lt3A_888 = arith.cmpi slt, %while3A_862, %lt3A_887 : i32
        %and3A_889 = arith.andi %lt3A_886, %lt3A_888 : i1
        scf.condition(%and3A_889) %while3A_862, %while3A_863, %while3A_864, %while3A_865, %while3A_866, %while3A_867, %while3A_868, %while3A_869, %while3A_870 : i32, vector<16xi32>, vector<16xi32>, vector<16xi32>, vector<16xi32>, vector<16xi32>, vector<16xi32>, vector<16xi32>, vector<16xi32>
      } do {
      ^bb0(%while3A_862: i32, %while3A_863: vector<16xi32>, %while3A_864: vector<16xi32>, %while3A_865: vector<16xi32>, %while3A_866: vector<16xi32>, %while3A_867: vector<16xi32>, %while3A_868: vector<16xi32>, %while3A_869: vector<16xi32>, %while3A_870: vector<16xi32>):
        %add3A_871 = arith.constant 0 : i32
        %add3A_872 = arith.addi %while3A_862, %add3A_871 : i32
        %mul3A_873 = arith.constant 16 : i32
        %mul3A_874 = arith.muli %add3A_872, %mul3A_873 : i32
        %multiple_of3A_875 = tpu.assume_multiple %mul3A_874, 16 : i32
        %get3A_876 = arith.index_cast %multiple_of3A_875 : i32 to index
        %get3A_877 = tpu.vector_load %arg5[%get3A_876] {strides = array<i32>} : memref<8192xf32, #tpu.memory_space<vmem>>, vector<16xf32>,
        %get3A_878 = arith.index_cast %multiple_of3A_875 : i32 to index
        %get3A_879 = tpu.vector_load %arg6[%get3A_878] {strides = array<i32>} : memref<8192xf32, #tpu.memory_space<vmem>>, vector<16xf32>,
        %get3A_880 = arith.index_cast %multiple_of3A_875 : i32 to index
        %get3A_881 = tpu.vector_load %arg7[%get3A_880] {strides = array<i32>} : memref<8192xf32, #tpu.memory_space<vmem>>, vector<16xf32>,
        %add3A_882 = vector.broadcast %multiple_of3A_875 : i32 to vector<16xi32>
        %add3A_883 = arith.addi %add3A_882, %iota3A : vector<16xi32>
        %sub3A_884 = arith.subf %get3A_877, %gather3A : vector<16xf32>
        %sub3A_885 = arith.subf %get3A_879, %gather3A_104 : vector<16xf32>
        %sub3A_886 = arith.subf %get3A_881, %gather3A_105 : vector<16xf32>
        %mul3A_887 = arith.mulf %sub3A_884, %sub3A_884 : vector<16xf32>
        %mul3A_888 = arith.mulf %sub3A_885, %sub3A_885 : vector<16xf32>
        %add3A_889 = arith.addf %mul3A_887, %mul3A_888 : vector<16xf32>
        %mul3A_890 = arith.mulf %sub3A_886, %sub3A_886 : vector<16xf32>
        %add3A_891 = arith.addf %add3A_889, %mul3A_890 : vector<16xf32>
        %lt3A_892 = arith.constant 4.000000e-02 : f32
        %lt3A_893 = vector.broadcast %lt3A_892 : f32 to vector<16xf32>
        %lt3A_894 = arith.cmpf olt, %add3A_891, %lt3A_893 : vector<16xf32>
        %masked_cumsum3A = tpu.scan <sum>, %broadcast_in_dim3A_71 masked %lt3A_894 : vector<16xi32>, vector<16xi1> -> vector<16xi32>
        %add3A_895 = arith.addi %while3A_863, %masked_cumsum3A : vector<16xi32>
        tpu.vector_store_idx %arg11[%add3A_895], %add3A_883 masked %lt3A_894 : memref<66048xi32, #tpu.memory_space<vmem>>[vector<16xi32>], vector<16xi32>, vector<16xi1>
        %all_reduce_population_count3A = tpu.all_reduce %lt3A_894 {dim = 0 : i64, kind = #tpu.reduction_kind<sum>} : vector<16xi1> -> vector<16xi32>
        %add3A_896 = arith.addi %while3A_863, %all_reduce_population_count3A : vector<16xi32>
        %sub3A_897 = arith.subf %get3A_877, %gather3A_115 : vector<16xf32>
        %sub3A_898 = arith.subf %get3A_879, %gather3A_116 : vector<16xf32>
        %sub3A_899 = arith.subf %get3A_881, %gather3A_117 : vector<16xf32>
        %mul3A_900 = arith.mulf %sub3A_897, %sub3A_897 : vector<16xf32>
        %mul3A_901 = arith.mulf %sub3A_898, %sub3A_898 : vector<16xf32>
        %add3A_902 = arith.addf %mul3A_900, %mul3A_901 : vector<16xf32>
        %mul3A_903 = arith.mulf %sub3A_899, %sub3A_899 : vector<16xf32>
        %add3A_904 = arith.addf %add3A_902, %mul3A_903 : vector<16xf32>
        %lt3A_905 = arith.constant 4.000000e-02 : f32
        %lt3A_906 = vector.broadcast %lt3A_905 : f32 to vector<16xf32>
        %lt3A_907 = arith.cmpf olt, %add3A_904, %lt3A_906 : vector<16xf32>
        %masked_cumsum3A_908 = tpu.scan <sum>, %broadcast_in_dim3A_71 masked %lt3A_907 : vector<16xi32>, vector<16xi1> -> vector<16xi32>
        %add3A_909 = arith.addi %while3A_864, %masked_cumsum3A_908 : vector<16xi32>
        tpu.vector_store_idx %arg11[%add3A_909], %add3A_883 masked %lt3A_907 : memref<66048xi32, #tpu.memory_space<vmem>>[vector<16xi32>], vector<16xi32>, vector<16xi1>
        %all_reduce_population_count3A_910 = tpu.all_reduce %lt3A_907 {dim = 0 : i64, kind = #tpu.reduction_kind<sum>} : vector<16xi1> -> vector<16xi32>
        %add3A_911 = arith.addi %while3A_864, %all_reduce_population_count3A_910 : vector<16xi32>
        %sub3A_912 = arith.subf %get3A_877, %gather3A_128 : vector<16xf32>
        %sub3A_913 = arith.subf %get3A_879, %gather3A_129 : vector<16xf32>
        %sub3A_914 = arith.subf %get3A_881, %gather3A_130 : vector<16xf32>
        %mul3A_915 = arith.mulf %sub3A_912, %sub3A_912 : vector<16xf32>
        %mul3A_916 = arith.mulf %sub3A_913, %sub3A_913 : vector<16xf32>
        %add3A_917 = arith.addf %mul3A_915, %mul3A_916 : vector<16xf32>
        %mul3A_918 = arith.mulf %sub3A_914, %sub3A_914 : vector<16xf32>
        %add3A_919 = arith.addf %add3A_917, %mul3A_918 : vector<16xf32>
        %lt3A_920 = arith.constant 4.000000e-02 : f32
        %lt3A_921 = vector.broadcast %lt3A_920 : f32 to vector<16xf32>
        %lt3A_922 = arith.cmpf olt, %add3A_919, %lt3A_921 : vector<16xf32>
        %masked_cumsum3A_923 = tpu.scan <sum>, %broadcast_in_dim3A_71 masked %lt3A_922 : vector<16xi32>, vector<16xi1> -> vector<16xi32>
        %add3A_924 = arith.addi %while3A_865, %masked_cumsum3A_923 : vector<16xi32>
        tpu.vector_store_idx %arg11[%add3A_924], %add3A_883 masked %lt3A_922 : memref<66048xi32, #tpu.memory_space<vmem>>[vector<16xi32>], vector<16xi32>, vector<16xi1>
        %all_reduce_population_count3A_925 = tpu.all_reduce %lt3A_922 {dim = 0 : i64, kind = #tpu.reduction_kind<sum>} : vector<16xi1> -> vector<16xi32>
        %add3A_926 = arith.addi %while3A_865, %all_reduce_population_count3A_925 : vector<16xi32>
        %sub3A_927 = arith.subf %get3A_877, %gather3A_141 : vector<16xf32>
        %sub3A_928 = arith.subf %get3A_879, %gather3A_142 : vector<16xf32>
        %sub3A_929 = arith.subf %get3A_881, %gather3A_143 : vector<16xf32>
        %mul3A_930 = arith.mulf %sub3A_927, %sub3A_927 : vector<16xf32>
        %mul3A_931 = arith.mulf %sub3A_928, %sub3A_928 : vector<16xf32>
        %add3A_932 = arith.addf %mul3A_930, %mul3A_931 : vector<16xf32>
        %mul3A_933 = arith.mulf %sub3A_929, %sub3A_929 : vector<16xf32>
        %add3A_934 = arith.addf %add3A_932, %mul3A_933 : vector<16xf32>
        %lt3A_935 = arith.constant 4.000000e-02 : f32
        %lt3A_936 = vector.broadcast %lt3A_935 : f32 to vector<16xf32>
        %lt3A_937 = arith.cmpf olt, %add3A_934, %lt3A_936 : vector<16xf32>
        %masked_cumsum3A_938 = tpu.scan <sum>, %broadcast_in_dim3A_71 masked %lt3A_937 : vector<16xi32>, vector<16xi1> -> vector<16xi32>
        %add3A_939 = arith.addi %while3A_866, %masked_cumsum3A_938 : vector<16xi32>
        tpu.vector_store_idx %arg11[%add3A_939], %add3A_883 masked %lt3A_937 : memref<66048xi32, #tpu.memory_space<vmem>>[vector<16xi32>], vector<16xi32>, vector<16xi1>
        %all_reduce_population_count3A_940 = tpu.all_reduce %lt3A_937 {dim = 0 : i64, kind = #tpu.reduction_kind<sum>} : vector<16xi1> -> vector<16xi32>
        %add3A_941 = arith.addi %while3A_866, %all_reduce_population_count3A_940 : vector<16xi32>
        %sub3A_942 = arith.subf %get3A_877, %gather3A_154 : vector<16xf32>
        %sub3A_943 = arith.subf %get3A_879, %gather3A_155 : vector<16xf32>
        %sub3A_944 = arith.subf %get3A_881, %gather3A_156 : vector<16xf32>
        %mul3A_945 = arith.mulf %sub3A_942, %sub3A_942 : vector<16xf32>
        %mul3A_946 = arith.mulf %sub3A_943, %sub3A_943 : vector<16xf32>
        %add3A_947 = arith.addf %mul3A_945, %mul3A_946 : vector<16xf32>
        %mul3A_948 = arith.mulf %sub3A_944, %sub3A_944 : vector<16xf32>
        %add3A_949 = arith.addf %add3A_947, %mul3A_948 : vector<16xf32>
        %lt3A_950 = arith.constant 4.000000e-02 : f32
        %lt3A_951 = vector.broadcast %lt3A_950 : f32 to vector<16xf32>
        %lt3A_952 = arith.cmpf olt, %add3A_949, %lt3A_951 : vector<16xf32>
        %masked_cumsum3A_953 = tpu.scan <sum>, %broadcast_in_dim3A_71 masked %lt3A_952 : vector<16xi32>, vector<16xi1> -> vector<16xi32>
        %add3A_954 = arith.addi %while3A_867, %masked_cumsum3A_953 : vector<16xi32>
        tpu.vector_store_idx %arg11[%add3A_954], %add3A_883 masked %lt3A_952 : memref<66048xi32, #tpu.memory_space<vmem>>[vector<16xi32>], vector<16xi32>, vector<16xi1>
        %all_reduce_population_count3A_955 = tpu.all_reduce %lt3A_952 {dim = 0 : i64, kind = #tpu.reduction_kind<sum>} : vector<16xi1> -> vector<16xi32>
        %add3A_956 = arith.addi %while3A_867, %all_reduce_population_count3A_955 : vector<16xi32>
        %sub3A_957 = arith.subf %get3A_877, %gather3A_167 : vector<16xf32>
        %sub3A_958 = arith.subf %get3A_879, %gather3A_168 : vector<16xf32>
        %sub3A_959 = arith.subf %get3A_881, %gather3A_169 : vector<16xf32>
        %mul3A_960 = arith.mulf %sub3A_957, %sub3A_957 : vector<16xf32>
        %mul3A_961 = arith.mulf %sub3A_958, %sub3A_958 : vector<16xf32>
        %add3A_962 = arith.addf %mul3A_960, %mul3A_961 : vector<16xf32>
        %mul3A_963 = arith.mulf %sub3A_959, %sub3A_959 : vector<16xf32>
        %add3A_964 = arith.addf %add3A_962, %mul3A_963 : vector<16xf32>
        %lt3A_965 = arith.constant 4.000000e-02 : f32
        %lt3A_966 = vector.broadcast %lt3A_965 : f32 to vector<16xf32>
        %lt3A_967 = arith.cmpf olt, %add3A_964, %lt3A_966 : vector<16xf32>
        %masked_cumsum3A_968 = tpu.scan <sum>, %broadcast_in_dim3A_71 masked %lt3A_967 : vector<16xi32>, vector<16xi1> -> vector<16xi32>
        %add3A_969 = arith.addi %while3A_868, %masked_cumsum3A_968 : vector<16xi32>
        tpu.vector_store_idx %arg11[%add3A_969], %add3A_883 masked %lt3A_967 : memref<66048xi32, #tpu.memory_space<vmem>>[vector<16xi32>], vector<16xi32>, vector<16xi1>
        %all_reduce_population_count3A_970 = tpu.all_reduce %lt3A_967 {dim = 0 : i64, kind = #tpu.reduction_kind<sum>} : vector<16xi1> -> vector<16xi32>
        %add3A_971 = arith.addi %while3A_868, %all_reduce_population_count3A_970 : vector<16xi32>
        %sub3A_972 = arith.subf %get3A_877, %gather3A_180 : vector<16xf32>
        %sub3A_973 = arith.subf %get3A_879, %gather3A_181 : vector<16xf32>
        %sub3A_974 = arith.subf %get3A_881, %gather3A_182 : vector<16xf32>
        %mul3A_975 = arith.mulf %sub3A_972, %sub3A_972 : vector<16xf32>
        %mul3A_976 = arith.mulf %sub3A_973, %sub3A_973 : vector<16xf32>
        %add3A_977 = arith.addf %mul3A_975, %mul3A_976 : vector<16xf32>
        %mul3A_978 = arith.mulf %sub3A_974, %sub3A_974 : vector<16xf32>
        %add3A_979 = arith.addf %add3A_977, %mul3A_978 : vector<16xf32>
        %lt3A_980 = arith.constant 4.000000e-02 : f32
        %lt3A_981 = vector.broadcast %lt3A_980 : f32 to vector<16xf32>
        %lt3A_982 = arith.cmpf olt, %add3A_979, %lt3A_981 : vector<16xf32>
        %masked_cumsum3A_983 = tpu.scan <sum>, %broadcast_in_dim3A_71 masked %lt3A_982 : vector<16xi32>, vector<16xi1> -> vector<16xi32>
        %add3A_984 = arith.addi %while3A_869, %masked_cumsum3A_983 : vector<16xi32>
        tpu.vector_store_idx %arg11[%add3A_984], %add3A_883 masked %lt3A_982 : memref<66048xi32, #tpu.memory_space<vmem>>[vector<16xi32>], vector<16xi32>, vector<16xi1>
        %all_reduce_population_count3A_985 = tpu.all_reduce %lt3A_982 {dim = 0 : i64, kind = #tpu.reduction_kind<sum>} : vector<16xi1> -> vector<16xi32>
        %add3A_986 = arith.addi %while3A_869, %all_reduce_population_count3A_985 : vector<16xi32>
        %sub3A_987 = arith.subf %get3A_877, %gather3A_193 : vector<16xf32>
        %sub3A_988 = arith.subf %get3A_879, %gather3A_194 : vector<16xf32>
        %sub3A_989 = arith.subf %get3A_881, %gather3A_195 : vector<16xf32>
        %mul3A_990 = arith.mulf %sub3A_987, %sub3A_987 : vector<16xf32>
        %mul3A_991 = arith.mulf %sub3A_988, %sub3A_988 : vector<16xf32>
        %add3A_992 = arith.addf %mul3A_990, %mul3A_991 : vector<16xf32>
        %mul3A_993 = arith.mulf %sub3A_989, %sub3A_989 : vector<16xf32>
        %add3A_994 = arith.addf %add3A_992, %mul3A_993 : vector<16xf32>
        %lt3A_995 = arith.constant 4.000000e-02 : f32
        %lt3A_996 = vector.broadcast %lt3A_995 : f32 to vector<16xf32>
        %lt3A_997 = arith.cmpf olt, %add3A_994, %lt3A_996 : vector<16xf32>
        %masked_cumsum3A_998 = tpu.scan <sum>, %broadcast_in_dim3A_71 masked %lt3A_997 : vector<16xi32>, vector<16xi1> -> vector<16xi32>
        %add3A_999 = arith.addi %while3A_870, %masked_cumsum3A_998 : vector<16xi32>
        tpu.vector_store_idx %arg11[%add3A_999], %add3A_883 masked %lt3A_997 : memref<66048xi32, #tpu.memory_space<vmem>>[vector<16xi32>], vector<16xi32>, vector<16xi1>
        %all_reduce_population_count3A_1000 = tpu.all_reduce %lt3A_997 {dim = 0 : i64, kind = #tpu.reduction_kind<sum>} : vector<16xi1> -> vector<16xi32>
        %add3A_1001 = arith.addi %while3A_870, %all_reduce_population_count3A_1000 : vector<16xi32>
        %add3A_1002 = arith.constant 1 : i32
        %add3A_1003 = arith.addi %while3A_862, %add3A_1002 : i32
        %mul3A_1004 = arith.constant 16 : i32
        %mul3A_1005 = arith.muli %add3A_1003, %mul3A_1004 : i32
        %multiple_of3A_1006 = tpu.assume_multiple %mul3A_1005, 16 : i32
        %get3A_1007 = arith.index_cast %multiple_of3A_1006 : i32 to index
        %get3A_1008 = tpu.vector_load %arg5[%get3A_1007] {strides = array<i32>} : memref<8192xf32, #tpu.memory_space<vmem>>, vector<16xf32>,
        %get3A_1009 = arith.index_cast %multiple_of3A_1006 : i32 to index
        %get3A_1010 = tpu.vector_load %arg6[%get3A_1009] {strides = array<i32>} : memref<8192xf32, #tpu.memory_space<vmem>>, vector<16xf32>,
        %get3A_1011 = arith.index_cast %multiple_of3A_1006 : i32 to index
        %get3A_1012 = tpu.vector_load %arg7[%get3A_1011] {strides = array<i32>} : memref<8192xf32, #tpu.memory_space<vmem>>, vector<16xf32>,
        %add3A_1013 = vector.broadcast %multiple_of3A_1006 : i32 to vector<16xi32>
        %add3A_1014 = arith.addi %add3A_1013, %iota3A : vector<16xi32>
        %sub3A_1015 = arith.subf %get3A_1008, %gather3A : vector<16xf32>
        %sub3A_1016 = arith.subf %get3A_1010, %gather3A_104 : vector<16xf32>
        %sub3A_1017 = arith.subf %get3A_1012, %gather3A_105 : vector<16xf32>
        %mul3A_1018 = arith.mulf %sub3A_1015, %sub3A_1015 : vector<16xf32>
        %mul3A_1019 = arith.mulf %sub3A_1016, %sub3A_1016 : vector<16xf32>
        %add3A_1020 = arith.addf %mul3A_1018, %mul3A_1019 : vector<16xf32>
        %mul3A_1021 = arith.mulf %sub3A_1017, %sub3A_1017 : vector<16xf32>
        %add3A_1022 = arith.addf %add3A_1020, %mul3A_1021 : vector<16xf32>
        %lt3A_1023 = arith.constant 4.000000e-02 : f32
        %lt3A_1024 = vector.broadcast %lt3A_1023 : f32 to vector<16xf32>
        %lt3A_1025 = arith.cmpf olt, %add3A_1022, %lt3A_1024 : vector<16xf32>
        %masked_cumsum3A_1026 = tpu.scan <sum>, %broadcast_in_dim3A_71 masked %lt3A_1025 : vector<16xi32>, vector<16xi1> -> vector<16xi32>
        %add3A_1027 = arith.addi %add3A_896, %masked_cumsum3A_1026 : vector<16xi32>
        tpu.vector_store_idx %arg11[%add3A_1027], %add3A_1014 masked %lt3A_1025 : memref<66048xi32, #tpu.memory_space<vmem>>[vector<16xi32>], vector<16xi32>, vector<16xi1>
        %all_reduce_population_count3A_1028 = tpu.all_reduce %lt3A_1025 {dim = 0 : i64, kind = #tpu.reduction_kind<sum>} : vector<16xi1> -> vector<16xi32>
        %add3A_1029 = arith.addi %add3A_896, %all_reduce_population_count3A_1028 : vector<16xi32>
        %sub3A_1030 = arith.subf %get3A_1008, %gather3A_115 : vector<16xf32>
        %sub3A_1031 = arith.subf %get3A_1010, %gather3A_116 : vector<16xf32>
        %sub3A_1032 = arith.subf %get3A_1012, %gather3A_117 : vector<16xf32>
        %mul3A_1033 = arith.mulf %sub3A_1030, %sub3A_1030 : vector<16xf32>
        %mul3A_1034 = arith.mulf %sub3A_1031, %sub3A_1031 : vector<16xf32>
        %add3A_1035 = arith.addf %mul3A_1033, %mul3A_1034 : vector<16xf32>
        %mul3A_1036 = arith.mulf %sub3A_1032, %sub3A_1032 : vector<16xf32>
        %add3A_1037 = arith.addf %add3A_1035, %mul3A_1036 : vector<16xf32>
        %lt3A_1038 = arith.constant 4.000000e-02 : f32
        %lt3A_1039 = vector.broadcast %lt3A_1038 : f32 to vector<16xf32>
        %lt3A_1040 = arith.cmpf olt, %add3A_1037, %lt3A_1039 : vector<16xf32>
        %masked_cumsum3A_1041 = tpu.scan <sum>, %broadcast_in_dim3A_71 masked %lt3A_1040 : vector<16xi32>, vector<16xi1> -> vector<16xi32>
        %add3A_1042 = arith.addi %add3A_911, %masked_cumsum3A_1041 : vector<16xi32>
        tpu.vector_store_idx %arg11[%add3A_1042], %add3A_1014 masked %lt3A_1040 : memref<66048xi32, #tpu.memory_space<vmem>>[vector<16xi32>], vector<16xi32>, vector<16xi1>
        %all_reduce_population_count3A_1043 = tpu.all_reduce %lt3A_1040 {dim = 0 : i64, kind = #tpu.reduction_kind<sum>} : vector<16xi1> -> vector<16xi32>
        %add3A_1044 = arith.addi %add3A_911, %all_reduce_population_count3A_1043 : vector<16xi32>
        %sub3A_1045 = arith.subf %get3A_1008, %gather3A_128 : vector<16xf32>
        %sub3A_1046 = arith.subf %get3A_1010, %gather3A_129 : vector<16xf32>
        %sub3A_1047 = arith.subf %get3A_1012, %gather3A_130 : vector<16xf32>
        %mul3A_1048 = arith.mulf %sub3A_1045, %sub3A_1045 : vector<16xf32>
        %mul3A_1049 = arith.mulf %sub3A_1046, %sub3A_1046 : vector<16xf32>
        %add3A_1050 = arith.addf %mul3A_1048, %mul3A_1049 : vector<16xf32>
        %mul3A_1051 = arith.mulf %sub3A_1047, %sub3A_1047 : vector<16xf32>
        %add3A_1052 = arith.addf %add3A_1050, %mul3A_1051 : vector<16xf32>
        %lt3A_1053 = arith.constant 4.000000e-02 : f32
        %lt3A_1054 = vector.broadcast %lt3A_1053 : f32 to vector<16xf32>
        %lt3A_1055 = arith.cmpf olt, %add3A_1052, %lt3A_1054 : vector<16xf32>
        %masked_cumsum3A_1056 = tpu.scan <sum>, %broadcast_in_dim3A_71 masked %lt3A_1055 : vector<16xi32>, vector<16xi1> -> vector<16xi32>
        %add3A_1057 = arith.addi %add3A_926, %masked_cumsum3A_1056 : vector<16xi32>
        tpu.vector_store_idx %arg11[%add3A_1057], %add3A_1014 masked %lt3A_1055 : memref<66048xi32, #tpu.memory_space<vmem>>[vector<16xi32>], vector<16xi32>, vector<16xi1>
        %all_reduce_population_count3A_1058 = tpu.all_reduce %lt3A_1055 {dim = 0 : i64, kind = #tpu.reduction_kind<sum>} : vector<16xi1> -> vector<16xi32>
        %add3A_1059 = arith.addi %add3A_926, %all_reduce_population_count3A_1058 : vector<16xi32>
        %sub3A_1060 = arith.subf %get3A_1008, %gather3A_141 : vector<16xf32>
        %sub3A_1061 = arith.subf %get3A_1010, %gather3A_142 : vector<16xf32>
        %sub3A_1062 = arith.subf %get3A_1012, %gather3A_143 : vector<16xf32>
        %mul3A_1063 = arith.mulf %sub3A_1060, %sub3A_1060 : vector<16xf32>
        %mul3A_1064 = arith.mulf %sub3A_1061, %sub3A_1061 : vector<16xf32>
        %add3A_1065 = arith.addf %mul3A_1063, %mul3A_1064 : vector<16xf32>
        %mul3A_1066 = arith.mulf %sub3A_1062, %sub3A_1062 : vector<16xf32>
        %add3A_1067 = arith.addf %add3A_1065, %mul3A_1066 : vector<16xf32>
        %lt3A_1068 = arith.constant 4.000000e-02 : f32
        %lt3A_1069 = vector.broadcast %lt3A_1068 : f32 to vector<16xf32>
        %lt3A_1070 = arith.cmpf olt, %add3A_1067, %lt3A_1069 : vector<16xf32>
        %masked_cumsum3A_1071 = tpu.scan <sum>, %broadcast_in_dim3A_71 masked %lt3A_1070 : vector<16xi32>, vector<16xi1> -> vector<16xi32>
        %add3A_1072 = arith.addi %add3A_941, %masked_cumsum3A_1071 : vector<16xi32>
        tpu.vector_store_idx %arg11[%add3A_1072], %add3A_1014 masked %lt3A_1070 : memref<66048xi32, #tpu.memory_space<vmem>>[vector<16xi32>], vector<16xi32>, vector<16xi1>
        %all_reduce_population_count3A_1073 = tpu.all_reduce %lt3A_1070 {dim = 0 : i64, kind = #tpu.reduction_kind<sum>} : vector<16xi1> -> vector<16xi32>
        %add3A_1074 = arith.addi %add3A_941, %all_reduce_population_count3A_1073 : vector<16xi32>
        %sub3A_1075 = arith.subf %get3A_1008, %gather3A_154 : vector<16xf32>
        %sub3A_1076 = arith.subf %get3A_1010, %gather3A_155 : vector<16xf32>
        %sub3A_1077 = arith.subf %get3A_1012, %gather3A_156 : vector<16xf32>
        %mul3A_1078 = arith.mulf %sub3A_1075, %sub3A_1075 : vector<16xf32>
        %mul3A_1079 = arith.mulf %sub3A_1076, %sub3A_1076 : vector<16xf32>
        %add3A_1080 = arith.addf %mul3A_1078, %mul3A_1079 : vector<16xf32>
        %mul3A_1081 = arith.mulf %sub3A_1077, %sub3A_1077 : vector<16xf32>
        %add3A_1082 = arith.addf %add3A_1080, %mul3A_1081 : vector<16xf32>
        %lt3A_1083 = arith.constant 4.000000e-02 : f32
        %lt3A_1084 = vector.broadcast %lt3A_1083 : f32 to vector<16xf32>
        %lt3A_1085 = arith.cmpf olt, %add3A_1082, %lt3A_1084 : vector<16xf32>
        %masked_cumsum3A_1086 = tpu.scan <sum>, %broadcast_in_dim3A_71 masked %lt3A_1085 : vector<16xi32>, vector<16xi1> -> vector<16xi32>
        %add3A_1087 = arith.addi %add3A_956, %masked_cumsum3A_1086 : vector<16xi32>
        tpu.vector_store_idx %arg11[%add3A_1087], %add3A_1014 masked %lt3A_1085 : memref<66048xi32, #tpu.memory_space<vmem>>[vector<16xi32>], vector<16xi32>, vector<16xi1>
        %all_reduce_population_count3A_1088 = tpu.all_reduce %lt3A_1085 {dim = 0 : i64, kind = #tpu.reduction_kind<sum>} : vector<16xi1> -> vector<16xi32>
        %add3A_1089 = arith.addi %add3A_956, %all_reduce_population_count3A_1088 : vector<16xi32>
        %sub3A_1090 = arith.subf %get3A_1008, %gather3A_167 : vector<16xf32>
        %sub3A_1091 = arith.subf %get3A_1010, %gather3A_168 : vector<16xf32>
        %sub3A_1092 = arith.subf %get3A_1012, %gather3A_169 : vector<16xf32>
        %mul3A_1093 = arith.mulf %sub3A_1090, %sub3A_1090 : vector<16xf32>
        %mul3A_1094 = arith.mulf %sub3A_1091, %sub3A_1091 : vector<16xf32>
        %add3A_1095 = arith.addf %mul3A_1093, %mul3A_1094 : vector<16xf32>
        %mul3A_1096 = arith.mulf %sub3A_1092, %sub3A_1092 : vector<16xf32>
        %add3A_1097 = arith.addf %add3A_1095, %mul3A_1096 : vector<16xf32>
        %lt3A_1098 = arith.constant 4.000000e-02 : f32
        %lt3A_1099 = vector.broadcast %lt3A_1098 : f32 to vector<16xf32>
        %lt3A_1100 = arith.cmpf olt, %add3A_1097, %lt3A_1099 : vector<16xf32>
        %masked_cumsum3A_1101 = tpu.scan <sum>, %broadcast_in_dim3A_71 masked %lt3A_1100 : vector<16xi32>, vector<16xi1> -> vector<16xi32>
        %add3A_1102 = arith.addi %add3A_971, %masked_cumsum3A_1101 : vector<16xi32>
        tpu.vector_store_idx %arg11[%add3A_1102], %add3A_1014 masked %lt3A_1100 : memref<66048xi32, #tpu.memory_space<vmem>>[vector<16xi32>], vector<16xi32>, vector<16xi1>
        %all_reduce_population_count3A_1103 = tpu.all_reduce %lt3A_1100 {dim = 0 : i64, kind = #tpu.reduction_kind<sum>} : vector<16xi1> -> vector<16xi32>
        %add3A_1104 = arith.addi %add3A_971, %all_reduce_population_count3A_1103 : vector<16xi32>
        %sub3A_1105 = arith.subf %get3A_1008, %gather3A_180 : vector<16xf32>
        %sub3A_1106 = arith.subf %get3A_1010, %gather3A_181 : vector<16xf32>
        %sub3A_1107 = arith.subf %get3A_1012, %gather3A_182 : vector<16xf32>
        %mul3A_1108 = arith.mulf %sub3A_1105, %sub3A_1105 : vector<16xf32>
        %mul3A_1109 = arith.mulf %sub3A_1106, %sub3A_1106 : vector<16xf32>
        %add3A_1110 = arith.addf %mul3A_1108, %mul3A_1109 : vector<16xf32>
        %mul3A_1111 = arith.mulf %sub3A_1107, %sub3A_1107 : vector<16xf32>
        %add3A_1112 = arith.addf %add3A_1110, %mul3A_1111 : vector<16xf32>
        %lt3A_1113 = arith.constant 4.000000e-02 : f32
        %lt3A_1114 = vector.broadcast %lt3A_1113 : f32 to vector<16xf32>
        %lt3A_1115 = arith.cmpf olt, %add3A_1112, %lt3A_1114 : vector<16xf32>
        %masked_cumsum3A_1116 = tpu.scan <sum>, %broadcast_in_dim3A_71 masked %lt3A_1115 : vector<16xi32>, vector<16xi1> -> vector<16xi32>
        %add3A_1117 = arith.addi %add3A_986, %masked_cumsum3A_1116 : vector<16xi32>
        tpu.vector_store_idx %arg11[%add3A_1117], %add3A_1014 masked %lt3A_1115 : memref<66048xi32, #tpu.memory_space<vmem>>[vector<16xi32>], vector<16xi32>, vector<16xi1>
        %all_reduce_population_count3A_1118 = tpu.all_reduce %lt3A_1115 {dim = 0 : i64, kind = #tpu.reduction_kind<sum>} : vector<16xi1> -> vector<16xi32>
        %add3A_1119 = arith.addi %add3A_986, %all_reduce_population_count3A_1118 : vector<16xi32>
        %sub3A_1120 = arith.subf %get3A_1008, %gather3A_193 : vector<16xf32>
        %sub3A_1121 = arith.subf %get3A_1010, %gather3A_194 : vector<16xf32>
        %sub3A_1122 = arith.subf %get3A_1012, %gather3A_195 : vector<16xf32>
        %mul3A_1123 = arith.mulf %sub3A_1120, %sub3A_1120 : vector<16xf32>
        %mul3A_1124 = arith.mulf %sub3A_1121, %sub3A_1121 : vector<16xf32>
        %add3A_1125 = arith.addf %mul3A_1123, %mul3A_1124 : vector<16xf32>
        %mul3A_1126 = arith.mulf %sub3A_1122, %sub3A_1122 : vector<16xf32>
        %add3A_1127 = arith.addf %add3A_1125, %mul3A_1126 : vector<16xf32>
        %lt3A_1128 = arith.constant 4.000000e-02 : f32
        %lt3A_1129 = vector.broadcast %lt3A_1128 : f32 to vector<16xf32>
        %lt3A_1130 = arith.cmpf olt, %add3A_1127, %lt3A_1129 : vector<16xf32>
        %masked_cumsum3A_1131 = tpu.scan <sum>, %broadcast_in_dim3A_71 masked %lt3A_1130 : vector<16xi32>, vector<16xi1> -> vector<16xi32>
        %add3A_1132 = arith.addi %add3A_1001, %masked_cumsum3A_1131 : vector<16xi32>
        tpu.vector_store_idx %arg11[%add3A_1132], %add3A_1014 masked %lt3A_1130 : memref<66048xi32, #tpu.memory_space<vmem>>[vector<16xi32>], vector<16xi32>, vector<16xi1>
        %all_reduce_population_count3A_1133 = tpu.all_reduce %lt3A_1130 {dim = 0 : i64, kind = #tpu.reduction_kind<sum>} : vector<16xi1> -> vector<16xi32>
        %add3A_1134 = arith.addi %add3A_1001, %all_reduce_population_count3A_1133 : vector<16xi32>
        %add3A_1135 = arith.constant 2 : i32
        %add3A_1136 = arith.addi %while3A_862, %add3A_1135 : i32
        %mul3A_1137 = arith.constant 16 : i32
        %mul3A_1138 = arith.muli %add3A_1136, %mul3A_1137 : i32
        %multiple_of3A_1139 = tpu.assume_multiple %mul3A_1138, 16 : i32
        %get3A_1140 = arith.index_cast %multiple_of3A_1139 : i32 to index
        %get3A_1141 = tpu.vector_load %arg5[%get3A_1140] {strides = array<i32>} : memref<8192xf32, #tpu.memory_space<vmem>>, vector<16xf32>,
        %get3A_1142 = arith.index_cast %multiple_of3A_1139 : i32 to index
        %get3A_1143 = tpu.vector_load %arg6[%get3A_1142] {strides = array<i32>} : memref<8192xf32, #tpu.memory_space<vmem>>, vector<16xf32>,
        %get3A_1144 = arith.index_cast %multiple_of3A_1139 : i32 to index
        %get3A_1145 = tpu.vector_load %arg7[%get3A_1144] {strides = array<i32>} : memref<8192xf32, #tpu.memory_space<vmem>>, vector<16xf32>,
        %add3A_1146 = vector.broadcast %multiple_of3A_1139 : i32 to vector<16xi32>
        %add3A_1147 = arith.addi %add3A_1146, %iota3A : vector<16xi32>
        %sub3A_1148 = arith.subf %get3A_1141, %gather3A : vector<16xf32>
        %sub3A_1149 = arith.subf %get3A_1143, %gather3A_104 : vector<16xf32>
        %sub3A_1150 = arith.subf %get3A_1145, %gather3A_105 : vector<16xf32>
        %mul3A_1151 = arith.mulf %sub3A_1148, %sub3A_1148 : vector<16xf32>
        %mul3A_1152 = arith.mulf %sub3A_1149, %sub3A_1149 : vector<16xf32>
        %add3A_1153 = arith.addf %mul3A_1151, %mul3A_1152 : vector<16xf32>
        %mul3A_1154 = arith.mulf %sub3A_1150, %sub3A_1150 : vector<16xf32>
        %add3A_1155 = arith.addf %add3A_1153, %mul3A_1154 : vector<16xf32>
        %lt3A_1156 = arith.constant 4.000000e-02 : f32
        %lt3A_1157 = vector.broadcast %lt3A_1156 : f32 to vector<16xf32>
        %lt3A_1158 = arith.cmpf olt, %add3A_1155, %lt3A_1157 : vector<16xf32>
        %masked_cumsum3A_1159 = tpu.scan <sum>, %broadcast_in_dim3A_71 masked %lt3A_1158 : vector<16xi32>, vector<16xi1> -> vector<16xi32>
        %add3A_1160 = arith.addi %add3A_1029, %masked_cumsum3A_1159 : vector<16xi32>
        tpu.vector_store_idx %arg11[%add3A_1160], %add3A_1147 masked %lt3A_1158 : memref<66048xi32, #tpu.memory_space<vmem>>[vector<16xi32>], vector<16xi32>, vector<16xi1>
        %all_reduce_population_count3A_1161 = tpu.all_reduce %lt3A_1158 {dim = 0 : i64, kind = #tpu.reduction_kind<sum>} : vector<16xi1> -> vector<16xi32>
        %add3A_1162 = arith.addi %add3A_1029, %all_reduce_population_count3A_1161 : vector<16xi32>
        %sub3A_1163 = arith.subf %get3A_1141, %gather3A_115 : vector<16xf32>
        %sub3A_1164 = arith.subf %get3A_1143, %gather3A_116 : vector<16xf32>
        %sub3A_1165 = arith.subf %get3A_1145, %gather3A_117 : vector<16xf32>
        %mul3A_1166 = arith.mulf %sub3A_1163, %sub3A_1163 : vector<16xf32>
        %mul3A_1167 = arith.mulf %sub3A_1164, %sub3A_1164 : vector<16xf32>
        %add3A_1168 = arith.addf %mul3A_1166, %mul3A_1167 : vector<16xf32>
        %mul3A_1169 = arith.mulf %sub3A_1165, %sub3A_1165 : vector<16xf32>
        %add3A_1170 = arith.addf %add3A_1168, %mul3A_1169 : vector<16xf32>
        %lt3A_1171 = arith.constant 4.000000e-02 : f32
        %lt3A_1172 = vector.broadcast %lt3A_1171 : f32 to vector<16xf32>
        %lt3A_1173 = arith.cmpf olt, %add3A_1170, %lt3A_1172 : vector<16xf32>
        %masked_cumsum3A_1174 = tpu.scan <sum>, %broadcast_in_dim3A_71 masked %lt3A_1173 : vector<16xi32>, vector<16xi1> -> vector<16xi32>
        %add3A_1175 = arith.addi %add3A_1044, %masked_cumsum3A_1174 : vector<16xi32>
        tpu.vector_store_idx %arg11[%add3A_1175], %add3A_1147 masked %lt3A_1173 : memref<66048xi32, #tpu.memory_space<vmem>>[vector<16xi32>], vector<16xi32>, vector<16xi1>
        %all_reduce_population_count3A_1176 = tpu.all_reduce %lt3A_1173 {dim = 0 : i64, kind = #tpu.reduction_kind<sum>} : vector<16xi1> -> vector<16xi32>
        %add3A_1177 = arith.addi %add3A_1044, %all_reduce_population_count3A_1176 : vector<16xi32>
        %sub3A_1178 = arith.subf %get3A_1141, %gather3A_128 : vector<16xf32>
        %sub3A_1179 = arith.subf %get3A_1143, %gather3A_129 : vector<16xf32>
        %sub3A_1180 = arith.subf %get3A_1145, %gather3A_130 : vector<16xf32>
        %mul3A_1181 = arith.mulf %sub3A_1178, %sub3A_1178 : vector<16xf32>
        %mul3A_1182 = arith.mulf %sub3A_1179, %sub3A_1179 : vector<16xf32>
        %add3A_1183 = arith.addf %mul3A_1181, %mul3A_1182 : vector<16xf32>
        %mul3A_1184 = arith.mulf %sub3A_1180, %sub3A_1180 : vector<16xf32>
        %add3A_1185 = arith.addf %add3A_1183, %mul3A_1184 : vector<16xf32>
        %lt3A_1186 = arith.constant 4.000000e-02 : f32
        %lt3A_1187 = vector.broadcast %lt3A_1186 : f32 to vector<16xf32>
        %lt3A_1188 = arith.cmpf olt, %add3A_1185, %lt3A_1187 : vector<16xf32>
        %masked_cumsum3A_1189 = tpu.scan <sum>, %broadcast_in_dim3A_71 masked %lt3A_1188 : vector<16xi32>, vector<16xi1> -> vector<16xi32>
        %add3A_1190 = arith.addi %add3A_1059, %masked_cumsum3A_1189 : vector<16xi32>
        tpu.vector_store_idx %arg11[%add3A_1190], %add3A_1147 masked %lt3A_1188 : memref<66048xi32, #tpu.memory_space<vmem>>[vector<16xi32>], vector<16xi32>, vector<16xi1>
        %all_reduce_population_count3A_1191 = tpu.all_reduce %lt3A_1188 {dim = 0 : i64, kind = #tpu.reduction_kind<sum>} : vector<16xi1> -> vector<16xi32>
        %add3A_1192 = arith.addi %add3A_1059, %all_reduce_population_count3A_1191 : vector<16xi32>
        %sub3A_1193 = arith.subf %get3A_1141, %gather3A_141 : vector<16xf32>
        %sub3A_1194 = arith.subf %get3A_1143, %gather3A_142 : vector<16xf32>
        %sub3A_1195 = arith.subf %get3A_1145, %gather3A_143 : vector<16xf32>
        %mul3A_1196 = arith.mulf %sub3A_1193, %sub3A_1193 : vector<16xf32>
        %mul3A_1197 = arith.mulf %sub3A_1194, %sub3A_1194 : vector<16xf32>
        %add3A_1198 = arith.addf %mul3A_1196, %mul3A_1197 : vector<16xf32>
        %mul3A_1199 = arith.mulf %sub3A_1195, %sub3A_1195 : vector<16xf32>
        %add3A_1200 = arith.addf %add3A_1198, %mul3A_1199 : vector<16xf32>
        %lt3A_1201 = arith.constant 4.000000e-02 : f32
        %lt3A_1202 = vector.broadcast %lt3A_1201 : f32 to vector<16xf32>
        %lt3A_1203 = arith.cmpf olt, %add3A_1200, %lt3A_1202 : vector<16xf32>
        %masked_cumsum3A_1204 = tpu.scan <sum>, %broadcast_in_dim3A_71 masked %lt3A_1203 : vector<16xi32>, vector<16xi1> -> vector<16xi32>
        %add3A_1205 = arith.addi %add3A_1074, %masked_cumsum3A_1204 : vector<16xi32>
        tpu.vector_store_idx %arg11[%add3A_1205], %add3A_1147 masked %lt3A_1203 : memref<66048xi32, #tpu.memory_space<vmem>>[vector<16xi32>], vector<16xi32>, vector<16xi1>
        %all_reduce_population_count3A_1206 = tpu.all_reduce %lt3A_1203 {dim = 0 : i64, kind = #tpu.reduction_kind<sum>} : vector<16xi1> -> vector<16xi32>
        %add3A_1207 = arith.addi %add3A_1074, %all_reduce_population_count3A_1206 : vector<16xi32>
        %sub3A_1208 = arith.subf %get3A_1141, %gather3A_154 : vector<16xf32>
        %sub3A_1209 = arith.subf %get3A_1143, %gather3A_155 : vector<16xf32>
        %sub3A_1210 = arith.subf %get3A_1145, %gather3A_156 : vector<16xf32>
        %mul3A_1211 = arith.mulf %sub3A_1208, %sub3A_1208 : vector<16xf32>
        %mul3A_1212 = arith.mulf %sub3A_1209, %sub3A_1209 : vector<16xf32>
        %add3A_1213 = arith.addf %mul3A_1211, %mul3A_1212 : vector<16xf32>
        %mul3A_1214 = arith.mulf %sub3A_1210, %sub3A_1210 : vector<16xf32>
        %add3A_1215 = arith.addf %add3A_1213, %mul3A_1214 : vector<16xf32>
        %lt3A_1216 = arith.constant 4.000000e-02 : f32
        %lt3A_1217 = vector.broadcast %lt3A_1216 : f32 to vector<16xf32>
        %lt3A_1218 = arith.cmpf olt, %add3A_1215, %lt3A_1217 : vector<16xf32>
        %masked_cumsum3A_1219 = tpu.scan <sum>, %broadcast_in_dim3A_71 masked %lt3A_1218 : vector<16xi32>, vector<16xi1> -> vector<16xi32>
        %add3A_1220 = arith.addi %add3A_1089, %masked_cumsum3A_1219 : vector<16xi32>
        tpu.vector_store_idx %arg11[%add3A_1220], %add3A_1147 masked %lt3A_1218 : memref<66048xi32, #tpu.memory_space<vmem>>[vector<16xi32>], vector<16xi32>, vector<16xi1>
        %all_reduce_population_count3A_1221 = tpu.all_reduce %lt3A_1218 {dim = 0 : i64, kind = #tpu.reduction_kind<sum>} : vector<16xi1> -> vector<16xi32>
        %add3A_1222 = arith.addi %add3A_1089, %all_reduce_population_count3A_1221 : vector<16xi32>
        %sub3A_1223 = arith.subf %get3A_1141, %gather3A_167 : vector<16xf32>
        %sub3A_1224 = arith.subf %get3A_1143, %gather3A_168 : vector<16xf32>
        %sub3A_1225 = arith.subf %get3A_1145, %gather3A_169 : vector<16xf32>
        %mul3A_1226 = arith.mulf %sub3A_1223, %sub3A_1223 : vector<16xf32>
        %mul3A_1227 = arith.mulf %sub3A_1224, %sub3A_1224 : vector<16xf32>
        %add3A_1228 = arith.addf %mul3A_1226, %mul3A_1227 : vector<16xf32>
        %mul3A_1229 = arith.mulf %sub3A_1225, %sub3A_1225 : vector<16xf32>
        %add3A_1230 = arith.addf %add3A_1228, %mul3A_1229 : vector<16xf32>
        %lt3A_1231 = arith.constant 4.000000e-02 : f32
        %lt3A_1232 = vector.broadcast %lt3A_1231 : f32 to vector<16xf32>
        %lt3A_1233 = arith.cmpf olt, %add3A_1230, %lt3A_1232 : vector<16xf32>
        %masked_cumsum3A_1234 = tpu.scan <sum>, %broadcast_in_dim3A_71 masked %lt3A_1233 : vector<16xi32>, vector<16xi1> -> vector<16xi32>
        %add3A_1235 = arith.addi %add3A_1104, %masked_cumsum3A_1234 : vector<16xi32>
        tpu.vector_store_idx %arg11[%add3A_1235], %add3A_1147 masked %lt3A_1233 : memref<66048xi32, #tpu.memory_space<vmem>>[vector<16xi32>], vector<16xi32>, vector<16xi1>
        %all_reduce_population_count3A_1236 = tpu.all_reduce %lt3A_1233 {dim = 0 : i64, kind = #tpu.reduction_kind<sum>} : vector<16xi1> -> vector<16xi32>
        %add3A_1237 = arith.addi %add3A_1104, %all_reduce_population_count3A_1236 : vector<16xi32>
        %sub3A_1238 = arith.subf %get3A_1141, %gather3A_180 : vector<16xf32>
        %sub3A_1239 = arith.subf %get3A_1143, %gather3A_181 : vector<16xf32>
        %sub3A_1240 = arith.subf %get3A_1145, %gather3A_182 : vector<16xf32>
        %mul3A_1241 = arith.mulf %sub3A_1238, %sub3A_1238 : vector<16xf32>
        %mul3A_1242 = arith.mulf %sub3A_1239, %sub3A_1239 : vector<16xf32>
        %add3A_1243 = arith.addf %mul3A_1241, %mul3A_1242 : vector<16xf32>
        %mul3A_1244 = arith.mulf %sub3A_1240, %sub3A_1240 : vector<16xf32>
        %add3A_1245 = arith.addf %add3A_1243, %mul3A_1244 : vector<16xf32>
        %lt3A_1246 = arith.constant 4.000000e-02 : f32
        %lt3A_1247 = vector.broadcast %lt3A_1246 : f32 to vector<16xf32>
        %lt3A_1248 = arith.cmpf olt, %add3A_1245, %lt3A_1247 : vector<16xf32>
        %masked_cumsum3A_1249 = tpu.scan <sum>, %broadcast_in_dim3A_71 masked %lt3A_1248 : vector<16xi32>, vector<16xi1> -> vector<16xi32>
        %add3A_1250 = arith.addi %add3A_1119, %masked_cumsum3A_1249 : vector<16xi32>
        tpu.vector_store_idx %arg11[%add3A_1250], %add3A_1147 masked %lt3A_1248 : memref<66048xi32, #tpu.memory_space<vmem>>[vector<16xi32>], vector<16xi32>, vector<16xi1>
        %all_reduce_population_count3A_1251 = tpu.all_reduce %lt3A_1248 {dim = 0 : i64, kind = #tpu.reduction_kind<sum>} : vector<16xi1> -> vector<16xi32>
        %add3A_1252 = arith.addi %add3A_1119, %all_reduce_population_count3A_1251 : vector<16xi32>
        %sub3A_1253 = arith.subf %get3A_1141, %gather3A_193 : vector<16xf32>
        %sub3A_1254 = arith.subf %get3A_1143, %gather3A_194 : vector<16xf32>
        %sub3A_1255 = arith.subf %get3A_1145, %gather3A_195 : vector<16xf32>
        %mul3A_1256 = arith.mulf %sub3A_1253, %sub3A_1253 : vector<16xf32>
        %mul3A_1257 = arith.mulf %sub3A_1254, %sub3A_1254 : vector<16xf32>
        %add3A_1258 = arith.addf %mul3A_1256, %mul3A_1257 : vector<16xf32>
        %mul3A_1259 = arith.mulf %sub3A_1255, %sub3A_1255 : vector<16xf32>
        %add3A_1260 = arith.addf %add3A_1258, %mul3A_1259 : vector<16xf32>
        %lt3A_1261 = arith.constant 4.000000e-02 : f32
        %lt3A_1262 = vector.broadcast %lt3A_1261 : f32 to vector<16xf32>
        %lt3A_1263 = arith.cmpf olt, %add3A_1260, %lt3A_1262 : vector<16xf32>
        %masked_cumsum3A_1264 = tpu.scan <sum>, %broadcast_in_dim3A_71 masked %lt3A_1263 : vector<16xi32>, vector<16xi1> -> vector<16xi32>
        %add3A_1265 = arith.addi %add3A_1134, %masked_cumsum3A_1264 : vector<16xi32>
        tpu.vector_store_idx %arg11[%add3A_1265], %add3A_1147 masked %lt3A_1263 : memref<66048xi32, #tpu.memory_space<vmem>>[vector<16xi32>], vector<16xi32>, vector<16xi1>
        %all_reduce_population_count3A_1266 = tpu.all_reduce %lt3A_1263 {dim = 0 : i64, kind = #tpu.reduction_kind<sum>} : vector<16xi1> -> vector<16xi32>
        %add3A_1267 = arith.addi %add3A_1134, %all_reduce_population_count3A_1266 : vector<16xi32>
        %add3A_1268 = arith.constant 3 : i32
        %add3A_1269 = arith.addi %while3A_862, %add3A_1268 : i32
        %mul3A_1270 = arith.constant 16 : i32
        %mul3A_1271 = arith.muli %add3A_1269, %mul3A_1270 : i32
        %multiple_of3A_1272 = tpu.assume_multiple %mul3A_1271, 16 : i32
        %get3A_1273 = arith.index_cast %multiple_of3A_1272 : i32 to index
        %get3A_1274 = tpu.vector_load %arg5[%get3A_1273] {strides = array<i32>} : memref<8192xf32, #tpu.memory_space<vmem>>, vector<16xf32>,
        %get3A_1275 = arith.index_cast %multiple_of3A_1272 : i32 to index
        %get3A_1276 = tpu.vector_load %arg6[%get3A_1275] {strides = array<i32>} : memref<8192xf32, #tpu.memory_space<vmem>>, vector<16xf32>,
        %get3A_1277 = arith.index_cast %multiple_of3A_1272 : i32 to index
        %get3A_1278 = tpu.vector_load %arg7[%get3A_1277] {strides = array<i32>} : memref<8192xf32, #tpu.memory_space<vmem>>, vector<16xf32>,
        %add3A_1279 = vector.broadcast %multiple_of3A_1272 : i32 to vector<16xi32>
        %add3A_1280 = arith.addi %add3A_1279, %iota3A : vector<16xi32>
        %sub3A_1281 = arith.subf %get3A_1274, %gather3A : vector<16xf32>
        %sub3A_1282 = arith.subf %get3A_1276, %gather3A_104 : vector<16xf32>
        %sub3A_1283 = arith.subf %get3A_1278, %gather3A_105 : vector<16xf32>
        %mul3A_1284 = arith.mulf %sub3A_1281, %sub3A_1281 : vector<16xf32>
        %mul3A_1285 = arith.mulf %sub3A_1282, %sub3A_1282 : vector<16xf32>
        %add3A_1286 = arith.addf %mul3A_1284, %mul3A_1285 : vector<16xf32>
        %mul3A_1287 = arith.mulf %sub3A_1283, %sub3A_1283 : vector<16xf32>
        %add3A_1288 = arith.addf %add3A_1286, %mul3A_1287 : vector<16xf32>
        %lt3A_1289 = arith.constant 4.000000e-02 : f32
        %lt3A_1290 = vector.broadcast %lt3A_1289 : f32 to vector<16xf32>
        %lt3A_1291 = arith.cmpf olt, %add3A_1288, %lt3A_1290 : vector<16xf32>
        %masked_cumsum3A_1292 = tpu.scan <sum>, %broadcast_in_dim3A_71 masked %lt3A_1291 : vector<16xi32>, vector<16xi1> -> vector<16xi32>
        %add3A_1293 = arith.addi %add3A_1162, %masked_cumsum3A_1292 : vector<16xi32>
        tpu.vector_store_idx %arg11[%add3A_1293], %add3A_1280 masked %lt3A_1291 : memref<66048xi32, #tpu.memory_space<vmem>>[vector<16xi32>], vector<16xi32>, vector<16xi1>
        %all_reduce_population_count3A_1294 = tpu.all_reduce %lt3A_1291 {dim = 0 : i64, kind = #tpu.reduction_kind<sum>} : vector<16xi1> -> vector<16xi32>
        %add3A_1295 = arith.addi %add3A_1162, %all_reduce_population_count3A_1294 : vector<16xi32>
        %sub3A_1296 = arith.subf %get3A_1274, %gather3A_115 : vector<16xf32>
        %sub3A_1297 = arith.subf %get3A_1276, %gather3A_116 : vector<16xf32>
        %sub3A_1298 = arith.subf %get3A_1278, %gather3A_117 : vector<16xf32>
        %mul3A_1299 = arith.mulf %sub3A_1296, %sub3A_1296 : vector<16xf32>
        %mul3A_1300 = arith.mulf %sub3A_1297, %sub3A_1297 : vector<16xf32>
        %add3A_1301 = arith.addf %mul3A_1299, %mul3A_1300 : vector<16xf32>
        %mul3A_1302 = arith.mulf %sub3A_1298, %sub3A_1298 : vector<16xf32>
        %add3A_1303 = arith.addf %add3A_1301, %mul3A_1302 : vector<16xf32>
        %lt3A_1304 = arith.constant 4.000000e-02 : f32
        %lt3A_1305 = vector.broadcast %lt3A_1304 : f32 to vector<16xf32>
        %lt3A_1306 = arith.cmpf olt, %add3A_1303, %lt3A_1305 : vector<16xf32>
        %masked_cumsum3A_1307 = tpu.scan <sum>, %broadcast_in_dim3A_71 masked %lt3A_1306 : vector<16xi32>, vector<16xi1> -> vector<16xi32>
        %add3A_1308 = arith.addi %add3A_1177, %masked_cumsum3A_1307 : vector<16xi32>
        tpu.vector_store_idx %arg11[%add3A_1308], %add3A_1280 masked %lt3A_1306 : memref<66048xi32, #tpu.memory_space<vmem>>[vector<16xi32>], vector<16xi32>, vector<16xi1>
        %all_reduce_population_count3A_1309 = tpu.all_reduce %lt3A_1306 {dim = 0 : i64, kind = #tpu.reduction_kind<sum>} : vector<16xi1> -> vector<16xi32>
        %add3A_1310 = arith.addi %add3A_1177, %all_reduce_population_count3A_1309 : vector<16xi32>
        %sub3A_1311 = arith.subf %get3A_1274, %gather3A_128 : vector<16xf32>
        %sub3A_1312 = arith.subf %get3A_1276, %gather3A_129 : vector<16xf32>
        %sub3A_1313 = arith.subf %get3A_1278, %gather3A_130 : vector<16xf32>
        %mul3A_1314 = arith.mulf %sub3A_1311, %sub3A_1311 : vector<16xf32>
        %mul3A_1315 = arith.mulf %sub3A_1312, %sub3A_1312 : vector<16xf32>
        %add3A_1316 = arith.addf %mul3A_1314, %mul3A_1315 : vector<16xf32>
        %mul3A_1317 = arith.mulf %sub3A_1313, %sub3A_1313 : vector<16xf32>
        %add3A_1318 = arith.addf %add3A_1316, %mul3A_1317 : vector<16xf32>
        %lt3A_1319 = arith.constant 4.000000e-02 : f32
        %lt3A_1320 = vector.broadcast %lt3A_1319 : f32 to vector<16xf32>
        %lt3A_1321 = arith.cmpf olt, %add3A_1318, %lt3A_1320 : vector<16xf32>
        %masked_cumsum3A_1322 = tpu.scan <sum>, %broadcast_in_dim3A_71 masked %lt3A_1321 : vector<16xi32>, vector<16xi1> -> vector<16xi32>
        %add3A_1323 = arith.addi %add3A_1192, %masked_cumsum3A_1322 : vector<16xi32>
        tpu.vector_store_idx %arg11[%add3A_1323], %add3A_1280 masked %lt3A_1321 : memref<66048xi32, #tpu.memory_space<vmem>>[vector<16xi32>], vector<16xi32>, vector<16xi1>
        %all_reduce_population_count3A_1324 = tpu.all_reduce %lt3A_1321 {dim = 0 : i64, kind = #tpu.reduction_kind<sum>} : vector<16xi1> -> vector<16xi32>
        %add3A_1325 = arith.addi %add3A_1192, %all_reduce_population_count3A_1324 : vector<16xi32>
        %sub3A_1326 = arith.subf %get3A_1274, %gather3A_141 : vector<16xf32>
        %sub3A_1327 = arith.subf %get3A_1276, %gather3A_142 : vector<16xf32>
        %sub3A_1328 = arith.subf %get3A_1278, %gather3A_143 : vector<16xf32>
        %mul3A_1329 = arith.mulf %sub3A_1326, %sub3A_1326 : vector<16xf32>
        %mul3A_1330 = arith.mulf %sub3A_1327, %sub3A_1327 : vector<16xf32>
        %add3A_1331 = arith.addf %mul3A_1329, %mul3A_1330 : vector<16xf32>
        %mul3A_1332 = arith.mulf %sub3A_1328, %sub3A_1328 : vector<16xf32>
        %add3A_1333 = arith.addf %add3A_1331, %mul3A_1332 : vector<16xf32>
        %lt3A_1334 = arith.constant 4.000000e-02 : f32
        %lt3A_1335 = vector.broadcast %lt3A_1334 : f32 to vector<16xf32>
        %lt3A_1336 = arith.cmpf olt, %add3A_1333, %lt3A_1335 : vector<16xf32>
        %masked_cumsum3A_1337 = tpu.scan <sum>, %broadcast_in_dim3A_71 masked %lt3A_1336 : vector<16xi32>, vector<16xi1> -> vector<16xi32>
        %add3A_1338 = arith.addi %add3A_1207, %masked_cumsum3A_1337 : vector<16xi32>
        tpu.vector_store_idx %arg11[%add3A_1338], %add3A_1280 masked %lt3A_1336 : memref<66048xi32, #tpu.memory_space<vmem>>[vector<16xi32>], vector<16xi32>, vector<16xi1>
        %all_reduce_population_count3A_1339 = tpu.all_reduce %lt3A_1336 {dim = 0 : i64, kind = #tpu.reduction_kind<sum>} : vector<16xi1> -> vector<16xi32>
        %add3A_1340 = arith.addi %add3A_1207, %all_reduce_population_count3A_1339 : vector<16xi32>
        %sub3A_1341 = arith.subf %get3A_1274, %gather3A_154 : vector<16xf32>
        %sub3A_1342 = arith.subf %get3A_1276, %gather3A_155 : vector<16xf32>
        %sub3A_1343 = arith.subf %get3A_1278, %gather3A_156 : vector<16xf32>
        %mul3A_1344 = arith.mulf %sub3A_1341, %sub3A_1341 : vector<16xf32>
        %mul3A_1345 = arith.mulf %sub3A_1342, %sub3A_1342 : vector<16xf32>
        %add3A_1346 = arith.addf %mul3A_1344, %mul3A_1345 : vector<16xf32>
        %mul3A_1347 = arith.mulf %sub3A_1343, %sub3A_1343 : vector<16xf32>
        %add3A_1348 = arith.addf %add3A_1346, %mul3A_1347 : vector<16xf32>
        %lt3A_1349 = arith.constant 4.000000e-02 : f32
        %lt3A_1350 = vector.broadcast %lt3A_1349 : f32 to vector<16xf32>
        %lt3A_1351 = arith.cmpf olt, %add3A_1348, %lt3A_1350 : vector<16xf32>
        %masked_cumsum3A_1352 = tpu.scan <sum>, %broadcast_in_dim3A_71 masked %lt3A_1351 : vector<16xi32>, vector<16xi1> -> vector<16xi32>
        %add3A_1353 = arith.addi %add3A_1222, %masked_cumsum3A_1352 : vector<16xi32>
        tpu.vector_store_idx %arg11[%add3A_1353], %add3A_1280 masked %lt3A_1351 : memref<66048xi32, #tpu.memory_space<vmem>>[vector<16xi32>], vector<16xi32>, vector<16xi1>
        %all_reduce_population_count3A_1354 = tpu.all_reduce %lt3A_1351 {dim = 0 : i64, kind = #tpu.reduction_kind<sum>} : vector<16xi1> -> vector<16xi32>
        %add3A_1355 = arith.addi %add3A_1222, %all_reduce_population_count3A_1354 : vector<16xi32>
        %sub3A_1356 = arith.subf %get3A_1274, %gather3A_167 : vector<16xf32>
        %sub3A_1357 = arith.subf %get3A_1276, %gather3A_168 : vector<16xf32>
        %sub3A_1358 = arith.subf %get3A_1278, %gather3A_169 : vector<16xf32>
        %mul3A_1359 = arith.mulf %sub3A_1356, %sub3A_1356 : vector<16xf32>
        %mul3A_1360 = arith.mulf %sub3A_1357, %sub3A_1357 : vector<16xf32>
        %add3A_1361 = arith.addf %mul3A_1359, %mul3A_1360 : vector<16xf32>
        %mul3A_1362 = arith.mulf %sub3A_1358, %sub3A_1358 : vector<16xf32>
        %add3A_1363 = arith.addf %add3A_1361, %mul3A_1362 : vector<16xf32>
        %lt3A_1364 = arith.constant 4.000000e-02 : f32
        %lt3A_1365 = vector.broadcast %lt3A_1364 : f32 to vector<16xf32>
        %lt3A_1366 = arith.cmpf olt, %add3A_1363, %lt3A_1365 : vector<16xf32>
        %masked_cumsum3A_1367 = tpu.scan <sum>, %broadcast_in_dim3A_71 masked %lt3A_1366 : vector<16xi32>, vector<16xi1> -> vector<16xi32>
        %add3A_1368 = arith.addi %add3A_1237, %masked_cumsum3A_1367 : vector<16xi32>
        tpu.vector_store_idx %arg11[%add3A_1368], %add3A_1280 masked %lt3A_1366 : memref<66048xi32, #tpu.memory_space<vmem>>[vector<16xi32>], vector<16xi32>, vector<16xi1>
        %all_reduce_population_count3A_1369 = tpu.all_reduce %lt3A_1366 {dim = 0 : i64, kind = #tpu.reduction_kind<sum>} : vector<16xi1> -> vector<16xi32>
        %add3A_1370 = arith.addi %add3A_1237, %all_reduce_population_count3A_1369 : vector<16xi32>
        %sub3A_1371 = arith.subf %get3A_1274, %gather3A_180 : vector<16xf32>
        %sub3A_1372 = arith.subf %get3A_1276, %gather3A_181 : vector<16xf32>
        %sub3A_1373 = arith.subf %get3A_1278, %gather3A_182 : vector<16xf32>
        %mul3A_1374 = arith.mulf %sub3A_1371, %sub3A_1371 : vector<16xf32>
        %mul3A_1375 = arith.mulf %sub3A_1372, %sub3A_1372 : vector<16xf32>
        %add3A_1376 = arith.addf %mul3A_1374, %mul3A_1375 : vector<16xf32>
        %mul3A_1377 = arith.mulf %sub3A_1373, %sub3A_1373 : vector<16xf32>
        %add3A_1378 = arith.addf %add3A_1376, %mul3A_1377 : vector<16xf32>
        %lt3A_1379 = arith.constant 4.000000e-02 : f32
        %lt3A_1380 = vector.broadcast %lt3A_1379 : f32 to vector<16xf32>
        %lt3A_1381 = arith.cmpf olt, %add3A_1378, %lt3A_1380 : vector<16xf32>
        %masked_cumsum3A_1382 = tpu.scan <sum>, %broadcast_in_dim3A_71 masked %lt3A_1381 : vector<16xi32>, vector<16xi1> -> vector<16xi32>
        %add3A_1383 = arith.addi %add3A_1252, %masked_cumsum3A_1382 : vector<16xi32>
        tpu.vector_store_idx %arg11[%add3A_1383], %add3A_1280 masked %lt3A_1381 : memref<66048xi32, #tpu.memory_space<vmem>>[vector<16xi32>], vector<16xi32>, vector<16xi1>
        %all_reduce_population_count3A_1384 = tpu.all_reduce %lt3A_1381 {dim = 0 : i64, kind = #tpu.reduction_kind<sum>} : vector<16xi1> -> vector<16xi32>
        %add3A_1385 = arith.addi %add3A_1252, %all_reduce_population_count3A_1384 : vector<16xi32>
        %sub3A_1386 = arith.subf %get3A_1274, %gather3A_193 : vector<16xf32>
        %sub3A_1387 = arith.subf %get3A_1276, %gather3A_194 : vector<16xf32>
        %sub3A_1388 = arith.subf %get3A_1278, %gather3A_195 : vector<16xf32>
        %mul3A_1389 = arith.mulf %sub3A_1386, %sub3A_1386 : vector<16xf32>
        %mul3A_1390 = arith.mulf %sub3A_1387, %sub3A_1387 : vector<16xf32>
        %add3A_1391 = arith.addf %mul3A_1389, %mul3A_1390 : vector<16xf32>
        %mul3A_1392 = arith.mulf %sub3A_1388, %sub3A_1388 : vector<16xf32>
        %add3A_1393 = arith.addf %add3A_1391, %mul3A_1392 : vector<16xf32>
        %lt3A_1394 = arith.constant 4.000000e-02 : f32
        %lt3A_1395 = vector.broadcast %lt3A_1394 : f32 to vector<16xf32>
        %lt3A_1396 = arith.cmpf olt, %add3A_1393, %lt3A_1395 : vector<16xf32>
        %masked_cumsum3A_1397 = tpu.scan <sum>, %broadcast_in_dim3A_71 masked %lt3A_1396 : vector<16xi32>, vector<16xi1> -> vector<16xi32>
        %add3A_1398 = arith.addi %add3A_1267, %masked_cumsum3A_1397 : vector<16xi32>
        tpu.vector_store_idx %arg11[%add3A_1398], %add3A_1280 masked %lt3A_1396 : memref<66048xi32, #tpu.memory_space<vmem>>[vector<16xi32>], vector<16xi32>, vector<16xi1>
        %all_reduce_population_count3A_1399 = tpu.all_reduce %lt3A_1396 {dim = 0 : i64, kind = #tpu.reduction_kind<sum>} : vector<16xi1> -> vector<16xi32>
        %add3A_1400 = arith.addi %add3A_1267, %all_reduce_population_count3A_1399 : vector<16xi32>
        %add3A_1401 = arith.constant 4 : i32
        %add3A_1402 = arith.addi %while3A_862, %add3A_1401 : i32
        %mul3A_1403 = arith.constant 16 : i32
        %mul3A_1404 = arith.muli %add3A_1402, %mul3A_1403 : i32
        %multiple_of3A_1405 = tpu.assume_multiple %mul3A_1404, 16 : i32
        %get3A_1406 = arith.index_cast %multiple_of3A_1405 : i32 to index
        %get3A_1407 = tpu.vector_load %arg5[%get3A_1406] {strides = array<i32>} : memref<8192xf32, #tpu.memory_space<vmem>>, vector<16xf32>,
        %get3A_1408 = arith.index_cast %multiple_of3A_1405 : i32 to index
        %get3A_1409 = tpu.vector_load %arg6[%get3A_1408] {strides = array<i32>} : memref<8192xf32, #tpu.memory_space<vmem>>, vector<16xf32>,
        %get3A_1410 = arith.index_cast %multiple_of3A_1405 : i32 to index
        %get3A_1411 = tpu.vector_load %arg7[%get3A_1410] {strides = array<i32>} : memref<8192xf32, #tpu.memory_space<vmem>>, vector<16xf32>,
        %add3A_1412 = vector.broadcast %multiple_of3A_1405 : i32 to vector<16xi32>
        %add3A_1413 = arith.addi %add3A_1412, %iota3A : vector<16xi32>
        %sub3A_1414 = arith.subf %get3A_1407, %gather3A : vector<16xf32>
        %sub3A_1415 = arith.subf %get3A_1409, %gather3A_104 : vector<16xf32>
        %sub3A_1416 = arith.subf %get3A_1411, %gather3A_105 : vector<16xf32>
        %mul3A_1417 = arith.mulf %sub3A_1414, %sub3A_1414 : vector<16xf32>
        %mul3A_1418 = arith.mulf %sub3A_1415, %sub3A_1415 : vector<16xf32>
        %add3A_1419 = arith.addf %mul3A_1417, %mul3A_1418 : vector<16xf32>
        %mul3A_1420 = arith.mulf %sub3A_1416, %sub3A_1416 : vector<16xf32>
        %add3A_1421 = arith.addf %add3A_1419, %mul3A_1420 : vector<16xf32>
        %lt3A_1422 = arith.constant 4.000000e-02 : f32
        %lt3A_1423 = vector.broadcast %lt3A_1422 : f32 to vector<16xf32>
        %lt3A_1424 = arith.cmpf olt, %add3A_1421, %lt3A_1423 : vector<16xf32>
        %masked_cumsum3A_1425 = tpu.scan <sum>, %broadcast_in_dim3A_71 masked %lt3A_1424 : vector<16xi32>, vector<16xi1> -> vector<16xi32>
        %add3A_1426 = arith.addi %add3A_1295, %masked_cumsum3A_1425 : vector<16xi32>
        tpu.vector_store_idx %arg11[%add3A_1426], %add3A_1413 masked %lt3A_1424 : memref<66048xi32, #tpu.memory_space<vmem>>[vector<16xi32>], vector<16xi32>, vector<16xi1>
        %all_reduce_population_count3A_1427 = tpu.all_reduce %lt3A_1424 {dim = 0 : i64, kind = #tpu.reduction_kind<sum>} : vector<16xi1> -> vector<16xi32>
        %add3A_1428 = arith.addi %add3A_1295, %all_reduce_population_count3A_1427 : vector<16xi32>
        %sub3A_1429 = arith.subf %get3A_1407, %gather3A_115 : vector<16xf32>
        %sub3A_1430 = arith.subf %get3A_1409, %gather3A_116 : vector<16xf32>
        %sub3A_1431 = arith.subf %get3A_1411, %gather3A_117 : vector<16xf32>
        %mul3A_1432 = arith.mulf %sub3A_1429, %sub3A_1429 : vector<16xf32>
        %mul3A_1433 = arith.mulf %sub3A_1430, %sub3A_1430 : vector<16xf32>
        %add3A_1434 = arith.addf %mul3A_1432, %mul3A_1433 : vector<16xf32>
        %mul3A_1435 = arith.mulf %sub3A_1431, %sub3A_1431 : vector<16xf32>
        %add3A_1436 = arith.addf %add3A_1434, %mul3A_1435 : vector<16xf32>
        %lt3A_1437 = arith.constant 4.000000e-02 : f32
        %lt3A_1438 = vector.broadcast %lt3A_1437 : f32 to vector<16xf32>
        %lt3A_1439 = arith.cmpf olt, %add3A_1436, %lt3A_1438 : vector<16xf32>
        %masked_cumsum3A_1440 = tpu.scan <sum>, %broadcast_in_dim3A_71 masked %lt3A_1439 : vector<16xi32>, vector<16xi1> -> vector<16xi32>
        %add3A_1441 = arith.addi %add3A_1310, %masked_cumsum3A_1440 : vector<16xi32>
        tpu.vector_store_idx %arg11[%add3A_1441], %add3A_1413 masked %lt3A_1439 : memref<66048xi32, #tpu.memory_space<vmem>>[vector<16xi32>], vector<16xi32>, vector<16xi1>
        %all_reduce_population_count3A_1442 = tpu.all_reduce %lt3A_1439 {dim = 0 : i64, kind = #tpu.reduction_kind<sum>} : vector<16xi1> -> vector<16xi32>
        %add3A_1443 = arith.addi %add3A_1310, %all_reduce_population_count3A_1442 : vector<16xi32>
        %sub3A_1444 = arith.subf %get3A_1407, %gather3A_128 : vector<16xf32>
        %sub3A_1445 = arith.subf %get3A_1409, %gather3A_129 : vector<16xf32>
        %sub3A_1446 = arith.subf %get3A_1411, %gather3A_130 : vector<16xf32>
        %mul3A_1447 = arith.mulf %sub3A_1444, %sub3A_1444 : vector<16xf32>
        %mul3A_1448 = arith.mulf %sub3A_1445, %sub3A_1445 : vector<16xf32>
        %add3A_1449 = arith.addf %mul3A_1447, %mul3A_1448 : vector<16xf32>
        %mul3A_1450 = arith.mulf %sub3A_1446, %sub3A_1446 : vector<16xf32>
        %add3A_1451 = arith.addf %add3A_1449, %mul3A_1450 : vector<16xf32>
        %lt3A_1452 = arith.constant 4.000000e-02 : f32
        %lt3A_1453 = vector.broadcast %lt3A_1452 : f32 to vector<16xf32>
        %lt3A_1454 = arith.cmpf olt, %add3A_1451, %lt3A_1453 : vector<16xf32>
        %masked_cumsum3A_1455 = tpu.scan <sum>, %broadcast_in_dim3A_71 masked %lt3A_1454 : vector<16xi32>, vector<16xi1> -> vector<16xi32>
        %add3A_1456 = arith.addi %add3A_1325, %masked_cumsum3A_1455 : vector<16xi32>
        tpu.vector_store_idx %arg11[%add3A_1456], %add3A_1413 masked %lt3A_1454 : memref<66048xi32, #tpu.memory_space<vmem>>[vector<16xi32>], vector<16xi32>, vector<16xi1>
        %all_reduce_population_count3A_1457 = tpu.all_reduce %lt3A_1454 {dim = 0 : i64, kind = #tpu.reduction_kind<sum>} : vector<16xi1> -> vector<16xi32>
        %add3A_1458 = arith.addi %add3A_1325, %all_reduce_population_count3A_1457 : vector<16xi32>
        %sub3A_1459 = arith.subf %get3A_1407, %gather3A_141 : vector<16xf32>
        %sub3A_1460 = arith.subf %get3A_1409, %gather3A_142 : vector<16xf32>
        %sub3A_1461 = arith.subf %get3A_1411, %gather3A_143 : vector<16xf32>
        %mul3A_1462 = arith.mulf %sub3A_1459, %sub3A_1459 : vector<16xf32>
        %mul3A_1463 = arith.mulf %sub3A_1460, %sub3A_1460 : vector<16xf32>
        %add3A_1464 = arith.addf %mul3A_1462, %mul3A_1463 : vector<16xf32>
        %mul3A_1465 = arith.mulf %sub3A_1461, %sub3A_1461 : vector<16xf32>
        %add3A_1466 = arith.addf %add3A_1464, %mul3A_1465 : vector<16xf32>
        %lt3A_1467 = arith.constant 4.000000e-02 : f32
        %lt3A_1468 = vector.broadcast %lt3A_1467 : f32 to vector<16xf32>
        %lt3A_1469 = arith.cmpf olt, %add3A_1466, %lt3A_1468 : vector<16xf32>
        %masked_cumsum3A_1470 = tpu.scan <sum>, %broadcast_in_dim3A_71 masked %lt3A_1469 : vector<16xi32>, vector<16xi1> -> vector<16xi32>
        %add3A_1471 = arith.addi %add3A_1340, %masked_cumsum3A_1470 : vector<16xi32>
        tpu.vector_store_idx %arg11[%add3A_1471], %add3A_1413 masked %lt3A_1469 : memref<66048xi32, #tpu.memory_space<vmem>>[vector<16xi32>], vector<16xi32>, vector<16xi1>
        %all_reduce_population_count3A_1472 = tpu.all_reduce %lt3A_1469 {dim = 0 : i64, kind = #tpu.reduction_kind<sum>} : vector<16xi1> -> vector<16xi32>
        %add3A_1473 = arith.addi %add3A_1340, %all_reduce_population_count3A_1472 : vector<16xi32>
        %sub3A_1474 = arith.subf %get3A_1407, %gather3A_154 : vector<16xf32>
        %sub3A_1475 = arith.subf %get3A_1409, %gather3A_155 : vector<16xf32>
        %sub3A_1476 = arith.subf %get3A_1411, %gather3A_156 : vector<16xf32>
        %mul3A_1477 = arith.mulf %sub3A_1474, %sub3A_1474 : vector<16xf32>
        %mul3A_1478 = arith.mulf %sub3A_1475, %sub3A_1475 : vector<16xf32>
        %add3A_1479 = arith.addf %mul3A_1477, %mul3A_1478 : vector<16xf32>
        %mul3A_1480 = arith.mulf %sub3A_1476, %sub3A_1476 : vector<16xf32>
        %add3A_1481 = arith.addf %add3A_1479, %mul3A_1480 : vector<16xf32>
        %lt3A_1482 = arith.constant 4.000000e-02 : f32
        %lt3A_1483 = vector.broadcast %lt3A_1482 : f32 to vector<16xf32>
        %lt3A_1484 = arith.cmpf olt, %add3A_1481, %lt3A_1483 : vector<16xf32>
        %masked_cumsum3A_1485 = tpu.scan <sum>, %broadcast_in_dim3A_71 masked %lt3A_1484 : vector<16xi32>, vector<16xi1> -> vector<16xi32>
        %add3A_1486 = arith.addi %add3A_1355, %masked_cumsum3A_1485 : vector<16xi32>
        tpu.vector_store_idx %arg11[%add3A_1486], %add3A_1413 masked %lt3A_1484 : memref<66048xi32, #tpu.memory_space<vmem>>[vector<16xi32>], vector<16xi32>, vector<16xi1>
        %all_reduce_population_count3A_1487 = tpu.all_reduce %lt3A_1484 {dim = 0 : i64, kind = #tpu.reduction_kind<sum>} : vector<16xi1> -> vector<16xi32>
        %add3A_1488 = arith.addi %add3A_1355, %all_reduce_population_count3A_1487 : vector<16xi32>
        %sub3A_1489 = arith.subf %get3A_1407, %gather3A_167 : vector<16xf32>
        %sub3A_1490 = arith.subf %get3A_1409, %gather3A_168 : vector<16xf32>
        %sub3A_1491 = arith.subf %get3A_1411, %gather3A_169 : vector<16xf32>
        %mul3A_1492 = arith.mulf %sub3A_1489, %sub3A_1489 : vector<16xf32>
        %mul3A_1493 = arith.mulf %sub3A_1490, %sub3A_1490 : vector<16xf32>
        %add3A_1494 = arith.addf %mul3A_1492, %mul3A_1493 : vector<16xf32>
        %mul3A_1495 = arith.mulf %sub3A_1491, %sub3A_1491 : vector<16xf32>
        %add3A_1496 = arith.addf %add3A_1494, %mul3A_1495 : vector<16xf32>
        %lt3A_1497 = arith.constant 4.000000e-02 : f32
        %lt3A_1498 = vector.broadcast %lt3A_1497 : f32 to vector<16xf32>
        %lt3A_1499 = arith.cmpf olt, %add3A_1496, %lt3A_1498 : vector<16xf32>
        %masked_cumsum3A_1500 = tpu.scan <sum>, %broadcast_in_dim3A_71 masked %lt3A_1499 : vector<16xi32>, vector<16xi1> -> vector<16xi32>
        %add3A_1501 = arith.addi %add3A_1370, %masked_cumsum3A_1500 : vector<16xi32>
        tpu.vector_store_idx %arg11[%add3A_1501], %add3A_1413 masked %lt3A_1499 : memref<66048xi32, #tpu.memory_space<vmem>>[vector<16xi32>], vector<16xi32>, vector<16xi1>
        %all_reduce_population_count3A_1502 = tpu.all_reduce %lt3A_1499 {dim = 0 : i64, kind = #tpu.reduction_kind<sum>} : vector<16xi1> -> vector<16xi32>
        %add3A_1503 = arith.addi %add3A_1370, %all_reduce_population_count3A_1502 : vector<16xi32>
        %sub3A_1504 = arith.subf %get3A_1407, %gather3A_180 : vector<16xf32>
        %sub3A_1505 = arith.subf %get3A_1409, %gather3A_181 : vector<16xf32>
        %sub3A_1506 = arith.subf %get3A_1411, %gather3A_182 : vector<16xf32>
        %mul3A_1507 = arith.mulf %sub3A_1504, %sub3A_1504 : vector<16xf32>
        %mul3A_1508 = arith.mulf %sub3A_1505, %sub3A_1505 : vector<16xf32>
        %add3A_1509 = arith.addf %mul3A_1507, %mul3A_1508 : vector<16xf32>
        %mul3A_1510 = arith.mulf %sub3A_1506, %sub3A_1506 : vector<16xf32>
        %add3A_1511 = arith.addf %add3A_1509, %mul3A_1510 : vector<16xf32>
        %lt3A_1512 = arith.constant 4.000000e-02 : f32
        %lt3A_1513 = vector.broadcast %lt3A_1512 : f32 to vector<16xf32>
        %lt3A_1514 = arith.cmpf olt, %add3A_1511, %lt3A_1513 : vector<16xf32>
        %masked_cumsum3A_1515 = tpu.scan <sum>, %broadcast_in_dim3A_71 masked %lt3A_1514 : vector<16xi32>, vector<16xi1> -> vector<16xi32>
        %add3A_1516 = arith.addi %add3A_1385, %masked_cumsum3A_1515 : vector<16xi32>
        tpu.vector_store_idx %arg11[%add3A_1516], %add3A_1413 masked %lt3A_1514 : memref<66048xi32, #tpu.memory_space<vmem>>[vector<16xi32>], vector<16xi32>, vector<16xi1>
        %all_reduce_population_count3A_1517 = tpu.all_reduce %lt3A_1514 {dim = 0 : i64, kind = #tpu.reduction_kind<sum>} : vector<16xi1> -> vector<16xi32>
        %add3A_1518 = arith.addi %add3A_1385, %all_reduce_population_count3A_1517 : vector<16xi32>
        %sub3A_1519 = arith.subf %get3A_1407, %gather3A_193 : vector<16xf32>
        %sub3A_1520 = arith.subf %get3A_1409, %gather3A_194 : vector<16xf32>
        %sub3A_1521 = arith.subf %get3A_1411, %gather3A_195 : vector<16xf32>
        %mul3A_1522 = arith.mulf %sub3A_1519, %sub3A_1519 : vector<16xf32>
        %mul3A_1523 = arith.mulf %sub3A_1520, %sub3A_1520 : vector<16xf32>
        %add3A_1524 = arith.addf %mul3A_1522, %mul3A_1523 : vector<16xf32>
        %mul3A_1525 = arith.mulf %sub3A_1521, %sub3A_1521 : vector<16xf32>
        %add3A_1526 = arith.addf %add3A_1524, %mul3A_1525 : vector<16xf32>
        %lt3A_1527 = arith.constant 4.000000e-02 : f32
        %lt3A_1528 = vector.broadcast %lt3A_1527 : f32 to vector<16xf32>
        %lt3A_1529 = arith.cmpf olt, %add3A_1526, %lt3A_1528 : vector<16xf32>
        %masked_cumsum3A_1530 = tpu.scan <sum>, %broadcast_in_dim3A_71 masked %lt3A_1529 : vector<16xi32>, vector<16xi1> -> vector<16xi32>
        %add3A_1531 = arith.addi %add3A_1400, %masked_cumsum3A_1530 : vector<16xi32>
        tpu.vector_store_idx %arg11[%add3A_1531], %add3A_1413 masked %lt3A_1529 : memref<66048xi32, #tpu.memory_space<vmem>>[vector<16xi32>], vector<16xi32>, vector<16xi1>
        %all_reduce_population_count3A_1532 = tpu.all_reduce %lt3A_1529 {dim = 0 : i64, kind = #tpu.reduction_kind<sum>} : vector<16xi1> -> vector<16xi32>
        %add3A_1533 = arith.addi %add3A_1400, %all_reduce_population_count3A_1532 : vector<16xi32>
        %add3A_1534 = arith.constant 5 : i32
        %add3A_1535 = arith.addi %while3A_862, %add3A_1534 : i32
        %mul3A_1536 = arith.constant 16 : i32
        %mul3A_1537 = arith.muli %add3A_1535, %mul3A_1536 : i32
        %multiple_of3A_1538 = tpu.assume_multiple %mul3A_1537, 16 : i32
        %get3A_1539 = arith.index_cast %multiple_of3A_1538 : i32 to index
        %get3A_1540 = tpu.vector_load %arg5[%get3A_1539] {strides = array<i32>} : memref<8192xf32, #tpu.memory_space<vmem>>, vector<16xf32>,
        %get3A_1541 = arith.index_cast %multiple_of3A_1538 : i32 to index
        %get3A_1542 = tpu.vector_load %arg6[%get3A_1541] {strides = array<i32>} : memref<8192xf32, #tpu.memory_space<vmem>>, vector<16xf32>,
        %get3A_1543 = arith.index_cast %multiple_of3A_1538 : i32 to index
        %get3A_1544 = tpu.vector_load %arg7[%get3A_1543] {strides = array<i32>} : memref<8192xf32, #tpu.memory_space<vmem>>, vector<16xf32>,
        %add3A_1545 = vector.broadcast %multiple_of3A_1538 : i32 to vector<16xi32>
        %add3A_1546 = arith.addi %add3A_1545, %iota3A : vector<16xi32>
        %sub3A_1547 = arith.subf %get3A_1540, %gather3A : vector<16xf32>
        %sub3A_1548 = arith.subf %get3A_1542, %gather3A_104 : vector<16xf32>
        %sub3A_1549 = arith.subf %get3A_1544, %gather3A_105 : vector<16xf32>
        %mul3A_1550 = arith.mulf %sub3A_1547, %sub3A_1547 : vector<16xf32>
        %mul3A_1551 = arith.mulf %sub3A_1548, %sub3A_1548 : vector<16xf32>
        %add3A_1552 = arith.addf %mul3A_1550, %mul3A_1551 : vector<16xf32>
        %mul3A_1553 = arith.mulf %sub3A_1549, %sub3A_1549 : vector<16xf32>
        %add3A_1554 = arith.addf %add3A_1552, %mul3A_1553 : vector<16xf32>
        %lt3A_1555 = arith.constant 4.000000e-02 : f32
        %lt3A_1556 = vector.broadcast %lt3A_1555 : f32 to vector<16xf32>
        %lt3A_1557 = arith.cmpf olt, %add3A_1554, %lt3A_1556 : vector<16xf32>
        %masked_cumsum3A_1558 = tpu.scan <sum>, %broadcast_in_dim3A_71 masked %lt3A_1557 : vector<16xi32>, vector<16xi1> -> vector<16xi32>
        %add3A_1559 = arith.addi %add3A_1428, %masked_cumsum3A_1558 : vector<16xi32>
        tpu.vector_store_idx %arg11[%add3A_1559], %add3A_1546 masked %lt3A_1557 : memref<66048xi32, #tpu.memory_space<vmem>>[vector<16xi32>], vector<16xi32>, vector<16xi1>
        %all_reduce_population_count3A_1560 = tpu.all_reduce %lt3A_1557 {dim = 0 : i64, kind = #tpu.reduction_kind<sum>} : vector<16xi1> -> vector<16xi32>
        %add3A_1561 = arith.addi %add3A_1428, %all_reduce_population_count3A_1560 : vector<16xi32>
        %sub3A_1562 = arith.subf %get3A_1540, %gather3A_115 : vector<16xf32>
        %sub3A_1563 = arith.subf %get3A_1542, %gather3A_116 : vector<16xf32>
        %sub3A_1564 = arith.subf %get3A_1544, %gather3A_117 : vector<16xf32>
        %mul3A_1565 = arith.mulf %sub3A_1562, %sub3A_1562 : vector<16xf32>
        %mul3A_1566 = arith.mulf %sub3A_1563, %sub3A_1563 : vector<16xf32>
        %add3A_1567 = arith.addf %mul3A_1565, %mul3A_1566 : vector<16xf32>
        %mul3A_1568 = arith.mulf %sub3A_1564, %sub3A_1564 : vector<16xf32>
        %add3A_1569 = arith.addf %add3A_1567, %mul3A_1568 : vector<16xf32>
        %lt3A_1570 = arith.constant 4.000000e-02 : f32
        %lt3A_1571 = vector.broadcast %lt3A_1570 : f32 to vector<16xf32>
        %lt3A_1572 = arith.cmpf olt, %add3A_1569, %lt3A_1571 : vector<16xf32>
        %masked_cumsum3A_1573 = tpu.scan <sum>, %broadcast_in_dim3A_71 masked %lt3A_1572 : vector<16xi32>, vector<16xi1> -> vector<16xi32>
        %add3A_1574 = arith.addi %add3A_1443, %masked_cumsum3A_1573 : vector<16xi32>
        tpu.vector_store_idx %arg11[%add3A_1574], %add3A_1546 masked %lt3A_1572 : memref<66048xi32, #tpu.memory_space<vmem>>[vector<16xi32>], vector<16xi32>, vector<16xi1>
        %all_reduce_population_count3A_1575 = tpu.all_reduce %lt3A_1572 {dim = 0 : i64, kind = #tpu.reduction_kind<sum>} : vector<16xi1> -> vector<16xi32>
        %add3A_1576 = arith.addi %add3A_1443, %all_reduce_population_count3A_1575 : vector<16xi32>
        %sub3A_1577 = arith.subf %get3A_1540, %gather3A_128 : vector<16xf32>
        %sub3A_1578 = arith.subf %get3A_1542, %gather3A_129 : vector<16xf32>
        %sub3A_1579 = arith.subf %get3A_1544, %gather3A_130 : vector<16xf32>
        %mul3A_1580 = arith.mulf %sub3A_1577, %sub3A_1577 : vector<16xf32>
        %mul3A_1581 = arith.mulf %sub3A_1578, %sub3A_1578 : vector<16xf32>
        %add3A_1582 = arith.addf %mul3A_1580, %mul3A_1581 : vector<16xf32>
        %mul3A_1583 = arith.mulf %sub3A_1579, %sub3A_1579 : vector<16xf32>
        %add3A_1584 = arith.addf %add3A_1582, %mul3A_1583 : vector<16xf32>
        %lt3A_1585 = arith.constant 4.000000e-02 : f32
        %lt3A_1586 = vector.broadcast %lt3A_1585 : f32 to vector<16xf32>
        %lt3A_1587 = arith.cmpf olt, %add3A_1584, %lt3A_1586 : vector<16xf32>
        %masked_cumsum3A_1588 = tpu.scan <sum>, %broadcast_in_dim3A_71 masked %lt3A_1587 : vector<16xi32>, vector<16xi1> -> vector<16xi32>
        %add3A_1589 = arith.addi %add3A_1458, %masked_cumsum3A_1588 : vector<16xi32>
        tpu.vector_store_idx %arg11[%add3A_1589], %add3A_1546 masked %lt3A_1587 : memref<66048xi32, #tpu.memory_space<vmem>>[vector<16xi32>], vector<16xi32>, vector<16xi1>
        %all_reduce_population_count3A_1590 = tpu.all_reduce %lt3A_1587 {dim = 0 : i64, kind = #tpu.reduction_kind<sum>} : vector<16xi1> -> vector<16xi32>
        %add3A_1591 = arith.addi %add3A_1458, %all_reduce_population_count3A_1590 : vector<16xi32>
        %sub3A_1592 = arith.subf %get3A_1540, %gather3A_141 : vector<16xf32>
        %sub3A_1593 = arith.subf %get3A_1542, %gather3A_142 : vector<16xf32>
        %sub3A_1594 = arith.subf %get3A_1544, %gather3A_143 : vector<16xf32>
        %mul3A_1595 = arith.mulf %sub3A_1592, %sub3A_1592 : vector<16xf32>
        %mul3A_1596 = arith.mulf %sub3A_1593, %sub3A_1593 : vector<16xf32>
        %add3A_1597 = arith.addf %mul3A_1595, %mul3A_1596 : vector<16xf32>
        %mul3A_1598 = arith.mulf %sub3A_1594, %sub3A_1594 : vector<16xf32>
        %add3A_1599 = arith.addf %add3A_1597, %mul3A_1598 : vector<16xf32>
        %lt3A_1600 = arith.constant 4.000000e-02 : f32
        %lt3A_1601 = vector.broadcast %lt3A_1600 : f32 to vector<16xf32>
        %lt3A_1602 = arith.cmpf olt, %add3A_1599, %lt3A_1601 : vector<16xf32>
        %masked_cumsum3A_1603 = tpu.scan <sum>, %broadcast_in_dim3A_71 masked %lt3A_1602 : vector<16xi32>, vector<16xi1> -> vector<16xi32>
        %add3A_1604 = arith.addi %add3A_1473, %masked_cumsum3A_1603 : vector<16xi32>
        tpu.vector_store_idx %arg11[%add3A_1604], %add3A_1546 masked %lt3A_1602 : memref<66048xi32, #tpu.memory_space<vmem>>[vector<16xi32>], vector<16xi32>, vector<16xi1>
        %all_reduce_population_count3A_1605 = tpu.all_reduce %lt3A_1602 {dim = 0 : i64, kind = #tpu.reduction_kind<sum>} : vector<16xi1> -> vector<16xi32>
        %add3A_1606 = arith.addi %add3A_1473, %all_reduce_population_count3A_1605 : vector<16xi32>
        %sub3A_1607 = arith.subf %get3A_1540, %gather3A_154 : vector<16xf32>
        %sub3A_1608 = arith.subf %get3A_1542, %gather3A_155 : vector<16xf32>
        %sub3A_1609 = arith.subf %get3A_1544, %gather3A_156 : vector<16xf32>
        %mul3A_1610 = arith.mulf %sub3A_1607, %sub3A_1607 : vector<16xf32>
        %mul3A_1611 = arith.mulf %sub3A_1608, %sub3A_1608 : vector<16xf32>
        %add3A_1612 = arith.addf %mul3A_1610, %mul3A_1611 : vector<16xf32>
        %mul3A_1613 = arith.mulf %sub3A_1609, %sub3A_1609 : vector<16xf32>
        %add3A_1614 = arith.addf %add3A_1612, %mul3A_1613 : vector<16xf32>
        %lt3A_1615 = arith.constant 4.000000e-02 : f32
        %lt3A_1616 = vector.broadcast %lt3A_1615 : f32 to vector<16xf32>
        %lt3A_1617 = arith.cmpf olt, %add3A_1614, %lt3A_1616 : vector<16xf32>
        %masked_cumsum3A_1618 = tpu.scan <sum>, %broadcast_in_dim3A_71 masked %lt3A_1617 : vector<16xi32>, vector<16xi1> -> vector<16xi32>
        %add3A_1619 = arith.addi %add3A_1488, %masked_cumsum3A_1618 : vector<16xi32>
        tpu.vector_store_idx %arg11[%add3A_1619], %add3A_1546 masked %lt3A_1617 : memref<66048xi32, #tpu.memory_space<vmem>>[vector<16xi32>], vector<16xi32>, vector<16xi1>
        %all_reduce_population_count3A_1620 = tpu.all_reduce %lt3A_1617 {dim = 0 : i64, kind = #tpu.reduction_kind<sum>} : vector<16xi1> -> vector<16xi32>
        %add3A_1621 = arith.addi %add3A_1488, %all_reduce_population_count3A_1620 : vector<16xi32>
        %sub3A_1622 = arith.subf %get3A_1540, %gather3A_167 : vector<16xf32>
        %sub3A_1623 = arith.subf %get3A_1542, %gather3A_168 : vector<16xf32>
        %sub3A_1624 = arith.subf %get3A_1544, %gather3A_169 : vector<16xf32>
        %mul3A_1625 = arith.mulf %sub3A_1622, %sub3A_1622 : vector<16xf32>
        %mul3A_1626 = arith.mulf %sub3A_1623, %sub3A_1623 : vector<16xf32>
        %add3A_1627 = arith.addf %mul3A_1625, %mul3A_1626 : vector<16xf32>
        %mul3A_1628 = arith.mulf %sub3A_1624, %sub3A_1624 : vector<16xf32>
        %add3A_1629 = arith.addf %add3A_1627, %mul3A_1628 : vector<16xf32>
        %lt3A_1630 = arith.constant 4.000000e-02 : f32
        %lt3A_1631 = vector.broadcast %lt3A_1630 : f32 to vector<16xf32>
        %lt3A_1632 = arith.cmpf olt, %add3A_1629, %lt3A_1631 : vector<16xf32>
        %masked_cumsum3A_1633 = tpu.scan <sum>, %broadcast_in_dim3A_71 masked %lt3A_1632 : vector<16xi32>, vector<16xi1> -> vector<16xi32>
        %add3A_1634 = arith.addi %add3A_1503, %masked_cumsum3A_1633 : vector<16xi32>
        tpu.vector_store_idx %arg11[%add3A_1634], %add3A_1546 masked %lt3A_1632 : memref<66048xi32, #tpu.memory_space<vmem>>[vector<16xi32>], vector<16xi32>, vector<16xi1>
        %all_reduce_population_count3A_1635 = tpu.all_reduce %lt3A_1632 {dim = 0 : i64, kind = #tpu.reduction_kind<sum>} : vector<16xi1> -> vector<16xi32>
        %add3A_1636 = arith.addi %add3A_1503, %all_reduce_population_count3A_1635 : vector<16xi32>
        %sub3A_1637 = arith.subf %get3A_1540, %gather3A_180 : vector<16xf32>
        %sub3A_1638 = arith.subf %get3A_1542, %gather3A_181 : vector<16xf32>
        %sub3A_1639 = arith.subf %get3A_1544, %gather3A_182 : vector<16xf32>
        %mul3A_1640 = arith.mulf %sub3A_1637, %sub3A_1637 : vector<16xf32>
        %mul3A_1641 = arith.mulf %sub3A_1638, %sub3A_1638 : vector<16xf32>
        %add3A_1642 = arith.addf %mul3A_1640, %mul3A_1641 : vector<16xf32>
        %mul3A_1643 = arith.mulf %sub3A_1639, %sub3A_1639 : vector<16xf32>
        %add3A_1644 = arith.addf %add3A_1642, %mul3A_1643 : vector<16xf32>
        %lt3A_1645 = arith.constant 4.000000e-02 : f32
        %lt3A_1646 = vector.broadcast %lt3A_1645 : f32 to vector<16xf32>
        %lt3A_1647 = arith.cmpf olt, %add3A_1644, %lt3A_1646 : vector<16xf32>
        %masked_cumsum3A_1648 = tpu.scan <sum>, %broadcast_in_dim3A_71 masked %lt3A_1647 : vector<16xi32>, vector<16xi1> -> vector<16xi32>
        %add3A_1649 = arith.addi %add3A_1518, %masked_cumsum3A_1648 : vector<16xi32>
        tpu.vector_store_idx %arg11[%add3A_1649], %add3A_1546 masked %lt3A_1647 : memref<66048xi32, #tpu.memory_space<vmem>>[vector<16xi32>], vector<16xi32>, vector<16xi1>
        %all_reduce_population_count3A_1650 = tpu.all_reduce %lt3A_1647 {dim = 0 : i64, kind = #tpu.reduction_kind<sum>} : vector<16xi1> -> vector<16xi32>
        %add3A_1651 = arith.addi %add3A_1518, %all_reduce_population_count3A_1650 : vector<16xi32>
        %sub3A_1652 = arith.subf %get3A_1540, %gather3A_193 : vector<16xf32>
        %sub3A_1653 = arith.subf %get3A_1542, %gather3A_194 : vector<16xf32>
        %sub3A_1654 = arith.subf %get3A_1544, %gather3A_195 : vector<16xf32>
        %mul3A_1655 = arith.mulf %sub3A_1652, %sub3A_1652 : vector<16xf32>
        %mul3A_1656 = arith.mulf %sub3A_1653, %sub3A_1653 : vector<16xf32>
        %add3A_1657 = arith.addf %mul3A_1655, %mul3A_1656 : vector<16xf32>
        %mul3A_1658 = arith.mulf %sub3A_1654, %sub3A_1654 : vector<16xf32>
        %add3A_1659 = arith.addf %add3A_1657, %mul3A_1658 : vector<16xf32>
        %lt3A_1660 = arith.constant 4.000000e-02 : f32
        %lt3A_1661 = vector.broadcast %lt3A_1660 : f32 to vector<16xf32>
        %lt3A_1662 = arith.cmpf olt, %add3A_1659, %lt3A_1661 : vector<16xf32>
        %masked_cumsum3A_1663 = tpu.scan <sum>, %broadcast_in_dim3A_71 masked %lt3A_1662 : vector<16xi32>, vector<16xi1> -> vector<16xi32>
        %add3A_1664 = arith.addi %add3A_1533, %masked_cumsum3A_1663 : vector<16xi32>
        tpu.vector_store_idx %arg11[%add3A_1664], %add3A_1546 masked %lt3A_1662 : memref<66048xi32, #tpu.memory_space<vmem>>[vector<16xi32>], vector<16xi32>, vector<16xi1>
        %all_reduce_population_count3A_1665 = tpu.all_reduce %lt3A_1662 {dim = 0 : i64, kind = #tpu.reduction_kind<sum>} : vector<16xi1> -> vector<16xi32>
        %add3A_1666 = arith.addi %add3A_1533, %all_reduce_population_count3A_1665 : vector<16xi32>
        %add3A_1667 = arith.constant 6 : i32
        %add3A_1668 = arith.addi %while3A_862, %add3A_1667 : i32
        %mul3A_1669 = arith.constant 16 : i32
        %mul3A_1670 = arith.muli %add3A_1668, %mul3A_1669 : i32
        %multiple_of3A_1671 = tpu.assume_multiple %mul3A_1670, 16 : i32
        %get3A_1672 = arith.index_cast %multiple_of3A_1671 : i32 to index
        %get3A_1673 = tpu.vector_load %arg5[%get3A_1672] {strides = array<i32>} : memref<8192xf32, #tpu.memory_space<vmem>>, vector<16xf32>,
        %get3A_1674 = arith.index_cast %multiple_of3A_1671 : i32 to index
        %get3A_1675 = tpu.vector_load %arg6[%get3A_1674] {strides = array<i32>} : memref<8192xf32, #tpu.memory_space<vmem>>, vector<16xf32>,
        %get3A_1676 = arith.index_cast %multiple_of3A_1671 : i32 to index
        %get3A_1677 = tpu.vector_load %arg7[%get3A_1676] {strides = array<i32>} : memref<8192xf32, #tpu.memory_space<vmem>>, vector<16xf32>,
        %add3A_1678 = vector.broadcast %multiple_of3A_1671 : i32 to vector<16xi32>
        %add3A_1679 = arith.addi %add3A_1678, %iota3A : vector<16xi32>
        %sub3A_1680 = arith.subf %get3A_1673, %gather3A : vector<16xf32>
        %sub3A_1681 = arith.subf %get3A_1675, %gather3A_104 : vector<16xf32>
        %sub3A_1682 = arith.subf %get3A_1677, %gather3A_105 : vector<16xf32>
        %mul3A_1683 = arith.mulf %sub3A_1680, %sub3A_1680 : vector<16xf32>
        %mul3A_1684 = arith.mulf %sub3A_1681, %sub3A_1681 : vector<16xf32>
        %add3A_1685 = arith.addf %mul3A_1683, %mul3A_1684 : vector<16xf32>
        %mul3A_1686 = arith.mulf %sub3A_1682, %sub3A_1682 : vector<16xf32>
        %add3A_1687 = arith.addf %add3A_1685, %mul3A_1686 : vector<16xf32>
        %lt3A_1688 = arith.constant 4.000000e-02 : f32
        %lt3A_1689 = vector.broadcast %lt3A_1688 : f32 to vector<16xf32>
        %lt3A_1690 = arith.cmpf olt, %add3A_1687, %lt3A_1689 : vector<16xf32>
        %masked_cumsum3A_1691 = tpu.scan <sum>, %broadcast_in_dim3A_71 masked %lt3A_1690 : vector<16xi32>, vector<16xi1> -> vector<16xi32>
        %add3A_1692 = arith.addi %add3A_1561, %masked_cumsum3A_1691 : vector<16xi32>
        tpu.vector_store_idx %arg11[%add3A_1692], %add3A_1679 masked %lt3A_1690 : memref<66048xi32, #tpu.memory_space<vmem>>[vector<16xi32>], vector<16xi32>, vector<16xi1>
        %all_reduce_population_count3A_1693 = tpu.all_reduce %lt3A_1690 {dim = 0 : i64, kind = #tpu.reduction_kind<sum>} : vector<16xi1> -> vector<16xi32>
        %add3A_1694 = arith.addi %add3A_1561, %all_reduce_population_count3A_1693 : vector<16xi32>
        %sub3A_1695 = arith.subf %get3A_1673, %gather3A_115 : vector<16xf32>
        %sub3A_1696 = arith.subf %get3A_1675, %gather3A_116 : vector<16xf32>
        %sub3A_1697 = arith.subf %get3A_1677, %gather3A_117 : vector<16xf32>
        %mul3A_1698 = arith.mulf %sub3A_1695, %sub3A_1695 : vector<16xf32>
        %mul3A_1699 = arith.mulf %sub3A_1696, %sub3A_1696 : vector<16xf32>
        %add3A_1700 = arith.addf %mul3A_1698, %mul3A_1699 : vector<16xf32>
        %mul3A_1701 = arith.mulf %sub3A_1697, %sub3A_1697 : vector<16xf32>
        %add3A_1702 = arith.addf %add3A_1700, %mul3A_1701 : vector<16xf32>
        %lt3A_1703 = arith.constant 4.000000e-02 : f32
        %lt3A_1704 = vector.broadcast %lt3A_1703 : f32 to vector<16xf32>
        %lt3A_1705 = arith.cmpf olt, %add3A_1702, %lt3A_1704 : vector<16xf32>
        %masked_cumsum3A_1706 = tpu.scan <sum>, %broadcast_in_dim3A_71 masked %lt3A_1705 : vector<16xi32>, vector<16xi1> -> vector<16xi32>
        %add3A_1707 = arith.addi %add3A_1576, %masked_cumsum3A_1706 : vector<16xi32>
        tpu.vector_store_idx %arg11[%add3A_1707], %add3A_1679 masked %lt3A_1705 : memref<66048xi32, #tpu.memory_space<vmem>>[vector<16xi32>], vector<16xi32>, vector<16xi1>
        %all_reduce_population_count3A_1708 = tpu.all_reduce %lt3A_1705 {dim = 0 : i64, kind = #tpu.reduction_kind<sum>} : vector<16xi1> -> vector<16xi32>
        %add3A_1709 = arith.addi %add3A_1576, %all_reduce_population_count3A_1708 : vector<16xi32>
        %sub3A_1710 = arith.subf %get3A_1673, %gather3A_128 : vector<16xf32>
        %sub3A_1711 = arith.subf %get3A_1675, %gather3A_129 : vector<16xf32>
        %sub3A_1712 = arith.subf %get3A_1677, %gather3A_130 : vector<16xf32>
        %mul3A_1713 = arith.mulf %sub3A_1710, %sub3A_1710 : vector<16xf32>
        %mul3A_1714 = arith.mulf %sub3A_1711, %sub3A_1711 : vector<16xf32>
        %add3A_1715 = arith.addf %mul3A_1713, %mul3A_1714 : vector<16xf32>
        %mul3A_1716 = arith.mulf %sub3A_1712, %sub3A_1712 : vector<16xf32>
        %add3A_1717 = arith.addf %add3A_1715, %mul3A_1716 : vector<16xf32>
        %lt3A_1718 = arith.constant 4.000000e-02 : f32
        %lt3A_1719 = vector.broadcast %lt3A_1718 : f32 to vector<16xf32>
        %lt3A_1720 = arith.cmpf olt, %add3A_1717, %lt3A_1719 : vector<16xf32>
        %masked_cumsum3A_1721 = tpu.scan <sum>, %broadcast_in_dim3A_71 masked %lt3A_1720 : vector<16xi32>, vector<16xi1> -> vector<16xi32>
        %add3A_1722 = arith.addi %add3A_1591, %masked_cumsum3A_1721 : vector<16xi32>
        tpu.vector_store_idx %arg11[%add3A_1722], %add3A_1679 masked %lt3A_1720 : memref<66048xi32, #tpu.memory_space<vmem>>[vector<16xi32>], vector<16xi32>, vector<16xi1>
        %all_reduce_population_count3A_1723 = tpu.all_reduce %lt3A_1720 {dim = 0 : i64, kind = #tpu.reduction_kind<sum>} : vector<16xi1> -> vector<16xi32>
        %add3A_1724 = arith.addi %add3A_1591, %all_reduce_population_count3A_1723 : vector<16xi32>
        %sub3A_1725 = arith.subf %get3A_1673, %gather3A_141 : vector<16xf32>
        %sub3A_1726 = arith.subf %get3A_1675, %gather3A_142 : vector<16xf32>
        %sub3A_1727 = arith.subf %get3A_1677, %gather3A_143 : vector<16xf32>
        %mul3A_1728 = arith.mulf %sub3A_1725, %sub3A_1725 : vector<16xf32>
        %mul3A_1729 = arith.mulf %sub3A_1726, %sub3A_1726 : vector<16xf32>
        %add3A_1730 = arith.addf %mul3A_1728, %mul3A_1729 : vector<16xf32>
        %mul3A_1731 = arith.mulf %sub3A_1727, %sub3A_1727 : vector<16xf32>
        %add3A_1732 = arith.addf %add3A_1730, %mul3A_1731 : vector<16xf32>
        %lt3A_1733 = arith.constant 4.000000e-02 : f32
        %lt3A_1734 = vector.broadcast %lt3A_1733 : f32 to vector<16xf32>
        %lt3A_1735 = arith.cmpf olt, %add3A_1732, %lt3A_1734 : vector<16xf32>
        %masked_cumsum3A_1736 = tpu.scan <sum>, %broadcast_in_dim3A_71 masked %lt3A_1735 : vector<16xi32>, vector<16xi1> -> vector<16xi32>
        %add3A_1737 = arith.addi %add3A_1606, %masked_cumsum3A_1736 : vector<16xi32>
        tpu.vector_store_idx %arg11[%add3A_1737], %add3A_1679 masked %lt3A_1735 : memref<66048xi32, #tpu.memory_space<vmem>>[vector<16xi32>], vector<16xi32>, vector<16xi1>
        %all_reduce_population_count3A_1738 = tpu.all_reduce %lt3A_1735 {dim = 0 : i64, kind = #tpu.reduction_kind<sum>} : vector<16xi1> -> vector<16xi32>
        %add3A_1739 = arith.addi %add3A_1606, %all_reduce_population_count3A_1738 : vector<16xi32>
        %sub3A_1740 = arith.subf %get3A_1673, %gather3A_154 : vector<16xf32>
        %sub3A_1741 = arith.subf %get3A_1675, %gather3A_155 : vector<16xf32>
        %sub3A_1742 = arith.subf %get3A_1677, %gather3A_156 : vector<16xf32>
        %mul3A_1743 = arith.mulf %sub3A_1740, %sub3A_1740 : vector<16xf32>
        %mul3A_1744 = arith.mulf %sub3A_1741, %sub3A_1741 : vector<16xf32>
        %add3A_1745 = arith.addf %mul3A_1743, %mul3A_1744 : vector<16xf32>
        %mul3A_1746 = arith.mulf %sub3A_1742, %sub3A_1742 : vector<16xf32>
        %add3A_1747 = arith.addf %add3A_1745, %mul3A_1746 : vector<16xf32>
        %lt3A_1748 = arith.constant 4.000000e-02 : f32
        %lt3A_1749 = vector.broadcast %lt3A_1748 : f32 to vector<16xf32>
        %lt3A_1750 = arith.cmpf olt, %add3A_1747, %lt3A_1749 : vector<16xf32>
        %masked_cumsum3A_1751 = tpu.scan <sum>, %broadcast_in_dim3A_71 masked %lt3A_1750 : vector<16xi32>, vector<16xi1> -> vector<16xi32>
        %add3A_1752 = arith.addi %add3A_1621, %masked_cumsum3A_1751 : vector<16xi32>
        tpu.vector_store_idx %arg11[%add3A_1752], %add3A_1679 masked %lt3A_1750 : memref<66048xi32, #tpu.memory_space<vmem>>[vector<16xi32>], vector<16xi32>, vector<16xi1>
        %all_reduce_population_count3A_1753 = tpu.all_reduce %lt3A_1750 {dim = 0 : i64, kind = #tpu.reduction_kind<sum>} : vector<16xi1> -> vector<16xi32>
        %add3A_1754 = arith.addi %add3A_1621, %all_reduce_population_count3A_1753 : vector<16xi32>
        %sub3A_1755 = arith.subf %get3A_1673, %gather3A_167 : vector<16xf32>
        %sub3A_1756 = arith.subf %get3A_1675, %gather3A_168 : vector<16xf32>
        %sub3A_1757 = arith.subf %get3A_1677, %gather3A_169 : vector<16xf32>
        %mul3A_1758 = arith.mulf %sub3A_1755, %sub3A_1755 : vector<16xf32>
        %mul3A_1759 = arith.mulf %sub3A_1756, %sub3A_1756 : vector<16xf32>
        %add3A_1760 = arith.addf %mul3A_1758, %mul3A_1759 : vector<16xf32>
        %mul3A_1761 = arith.mulf %sub3A_1757, %sub3A_1757 : vector<16xf32>
        %add3A_1762 = arith.addf %add3A_1760, %mul3A_1761 : vector<16xf32>
        %lt3A_1763 = arith.constant 4.000000e-02 : f32
        %lt3A_1764 = vector.broadcast %lt3A_1763 : f32 to vector<16xf32>
        %lt3A_1765 = arith.cmpf olt, %add3A_1762, %lt3A_1764 : vector<16xf32>
        %masked_cumsum3A_1766 = tpu.scan <sum>, %broadcast_in_dim3A_71 masked %lt3A_1765 : vector<16xi32>, vector<16xi1> -> vector<16xi32>
        %add3A_1767 = arith.addi %add3A_1636, %masked_cumsum3A_1766 : vector<16xi32>
        tpu.vector_store_idx %arg11[%add3A_1767], %add3A_1679 masked %lt3A_1765 : memref<66048xi32, #tpu.memory_space<vmem>>[vector<16xi32>], vector<16xi32>, vector<16xi1>
        %all_reduce_population_count3A_1768 = tpu.all_reduce %lt3A_1765 {dim = 0 : i64, kind = #tpu.reduction_kind<sum>} : vector<16xi1> -> vector<16xi32>
        %add3A_1769 = arith.addi %add3A_1636, %all_reduce_population_count3A_1768 : vector<16xi32>
        %sub3A_1770 = arith.subf %get3A_1673, %gather3A_180 : vector<16xf32>
        %sub3A_1771 = arith.subf %get3A_1675, %gather3A_181 : vector<16xf32>
        %sub3A_1772 = arith.subf %get3A_1677, %gather3A_182 : vector<16xf32>
        %mul3A_1773 = arith.mulf %sub3A_1770, %sub3A_1770 : vector<16xf32>
        %mul3A_1774 = arith.mulf %sub3A_1771, %sub3A_1771 : vector<16xf32>
        %add3A_1775 = arith.addf %mul3A_1773, %mul3A_1774 : vector<16xf32>
        %mul3A_1776 = arith.mulf %sub3A_1772, %sub3A_1772 : vector<16xf32>
        %add3A_1777 = arith.addf %add3A_1775, %mul3A_1776 : vector<16xf32>
        %lt3A_1778 = arith.constant 4.000000e-02 : f32
        %lt3A_1779 = vector.broadcast %lt3A_1778 : f32 to vector<16xf32>
        %lt3A_1780 = arith.cmpf olt, %add3A_1777, %lt3A_1779 : vector<16xf32>
        %masked_cumsum3A_1781 = tpu.scan <sum>, %broadcast_in_dim3A_71 masked %lt3A_1780 : vector<16xi32>, vector<16xi1> -> vector<16xi32>
        %add3A_1782 = arith.addi %add3A_1651, %masked_cumsum3A_1781 : vector<16xi32>
        tpu.vector_store_idx %arg11[%add3A_1782], %add3A_1679 masked %lt3A_1780 : memref<66048xi32, #tpu.memory_space<vmem>>[vector<16xi32>], vector<16xi32>, vector<16xi1>
        %all_reduce_population_count3A_1783 = tpu.all_reduce %lt3A_1780 {dim = 0 : i64, kind = #tpu.reduction_kind<sum>} : vector<16xi1> -> vector<16xi32>
        %add3A_1784 = arith.addi %add3A_1651, %all_reduce_population_count3A_1783 : vector<16xi32>
        %sub3A_1785 = arith.subf %get3A_1673, %gather3A_193 : vector<16xf32>
        %sub3A_1786 = arith.subf %get3A_1675, %gather3A_194 : vector<16xf32>
        %sub3A_1787 = arith.subf %get3A_1677, %gather3A_195 : vector<16xf32>
        %mul3A_1788 = arith.mulf %sub3A_1785, %sub3A_1785 : vector<16xf32>
        %mul3A_1789 = arith.mulf %sub3A_1786, %sub3A_1786 : vector<16xf32>
        %add3A_1790 = arith.addf %mul3A_1788, %mul3A_1789 : vector<16xf32>
        %mul3A_1791 = arith.mulf %sub3A_1787, %sub3A_1787 : vector<16xf32>
        %add3A_1792 = arith.addf %add3A_1790, %mul3A_1791 : vector<16xf32>
        %lt3A_1793 = arith.constant 4.000000e-02 : f32
        %lt3A_1794 = vector.broadcast %lt3A_1793 : f32 to vector<16xf32>
        %lt3A_1795 = arith.cmpf olt, %add3A_1792, %lt3A_1794 : vector<16xf32>
        %masked_cumsum3A_1796 = tpu.scan <sum>, %broadcast_in_dim3A_71 masked %lt3A_1795 : vector<16xi32>, vector<16xi1> -> vector<16xi32>
        %add3A_1797 = arith.addi %add3A_1666, %masked_cumsum3A_1796 : vector<16xi32>
        tpu.vector_store_idx %arg11[%add3A_1797], %add3A_1679 masked %lt3A_1795 : memref<66048xi32, #tpu.memory_space<vmem>>[vector<16xi32>], vector<16xi32>, vector<16xi1>
        %all_reduce_population_count3A_1798 = tpu.all_reduce %lt3A_1795 {dim = 0 : i64, kind = #tpu.reduction_kind<sum>} : vector<16xi1> -> vector<16xi32>
        %add3A_1799 = arith.addi %add3A_1666, %all_reduce_population_count3A_1798 : vector<16xi32>
        %add3A_1800 = arith.constant 7 : i32
        %add3A_1801 = arith.addi %while3A_862, %add3A_1800 : i32
        %mul3A_1802 = arith.constant 16 : i32
        %mul3A_1803 = arith.muli %add3A_1801, %mul3A_1802 : i32
        %multiple_of3A_1804 = tpu.assume_multiple %mul3A_1803, 16 : i32
        %get3A_1805 = arith.index_cast %multiple_of3A_1804 : i32 to index
        %get3A_1806 = tpu.vector_load %arg5[%get3A_1805] {strides = array<i32>} : memref<8192xf32, #tpu.memory_space<vmem>>, vector<16xf32>,
        %get3A_1807 = arith.index_cast %multiple_of3A_1804 : i32 to index
        %get3A_1808 = tpu.vector_load %arg6[%get3A_1807] {strides = array<i32>} : memref<8192xf32, #tpu.memory_space<vmem>>, vector<16xf32>,
        %get3A_1809 = arith.index_cast %multiple_of3A_1804 : i32 to index
        %get3A_1810 = tpu.vector_load %arg7[%get3A_1809] {strides = array<i32>} : memref<8192xf32, #tpu.memory_space<vmem>>, vector<16xf32>,
        %add3A_1811 = vector.broadcast %multiple_of3A_1804 : i32 to vector<16xi32>
        %add3A_1812 = arith.addi %add3A_1811, %iota3A : vector<16xi32>
        %sub3A_1813 = arith.subf %get3A_1806, %gather3A : vector<16xf32>
        %sub3A_1814 = arith.subf %get3A_1808, %gather3A_104 : vector<16xf32>
        %sub3A_1815 = arith.subf %get3A_1810, %gather3A_105 : vector<16xf32>
        %mul3A_1816 = arith.mulf %sub3A_1813, %sub3A_1813 : vector<16xf32>
        %mul3A_1817 = arith.mulf %sub3A_1814, %sub3A_1814 : vector<16xf32>
        %add3A_1818 = arith.addf %mul3A_1816, %mul3A_1817 : vector<16xf32>
        %mul3A_1819 = arith.mulf %sub3A_1815, %sub3A_1815 : vector<16xf32>
        %add3A_1820 = arith.addf %add3A_1818, %mul3A_1819 : vector<16xf32>
        %lt3A_1821 = arith.constant 4.000000e-02 : f32
        %lt3A_1822 = vector.broadcast %lt3A_1821 : f32 to vector<16xf32>
        %lt3A_1823 = arith.cmpf olt, %add3A_1820, %lt3A_1822 : vector<16xf32>
        %masked_cumsum3A_1824 = tpu.scan <sum>, %broadcast_in_dim3A_71 masked %lt3A_1823 : vector<16xi32>, vector<16xi1> -> vector<16xi32>
        %add3A_1825 = arith.addi %add3A_1694, %masked_cumsum3A_1824 : vector<16xi32>
        tpu.vector_store_idx %arg11[%add3A_1825], %add3A_1812 masked %lt3A_1823 : memref<66048xi32, #tpu.memory_space<vmem>>[vector<16xi32>], vector<16xi32>, vector<16xi1>
        %all_reduce_population_count3A_1826 = tpu.all_reduce %lt3A_1823 {dim = 0 : i64, kind = #tpu.reduction_kind<sum>} : vector<16xi1> -> vector<16xi32>
        %add3A_1827 = arith.addi %add3A_1694, %all_reduce_population_count3A_1826 : vector<16xi32>
        %sub3A_1828 = arith.subf %get3A_1806, %gather3A_115 : vector<16xf32>
        %sub3A_1829 = arith.subf %get3A_1808, %gather3A_116 : vector<16xf32>
        %sub3A_1830 = arith.subf %get3A_1810, %gather3A_117 : vector<16xf32>
        %mul3A_1831 = arith.mulf %sub3A_1828, %sub3A_1828 : vector<16xf32>
        %mul3A_1832 = arith.mulf %sub3A_1829, %sub3A_1829 : vector<16xf32>
        %add3A_1833 = arith.addf %mul3A_1831, %mul3A_1832 : vector<16xf32>
        %mul3A_1834 = arith.mulf %sub3A_1830, %sub3A_1830 : vector<16xf32>
        %add3A_1835 = arith.addf %add3A_1833, %mul3A_1834 : vector<16xf32>
        %lt3A_1836 = arith.constant 4.000000e-02 : f32
        %lt3A_1837 = vector.broadcast %lt3A_1836 : f32 to vector<16xf32>
        %lt3A_1838 = arith.cmpf olt, %add3A_1835, %lt3A_1837 : vector<16xf32>
        %masked_cumsum3A_1839 = tpu.scan <sum>, %broadcast_in_dim3A_71 masked %lt3A_1838 : vector<16xi32>, vector<16xi1> -> vector<16xi32>
        %add3A_1840 = arith.addi %add3A_1709, %masked_cumsum3A_1839 : vector<16xi32>
        tpu.vector_store_idx %arg11[%add3A_1840], %add3A_1812 masked %lt3A_1838 : memref<66048xi32, #tpu.memory_space<vmem>>[vector<16xi32>], vector<16xi32>, vector<16xi1>
        %all_reduce_population_count3A_1841 = tpu.all_reduce %lt3A_1838 {dim = 0 : i64, kind = #tpu.reduction_kind<sum>} : vector<16xi1> -> vector<16xi32>
        %add3A_1842 = arith.addi %add3A_1709, %all_reduce_population_count3A_1841 : vector<16xi32>
        %sub3A_1843 = arith.subf %get3A_1806, %gather3A_128 : vector<16xf32>
        %sub3A_1844 = arith.subf %get3A_1808, %gather3A_129 : vector<16xf32>
        %sub3A_1845 = arith.subf %get3A_1810, %gather3A_130 : vector<16xf32>
        %mul3A_1846 = arith.mulf %sub3A_1843, %sub3A_1843 : vector<16xf32>
        %mul3A_1847 = arith.mulf %sub3A_1844, %sub3A_1844 : vector<16xf32>
        %add3A_1848 = arith.addf %mul3A_1846, %mul3A_1847 : vector<16xf32>
        %mul3A_1849 = arith.mulf %sub3A_1845, %sub3A_1845 : vector<16xf32>
        %add3A_1850 = arith.addf %add3A_1848, %mul3A_1849 : vector<16xf32>
        %lt3A_1851 = arith.constant 4.000000e-02 : f32
        %lt3A_1852 = vector.broadcast %lt3A_1851 : f32 to vector<16xf32>
        %lt3A_1853 = arith.cmpf olt, %add3A_1850, %lt3A_1852 : vector<16xf32>
        %masked_cumsum3A_1854 = tpu.scan <sum>, %broadcast_in_dim3A_71 masked %lt3A_1853 : vector<16xi32>, vector<16xi1> -> vector<16xi32>
        %add3A_1855 = arith.addi %add3A_1724, %masked_cumsum3A_1854 : vector<16xi32>
        tpu.vector_store_idx %arg11[%add3A_1855], %add3A_1812 masked %lt3A_1853 : memref<66048xi32, #tpu.memory_space<vmem>>[vector<16xi32>], vector<16xi32>, vector<16xi1>
        %all_reduce_population_count3A_1856 = tpu.all_reduce %lt3A_1853 {dim = 0 : i64, kind = #tpu.reduction_kind<sum>} : vector<16xi1> -> vector<16xi32>
        %add3A_1857 = arith.addi %add3A_1724, %all_reduce_population_count3A_1856 : vector<16xi32>
        %sub3A_1858 = arith.subf %get3A_1806, %gather3A_141 : vector<16xf32>
        %sub3A_1859 = arith.subf %get3A_1808, %gather3A_142 : vector<16xf32>
        %sub3A_1860 = arith.subf %get3A_1810, %gather3A_143 : vector<16xf32>
        %mul3A_1861 = arith.mulf %sub3A_1858, %sub3A_1858 : vector<16xf32>
        %mul3A_1862 = arith.mulf %sub3A_1859, %sub3A_1859 : vector<16xf32>
        %add3A_1863 = arith.addf %mul3A_1861, %mul3A_1862 : vector<16xf32>
        %mul3A_1864 = arith.mulf %sub3A_1860, %sub3A_1860 : vector<16xf32>
        %add3A_1865 = arith.addf %add3A_1863, %mul3A_1864 : vector<16xf32>
        %lt3A_1866 = arith.constant 4.000000e-02 : f32
        %lt3A_1867 = vector.broadcast %lt3A_1866 : f32 to vector<16xf32>
        %lt3A_1868 = arith.cmpf olt, %add3A_1865, %lt3A_1867 : vector<16xf32>
        %masked_cumsum3A_1869 = tpu.scan <sum>, %broadcast_in_dim3A_71 masked %lt3A_1868 : vector<16xi32>, vector<16xi1> -> vector<16xi32>
        %add3A_1870 = arith.addi %add3A_1739, %masked_cumsum3A_1869 : vector<16xi32>
        tpu.vector_store_idx %arg11[%add3A_1870], %add3A_1812 masked %lt3A_1868 : memref<66048xi32, #tpu.memory_space<vmem>>[vector<16xi32>], vector<16xi32>, vector<16xi1>
        %all_reduce_population_count3A_1871 = tpu.all_reduce %lt3A_1868 {dim = 0 : i64, kind = #tpu.reduction_kind<sum>} : vector<16xi1> -> vector<16xi32>
        %add3A_1872 = arith.addi %add3A_1739, %all_reduce_population_count3A_1871 : vector<16xi32>
        %sub3A_1873 = arith.subf %get3A_1806, %gather3A_154 : vector<16xf32>
        %sub3A_1874 = arith.subf %get3A_1808, %gather3A_155 : vector<16xf32>
        %sub3A_1875 = arith.subf %get3A_1810, %gather3A_156 : vector<16xf32>
        %mul3A_1876 = arith.mulf %sub3A_1873, %sub3A_1873 : vector<16xf32>
        %mul3A_1877 = arith.mulf %sub3A_1874, %sub3A_1874 : vector<16xf32>
        %add3A_1878 = arith.addf %mul3A_1876, %mul3A_1877 : vector<16xf32>
        %mul3A_1879 = arith.mulf %sub3A_1875, %sub3A_1875 : vector<16xf32>
        %add3A_1880 = arith.addf %add3A_1878, %mul3A_1879 : vector<16xf32>
        %lt3A_1881 = arith.constant 4.000000e-02 : f32
        %lt3A_1882 = vector.broadcast %lt3A_1881 : f32 to vector<16xf32>
        %lt3A_1883 = arith.cmpf olt, %add3A_1880, %lt3A_1882 : vector<16xf32>
        %masked_cumsum3A_1884 = tpu.scan <sum>, %broadcast_in_dim3A_71 masked %lt3A_1883 : vector<16xi32>, vector<16xi1> -> vector<16xi32>
        %add3A_1885 = arith.addi %add3A_1754, %masked_cumsum3A_1884 : vector<16xi32>
        tpu.vector_store_idx %arg11[%add3A_1885], %add3A_1812 masked %lt3A_1883 : memref<66048xi32, #tpu.memory_space<vmem>>[vector<16xi32>], vector<16xi32>, vector<16xi1>
        %all_reduce_population_count3A_1886 = tpu.all_reduce %lt3A_1883 {dim = 0 : i64, kind = #tpu.reduction_kind<sum>} : vector<16xi1> -> vector<16xi32>
        %add3A_1887 = arith.addi %add3A_1754, %all_reduce_population_count3A_1886 : vector<16xi32>
        %sub3A_1888 = arith.subf %get3A_1806, %gather3A_167 : vector<16xf32>
        %sub3A_1889 = arith.subf %get3A_1808, %gather3A_168 : vector<16xf32>
        %sub3A_1890 = arith.subf %get3A_1810, %gather3A_169 : vector<16xf32>
        %mul3A_1891 = arith.mulf %sub3A_1888, %sub3A_1888 : vector<16xf32>
        %mul3A_1892 = arith.mulf %sub3A_1889, %sub3A_1889 : vector<16xf32>
        %add3A_1893 = arith.addf %mul3A_1891, %mul3A_1892 : vector<16xf32>
        %mul3A_1894 = arith.mulf %sub3A_1890, %sub3A_1890 : vector<16xf32>
        %add3A_1895 = arith.addf %add3A_1893, %mul3A_1894 : vector<16xf32>
        %lt3A_1896 = arith.constant 4.000000e-02 : f32
        %lt3A_1897 = vector.broadcast %lt3A_1896 : f32 to vector<16xf32>
        %lt3A_1898 = arith.cmpf olt, %add3A_1895, %lt3A_1897 : vector<16xf32>
        %masked_cumsum3A_1899 = tpu.scan <sum>, %broadcast_in_dim3A_71 masked %lt3A_1898 : vector<16xi32>, vector<16xi1> -> vector<16xi32>
        %add3A_1900 = arith.addi %add3A_1769, %masked_cumsum3A_1899 : vector<16xi32>
        tpu.vector_store_idx %arg11[%add3A_1900], %add3A_1812 masked %lt3A_1898 : memref<66048xi32, #tpu.memory_space<vmem>>[vector<16xi32>], vector<16xi32>, vector<16xi1>
        %all_reduce_population_count3A_1901 = tpu.all_reduce %lt3A_1898 {dim = 0 : i64, kind = #tpu.reduction_kind<sum>} : vector<16xi1> -> vector<16xi32>
        %add3A_1902 = arith.addi %add3A_1769, %all_reduce_population_count3A_1901 : vector<16xi32>
        %sub3A_1903 = arith.subf %get3A_1806, %gather3A_180 : vector<16xf32>
        %sub3A_1904 = arith.subf %get3A_1808, %gather3A_181 : vector<16xf32>
        %sub3A_1905 = arith.subf %get3A_1810, %gather3A_182 : vector<16xf32>
        %mul3A_1906 = arith.mulf %sub3A_1903, %sub3A_1903 : vector<16xf32>
        %mul3A_1907 = arith.mulf %sub3A_1904, %sub3A_1904 : vector<16xf32>
        %add3A_1908 = arith.addf %mul3A_1906, %mul3A_1907 : vector<16xf32>
        %mul3A_1909 = arith.mulf %sub3A_1905, %sub3A_1905 : vector<16xf32>
        %add3A_1910 = arith.addf %add3A_1908, %mul3A_1909 : vector<16xf32>
        %lt3A_1911 = arith.constant 4.000000e-02 : f32
        %lt3A_1912 = vector.broadcast %lt3A_1911 : f32 to vector<16xf32>
        %lt3A_1913 = arith.cmpf olt, %add3A_1910, %lt3A_1912 : vector<16xf32>
        %masked_cumsum3A_1914 = tpu.scan <sum>, %broadcast_in_dim3A_71 masked %lt3A_1913 : vector<16xi32>, vector<16xi1> -> vector<16xi32>
        %add3A_1915 = arith.addi %add3A_1784, %masked_cumsum3A_1914 : vector<16xi32>
        tpu.vector_store_idx %arg11[%add3A_1915], %add3A_1812 masked %lt3A_1913 : memref<66048xi32, #tpu.memory_space<vmem>>[vector<16xi32>], vector<16xi32>, vector<16xi1>
        %all_reduce_population_count3A_1916 = tpu.all_reduce %lt3A_1913 {dim = 0 : i64, kind = #tpu.reduction_kind<sum>} : vector<16xi1> -> vector<16xi32>
        %add3A_1917 = arith.addi %add3A_1784, %all_reduce_population_count3A_1916 : vector<16xi32>
        %sub3A_1918 = arith.subf %get3A_1806, %gather3A_193 : vector<16xf32>
        %sub3A_1919 = arith.subf %get3A_1808, %gather3A_194 : vector<16xf32>
        %sub3A_1920 = arith.subf %get3A_1810, %gather3A_195 : vector<16xf32>
        %mul3A_1921 = arith.mulf %sub3A_1918, %sub3A_1918 : vector<16xf32>
        %mul3A_1922 = arith.mulf %sub3A_1919, %sub3A_1919 : vector<16xf32>
        %add3A_1923 = arith.addf %mul3A_1921, %mul3A_1922 : vector<16xf32>
        %mul3A_1924 = arith.mulf %sub3A_1920, %sub3A_1920 : vector<16xf32>
        %add3A_1925 = arith.addf %add3A_1923, %mul3A_1924 : vector<16xf32>
        %lt3A_1926 = arith.constant 4.000000e-02 : f32
        %lt3A_1927 = vector.broadcast %lt3A_1926 : f32 to vector<16xf32>
        %lt3A_1928 = arith.cmpf olt, %add3A_1925, %lt3A_1927 : vector<16xf32>
        %masked_cumsum3A_1929 = tpu.scan <sum>, %broadcast_in_dim3A_71 masked %lt3A_1928 : vector<16xi32>, vector<16xi1> -> vector<16xi32>
        %add3A_1930 = arith.addi %add3A_1799, %masked_cumsum3A_1929 : vector<16xi32>
        tpu.vector_store_idx %arg11[%add3A_1930], %add3A_1812 masked %lt3A_1928 : memref<66048xi32, #tpu.memory_space<vmem>>[vector<16xi32>], vector<16xi32>, vector<16xi1>
        %all_reduce_population_count3A_1931 = tpu.all_reduce %lt3A_1928 {dim = 0 : i64, kind = #tpu.reduction_kind<sum>} : vector<16xi1> -> vector<16xi32>
        %add3A_1932 = arith.addi %add3A_1799, %all_reduce_population_count3A_1931 : vector<16xi32>
        %add3A_1933 = arith.constant 8 : i32
        %add3A_1934 = arith.addi %while3A_862, %add3A_1933 : i32
        %mul3A_1935 = arith.constant 16 : i32
        %mul3A_1936 = arith.muli %add3A_1934, %mul3A_1935 : i32
        %multiple_of3A_1937 = tpu.assume_multiple %mul3A_1936, 16 : i32
        %get3A_1938 = arith.index_cast %multiple_of3A_1937 : i32 to index
        %get3A_1939 = tpu.vector_load %arg5[%get3A_1938] {strides = array<i32>} : memref<8192xf32, #tpu.memory_space<vmem>>, vector<16xf32>,
        %get3A_1940 = arith.index_cast %multiple_of3A_1937 : i32 to index
        %get3A_1941 = tpu.vector_load %arg6[%get3A_1940] {strides = array<i32>} : memref<8192xf32, #tpu.memory_space<vmem>>, vector<16xf32>,
        %get3A_1942 = arith.index_cast %multiple_of3A_1937 : i32 to index
        %get3A_1943 = tpu.vector_load %arg7[%get3A_1942] {strides = array<i32>} : memref<8192xf32, #tpu.memory_space<vmem>>, vector<16xf32>,
        %add3A_1944 = vector.broadcast %multiple_of3A_1937 : i32 to vector<16xi32>
        %add3A_1945 = arith.addi %add3A_1944, %iota3A : vector<16xi32>
        %sub3A_1946 = arith.subf %get3A_1939, %gather3A : vector<16xf32>
        %sub3A_1947 = arith.subf %get3A_1941, %gather3A_104 : vector<16xf32>
        %sub3A_1948 = arith.subf %get3A_1943, %gather3A_105 : vector<16xf32>
        %mul3A_1949 = arith.mulf %sub3A_1946, %sub3A_1946 : vector<16xf32>
        %mul3A_1950 = arith.mulf %sub3A_1947, %sub3A_1947 : vector<16xf32>
        %add3A_1951 = arith.addf %mul3A_1949, %mul3A_1950 : vector<16xf32>
        %mul3A_1952 = arith.mulf %sub3A_1948, %sub3A_1948 : vector<16xf32>
        %add3A_1953 = arith.addf %add3A_1951, %mul3A_1952 : vector<16xf32>
        %lt3A_1954 = arith.constant 4.000000e-02 : f32
        %lt3A_1955 = vector.broadcast %lt3A_1954 : f32 to vector<16xf32>
        %lt3A_1956 = arith.cmpf olt, %add3A_1953, %lt3A_1955 : vector<16xf32>
        %masked_cumsum3A_1957 = tpu.scan <sum>, %broadcast_in_dim3A_71 masked %lt3A_1956 : vector<16xi32>, vector<16xi1> -> vector<16xi32>
        %add3A_1958 = arith.addi %add3A_1827, %masked_cumsum3A_1957 : vector<16xi32>
        tpu.vector_store_idx %arg11[%add3A_1958], %add3A_1945 masked %lt3A_1956 : memref<66048xi32, #tpu.memory_space<vmem>>[vector<16xi32>], vector<16xi32>, vector<16xi1>
        %all_reduce_population_count3A_1959 = tpu.all_reduce %lt3A_1956 {dim = 0 : i64, kind = #tpu.reduction_kind<sum>} : vector<16xi1> -> vector<16xi32>
        %add3A_1960 = arith.addi %add3A_1827, %all_reduce_population_count3A_1959 : vector<16xi32>
        %sub3A_1961 = arith.subf %get3A_1939, %gather3A_115 : vector<16xf32>
        %sub3A_1962 = arith.subf %get3A_1941, %gather3A_116 : vector<16xf32>
        %sub3A_1963 = arith.subf %get3A_1943, %gather3A_117 : vector<16xf32>
        %mul3A_1964 = arith.mulf %sub3A_1961, %sub3A_1961 : vector<16xf32>
        %mul3A_1965 = arith.mulf %sub3A_1962, %sub3A_1962 : vector<16xf32>
        %add3A_1966 = arith.addf %mul3A_1964, %mul3A_1965 : vector<16xf32>
        %mul3A_1967 = arith.mulf %sub3A_1963, %sub3A_1963 : vector<16xf32>
        %add3A_1968 = arith.addf %add3A_1966, %mul3A_1967 : vector<16xf32>
        %lt3A_1969 = arith.constant 4.000000e-02 : f32
        %lt3A_1970 = vector.broadcast %lt3A_1969 : f32 to vector<16xf32>
        %lt3A_1971 = arith.cmpf olt, %add3A_1968, %lt3A_1970 : vector<16xf32>
        %masked_cumsum3A_1972 = tpu.scan <sum>, %broadcast_in_dim3A_71 masked %lt3A_1971 : vector<16xi32>, vector<16xi1> -> vector<16xi32>
        %add3A_1973 = arith.addi %add3A_1842, %masked_cumsum3A_1972 : vector<16xi32>
        tpu.vector_store_idx %arg11[%add3A_1973], %add3A_1945 masked %lt3A_1971 : memref<66048xi32, #tpu.memory_space<vmem>>[vector<16xi32>], vector<16xi32>, vector<16xi1>
        %all_reduce_population_count3A_1974 = tpu.all_reduce %lt3A_1971 {dim = 0 : i64, kind = #tpu.reduction_kind<sum>} : vector<16xi1> -> vector<16xi32>
        %add3A_1975 = arith.addi %add3A_1842, %all_reduce_population_count3A_1974 : vector<16xi32>
        %sub3A_1976 = arith.subf %get3A_1939, %gather3A_128 : vector<16xf32>
        %sub3A_1977 = arith.subf %get3A_1941, %gather3A_129 : vector<16xf32>
        %sub3A_1978 = arith.subf %get3A_1943, %gather3A_130 : vector<16xf32>
        %mul3A_1979 = arith.mulf %sub3A_1976, %sub3A_1976 : vector<16xf32>
        %mul3A_1980 = arith.mulf %sub3A_1977, %sub3A_1977 : vector<16xf32>
        %add3A_1981 = arith.addf %mul3A_1979, %mul3A_1980 : vector<16xf32>
        %mul3A_1982 = arith.mulf %sub3A_1978, %sub3A_1978 : vector<16xf32>
        %add3A_1983 = arith.addf %add3A_1981, %mul3A_1982 : vector<16xf32>
        %lt3A_1984 = arith.constant 4.000000e-02 : f32
        %lt3A_1985 = vector.broadcast %lt3A_1984 : f32 to vector<16xf32>
        %lt3A_1986 = arith.cmpf olt, %add3A_1983, %lt3A_1985 : vector<16xf32>
        %masked_cumsum3A_1987 = tpu.scan <sum>, %broadcast_in_dim3A_71 masked %lt3A_1986 : vector<16xi32>, vector<16xi1> -> vector<16xi32>
        %add3A_1988 = arith.addi %add3A_1857, %masked_cumsum3A_1987 : vector<16xi32>
        tpu.vector_store_idx %arg11[%add3A_1988], %add3A_1945 masked %lt3A_1986 : memref<66048xi32, #tpu.memory_space<vmem>>[vector<16xi32>], vector<16xi32>, vector<16xi1>
        %all_reduce_population_count3A_1989 = tpu.all_reduce %lt3A_1986 {dim = 0 : i64, kind = #tpu.reduction_kind<sum>} : vector<16xi1> -> vector<16xi32>
        %add3A_1990 = arith.addi %add3A_1857, %all_reduce_population_count3A_1989 : vector<16xi32>
        %sub3A_1991 = arith.subf %get3A_1939, %gather3A_141 : vector<16xf32>
        %sub3A_1992 = arith.subf %get3A_1941, %gather3A_142 : vector<16xf32>
        %sub3A_1993 = arith.subf %get3A_1943, %gather3A_143 : vector<16xf32>
        %mul3A_1994 = arith.mulf %sub3A_1991, %sub3A_1991 : vector<16xf32>
        %mul3A_1995 = arith.mulf %sub3A_1992, %sub3A_1992 : vector<16xf32>
        %add3A_1996 = arith.addf %mul3A_1994, %mul3A_1995 : vector<16xf32>
        %mul3A_1997 = arith.mulf %sub3A_1993, %sub3A_1993 : vector<16xf32>
        %add3A_1998 = arith.addf %add3A_1996, %mul3A_1997 : vector<16xf32>
        %lt3A_1999 = arith.constant 4.000000e-02 : f32
        %lt3A_2000 = vector.broadcast %lt3A_1999 : f32 to vector<16xf32>
        %lt3A_2001 = arith.cmpf olt, %add3A_1998, %lt3A_2000 : vector<16xf32>
        %masked_cumsum3A_2002 = tpu.scan <sum>, %broadcast_in_dim3A_71 masked %lt3A_2001 : vector<16xi32>, vector<16xi1> -> vector<16xi32>
        %add3A_2003 = arith.addi %add3A_1872, %masked_cumsum3A_2002 : vector<16xi32>
        tpu.vector_store_idx %arg11[%add3A_2003], %add3A_1945 masked %lt3A_2001 : memref<66048xi32, #tpu.memory_space<vmem>>[vector<16xi32>], vector<16xi32>, vector<16xi1>
        %all_reduce_population_count3A_2004 = tpu.all_reduce %lt3A_2001 {dim = 0 : i64, kind = #tpu.reduction_kind<sum>} : vector<16xi1> -> vector<16xi32>
        %add3A_2005 = arith.addi %add3A_1872, %all_reduce_population_count3A_2004 : vector<16xi32>
        %sub3A_2006 = arith.subf %get3A_1939, %gather3A_154 : vector<16xf32>
        %sub3A_2007 = arith.subf %get3A_1941, %gather3A_155 : vector<16xf32>
        %sub3A_2008 = arith.subf %get3A_1943, %gather3A_156 : vector<16xf32>
        %mul3A_2009 = arith.mulf %sub3A_2006, %sub3A_2006 : vector<16xf32>
        %mul3A_2010 = arith.mulf %sub3A_2007, %sub3A_2007 : vector<16xf32>
        %add3A_2011 = arith.addf %mul3A_2009, %mul3A_2010 : vector<16xf32>
        %mul3A_2012 = arith.mulf %sub3A_2008, %sub3A_2008 : vector<16xf32>
        %add3A_2013 = arith.addf %add3A_2011, %mul3A_2012 : vector<16xf32>
        %lt3A_2014 = arith.constant 4.000000e-02 : f32
        %lt3A_2015 = vector.broadcast %lt3A_2014 : f32 to vector<16xf32>
        %lt3A_2016 = arith.cmpf olt, %add3A_2013, %lt3A_2015 : vector<16xf32>
        %masked_cumsum3A_2017 = tpu.scan <sum>, %broadcast_in_dim3A_71 masked %lt3A_2016 : vector<16xi32>, vector<16xi1> -> vector<16xi32>
        %add3A_2018 = arith.addi %add3A_1887, %masked_cumsum3A_2017 : vector<16xi32>
        tpu.vector_store_idx %arg11[%add3A_2018], %add3A_1945 masked %lt3A_2016 : memref<66048xi32, #tpu.memory_space<vmem>>[vector<16xi32>], vector<16xi32>, vector<16xi1>
        %all_reduce_population_count3A_2019 = tpu.all_reduce %lt3A_2016 {dim = 0 : i64, kind = #tpu.reduction_kind<sum>} : vector<16xi1> -> vector<16xi32>
        %add3A_2020 = arith.addi %add3A_1887, %all_reduce_population_count3A_2019 : vector<16xi32>
        %sub3A_2021 = arith.subf %get3A_1939, %gather3A_167 : vector<16xf32>
        %sub3A_2022 = arith.subf %get3A_1941, %gather3A_168 : vector<16xf32>
        %sub3A_2023 = arith.subf %get3A_1943, %gather3A_169 : vector<16xf32>
        %mul3A_2024 = arith.mulf %sub3A_2021, %sub3A_2021 : vector<16xf32>
        %mul3A_2025 = arith.mulf %sub3A_2022, %sub3A_2022 : vector<16xf32>
        %add3A_2026 = arith.addf %mul3A_2024, %mul3A_2025 : vector<16xf32>
        %mul3A_2027 = arith.mulf %sub3A_2023, %sub3A_2023 : vector<16xf32>
        %add3A_2028 = arith.addf %add3A_2026, %mul3A_2027 : vector<16xf32>
        %lt3A_2029 = arith.constant 4.000000e-02 : f32
        %lt3A_2030 = vector.broadcast %lt3A_2029 : f32 to vector<16xf32>
        %lt3A_2031 = arith.cmpf olt, %add3A_2028, %lt3A_2030 : vector<16xf32>
        %masked_cumsum3A_2032 = tpu.scan <sum>, %broadcast_in_dim3A_71 masked %lt3A_2031 : vector<16xi32>, vector<16xi1> -> vector<16xi32>
        %add3A_2033 = arith.addi %add3A_1902, %masked_cumsum3A_2032 : vector<16xi32>
        tpu.vector_store_idx %arg11[%add3A_2033], %add3A_1945 masked %lt3A_2031 : memref<66048xi32, #tpu.memory_space<vmem>>[vector<16xi32>], vector<16xi32>, vector<16xi1>
        %all_reduce_population_count3A_2034 = tpu.all_reduce %lt3A_2031 {dim = 0 : i64, kind = #tpu.reduction_kind<sum>} : vector<16xi1> -> vector<16xi32>
        %add3A_2035 = arith.addi %add3A_1902, %all_reduce_population_count3A_2034 : vector<16xi32>
        %sub3A_2036 = arith.subf %get3A_1939, %gather3A_180 : vector<16xf32>
        %sub3A_2037 = arith.subf %get3A_1941, %gather3A_181 : vector<16xf32>
        %sub3A_2038 = arith.subf %get3A_1943, %gather3A_182 : vector<16xf32>
        %mul3A_2039 = arith.mulf %sub3A_2036, %sub3A_2036 : vector<16xf32>
        %mul3A_2040 = arith.mulf %sub3A_2037, %sub3A_2037 : vector<16xf32>
        %add3A_2041 = arith.addf %mul3A_2039, %mul3A_2040 : vector<16xf32>
        %mul3A_2042 = arith.mulf %sub3A_2038, %sub3A_2038 : vector<16xf32>
        %add3A_2043 = arith.addf %add3A_2041, %mul3A_2042 : vector<16xf32>
        %lt3A_2044 = arith.constant 4.000000e-02 : f32
        %lt3A_2045 = vector.broadcast %lt3A_2044 : f32 to vector<16xf32>
        %lt3A_2046 = arith.cmpf olt, %add3A_2043, %lt3A_2045 : vector<16xf32>
        %masked_cumsum3A_2047 = tpu.scan <sum>, %broadcast_in_dim3A_71 masked %lt3A_2046 : vector<16xi32>, vector<16xi1> -> vector<16xi32>
        %add3A_2048 = arith.addi %add3A_1917, %masked_cumsum3A_2047 : vector<16xi32>
        tpu.vector_store_idx %arg11[%add3A_2048], %add3A_1945 masked %lt3A_2046 : memref<66048xi32, #tpu.memory_space<vmem>>[vector<16xi32>], vector<16xi32>, vector<16xi1>
        %all_reduce_population_count3A_2049 = tpu.all_reduce %lt3A_2046 {dim = 0 : i64, kind = #tpu.reduction_kind<sum>} : vector<16xi1> -> vector<16xi32>
        %add3A_2050 = arith.addi %add3A_1917, %all_reduce_population_count3A_2049 : vector<16xi32>
        %sub3A_2051 = arith.subf %get3A_1939, %gather3A_193 : vector<16xf32>
        %sub3A_2052 = arith.subf %get3A_1941, %gather3A_194 : vector<16xf32>
        %sub3A_2053 = arith.subf %get3A_1943, %gather3A_195 : vector<16xf32>
        %mul3A_2054 = arith.mulf %sub3A_2051, %sub3A_2051 : vector<16xf32>
        %mul3A_2055 = arith.mulf %sub3A_2052, %sub3A_2052 : vector<16xf32>
        %add3A_2056 = arith.addf %mul3A_2054, %mul3A_2055 : vector<16xf32>
        %mul3A_2057 = arith.mulf %sub3A_2053, %sub3A_2053 : vector<16xf32>
        %add3A_2058 = arith.addf %add3A_2056, %mul3A_2057 : vector<16xf32>
        %lt3A_2059 = arith.constant 4.000000e-02 : f32
        %lt3A_2060 = vector.broadcast %lt3A_2059 : f32 to vector<16xf32>
        %lt3A_2061 = arith.cmpf olt, %add3A_2058, %lt3A_2060 : vector<16xf32>
        %masked_cumsum3A_2062 = tpu.scan <sum>, %broadcast_in_dim3A_71 masked %lt3A_2061 : vector<16xi32>, vector<16xi1> -> vector<16xi32>
        %add3A_2063 = arith.addi %add3A_1932, %masked_cumsum3A_2062 : vector<16xi32>
        tpu.vector_store_idx %arg11[%add3A_2063], %add3A_1945 masked %lt3A_2061 : memref<66048xi32, #tpu.memory_space<vmem>>[vector<16xi32>], vector<16xi32>, vector<16xi1>
        %all_reduce_population_count3A_2064 = tpu.all_reduce %lt3A_2061 {dim = 0 : i64, kind = #tpu.reduction_kind<sum>} : vector<16xi1> -> vector<16xi32>
        %add3A_2065 = arith.addi %add3A_1932, %all_reduce_population_count3A_2064 : vector<16xi32>
        %add3A_2066 = arith.constant 9 : i32
        %add3A_2067 = arith.addi %while3A_862, %add3A_2066 : i32
        %mul3A_2068 = arith.constant 16 : i32
        %mul3A_2069 = arith.muli %add3A_2067, %mul3A_2068 : i32
        %multiple_of3A_2070 = tpu.assume_multiple %mul3A_2069, 16 : i32
        %get3A_2071 = arith.index_cast %multiple_of3A_2070 : i32 to index
        %get3A_2072 = tpu.vector_load %arg5[%get3A_2071] {strides = array<i32>} : memref<8192xf32, #tpu.memory_space<vmem>>, vector<16xf32>,
        %get3A_2073 = arith.index_cast %multiple_of3A_2070 : i32 to index
        %get3A_2074 = tpu.vector_load %arg6[%get3A_2073] {strides = array<i32>} : memref<8192xf32, #tpu.memory_space<vmem>>, vector<16xf32>,
        %get3A_2075 = arith.index_cast %multiple_of3A_2070 : i32 to index
        %get3A_2076 = tpu.vector_load %arg7[%get3A_2075] {strides = array<i32>} : memref<8192xf32, #tpu.memory_space<vmem>>, vector<16xf32>,
        %add3A_2077 = vector.broadcast %multiple_of3A_2070 : i32 to vector<16xi32>
        %add3A_2078 = arith.addi %add3A_2077, %iota3A : vector<16xi32>
        %sub3A_2079 = arith.subf %get3A_2072, %gather3A : vector<16xf32>
        %sub3A_2080 = arith.subf %get3A_2074, %gather3A_104 : vector<16xf32>
        %sub3A_2081 = arith.subf %get3A_2076, %gather3A_105 : vector<16xf32>
        %mul3A_2082 = arith.mulf %sub3A_2079, %sub3A_2079 : vector<16xf32>
        %mul3A_2083 = arith.mulf %sub3A_2080, %sub3A_2080 : vector<16xf32>
        %add3A_2084 = arith.addf %mul3A_2082, %mul3A_2083 : vector<16xf32>
        %mul3A_2085 = arith.mulf %sub3A_2081, %sub3A_2081 : vector<16xf32>
        %add3A_2086 = arith.addf %add3A_2084, %mul3A_2085 : vector<16xf32>
        %lt3A_2087 = arith.constant 4.000000e-02 : f32
        %lt3A_2088 = vector.broadcast %lt3A_2087 : f32 to vector<16xf32>
        %lt3A_2089 = arith.cmpf olt, %add3A_2086, %lt3A_2088 : vector<16xf32>
        %masked_cumsum3A_2090 = tpu.scan <sum>, %broadcast_in_dim3A_71 masked %lt3A_2089 : vector<16xi32>, vector<16xi1> -> vector<16xi32>
        %add3A_2091 = arith.addi %add3A_1960, %masked_cumsum3A_2090 : vector<16xi32>
        tpu.vector_store_idx %arg11[%add3A_2091], %add3A_2078 masked %lt3A_2089 : memref<66048xi32, #tpu.memory_space<vmem>>[vector<16xi32>], vector<16xi32>, vector<16xi1>
        %all_reduce_population_count3A_2092 = tpu.all_reduce %lt3A_2089 {dim = 0 : i64, kind = #tpu.reduction_kind<sum>} : vector<16xi1> -> vector<16xi32>
        %add3A_2093 = arith.addi %add3A_1960, %all_reduce_population_count3A_2092 : vector<16xi32>
        %sub3A_2094 = arith.subf %get3A_2072, %gather3A_115 : vector<16xf32>
        %sub3A_2095 = arith.subf %get3A_2074, %gather3A_116 : vector<16xf32>
        %sub3A_2096 = arith.subf %get3A_2076, %gather3A_117 : vector<16xf32>
        %mul3A_2097 = arith.mulf %sub3A_2094, %sub3A_2094 : vector<16xf32>
        %mul3A_2098 = arith.mulf %sub3A_2095, %sub3A_2095 : vector<16xf32>
        %add3A_2099 = arith.addf %mul3A_2097, %mul3A_2098 : vector<16xf32>
        %mul3A_2100 = arith.mulf %sub3A_2096, %sub3A_2096 : vector<16xf32>
        %add3A_2101 = arith.addf %add3A_2099, %mul3A_2100 : vector<16xf32>
        %lt3A_2102 = arith.constant 4.000000e-02 : f32
        %lt3A_2103 = vector.broadcast %lt3A_2102 : f32 to vector<16xf32>
        %lt3A_2104 = arith.cmpf olt, %add3A_2101, %lt3A_2103 : vector<16xf32>
        %masked_cumsum3A_2105 = tpu.scan <sum>, %broadcast_in_dim3A_71 masked %lt3A_2104 : vector<16xi32>, vector<16xi1> -> vector<16xi32>
        %add3A_2106 = arith.addi %add3A_1975, %masked_cumsum3A_2105 : vector<16xi32>
        tpu.vector_store_idx %arg11[%add3A_2106], %add3A_2078 masked %lt3A_2104 : memref<66048xi32, #tpu.memory_space<vmem>>[vector<16xi32>], vector<16xi32>, vector<16xi1>
        %all_reduce_population_count3A_2107 = tpu.all_reduce %lt3A_2104 {dim = 0 : i64, kind = #tpu.reduction_kind<sum>} : vector<16xi1> -> vector<16xi32>
        %add3A_2108 = arith.addi %add3A_1975, %all_reduce_population_count3A_2107 : vector<16xi32>
        %sub3A_2109 = arith.subf %get3A_2072, %gather3A_128 : vector<16xf32>
        %sub3A_2110 = arith.subf %get3A_2074, %gather3A_129 : vector<16xf32>
        %sub3A_2111 = arith.subf %get3A_2076, %gather3A_130 : vector<16xf32>
        %mul3A_2112 = arith.mulf %sub3A_2109, %sub3A_2109 : vector<16xf32>
        %mul3A_2113 = arith.mulf %sub3A_2110, %sub3A_2110 : vector<16xf32>
        %add3A_2114 = arith.addf %mul3A_2112, %mul3A_2113 : vector<16xf32>
        %mul3A_2115 = arith.mulf %sub3A_2111, %sub3A_2111 : vector<16xf32>
        %add3A_2116 = arith.addf %add3A_2114, %mul3A_2115 : vector<16xf32>
        %lt3A_2117 = arith.constant 4.000000e-02 : f32
        %lt3A_2118 = vector.broadcast %lt3A_2117 : f32 to vector<16xf32>
        %lt3A_2119 = arith.cmpf olt, %add3A_2116, %lt3A_2118 : vector<16xf32>
        %masked_cumsum3A_2120 = tpu.scan <sum>, %broadcast_in_dim3A_71 masked %lt3A_2119 : vector<16xi32>, vector<16xi1> -> vector<16xi32>
        %add3A_2121 = arith.addi %add3A_1990, %masked_cumsum3A_2120 : vector<16xi32>
        tpu.vector_store_idx %arg11[%add3A_2121], %add3A_2078 masked %lt3A_2119 : memref<66048xi32, #tpu.memory_space<vmem>>[vector<16xi32>], vector<16xi32>, vector<16xi1>
        %all_reduce_population_count3A_2122 = tpu.all_reduce %lt3A_2119 {dim = 0 : i64, kind = #tpu.reduction_kind<sum>} : vector<16xi1> -> vector<16xi32>
        %add3A_2123 = arith.addi %add3A_1990, %all_reduce_population_count3A_2122 : vector<16xi32>
        %sub3A_2124 = arith.subf %get3A_2072, %gather3A_141 : vector<16xf32>
        %sub3A_2125 = arith.subf %get3A_2074, %gather3A_142 : vector<16xf32>
        %sub3A_2126 = arith.subf %get3A_2076, %gather3A_143 : vector<16xf32>
        %mul3A_2127 = arith.mulf %sub3A_2124, %sub3A_2124 : vector<16xf32>
        %mul3A_2128 = arith.mulf %sub3A_2125, %sub3A_2125 : vector<16xf32>
        %add3A_2129 = arith.addf %mul3A_2127, %mul3A_2128 : vector<16xf32>
        %mul3A_2130 = arith.mulf %sub3A_2126, %sub3A_2126 : vector<16xf32>
        %add3A_2131 = arith.addf %add3A_2129, %mul3A_2130 : vector<16xf32>
        %lt3A_2132 = arith.constant 4.000000e-02 : f32
        %lt3A_2133 = vector.broadcast %lt3A_2132 : f32 to vector<16xf32>
        %lt3A_2134 = arith.cmpf olt, %add3A_2131, %lt3A_2133 : vector<16xf32>
        %masked_cumsum3A_2135 = tpu.scan <sum>, %broadcast_in_dim3A_71 masked %lt3A_2134 : vector<16xi32>, vector<16xi1> -> vector<16xi32>
        %add3A_2136 = arith.addi %add3A_2005, %masked_cumsum3A_2135 : vector<16xi32>
        tpu.vector_store_idx %arg11[%add3A_2136], %add3A_2078 masked %lt3A_2134 : memref<66048xi32, #tpu.memory_space<vmem>>[vector<16xi32>], vector<16xi32>, vector<16xi1>
        %all_reduce_population_count3A_2137 = tpu.all_reduce %lt3A_2134 {dim = 0 : i64, kind = #tpu.reduction_kind<sum>} : vector<16xi1> -> vector<16xi32>
        %add3A_2138 = arith.addi %add3A_2005, %all_reduce_population_count3A_2137 : vector<16xi32>
        %sub3A_2139 = arith.subf %get3A_2072, %gather3A_154 : vector<16xf32>
        %sub3A_2140 = arith.subf %get3A_2074, %gather3A_155 : vector<16xf32>
        %sub3A_2141 = arith.subf %get3A_2076, %gather3A_156 : vector<16xf32>
        %mul3A_2142 = arith.mulf %sub3A_2139, %sub3A_2139 : vector<16xf32>
        %mul3A_2143 = arith.mulf %sub3A_2140, %sub3A_2140 : vector<16xf32>
        %add3A_2144 = arith.addf %mul3A_2142, %mul3A_2143 : vector<16xf32>
        %mul3A_2145 = arith.mulf %sub3A_2141, %sub3A_2141 : vector<16xf32>
        %add3A_2146 = arith.addf %add3A_2144, %mul3A_2145 : vector<16xf32>
        %lt3A_2147 = arith.constant 4.000000e-02 : f32
        %lt3A_2148 = vector.broadcast %lt3A_2147 : f32 to vector<16xf32>
        %lt3A_2149 = arith.cmpf olt, %add3A_2146, %lt3A_2148 : vector<16xf32>
        %masked_cumsum3A_2150 = tpu.scan <sum>, %broadcast_in_dim3A_71 masked %lt3A_2149 : vector<16xi32>, vector<16xi1> -> vector<16xi32>
        %add3A_2151 = arith.addi %add3A_2020, %masked_cumsum3A_2150 : vector<16xi32>
        tpu.vector_store_idx %arg11[%add3A_2151], %add3A_2078 masked %lt3A_2149 : memref<66048xi32, #tpu.memory_space<vmem>>[vector<16xi32>], vector<16xi32>, vector<16xi1>
        %all_reduce_population_count3A_2152 = tpu.all_reduce %lt3A_2149 {dim = 0 : i64, kind = #tpu.reduction_kind<sum>} : vector<16xi1> -> vector<16xi32>
        %add3A_2153 = arith.addi %add3A_2020, %all_reduce_population_count3A_2152 : vector<16xi32>
        %sub3A_2154 = arith.subf %get3A_2072, %gather3A_167 : vector<16xf32>
        %sub3A_2155 = arith.subf %get3A_2074, %gather3A_168 : vector<16xf32>
        %sub3A_2156 = arith.subf %get3A_2076, %gather3A_169 : vector<16xf32>
        %mul3A_2157 = arith.mulf %sub3A_2154, %sub3A_2154 : vector<16xf32>
        %mul3A_2158 = arith.mulf %sub3A_2155, %sub3A_2155 : vector<16xf32>
        %add3A_2159 = arith.addf %mul3A_2157, %mul3A_2158 : vector<16xf32>
        %mul3A_2160 = arith.mulf %sub3A_2156, %sub3A_2156 : vector<16xf32>
        %add3A_2161 = arith.addf %add3A_2159, %mul3A_2160 : vector<16xf32>
        %lt3A_2162 = arith.constant 4.000000e-02 : f32
        %lt3A_2163 = vector.broadcast %lt3A_2162 : f32 to vector<16xf32>
        %lt3A_2164 = arith.cmpf olt, %add3A_2161, %lt3A_2163 : vector<16xf32>
        %masked_cumsum3A_2165 = tpu.scan <sum>, %broadcast_in_dim3A_71 masked %lt3A_2164 : vector<16xi32>, vector<16xi1> -> vector<16xi32>
        %add3A_2166 = arith.addi %add3A_2035, %masked_cumsum3A_2165 : vector<16xi32>
        tpu.vector_store_idx %arg11[%add3A_2166], %add3A_2078 masked %lt3A_2164 : memref<66048xi32, #tpu.memory_space<vmem>>[vector<16xi32>], vector<16xi32>, vector<16xi1>
        %all_reduce_population_count3A_2167 = tpu.all_reduce %lt3A_2164 {dim = 0 : i64, kind = #tpu.reduction_kind<sum>} : vector<16xi1> -> vector<16xi32>
        %add3A_2168 = arith.addi %add3A_2035, %all_reduce_population_count3A_2167 : vector<16xi32>
        %sub3A_2169 = arith.subf %get3A_2072, %gather3A_180 : vector<16xf32>
        %sub3A_2170 = arith.subf %get3A_2074, %gather3A_181 : vector<16xf32>
        %sub3A_2171 = arith.subf %get3A_2076, %gather3A_182 : vector<16xf32>
        %mul3A_2172 = arith.mulf %sub3A_2169, %sub3A_2169 : vector<16xf32>
        %mul3A_2173 = arith.mulf %sub3A_2170, %sub3A_2170 : vector<16xf32>
        %add3A_2174 = arith.addf %mul3A_2172, %mul3A_2173 : vector<16xf32>
        %mul3A_2175 = arith.mulf %sub3A_2171, %sub3A_2171 : vector<16xf32>
        %add3A_2176 = arith.addf %add3A_2174, %mul3A_2175 : vector<16xf32>
        %lt3A_2177 = arith.constant 4.000000e-02 : f32
        %lt3A_2178 = vector.broadcast %lt3A_2177 : f32 to vector<16xf32>
        %lt3A_2179 = arith.cmpf olt, %add3A_2176, %lt3A_2178 : vector<16xf32>
        %masked_cumsum3A_2180 = tpu.scan <sum>, %broadcast_in_dim3A_71 masked %lt3A_2179 : vector<16xi32>, vector<16xi1> -> vector<16xi32>
        %add3A_2181 = arith.addi %add3A_2050, %masked_cumsum3A_2180 : vector<16xi32>
        tpu.vector_store_idx %arg11[%add3A_2181], %add3A_2078 masked %lt3A_2179 : memref<66048xi32, #tpu.memory_space<vmem>>[vector<16xi32>], vector<16xi32>, vector<16xi1>
        %all_reduce_population_count3A_2182 = tpu.all_reduce %lt3A_2179 {dim = 0 : i64, kind = #tpu.reduction_kind<sum>} : vector<16xi1> -> vector<16xi32>
        %add3A_2183 = arith.addi %add3A_2050, %all_reduce_population_count3A_2182 : vector<16xi32>
        %sub3A_2184 = arith.subf %get3A_2072, %gather3A_193 : vector<16xf32>
        %sub3A_2185 = arith.subf %get3A_2074, %gather3A_194 : vector<16xf32>
        %sub3A_2186 = arith.subf %get3A_2076, %gather3A_195 : vector<16xf32>
        %mul3A_2187 = arith.mulf %sub3A_2184, %sub3A_2184 : vector<16xf32>
        %mul3A_2188 = arith.mulf %sub3A_2185, %sub3A_2185 : vector<16xf32>
        %add3A_2189 = arith.addf %mul3A_2187, %mul3A_2188 : vector<16xf32>
        %mul3A_2190 = arith.mulf %sub3A_2186, %sub3A_2186 : vector<16xf32>
        %add3A_2191 = arith.addf %add3A_2189, %mul3A_2190 : vector<16xf32>
        %lt3A_2192 = arith.constant 4.000000e-02 : f32
        %lt3A_2193 = vector.broadcast %lt3A_2192 : f32 to vector<16xf32>
        %lt3A_2194 = arith.cmpf olt, %add3A_2191, %lt3A_2193 : vector<16xf32>
        %masked_cumsum3A_2195 = tpu.scan <sum>, %broadcast_in_dim3A_71 masked %lt3A_2194 : vector<16xi32>, vector<16xi1> -> vector<16xi32>
        %add3A_2196 = arith.addi %add3A_2065, %masked_cumsum3A_2195 : vector<16xi32>
        tpu.vector_store_idx %arg11[%add3A_2196], %add3A_2078 masked %lt3A_2194 : memref<66048xi32, #tpu.memory_space<vmem>>[vector<16xi32>], vector<16xi32>, vector<16xi1>
        %all_reduce_population_count3A_2197 = tpu.all_reduce %lt3A_2194 {dim = 0 : i64, kind = #tpu.reduction_kind<sum>} : vector<16xi1> -> vector<16xi32>
        %add3A_2198 = arith.addi %add3A_2065, %all_reduce_population_count3A_2197 : vector<16xi32>
        %add3A_2199 = arith.constant 10 : i32
        %add3A_2200 = arith.addi %while3A_862, %add3A_2199 : i32
        %mul3A_2201 = arith.constant 16 : i32
        %mul3A_2202 = arith.muli %add3A_2200, %mul3A_2201 : i32
        %multiple_of3A_2203 = tpu.assume_multiple %mul3A_2202, 16 : i32
        %get3A_2204 = arith.index_cast %multiple_of3A_2203 : i32 to index
        %get3A_2205 = tpu.vector_load %arg5[%get3A_2204] {strides = array<i32>} : memref<8192xf32, #tpu.memory_space<vmem>>, vector<16xf32>,
        %get3A_2206 = arith.index_cast %multiple_of3A_2203 : i32 to index
        %get3A_2207 = tpu.vector_load %arg6[%get3A_2206] {strides = array<i32>} : memref<8192xf32, #tpu.memory_space<vmem>>, vector<16xf32>,
        %get3A_2208 = arith.index_cast %multiple_of3A_2203 : i32 to index
        %get3A_2209 = tpu.vector_load %arg7[%get3A_2208] {strides = array<i32>} : memref<8192xf32, #tpu.memory_space<vmem>>, vector<16xf32>,
        %add3A_2210 = vector.broadcast %multiple_of3A_2203 : i32 to vector<16xi32>
        %add3A_2211 = arith.addi %add3A_2210, %iota3A : vector<16xi32>
        %sub3A_2212 = arith.subf %get3A_2205, %gather3A : vector<16xf32>
        %sub3A_2213 = arith.subf %get3A_2207, %gather3A_104 : vector<16xf32>
        %sub3A_2214 = arith.subf %get3A_2209, %gather3A_105 : vector<16xf32>
        %mul3A_2215 = arith.mulf %sub3A_2212, %sub3A_2212 : vector<16xf32>
        %mul3A_2216 = arith.mulf %sub3A_2213, %sub3A_2213 : vector<16xf32>
        %add3A_2217 = arith.addf %mul3A_2215, %mul3A_2216 : vector<16xf32>
        %mul3A_2218 = arith.mulf %sub3A_2214, %sub3A_2214 : vector<16xf32>
        %add3A_2219 = arith.addf %add3A_2217, %mul3A_2218 : vector<16xf32>
        %lt3A_2220 = arith.constant 4.000000e-02 : f32
        %lt3A_2221 = vector.broadcast %lt3A_2220 : f32 to vector<16xf32>
        %lt3A_2222 = arith.cmpf olt, %add3A_2219, %lt3A_2221 : vector<16xf32>
        %masked_cumsum3A_2223 = tpu.scan <sum>, %broadcast_in_dim3A_71 masked %lt3A_2222 : vector<16xi32>, vector<16xi1> -> vector<16xi32>
        %add3A_2224 = arith.addi %add3A_2093, %masked_cumsum3A_2223 : vector<16xi32>
        tpu.vector_store_idx %arg11[%add3A_2224], %add3A_2211 masked %lt3A_2222 : memref<66048xi32, #tpu.memory_space<vmem>>[vector<16xi32>], vector<16xi32>, vector<16xi1>
        %all_reduce_population_count3A_2225 = tpu.all_reduce %lt3A_2222 {dim = 0 : i64, kind = #tpu.reduction_kind<sum>} : vector<16xi1> -> vector<16xi32>
        %add3A_2226 = arith.addi %add3A_2093, %all_reduce_population_count3A_2225 : vector<16xi32>
        %sub3A_2227 = arith.subf %get3A_2205, %gather3A_115 : vector<16xf32>
        %sub3A_2228 = arith.subf %get3A_2207, %gather3A_116 : vector<16xf32>
        %sub3A_2229 = arith.subf %get3A_2209, %gather3A_117 : vector<16xf32>
        %mul3A_2230 = arith.mulf %sub3A_2227, %sub3A_2227 : vector<16xf32>
        %mul3A_2231 = arith.mulf %sub3A_2228, %sub3A_2228 : vector<16xf32>
        %add3A_2232 = arith.addf %mul3A_2230, %mul3A_2231 : vector<16xf32>
        %mul3A_2233 = arith.mulf %sub3A_2229, %sub3A_2229 : vector<16xf32>
        %add3A_2234 = arith.addf %add3A_2232, %mul3A_2233 : vector<16xf32>
        %lt3A_2235 = arith.constant 4.000000e-02 : f32
        %lt3A_2236 = vector.broadcast %lt3A_2235 : f32 to vector<16xf32>
        %lt3A_2237 = arith.cmpf olt, %add3A_2234, %lt3A_2236 : vector<16xf32>
        %masked_cumsum3A_2238 = tpu.scan <sum>, %broadcast_in_dim3A_71 masked %lt3A_2237 : vector<16xi32>, vector<16xi1> -> vector<16xi32>
        %add3A_2239 = arith.addi %add3A_2108, %masked_cumsum3A_2238 : vector<16xi32>
        tpu.vector_store_idx %arg11[%add3A_2239], %add3A_2211 masked %lt3A_2237 : memref<66048xi32, #tpu.memory_space<vmem>>[vector<16xi32>], vector<16xi32>, vector<16xi1>
        %all_reduce_population_count3A_2240 = tpu.all_reduce %lt3A_2237 {dim = 0 : i64, kind = #tpu.reduction_kind<sum>} : vector<16xi1> -> vector<16xi32>
        %add3A_2241 = arith.addi %add3A_2108, %all_reduce_population_count3A_2240 : vector<16xi32>
        %sub3A_2242 = arith.subf %get3A_2205, %gather3A_128 : vector<16xf32>
        %sub3A_2243 = arith.subf %get3A_2207, %gather3A_129 : vector<16xf32>
        %sub3A_2244 = arith.subf %get3A_2209, %gather3A_130 : vector<16xf32>
        %mul3A_2245 = arith.mulf %sub3A_2242, %sub3A_2242 : vector<16xf32>
        %mul3A_2246 = arith.mulf %sub3A_2243, %sub3A_2243 : vector<16xf32>
        %add3A_2247 = arith.addf %mul3A_2245, %mul3A_2246 : vector<16xf32>
        %mul3A_2248 = arith.mulf %sub3A_2244, %sub3A_2244 : vector<16xf32>
        %add3A_2249 = arith.addf %add3A_2247, %mul3A_2248 : vector<16xf32>
        %lt3A_2250 = arith.constant 4.000000e-02 : f32
        %lt3A_2251 = vector.broadcast %lt3A_2250 : f32 to vector<16xf32>
        %lt3A_2252 = arith.cmpf olt, %add3A_2249, %lt3A_2251 : vector<16xf32>
        %masked_cumsum3A_2253 = tpu.scan <sum>, %broadcast_in_dim3A_71 masked %lt3A_2252 : vector<16xi32>, vector<16xi1> -> vector<16xi32>
        %add3A_2254 = arith.addi %add3A_2123, %masked_cumsum3A_2253 : vector<16xi32>
        tpu.vector_store_idx %arg11[%add3A_2254], %add3A_2211 masked %lt3A_2252 : memref<66048xi32, #tpu.memory_space<vmem>>[vector<16xi32>], vector<16xi32>, vector<16xi1>
        %all_reduce_population_count3A_2255 = tpu.all_reduce %lt3A_2252 {dim = 0 : i64, kind = #tpu.reduction_kind<sum>} : vector<16xi1> -> vector<16xi32>
        %add3A_2256 = arith.addi %add3A_2123, %all_reduce_population_count3A_2255 : vector<16xi32>
        %sub3A_2257 = arith.subf %get3A_2205, %gather3A_141 : vector<16xf32>
        %sub3A_2258 = arith.subf %get3A_2207, %gather3A_142 : vector<16xf32>
        %sub3A_2259 = arith.subf %get3A_2209, %gather3A_143 : vector<16xf32>
        %mul3A_2260 = arith.mulf %sub3A_2257, %sub3A_2257 : vector<16xf32>
        %mul3A_2261 = arith.mulf %sub3A_2258, %sub3A_2258 : vector<16xf32>
        %add3A_2262 = arith.addf %mul3A_2260, %mul3A_2261 : vector<16xf32>
        %mul3A_2263 = arith.mulf %sub3A_2259, %sub3A_2259 : vector<16xf32>
        %add3A_2264 = arith.addf %add3A_2262, %mul3A_2263 : vector<16xf32>
        %lt3A_2265 = arith.constant 4.000000e-02 : f32
        %lt3A_2266 = vector.broadcast %lt3A_2265 : f32 to vector<16xf32>
        %lt3A_2267 = arith.cmpf olt, %add3A_2264, %lt3A_2266 : vector<16xf32>
        %masked_cumsum3A_2268 = tpu.scan <sum>, %broadcast_in_dim3A_71 masked %lt3A_2267 : vector<16xi32>, vector<16xi1> -> vector<16xi32>
        %add3A_2269 = arith.addi %add3A_2138, %masked_cumsum3A_2268 : vector<16xi32>
        tpu.vector_store_idx %arg11[%add3A_2269], %add3A_2211 masked %lt3A_2267 : memref<66048xi32, #tpu.memory_space<vmem>>[vector<16xi32>], vector<16xi32>, vector<16xi1>
        %all_reduce_population_count3A_2270 = tpu.all_reduce %lt3A_2267 {dim = 0 : i64, kind = #tpu.reduction_kind<sum>} : vector<16xi1> -> vector<16xi32>
        %add3A_2271 = arith.addi %add3A_2138, %all_reduce_population_count3A_2270 : vector<16xi32>
        %sub3A_2272 = arith.subf %get3A_2205, %gather3A_154 : vector<16xf32>
        %sub3A_2273 = arith.subf %get3A_2207, %gather3A_155 : vector<16xf32>
        %sub3A_2274 = arith.subf %get3A_2209, %gather3A_156 : vector<16xf32>
        %mul3A_2275 = arith.mulf %sub3A_2272, %sub3A_2272 : vector<16xf32>
        %mul3A_2276 = arith.mulf %sub3A_2273, %sub3A_2273 : vector<16xf32>
        %add3A_2277 = arith.addf %mul3A_2275, %mul3A_2276 : vector<16xf32>
        %mul3A_2278 = arith.mulf %sub3A_2274, %sub3A_2274 : vector<16xf32>
        %add3A_2279 = arith.addf %add3A_2277, %mul3A_2278 : vector<16xf32>
        %lt3A_2280 = arith.constant 4.000000e-02 : f32
        %lt3A_2281 = vector.broadcast %lt3A_2280 : f32 to vector<16xf32>
        %lt3A_2282 = arith.cmpf olt, %add3A_2279, %lt3A_2281 : vector<16xf32>
        %masked_cumsum3A_2283 = tpu.scan <sum>, %broadcast_in_dim3A_71 masked %lt3A_2282 : vector<16xi32>, vector<16xi1> -> vector<16xi32>
        %add3A_2284 = arith.addi %add3A_2153, %masked_cumsum3A_2283 : vector<16xi32>
        tpu.vector_store_idx %arg11[%add3A_2284], %add3A_2211 masked %lt3A_2282 : memref<66048xi32, #tpu.memory_space<vmem>>[vector<16xi32>], vector<16xi32>, vector<16xi1>
        %all_reduce_population_count3A_2285 = tpu.all_reduce %lt3A_2282 {dim = 0 : i64, kind = #tpu.reduction_kind<sum>} : vector<16xi1> -> vector<16xi32>
        %add3A_2286 = arith.addi %add3A_2153, %all_reduce_population_count3A_2285 : vector<16xi32>
        %sub3A_2287 = arith.subf %get3A_2205, %gather3A_167 : vector<16xf32>
        %sub3A_2288 = arith.subf %get3A_2207, %gather3A_168 : vector<16xf32>
        %sub3A_2289 = arith.subf %get3A_2209, %gather3A_169 : vector<16xf32>
        %mul3A_2290 = arith.mulf %sub3A_2287, %sub3A_2287 : vector<16xf32>
        %mul3A_2291 = arith.mulf %sub3A_2288, %sub3A_2288 : vector<16xf32>
        %add3A_2292 = arith.addf %mul3A_2290, %mul3A_2291 : vector<16xf32>
        %mul3A_2293 = arith.mulf %sub3A_2289, %sub3A_2289 : vector<16xf32>
        %add3A_2294 = arith.addf %add3A_2292, %mul3A_2293 : vector<16xf32>
        %lt3A_2295 = arith.constant 4.000000e-02 : f32
        %lt3A_2296 = vector.broadcast %lt3A_2295 : f32 to vector<16xf32>
        %lt3A_2297 = arith.cmpf olt, %add3A_2294, %lt3A_2296 : vector<16xf32>
        %masked_cumsum3A_2298 = tpu.scan <sum>, %broadcast_in_dim3A_71 masked %lt3A_2297 : vector<16xi32>, vector<16xi1> -> vector<16xi32>
        %add3A_2299 = arith.addi %add3A_2168, %masked_cumsum3A_2298 : vector<16xi32>
        tpu.vector_store_idx %arg11[%add3A_2299], %add3A_2211 masked %lt3A_2297 : memref<66048xi32, #tpu.memory_space<vmem>>[vector<16xi32>], vector<16xi32>, vector<16xi1>
        %all_reduce_population_count3A_2300 = tpu.all_reduce %lt3A_2297 {dim = 0 : i64, kind = #tpu.reduction_kind<sum>} : vector<16xi1> -> vector<16xi32>
        %add3A_2301 = arith.addi %add3A_2168, %all_reduce_population_count3A_2300 : vector<16xi32>
        %sub3A_2302 = arith.subf %get3A_2205, %gather3A_180 : vector<16xf32>
        %sub3A_2303 = arith.subf %get3A_2207, %gather3A_181 : vector<16xf32>
        %sub3A_2304 = arith.subf %get3A_2209, %gather3A_182 : vector<16xf32>
        %mul3A_2305 = arith.mulf %sub3A_2302, %sub3A_2302 : vector<16xf32>
        %mul3A_2306 = arith.mulf %sub3A_2303, %sub3A_2303 : vector<16xf32>
        %add3A_2307 = arith.addf %mul3A_2305, %mul3A_2306 : vector<16xf32>
        %mul3A_2308 = arith.mulf %sub3A_2304, %sub3A_2304 : vector<16xf32>
        %add3A_2309 = arith.addf %add3A_2307, %mul3A_2308 : vector<16xf32>
        %lt3A_2310 = arith.constant 4.000000e-02 : f32
        %lt3A_2311 = vector.broadcast %lt3A_2310 : f32 to vector<16xf32>
        %lt3A_2312 = arith.cmpf olt, %add3A_2309, %lt3A_2311 : vector<16xf32>
        %masked_cumsum3A_2313 = tpu.scan <sum>, %broadcast_in_dim3A_71 masked %lt3A_2312 : vector<16xi32>, vector<16xi1> -> vector<16xi32>
        %add3A_2314 = arith.addi %add3A_2183, %masked_cumsum3A_2313 : vector<16xi32>
        tpu.vector_store_idx %arg11[%add3A_2314], %add3A_2211 masked %lt3A_2312 : memref<66048xi32, #tpu.memory_space<vmem>>[vector<16xi32>], vector<16xi32>, vector<16xi1>
        %all_reduce_population_count3A_2315 = tpu.all_reduce %lt3A_2312 {dim = 0 : i64, kind = #tpu.reduction_kind<sum>} : vector<16xi1> -> vector<16xi32>
        %add3A_2316 = arith.addi %add3A_2183, %all_reduce_population_count3A_2315 : vector<16xi32>
        %sub3A_2317 = arith.subf %get3A_2205, %gather3A_193 : vector<16xf32>
        %sub3A_2318 = arith.subf %get3A_2207, %gather3A_194 : vector<16xf32>
        %sub3A_2319 = arith.subf %get3A_2209, %gather3A_195 : vector<16xf32>
        %mul3A_2320 = arith.mulf %sub3A_2317, %sub3A_2317 : vector<16xf32>
        %mul3A_2321 = arith.mulf %sub3A_2318, %sub3A_2318 : vector<16xf32>
        %add3A_2322 = arith.addf %mul3A_2320, %mul3A_2321 : vector<16xf32>
        %mul3A_2323 = arith.mulf %sub3A_2319, %sub3A_2319 : vector<16xf32>
        %add3A_2324 = arith.addf %add3A_2322, %mul3A_2323 : vector<16xf32>
        %lt3A_2325 = arith.constant 4.000000e-02 : f32
        %lt3A_2326 = vector.broadcast %lt3A_2325 : f32 to vector<16xf32>
        %lt3A_2327 = arith.cmpf olt, %add3A_2324, %lt3A_2326 : vector<16xf32>
        %masked_cumsum3A_2328 = tpu.scan <sum>, %broadcast_in_dim3A_71 masked %lt3A_2327 : vector<16xi32>, vector<16xi1> -> vector<16xi32>
        %add3A_2329 = arith.addi %add3A_2198, %masked_cumsum3A_2328 : vector<16xi32>
        tpu.vector_store_idx %arg11[%add3A_2329], %add3A_2211 masked %lt3A_2327 : memref<66048xi32, #tpu.memory_space<vmem>>[vector<16xi32>], vector<16xi32>, vector<16xi1>
        %all_reduce_population_count3A_2330 = tpu.all_reduce %lt3A_2327 {dim = 0 : i64, kind = #tpu.reduction_kind<sum>} : vector<16xi1> -> vector<16xi32>
        %add3A_2331 = arith.addi %add3A_2198, %all_reduce_population_count3A_2330 : vector<16xi32>
        %add3A_2332 = arith.constant 11 : i32
        %add3A_2333 = arith.addi %while3A_862, %add3A_2332 : i32
        %mul3A_2334 = arith.constant 16 : i32
        %mul3A_2335 = arith.muli %add3A_2333, %mul3A_2334 : i32
        %multiple_of3A_2336 = tpu.assume_multiple %mul3A_2335, 16 : i32
        %get3A_2337 = arith.index_cast %multiple_of3A_2336 : i32 to index
        %get3A_2338 = tpu.vector_load %arg5[%get3A_2337] {strides = array<i32>} : memref<8192xf32, #tpu.memory_space<vmem>>, vector<16xf32>,
        %get3A_2339 = arith.index_cast %multiple_of3A_2336 : i32 to index
        %get3A_2340 = tpu.vector_load %arg6[%get3A_2339] {strides = array<i32>} : memref<8192xf32, #tpu.memory_space<vmem>>, vector<16xf32>,
        %get3A_2341 = arith.index_cast %multiple_of3A_2336 : i32 to index
        %get3A_2342 = tpu.vector_load %arg7[%get3A_2341] {strides = array<i32>} : memref<8192xf32, #tpu.memory_space<vmem>>, vector<16xf32>,
        %add3A_2343 = vector.broadcast %multiple_of3A_2336 : i32 to vector<16xi32>
        %add3A_2344 = arith.addi %add3A_2343, %iota3A : vector<16xi32>
        %sub3A_2345 = arith.subf %get3A_2338, %gather3A : vector<16xf32>
        %sub3A_2346 = arith.subf %get3A_2340, %gather3A_104 : vector<16xf32>
        %sub3A_2347 = arith.subf %get3A_2342, %gather3A_105 : vector<16xf32>
        %mul3A_2348 = arith.mulf %sub3A_2345, %sub3A_2345 : vector<16xf32>
        %mul3A_2349 = arith.mulf %sub3A_2346, %sub3A_2346 : vector<16xf32>
        %add3A_2350 = arith.addf %mul3A_2348, %mul3A_2349 : vector<16xf32>
        %mul3A_2351 = arith.mulf %sub3A_2347, %sub3A_2347 : vector<16xf32>
        %add3A_2352 = arith.addf %add3A_2350, %mul3A_2351 : vector<16xf32>
        %lt3A_2353 = arith.constant 4.000000e-02 : f32
        %lt3A_2354 = vector.broadcast %lt3A_2353 : f32 to vector<16xf32>
        %lt3A_2355 = arith.cmpf olt, %add3A_2352, %lt3A_2354 : vector<16xf32>
        %masked_cumsum3A_2356 = tpu.scan <sum>, %broadcast_in_dim3A_71 masked %lt3A_2355 : vector<16xi32>, vector<16xi1> -> vector<16xi32>
        %add3A_2357 = arith.addi %add3A_2226, %masked_cumsum3A_2356 : vector<16xi32>
        tpu.vector_store_idx %arg11[%add3A_2357], %add3A_2344 masked %lt3A_2355 : memref<66048xi32, #tpu.memory_space<vmem>>[vector<16xi32>], vector<16xi32>, vector<16xi1>
        %all_reduce_population_count3A_2358 = tpu.all_reduce %lt3A_2355 {dim = 0 : i64, kind = #tpu.reduction_kind<sum>} : vector<16xi1> -> vector<16xi32>
        %add3A_2359 = arith.addi %add3A_2226, %all_reduce_population_count3A_2358 : vector<16xi32>
        %sub3A_2360 = arith.subf %get3A_2338, %gather3A_115 : vector<16xf32>
        %sub3A_2361 = arith.subf %get3A_2340, %gather3A_116 : vector<16xf32>
        %sub3A_2362 = arith.subf %get3A_2342, %gather3A_117 : vector<16xf32>
        %mul3A_2363 = arith.mulf %sub3A_2360, %sub3A_2360 : vector<16xf32>
        %mul3A_2364 = arith.mulf %sub3A_2361, %sub3A_2361 : vector<16xf32>
        %add3A_2365 = arith.addf %mul3A_2363, %mul3A_2364 : vector<16xf32>
        %mul3A_2366 = arith.mulf %sub3A_2362, %sub3A_2362 : vector<16xf32>
        %add3A_2367 = arith.addf %add3A_2365, %mul3A_2366 : vector<16xf32>
        %lt3A_2368 = arith.constant 4.000000e-02 : f32
        %lt3A_2369 = vector.broadcast %lt3A_2368 : f32 to vector<16xf32>
        %lt3A_2370 = arith.cmpf olt, %add3A_2367, %lt3A_2369 : vector<16xf32>
        %masked_cumsum3A_2371 = tpu.scan <sum>, %broadcast_in_dim3A_71 masked %lt3A_2370 : vector<16xi32>, vector<16xi1> -> vector<16xi32>
        %add3A_2372 = arith.addi %add3A_2241, %masked_cumsum3A_2371 : vector<16xi32>
        tpu.vector_store_idx %arg11[%add3A_2372], %add3A_2344 masked %lt3A_2370 : memref<66048xi32, #tpu.memory_space<vmem>>[vector<16xi32>], vector<16xi32>, vector<16xi1>
        %all_reduce_population_count3A_2373 = tpu.all_reduce %lt3A_2370 {dim = 0 : i64, kind = #tpu.reduction_kind<sum>} : vector<16xi1> -> vector<16xi32>
        %add3A_2374 = arith.addi %add3A_2241, %all_reduce_population_count3A_2373 : vector<16xi32>
        %sub3A_2375 = arith.subf %get3A_2338, %gather3A_128 : vector<16xf32>
        %sub3A_2376 = arith.subf %get3A_2340, %gather3A_129 : vector<16xf32>
        %sub3A_2377 = arith.subf %get3A_2342, %gather3A_130 : vector<16xf32>
        %mul3A_2378 = arith.mulf %sub3A_2375, %sub3A_2375 : vector<16xf32>
        %mul3A_2379 = arith.mulf %sub3A_2376, %sub3A_2376 : vector<16xf32>
        %add3A_2380 = arith.addf %mul3A_2378, %mul3A_2379 : vector<16xf32>
        %mul3A_2381 = arith.mulf %sub3A_2377, %sub3A_2377 : vector<16xf32>
        %add3A_2382 = arith.addf %add3A_2380, %mul3A_2381 : vector<16xf32>
        %lt3A_2383 = arith.constant 4.000000e-02 : f32
        %lt3A_2384 = vector.broadcast %lt3A_2383 : f32 to vector<16xf32>
        %lt3A_2385 = arith.cmpf olt, %add3A_2382, %lt3A_2384 : vector<16xf32>
        %masked_cumsum3A_2386 = tpu.scan <sum>, %broadcast_in_dim3A_71 masked %lt3A_2385 : vector<16xi32>, vector<16xi1> -> vector<16xi32>
        %add3A_2387 = arith.addi %add3A_2256, %masked_cumsum3A_2386 : vector<16xi32>
        tpu.vector_store_idx %arg11[%add3A_2387], %add3A_2344 masked %lt3A_2385 : memref<66048xi32, #tpu.memory_space<vmem>>[vector<16xi32>], vector<16xi32>, vector<16xi1>
        %all_reduce_population_count3A_2388 = tpu.all_reduce %lt3A_2385 {dim = 0 : i64, kind = #tpu.reduction_kind<sum>} : vector<16xi1> -> vector<16xi32>
        %add3A_2389 = arith.addi %add3A_2256, %all_reduce_population_count3A_2388 : vector<16xi32>
        %sub3A_2390 = arith.subf %get3A_2338, %gather3A_141 : vector<16xf32>
        %sub3A_2391 = arith.subf %get3A_2340, %gather3A_142 : vector<16xf32>
        %sub3A_2392 = arith.subf %get3A_2342, %gather3A_143 : vector<16xf32>
        %mul3A_2393 = arith.mulf %sub3A_2390, %sub3A_2390 : vector<16xf32>
        %mul3A_2394 = arith.mulf %sub3A_2391, %sub3A_2391 : vector<16xf32>
        %add3A_2395 = arith.addf %mul3A_2393, %mul3A_2394 : vector<16xf32>
        %mul3A_2396 = arith.mulf %sub3A_2392, %sub3A_2392 : vector<16xf32>
        %add3A_2397 = arith.addf %add3A_2395, %mul3A_2396 : vector<16xf32>
        %lt3A_2398 = arith.constant 4.000000e-02 : f32
        %lt3A_2399 = vector.broadcast %lt3A_2398 : f32 to vector<16xf32>
        %lt3A_2400 = arith.cmpf olt, %add3A_2397, %lt3A_2399 : vector<16xf32>
        %masked_cumsum3A_2401 = tpu.scan <sum>, %broadcast_in_dim3A_71 masked %lt3A_2400 : vector<16xi32>, vector<16xi1> -> vector<16xi32>
        %add3A_2402 = arith.addi %add3A_2271, %masked_cumsum3A_2401 : vector<16xi32>
        tpu.vector_store_idx %arg11[%add3A_2402], %add3A_2344 masked %lt3A_2400 : memref<66048xi32, #tpu.memory_space<vmem>>[vector<16xi32>], vector<16xi32>, vector<16xi1>
        %all_reduce_population_count3A_2403 = tpu.all_reduce %lt3A_2400 {dim = 0 : i64, kind = #tpu.reduction_kind<sum>} : vector<16xi1> -> vector<16xi32>
        %add3A_2404 = arith.addi %add3A_2271, %all_reduce_population_count3A_2403 : vector<16xi32>
        %sub3A_2405 = arith.subf %get3A_2338, %gather3A_154 : vector<16xf32>
        %sub3A_2406 = arith.subf %get3A_2340, %gather3A_155 : vector<16xf32>
        %sub3A_2407 = arith.subf %get3A_2342, %gather3A_156 : vector<16xf32>
        %mul3A_2408 = arith.mulf %sub3A_2405, %sub3A_2405 : vector<16xf32>
        %mul3A_2409 = arith.mulf %sub3A_2406, %sub3A_2406 : vector<16xf32>
        %add3A_2410 = arith.addf %mul3A_2408, %mul3A_2409 : vector<16xf32>
        %mul3A_2411 = arith.mulf %sub3A_2407, %sub3A_2407 : vector<16xf32>
        %add3A_2412 = arith.addf %add3A_2410, %mul3A_2411 : vector<16xf32>
        %lt3A_2413 = arith.constant 4.000000e-02 : f32
        %lt3A_2414 = vector.broadcast %lt3A_2413 : f32 to vector<16xf32>
        %lt3A_2415 = arith.cmpf olt, %add3A_2412, %lt3A_2414 : vector<16xf32>
        %masked_cumsum3A_2416 = tpu.scan <sum>, %broadcast_in_dim3A_71 masked %lt3A_2415 : vector<16xi32>, vector<16xi1> -> vector<16xi32>
        %add3A_2417 = arith.addi %add3A_2286, %masked_cumsum3A_2416 : vector<16xi32>
        tpu.vector_store_idx %arg11[%add3A_2417], %add3A_2344 masked %lt3A_2415 : memref<66048xi32, #tpu.memory_space<vmem>>[vector<16xi32>], vector<16xi32>, vector<16xi1>
        %all_reduce_population_count3A_2418 = tpu.all_reduce %lt3A_2415 {dim = 0 : i64, kind = #tpu.reduction_kind<sum>} : vector<16xi1> -> vector<16xi32>
        %add3A_2419 = arith.addi %add3A_2286, %all_reduce_population_count3A_2418 : vector<16xi32>
        %sub3A_2420 = arith.subf %get3A_2338, %gather3A_167 : vector<16xf32>
        %sub3A_2421 = arith.subf %get3A_2340, %gather3A_168 : vector<16xf32>
        %sub3A_2422 = arith.subf %get3A_2342, %gather3A_169 : vector<16xf32>
        %mul3A_2423 = arith.mulf %sub3A_2420, %sub3A_2420 : vector<16xf32>
        %mul3A_2424 = arith.mulf %sub3A_2421, %sub3A_2421 : vector<16xf32>
        %add3A_2425 = arith.addf %mul3A_2423, %mul3A_2424 : vector<16xf32>
        %mul3A_2426 = arith.mulf %sub3A_2422, %sub3A_2422 : vector<16xf32>
        %add3A_2427 = arith.addf %add3A_2425, %mul3A_2426 : vector<16xf32>
        %lt3A_2428 = arith.constant 4.000000e-02 : f32
        %lt3A_2429 = vector.broadcast %lt3A_2428 : f32 to vector<16xf32>
        %lt3A_2430 = arith.cmpf olt, %add3A_2427, %lt3A_2429 : vector<16xf32>
        %masked_cumsum3A_2431 = tpu.scan <sum>, %broadcast_in_dim3A_71 masked %lt3A_2430 : vector<16xi32>, vector<16xi1> -> vector<16xi32>
        %add3A_2432 = arith.addi %add3A_2301, %masked_cumsum3A_2431 : vector<16xi32>
        tpu.vector_store_idx %arg11[%add3A_2432], %add3A_2344 masked %lt3A_2430 : memref<66048xi32, #tpu.memory_space<vmem>>[vector<16xi32>], vector<16xi32>, vector<16xi1>
        %all_reduce_population_count3A_2433 = tpu.all_reduce %lt3A_2430 {dim = 0 : i64, kind = #tpu.reduction_kind<sum>} : vector<16xi1> -> vector<16xi32>
        %add3A_2434 = arith.addi %add3A_2301, %all_reduce_population_count3A_2433 : vector<16xi32>
        %sub3A_2435 = arith.subf %get3A_2338, %gather3A_180 : vector<16xf32>
        %sub3A_2436 = arith.subf %get3A_2340, %gather3A_181 : vector<16xf32>
        %sub3A_2437 = arith.subf %get3A_2342, %gather3A_182 : vector<16xf32>
        %mul3A_2438 = arith.mulf %sub3A_2435, %sub3A_2435 : vector<16xf32>
        %mul3A_2439 = arith.mulf %sub3A_2436, %sub3A_2436 : vector<16xf32>
        %add3A_2440 = arith.addf %mul3A_2438, %mul3A_2439 : vector<16xf32>
        %mul3A_2441 = arith.mulf %sub3A_2437, %sub3A_2437 : vector<16xf32>
        %add3A_2442 = arith.addf %add3A_2440, %mul3A_2441 : vector<16xf32>
        %lt3A_2443 = arith.constant 4.000000e-02 : f32
        %lt3A_2444 = vector.broadcast %lt3A_2443 : f32 to vector<16xf32>
        %lt3A_2445 = arith.cmpf olt, %add3A_2442, %lt3A_2444 : vector<16xf32>
        %masked_cumsum3A_2446 = tpu.scan <sum>, %broadcast_in_dim3A_71 masked %lt3A_2445 : vector<16xi32>, vector<16xi1> -> vector<16xi32>
        %add3A_2447 = arith.addi %add3A_2316, %masked_cumsum3A_2446 : vector<16xi32>
        tpu.vector_store_idx %arg11[%add3A_2447], %add3A_2344 masked %lt3A_2445 : memref<66048xi32, #tpu.memory_space<vmem>>[vector<16xi32>], vector<16xi32>, vector<16xi1>
        %all_reduce_population_count3A_2448 = tpu.all_reduce %lt3A_2445 {dim = 0 : i64, kind = #tpu.reduction_kind<sum>} : vector<16xi1> -> vector<16xi32>
        %add3A_2449 = arith.addi %add3A_2316, %all_reduce_population_count3A_2448 : vector<16xi32>
        %sub3A_2450 = arith.subf %get3A_2338, %gather3A_193 : vector<16xf32>
        %sub3A_2451 = arith.subf %get3A_2340, %gather3A_194 : vector<16xf32>
        %sub3A_2452 = arith.subf %get3A_2342, %gather3A_195 : vector<16xf32>
        %mul3A_2453 = arith.mulf %sub3A_2450, %sub3A_2450 : vector<16xf32>
        %mul3A_2454 = arith.mulf %sub3A_2451, %sub3A_2451 : vector<16xf32>
        %add3A_2455 = arith.addf %mul3A_2453, %mul3A_2454 : vector<16xf32>
        %mul3A_2456 = arith.mulf %sub3A_2452, %sub3A_2452 : vector<16xf32>
        %add3A_2457 = arith.addf %add3A_2455, %mul3A_2456 : vector<16xf32>
        %lt3A_2458 = arith.constant 4.000000e-02 : f32
        %lt3A_2459 = vector.broadcast %lt3A_2458 : f32 to vector<16xf32>
        %lt3A_2460 = arith.cmpf olt, %add3A_2457, %lt3A_2459 : vector<16xf32>
        %masked_cumsum3A_2461 = tpu.scan <sum>, %broadcast_in_dim3A_71 masked %lt3A_2460 : vector<16xi32>, vector<16xi1> -> vector<16xi32>
        %add3A_2462 = arith.addi %add3A_2331, %masked_cumsum3A_2461 : vector<16xi32>
        tpu.vector_store_idx %arg11[%add3A_2462], %add3A_2344 masked %lt3A_2460 : memref<66048xi32, #tpu.memory_space<vmem>>[vector<16xi32>], vector<16xi32>, vector<16xi1>
        %all_reduce_population_count3A_2463 = tpu.all_reduce %lt3A_2460 {dim = 0 : i64, kind = #tpu.reduction_kind<sum>} : vector<16xi1> -> vector<16xi32>
        %add3A_2464 = arith.addi %add3A_2331, %all_reduce_population_count3A_2463 : vector<16xi32>
        %add3A_2465 = arith.constant 12 : i32
        %add3A_2466 = arith.addi %while3A_862, %add3A_2465 : i32
        %mul3A_2467 = arith.constant 16 : i32
        %mul3A_2468 = arith.muli %add3A_2466, %mul3A_2467 : i32
        %multiple_of3A_2469 = tpu.assume_multiple %mul3A_2468, 16 : i32
        %get3A_2470 = arith.index_cast %multiple_of3A_2469 : i32 to index
        %get3A_2471 = tpu.vector_load %arg5[%get3A_2470] {strides = array<i32>} : memref<8192xf32, #tpu.memory_space<vmem>>, vector<16xf32>,
        %get3A_2472 = arith.index_cast %multiple_of3A_2469 : i32 to index
        %get3A_2473 = tpu.vector_load %arg6[%get3A_2472] {strides = array<i32>} : memref<8192xf32, #tpu.memory_space<vmem>>, vector<16xf32>,
        %get3A_2474 = arith.index_cast %multiple_of3A_2469 : i32 to index
        %get3A_2475 = tpu.vector_load %arg7[%get3A_2474] {strides = array<i32>} : memref<8192xf32, #tpu.memory_space<vmem>>, vector<16xf32>,
        %add3A_2476 = vector.broadcast %multiple_of3A_2469 : i32 to vector<16xi32>
        %add3A_2477 = arith.addi %add3A_2476, %iota3A : vector<16xi32>
        %sub3A_2478 = arith.subf %get3A_2471, %gather3A : vector<16xf32>
        %sub3A_2479 = arith.subf %get3A_2473, %gather3A_104 : vector<16xf32>
        %sub3A_2480 = arith.subf %get3A_2475, %gather3A_105 : vector<16xf32>
        %mul3A_2481 = arith.mulf %sub3A_2478, %sub3A_2478 : vector<16xf32>
        %mul3A_2482 = arith.mulf %sub3A_2479, %sub3A_2479 : vector<16xf32>
        %add3A_2483 = arith.addf %mul3A_2481, %mul3A_2482 : vector<16xf32>
        %mul3A_2484 = arith.mulf %sub3A_2480, %sub3A_2480 : vector<16xf32>
        %add3A_2485 = arith.addf %add3A_2483, %mul3A_2484 : vector<16xf32>
        %lt3A_2486 = arith.constant 4.000000e-02 : f32
        %lt3A_2487 = vector.broadcast %lt3A_2486 : f32 to vector<16xf32>
        %lt3A_2488 = arith.cmpf olt, %add3A_2485, %lt3A_2487 : vector<16xf32>
        %masked_cumsum3A_2489 = tpu.scan <sum>, %broadcast_in_dim3A_71 masked %lt3A_2488 : vector<16xi32>, vector<16xi1> -> vector<16xi32>
        %add3A_2490 = arith.addi %add3A_2359, %masked_cumsum3A_2489 : vector<16xi32>
        tpu.vector_store_idx %arg11[%add3A_2490], %add3A_2477 masked %lt3A_2488 : memref<66048xi32, #tpu.memory_space<vmem>>[vector<16xi32>], vector<16xi32>, vector<16xi1>
        %all_reduce_population_count3A_2491 = tpu.all_reduce %lt3A_2488 {dim = 0 : i64, kind = #tpu.reduction_kind<sum>} : vector<16xi1> -> vector<16xi32>
        %add3A_2492 = arith.addi %add3A_2359, %all_reduce_population_count3A_2491 : vector<16xi32>
        %sub3A_2493 = arith.subf %get3A_2471, %gather3A_115 : vector<16xf32>
        %sub3A_2494 = arith.subf %get3A_2473, %gather3A_116 : vector<16xf32>
        %sub3A_2495 = arith.subf %get3A_2475, %gather3A_117 : vector<16xf32>
        %mul3A_2496 = arith.mulf %sub3A_2493, %sub3A_2493 : vector<16xf32>
        %mul3A_2497 = arith.mulf %sub3A_2494, %sub3A_2494 : vector<16xf32>
        %add3A_2498 = arith.addf %mul3A_2496, %mul3A_2497 : vector<16xf32>
        %mul3A_2499 = arith.mulf %sub3A_2495, %sub3A_2495 : vector<16xf32>
        %add3A_2500 = arith.addf %add3A_2498, %mul3A_2499 : vector<16xf32>
        %lt3A_2501 = arith.constant 4.000000e-02 : f32
        %lt3A_2502 = vector.broadcast %lt3A_2501 : f32 to vector<16xf32>
        %lt3A_2503 = arith.cmpf olt, %add3A_2500, %lt3A_2502 : vector<16xf32>
        %masked_cumsum3A_2504 = tpu.scan <sum>, %broadcast_in_dim3A_71 masked %lt3A_2503 : vector<16xi32>, vector<16xi1> -> vector<16xi32>
        %add3A_2505 = arith.addi %add3A_2374, %masked_cumsum3A_2504 : vector<16xi32>
        tpu.vector_store_idx %arg11[%add3A_2505], %add3A_2477 masked %lt3A_2503 : memref<66048xi32, #tpu.memory_space<vmem>>[vector<16xi32>], vector<16xi32>, vector<16xi1>
        %all_reduce_population_count3A_2506 = tpu.all_reduce %lt3A_2503 {dim = 0 : i64, kind = #tpu.reduction_kind<sum>} : vector<16xi1> -> vector<16xi32>
        %add3A_2507 = arith.addi %add3A_2374, %all_reduce_population_count3A_2506 : vector<16xi32>
        %sub3A_2508 = arith.subf %get3A_2471, %gather3A_128 : vector<16xf32>
        %sub3A_2509 = arith.subf %get3A_2473, %gather3A_129 : vector<16xf32>
        %sub3A_2510 = arith.subf %get3A_2475, %gather3A_130 : vector<16xf32>
        %mul3A_2511 = arith.mulf %sub3A_2508, %sub3A_2508 : vector<16xf32>
        %mul3A_2512 = arith.mulf %sub3A_2509, %sub3A_2509 : vector<16xf32>
        %add3A_2513 = arith.addf %mul3A_2511, %mul3A_2512 : vector<16xf32>
        %mul3A_2514 = arith.mulf %sub3A_2510, %sub3A_2510 : vector<16xf32>
        %add3A_2515 = arith.addf %add3A_2513, %mul3A_2514 : vector<16xf32>
        %lt3A_2516 = arith.constant 4.000000e-02 : f32
        %lt3A_2517 = vector.broadcast %lt3A_2516 : f32 to vector<16xf32>
        %lt3A_2518 = arith.cmpf olt, %add3A_2515, %lt3A_2517 : vector<16xf32>
        %masked_cumsum3A_2519 = tpu.scan <sum>, %broadcast_in_dim3A_71 masked %lt3A_2518 : vector<16xi32>, vector<16xi1> -> vector<16xi32>
        %add3A_2520 = arith.addi %add3A_2389, %masked_cumsum3A_2519 : vector<16xi32>
        tpu.vector_store_idx %arg11[%add3A_2520], %add3A_2477 masked %lt3A_2518 : memref<66048xi32, #tpu.memory_space<vmem>>[vector<16xi32>], vector<16xi32>, vector<16xi1>
        %all_reduce_population_count3A_2521 = tpu.all_reduce %lt3A_2518 {dim = 0 : i64, kind = #tpu.reduction_kind<sum>} : vector<16xi1> -> vector<16xi32>
        %add3A_2522 = arith.addi %add3A_2389, %all_reduce_population_count3A_2521 : vector<16xi32>
        %sub3A_2523 = arith.subf %get3A_2471, %gather3A_141 : vector<16xf32>
        %sub3A_2524 = arith.subf %get3A_2473, %gather3A_142 : vector<16xf32>
        %sub3A_2525 = arith.subf %get3A_2475, %gather3A_143 : vector<16xf32>
        %mul3A_2526 = arith.mulf %sub3A_2523, %sub3A_2523 : vector<16xf32>
        %mul3A_2527 = arith.mulf %sub3A_2524, %sub3A_2524 : vector<16xf32>
        %add3A_2528 = arith.addf %mul3A_2526, %mul3A_2527 : vector<16xf32>
        %mul3A_2529 = arith.mulf %sub3A_2525, %sub3A_2525 : vector<16xf32>
        %add3A_2530 = arith.addf %add3A_2528, %mul3A_2529 : vector<16xf32>
        %lt3A_2531 = arith.constant 4.000000e-02 : f32
        %lt3A_2532 = vector.broadcast %lt3A_2531 : f32 to vector<16xf32>
        %lt3A_2533 = arith.cmpf olt, %add3A_2530, %lt3A_2532 : vector<16xf32>
        %masked_cumsum3A_2534 = tpu.scan <sum>, %broadcast_in_dim3A_71 masked %lt3A_2533 : vector<16xi32>, vector<16xi1> -> vector<16xi32>
        %add3A_2535 = arith.addi %add3A_2404, %masked_cumsum3A_2534 : vector<16xi32>
        tpu.vector_store_idx %arg11[%add3A_2535], %add3A_2477 masked %lt3A_2533 : memref<66048xi32, #tpu.memory_space<vmem>>[vector<16xi32>], vector<16xi32>, vector<16xi1>
        %all_reduce_population_count3A_2536 = tpu.all_reduce %lt3A_2533 {dim = 0 : i64, kind = #tpu.reduction_kind<sum>} : vector<16xi1> -> vector<16xi32>
        %add3A_2537 = arith.addi %add3A_2404, %all_reduce_population_count3A_2536 : vector<16xi32>
        %sub3A_2538 = arith.subf %get3A_2471, %gather3A_154 : vector<16xf32>
        %sub3A_2539 = arith.subf %get3A_2473, %gather3A_155 : vector<16xf32>
        %sub3A_2540 = arith.subf %get3A_2475, %gather3A_156 : vector<16xf32>
        %mul3A_2541 = arith.mulf %sub3A_2538, %sub3A_2538 : vector<16xf32>
        %mul3A_2542 = arith.mulf %sub3A_2539, %sub3A_2539 : vector<16xf32>
        %add3A_2543 = arith.addf %mul3A_2541, %mul3A_2542 : vector<16xf32>
        %mul3A_2544 = arith.mulf %sub3A_2540, %sub3A_2540 : vector<16xf32>
        %add3A_2545 = arith.addf %add3A_2543, %mul3A_2544 : vector<16xf32>
        %lt3A_2546 = arith.constant 4.000000e-02 : f32
        %lt3A_2547 = vector.broadcast %lt3A_2546 : f32 to vector<16xf32>
        %lt3A_2548 = arith.cmpf olt, %add3A_2545, %lt3A_2547 : vector<16xf32>
        %masked_cumsum3A_2549 = tpu.scan <sum>, %broadcast_in_dim3A_71 masked %lt3A_2548 : vector<16xi32>, vector<16xi1> -> vector<16xi32>
        %add3A_2550 = arith.addi %add3A_2419, %masked_cumsum3A_2549 : vector<16xi32>
        tpu.vector_store_idx %arg11[%add3A_2550], %add3A_2477 masked %lt3A_2548 : memref<66048xi32, #tpu.memory_space<vmem>>[vector<16xi32>], vector<16xi32>, vector<16xi1>
        %all_reduce_population_count3A_2551 = tpu.all_reduce %lt3A_2548 {dim = 0 : i64, kind = #tpu.reduction_kind<sum>} : vector<16xi1> -> vector<16xi32>
        %add3A_2552 = arith.addi %add3A_2419, %all_reduce_population_count3A_2551 : vector<16xi32>
        %sub3A_2553 = arith.subf %get3A_2471, %gather3A_167 : vector<16xf32>
        %sub3A_2554 = arith.subf %get3A_2473, %gather3A_168 : vector<16xf32>
        %sub3A_2555 = arith.subf %get3A_2475, %gather3A_169 : vector<16xf32>
        %mul3A_2556 = arith.mulf %sub3A_2553, %sub3A_2553 : vector<16xf32>
        %mul3A_2557 = arith.mulf %sub3A_2554, %sub3A_2554 : vector<16xf32>
        %add3A_2558 = arith.addf %mul3A_2556, %mul3A_2557 : vector<16xf32>
        %mul3A_2559 = arith.mulf %sub3A_2555, %sub3A_2555 : vector<16xf32>
        %add3A_2560 = arith.addf %add3A_2558, %mul3A_2559 : vector<16xf32>
        %lt3A_2561 = arith.constant 4.000000e-02 : f32
        %lt3A_2562 = vector.broadcast %lt3A_2561 : f32 to vector<16xf32>
        %lt3A_2563 = arith.cmpf olt, %add3A_2560, %lt3A_2562 : vector<16xf32>
        %masked_cumsum3A_2564 = tpu.scan <sum>, %broadcast_in_dim3A_71 masked %lt3A_2563 : vector<16xi32>, vector<16xi1> -> vector<16xi32>
        %add3A_2565 = arith.addi %add3A_2434, %masked_cumsum3A_2564 : vector<16xi32>
        tpu.vector_store_idx %arg11[%add3A_2565], %add3A_2477 masked %lt3A_2563 : memref<66048xi32, #tpu.memory_space<vmem>>[vector<16xi32>], vector<16xi32>, vector<16xi1>
        %all_reduce_population_count3A_2566 = tpu.all_reduce %lt3A_2563 {dim = 0 : i64, kind = #tpu.reduction_kind<sum>} : vector<16xi1> -> vector<16xi32>
        %add3A_2567 = arith.addi %add3A_2434, %all_reduce_population_count3A_2566 : vector<16xi32>
        %sub3A_2568 = arith.subf %get3A_2471, %gather3A_180 : vector<16xf32>
        %sub3A_2569 = arith.subf %get3A_2473, %gather3A_181 : vector<16xf32>
        %sub3A_2570 = arith.subf %get3A_2475, %gather3A_182 : vector<16xf32>
        %mul3A_2571 = arith.mulf %sub3A_2568, %sub3A_2568 : vector<16xf32>
        %mul3A_2572 = arith.mulf %sub3A_2569, %sub3A_2569 : vector<16xf32>
        %add3A_2573 = arith.addf %mul3A_2571, %mul3A_2572 : vector<16xf32>
        %mul3A_2574 = arith.mulf %sub3A_2570, %sub3A_2570 : vector<16xf32>
        %add3A_2575 = arith.addf %add3A_2573, %mul3A_2574 : vector<16xf32>
        %lt3A_2576 = arith.constant 4.000000e-02 : f32
        %lt3A_2577 = vector.broadcast %lt3A_2576 : f32 to vector<16xf32>
        %lt3A_2578 = arith.cmpf olt, %add3A_2575, %lt3A_2577 : vector<16xf32>
        %masked_cumsum3A_2579 = tpu.scan <sum>, %broadcast_in_dim3A_71 masked %lt3A_2578 : vector<16xi32>, vector<16xi1> -> vector<16xi32>
        %add3A_2580 = arith.addi %add3A_2449, %masked_cumsum3A_2579 : vector<16xi32>
        tpu.vector_store_idx %arg11[%add3A_2580], %add3A_2477 masked %lt3A_2578 : memref<66048xi32, #tpu.memory_space<vmem>>[vector<16xi32>], vector<16xi32>, vector<16xi1>
        %all_reduce_population_count3A_2581 = tpu.all_reduce %lt3A_2578 {dim = 0 : i64, kind = #tpu.reduction_kind<sum>} : vector<16xi1> -> vector<16xi32>
        %add3A_2582 = arith.addi %add3A_2449, %all_reduce_population_count3A_2581 : vector<16xi32>
        %sub3A_2583 = arith.subf %get3A_2471, %gather3A_193 : vector<16xf32>
        %sub3A_2584 = arith.subf %get3A_2473, %gather3A_194 : vector<16xf32>
        %sub3A_2585 = arith.subf %get3A_2475, %gather3A_195 : vector<16xf32>
        %mul3A_2586 = arith.mulf %sub3A_2583, %sub3A_2583 : vector<16xf32>
        %mul3A_2587 = arith.mulf %sub3A_2584, %sub3A_2584 : vector<16xf32>
        %add3A_2588 = arith.addf %mul3A_2586, %mul3A_2587 : vector<16xf32>
        %mul3A_2589 = arith.mulf %sub3A_2585, %sub3A_2585 : vector<16xf32>
        %add3A_2590 = arith.addf %add3A_2588, %mul3A_2589 : vector<16xf32>
        %lt3A_2591 = arith.constant 4.000000e-02 : f32
        %lt3A_2592 = vector.broadcast %lt3A_2591 : f32 to vector<16xf32>
        %lt3A_2593 = arith.cmpf olt, %add3A_2590, %lt3A_2592 : vector<16xf32>
        %masked_cumsum3A_2594 = tpu.scan <sum>, %broadcast_in_dim3A_71 masked %lt3A_2593 : vector<16xi32>, vector<16xi1> -> vector<16xi32>
        %add3A_2595 = arith.addi %add3A_2464, %masked_cumsum3A_2594 : vector<16xi32>
        tpu.vector_store_idx %arg11[%add3A_2595], %add3A_2477 masked %lt3A_2593 : memref<66048xi32, #tpu.memory_space<vmem>>[vector<16xi32>], vector<16xi32>, vector<16xi1>
        %all_reduce_population_count3A_2596 = tpu.all_reduce %lt3A_2593 {dim = 0 : i64, kind = #tpu.reduction_kind<sum>} : vector<16xi1> -> vector<16xi32>
        %add3A_2597 = arith.addi %add3A_2464, %all_reduce_population_count3A_2596 : vector<16xi32>
        %add3A_2598 = arith.constant 13 : i32
        %add3A_2599 = arith.addi %while3A_862, %add3A_2598 : i32
        %mul3A_2600 = arith.constant 16 : i32
        %mul3A_2601 = arith.muli %add3A_2599, %mul3A_2600 : i32
        %multiple_of3A_2602 = tpu.assume_multiple %mul3A_2601, 16 : i32
        %get3A_2603 = arith.index_cast %multiple_of3A_2602 : i32 to index
        %get3A_2604 = tpu.vector_load %arg5[%get3A_2603] {strides = array<i32>} : memref<8192xf32, #tpu.memory_space<vmem>>, vector<16xf32>,
        %get3A_2605 = arith.index_cast %multiple_of3A_2602 : i32 to index
        %get3A_2606 = tpu.vector_load %arg6[%get3A_2605] {strides = array<i32>} : memref<8192xf32, #tpu.memory_space<vmem>>, vector<16xf32>,
        %get3A_2607 = arith.index_cast %multiple_of3A_2602 : i32 to index
        %get3A_2608 = tpu.vector_load %arg7[%get3A_2607] {strides = array<i32>} : memref<8192xf32, #tpu.memory_space<vmem>>, vector<16xf32>,
        %add3A_2609 = vector.broadcast %multiple_of3A_2602 : i32 to vector<16xi32>
        %add3A_2610 = arith.addi %add3A_2609, %iota3A : vector<16xi32>
        %sub3A_2611 = arith.subf %get3A_2604, %gather3A : vector<16xf32>
        %sub3A_2612 = arith.subf %get3A_2606, %gather3A_104 : vector<16xf32>
        %sub3A_2613 = arith.subf %get3A_2608, %gather3A_105 : vector<16xf32>
        %mul3A_2614 = arith.mulf %sub3A_2611, %sub3A_2611 : vector<16xf32>
        %mul3A_2615 = arith.mulf %sub3A_2612, %sub3A_2612 : vector<16xf32>
        %add3A_2616 = arith.addf %mul3A_2614, %mul3A_2615 : vector<16xf32>
        %mul3A_2617 = arith.mulf %sub3A_2613, %sub3A_2613 : vector<16xf32>
        %add3A_2618 = arith.addf %add3A_2616, %mul3A_2617 : vector<16xf32>
        %lt3A_2619 = arith.constant 4.000000e-02 : f32
        %lt3A_2620 = vector.broadcast %lt3A_2619 : f32 to vector<16xf32>
        %lt3A_2621 = arith.cmpf olt, %add3A_2618, %lt3A_2620 : vector<16xf32>
        %masked_cumsum3A_2622 = tpu.scan <sum>, %broadcast_in_dim3A_71 masked %lt3A_2621 : vector<16xi32>, vector<16xi1> -> vector<16xi32>
        %add3A_2623 = arith.addi %add3A_2492, %masked_cumsum3A_2622 : vector<16xi32>
        tpu.vector_store_idx %arg11[%add3A_2623], %add3A_2610 masked %lt3A_2621 : memref<66048xi32, #tpu.memory_space<vmem>>[vector<16xi32>], vector<16xi32>, vector<16xi1>
        %all_reduce_population_count3A_2624 = tpu.all_reduce %lt3A_2621 {dim = 0 : i64, kind = #tpu.reduction_kind<sum>} : vector<16xi1> -> vector<16xi32>
        %add3A_2625 = arith.addi %add3A_2492, %all_reduce_population_count3A_2624 : vector<16xi32>
        %sub3A_2626 = arith.subf %get3A_2604, %gather3A_115 : vector<16xf32>
        %sub3A_2627 = arith.subf %get3A_2606, %gather3A_116 : vector<16xf32>
        %sub3A_2628 = arith.subf %get3A_2608, %gather3A_117 : vector<16xf32>
        %mul3A_2629 = arith.mulf %sub3A_2626, %sub3A_2626 : vector<16xf32>
        %mul3A_2630 = arith.mulf %sub3A_2627, %sub3A_2627 : vector<16xf32>
        %add3A_2631 = arith.addf %mul3A_2629, %mul3A_2630 : vector<16xf32>
        %mul3A_2632 = arith.mulf %sub3A_2628, %sub3A_2628 : vector<16xf32>
        %add3A_2633 = arith.addf %add3A_2631, %mul3A_2632 : vector<16xf32>
        %lt3A_2634 = arith.constant 4.000000e-02 : f32
        %lt3A_2635 = vector.broadcast %lt3A_2634 : f32 to vector<16xf32>
        %lt3A_2636 = arith.cmpf olt, %add3A_2633, %lt3A_2635 : vector<16xf32>
        %masked_cumsum3A_2637 = tpu.scan <sum>, %broadcast_in_dim3A_71 masked %lt3A_2636 : vector<16xi32>, vector<16xi1> -> vector<16xi32>
        %add3A_2638 = arith.addi %add3A_2507, %masked_cumsum3A_2637 : vector<16xi32>
        tpu.vector_store_idx %arg11[%add3A_2638], %add3A_2610 masked %lt3A_2636 : memref<66048xi32, #tpu.memory_space<vmem>>[vector<16xi32>], vector<16xi32>, vector<16xi1>
        %all_reduce_population_count3A_2639 = tpu.all_reduce %lt3A_2636 {dim = 0 : i64, kind = #tpu.reduction_kind<sum>} : vector<16xi1> -> vector<16xi32>
        %add3A_2640 = arith.addi %add3A_2507, %all_reduce_population_count3A_2639 : vector<16xi32>
        %sub3A_2641 = arith.subf %get3A_2604, %gather3A_128 : vector<16xf32>
        %sub3A_2642 = arith.subf %get3A_2606, %gather3A_129 : vector<16xf32>
        %sub3A_2643 = arith.subf %get3A_2608, %gather3A_130 : vector<16xf32>
        %mul3A_2644 = arith.mulf %sub3A_2641, %sub3A_2641 : vector<16xf32>
        %mul3A_2645 = arith.mulf %sub3A_2642, %sub3A_2642 : vector<16xf32>
        %add3A_2646 = arith.addf %mul3A_2644, %mul3A_2645 : vector<16xf32>
        %mul3A_2647 = arith.mulf %sub3A_2643, %sub3A_2643 : vector<16xf32>
        %add3A_2648 = arith.addf %add3A_2646, %mul3A_2647 : vector<16xf32>
        %lt3A_2649 = arith.constant 4.000000e-02 : f32
        %lt3A_2650 = vector.broadcast %lt3A_2649 : f32 to vector<16xf32>
        %lt3A_2651 = arith.cmpf olt, %add3A_2648, %lt3A_2650 : vector<16xf32>
        %masked_cumsum3A_2652 = tpu.scan <sum>, %broadcast_in_dim3A_71 masked %lt3A_2651 : vector<16xi32>, vector<16xi1> -> vector<16xi32>
        %add3A_2653 = arith.addi %add3A_2522, %masked_cumsum3A_2652 : vector<16xi32>
        tpu.vector_store_idx %arg11[%add3A_2653], %add3A_2610 masked %lt3A_2651 : memref<66048xi32, #tpu.memory_space<vmem>>[vector<16xi32>], vector<16xi32>, vector<16xi1>
        %all_reduce_population_count3A_2654 = tpu.all_reduce %lt3A_2651 {dim = 0 : i64, kind = #tpu.reduction_kind<sum>} : vector<16xi1> -> vector<16xi32>
        %add3A_2655 = arith.addi %add3A_2522, %all_reduce_population_count3A_2654 : vector<16xi32>
        %sub3A_2656 = arith.subf %get3A_2604, %gather3A_141 : vector<16xf32>
        %sub3A_2657 = arith.subf %get3A_2606, %gather3A_142 : vector<16xf32>
        %sub3A_2658 = arith.subf %get3A_2608, %gather3A_143 : vector<16xf32>
        %mul3A_2659 = arith.mulf %sub3A_2656, %sub3A_2656 : vector<16xf32>
        %mul3A_2660 = arith.mulf %sub3A_2657, %sub3A_2657 : vector<16xf32>
        %add3A_2661 = arith.addf %mul3A_2659, %mul3A_2660 : vector<16xf32>
        %mul3A_2662 = arith.mulf %sub3A_2658, %sub3A_2658 : vector<16xf32>
        %add3A_2663 = arith.addf %add3A_2661, %mul3A_2662 : vector<16xf32>
        %lt3A_2664 = arith.constant 4.000000e-02 : f32
        %lt3A_2665 = vector.broadcast %lt3A_2664 : f32 to vector<16xf32>
        %lt3A_2666 = arith.cmpf olt, %add3A_2663, %lt3A_2665 : vector<16xf32>
        %masked_cumsum3A_2667 = tpu.scan <sum>, %broadcast_in_dim3A_71 masked %lt3A_2666 : vector<16xi32>, vector<16xi1> -> vector<16xi32>
        %add3A_2668 = arith.addi %add3A_2537, %masked_cumsum3A_2667 : vector<16xi32>
        tpu.vector_store_idx %arg11[%add3A_2668], %add3A_2610 masked %lt3A_2666 : memref<66048xi32, #tpu.memory_space<vmem>>[vector<16xi32>], vector<16xi32>, vector<16xi1>
        %all_reduce_population_count3A_2669 = tpu.all_reduce %lt3A_2666 {dim = 0 : i64, kind = #tpu.reduction_kind<sum>} : vector<16xi1> -> vector<16xi32>
        %add3A_2670 = arith.addi %add3A_2537, %all_reduce_population_count3A_2669 : vector<16xi32>
        %sub3A_2671 = arith.subf %get3A_2604, %gather3A_154 : vector<16xf32>
        %sub3A_2672 = arith.subf %get3A_2606, %gather3A_155 : vector<16xf32>
        %sub3A_2673 = arith.subf %get3A_2608, %gather3A_156 : vector<16xf32>
        %mul3A_2674 = arith.mulf %sub3A_2671, %sub3A_2671 : vector<16xf32>
        %mul3A_2675 = arith.mulf %sub3A_2672, %sub3A_2672 : vector<16xf32>
        %add3A_2676 = arith.addf %mul3A_2674, %mul3A_2675 : vector<16xf32>
        %mul3A_2677 = arith.mulf %sub3A_2673, %sub3A_2673 : vector<16xf32>
        %add3A_2678 = arith.addf %add3A_2676, %mul3A_2677 : vector<16xf32>
        %lt3A_2679 = arith.constant 4.000000e-02 : f32
        %lt3A_2680 = vector.broadcast %lt3A_2679 : f32 to vector<16xf32>
        %lt3A_2681 = arith.cmpf olt, %add3A_2678, %lt3A_2680 : vector<16xf32>
        %masked_cumsum3A_2682 = tpu.scan <sum>, %broadcast_in_dim3A_71 masked %lt3A_2681 : vector<16xi32>, vector<16xi1> -> vector<16xi32>
        %add3A_2683 = arith.addi %add3A_2552, %masked_cumsum3A_2682 : vector<16xi32>
        tpu.vector_store_idx %arg11[%add3A_2683], %add3A_2610 masked %lt3A_2681 : memref<66048xi32, #tpu.memory_space<vmem>>[vector<16xi32>], vector<16xi32>, vector<16xi1>
        %all_reduce_population_count3A_2684 = tpu.all_reduce %lt3A_2681 {dim = 0 : i64, kind = #tpu.reduction_kind<sum>} : vector<16xi1> -> vector<16xi32>
        %add3A_2685 = arith.addi %add3A_2552, %all_reduce_population_count3A_2684 : vector<16xi32>
        %sub3A_2686 = arith.subf %get3A_2604, %gather3A_167 : vector<16xf32>
        %sub3A_2687 = arith.subf %get3A_2606, %gather3A_168 : vector<16xf32>
        %sub3A_2688 = arith.subf %get3A_2608, %gather3A_169 : vector<16xf32>
        %mul3A_2689 = arith.mulf %sub3A_2686, %sub3A_2686 : vector<16xf32>
        %mul3A_2690 = arith.mulf %sub3A_2687, %sub3A_2687 : vector<16xf32>
        %add3A_2691 = arith.addf %mul3A_2689, %mul3A_2690 : vector<16xf32>
        %mul3A_2692 = arith.mulf %sub3A_2688, %sub3A_2688 : vector<16xf32>
        %add3A_2693 = arith.addf %add3A_2691, %mul3A_2692 : vector<16xf32>
        %lt3A_2694 = arith.constant 4.000000e-02 : f32
        %lt3A_2695 = vector.broadcast %lt3A_2694 : f32 to vector<16xf32>
        %lt3A_2696 = arith.cmpf olt, %add3A_2693, %lt3A_2695 : vector<16xf32>
        %masked_cumsum3A_2697 = tpu.scan <sum>, %broadcast_in_dim3A_71 masked %lt3A_2696 : vector<16xi32>, vector<16xi1> -> vector<16xi32>
        %add3A_2698 = arith.addi %add3A_2567, %masked_cumsum3A_2697 : vector<16xi32>
        tpu.vector_store_idx %arg11[%add3A_2698], %add3A_2610 masked %lt3A_2696 : memref<66048xi32, #tpu.memory_space<vmem>>[vector<16xi32>], vector<16xi32>, vector<16xi1>
        %all_reduce_population_count3A_2699 = tpu.all_reduce %lt3A_2696 {dim = 0 : i64, kind = #tpu.reduction_kind<sum>} : vector<16xi1> -> vector<16xi32>
        %add3A_2700 = arith.addi %add3A_2567, %all_reduce_population_count3A_2699 : vector<16xi32>
        %sub3A_2701 = arith.subf %get3A_2604, %gather3A_180 : vector<16xf32>
        %sub3A_2702 = arith.subf %get3A_2606, %gather3A_181 : vector<16xf32>
        %sub3A_2703 = arith.subf %get3A_2608, %gather3A_182 : vector<16xf32>
        %mul3A_2704 = arith.mulf %sub3A_2701, %sub3A_2701 : vector<16xf32>
        %mul3A_2705 = arith.mulf %sub3A_2702, %sub3A_2702 : vector<16xf32>
        %add3A_2706 = arith.addf %mul3A_2704, %mul3A_2705 : vector<16xf32>
        %mul3A_2707 = arith.mulf %sub3A_2703, %sub3A_2703 : vector<16xf32>
        %add3A_2708 = arith.addf %add3A_2706, %mul3A_2707 : vector<16xf32>
        %lt3A_2709 = arith.constant 4.000000e-02 : f32
        %lt3A_2710 = vector.broadcast %lt3A_2709 : f32 to vector<16xf32>
        %lt3A_2711 = arith.cmpf olt, %add3A_2708, %lt3A_2710 : vector<16xf32>
        %masked_cumsum3A_2712 = tpu.scan <sum>, %broadcast_in_dim3A_71 masked %lt3A_2711 : vector<16xi32>, vector<16xi1> -> vector<16xi32>
        %add3A_2713 = arith.addi %add3A_2582, %masked_cumsum3A_2712 : vector<16xi32>
        tpu.vector_store_idx %arg11[%add3A_2713], %add3A_2610 masked %lt3A_2711 : memref<66048xi32, #tpu.memory_space<vmem>>[vector<16xi32>], vector<16xi32>, vector<16xi1>
        %all_reduce_population_count3A_2714 = tpu.all_reduce %lt3A_2711 {dim = 0 : i64, kind = #tpu.reduction_kind<sum>} : vector<16xi1> -> vector<16xi32>
        %add3A_2715 = arith.addi %add3A_2582, %all_reduce_population_count3A_2714 : vector<16xi32>
        %sub3A_2716 = arith.subf %get3A_2604, %gather3A_193 : vector<16xf32>
        %sub3A_2717 = arith.subf %get3A_2606, %gather3A_194 : vector<16xf32>
        %sub3A_2718 = arith.subf %get3A_2608, %gather3A_195 : vector<16xf32>
        %mul3A_2719 = arith.mulf %sub3A_2716, %sub3A_2716 : vector<16xf32>
        %mul3A_2720 = arith.mulf %sub3A_2717, %sub3A_2717 : vector<16xf32>
        %add3A_2721 = arith.addf %mul3A_2719, %mul3A_2720 : vector<16xf32>
        %mul3A_2722 = arith.mulf %sub3A_2718, %sub3A_2718 : vector<16xf32>
        %add3A_2723 = arith.addf %add3A_2721, %mul3A_2722 : vector<16xf32>
        %lt3A_2724 = arith.constant 4.000000e-02 : f32
        %lt3A_2725 = vector.broadcast %lt3A_2724 : f32 to vector<16xf32>
        %lt3A_2726 = arith.cmpf olt, %add3A_2723, %lt3A_2725 : vector<16xf32>
        %masked_cumsum3A_2727 = tpu.scan <sum>, %broadcast_in_dim3A_71 masked %lt3A_2726 : vector<16xi32>, vector<16xi1> -> vector<16xi32>
        %add3A_2728 = arith.addi %add3A_2597, %masked_cumsum3A_2727 : vector<16xi32>
        tpu.vector_store_idx %arg11[%add3A_2728], %add3A_2610 masked %lt3A_2726 : memref<66048xi32, #tpu.memory_space<vmem>>[vector<16xi32>], vector<16xi32>, vector<16xi1>
        %all_reduce_population_count3A_2729 = tpu.all_reduce %lt3A_2726 {dim = 0 : i64, kind = #tpu.reduction_kind<sum>} : vector<16xi1> -> vector<16xi32>
        %add3A_2730 = arith.addi %add3A_2597, %all_reduce_population_count3A_2729 : vector<16xi32>
        %add3A_2731 = arith.constant 14 : i32
        %add3A_2732 = arith.addi %while3A_862, %add3A_2731 : i32
        %mul3A_2733 = arith.constant 16 : i32
        %mul3A_2734 = arith.muli %add3A_2732, %mul3A_2733 : i32
        %multiple_of3A_2735 = tpu.assume_multiple %mul3A_2734, 16 : i32
        %get3A_2736 = arith.index_cast %multiple_of3A_2735 : i32 to index
        %get3A_2737 = tpu.vector_load %arg5[%get3A_2736] {strides = array<i32>} : memref<8192xf32, #tpu.memory_space<vmem>>, vector<16xf32>,
        %get3A_2738 = arith.index_cast %multiple_of3A_2735 : i32 to index
        %get3A_2739 = tpu.vector_load %arg6[%get3A_2738] {strides = array<i32>} : memref<8192xf32, #tpu.memory_space<vmem>>, vector<16xf32>,
        %get3A_2740 = arith.index_cast %multiple_of3A_2735 : i32 to index
        %get3A_2741 = tpu.vector_load %arg7[%get3A_2740] {strides = array<i32>} : memref<8192xf32, #tpu.memory_space<vmem>>, vector<16xf32>,
        %add3A_2742 = vector.broadcast %multiple_of3A_2735 : i32 to vector<16xi32>
        %add3A_2743 = arith.addi %add3A_2742, %iota3A : vector<16xi32>
        %sub3A_2744 = arith.subf %get3A_2737, %gather3A : vector<16xf32>
        %sub3A_2745 = arith.subf %get3A_2739, %gather3A_104 : vector<16xf32>
        %sub3A_2746 = arith.subf %get3A_2741, %gather3A_105 : vector<16xf32>
        %mul3A_2747 = arith.mulf %sub3A_2744, %sub3A_2744 : vector<16xf32>
        %mul3A_2748 = arith.mulf %sub3A_2745, %sub3A_2745 : vector<16xf32>
        %add3A_2749 = arith.addf %mul3A_2747, %mul3A_2748 : vector<16xf32>
        %mul3A_2750 = arith.mulf %sub3A_2746, %sub3A_2746 : vector<16xf32>
        %add3A_2751 = arith.addf %add3A_2749, %mul3A_2750 : vector<16xf32>
        %lt3A_2752 = arith.constant 4.000000e-02 : f32
        %lt3A_2753 = vector.broadcast %lt3A_2752 : f32 to vector<16xf32>
        %lt3A_2754 = arith.cmpf olt, %add3A_2751, %lt3A_2753 : vector<16xf32>
        %masked_cumsum3A_2755 = tpu.scan <sum>, %broadcast_in_dim3A_71 masked %lt3A_2754 : vector<16xi32>, vector<16xi1> -> vector<16xi32>
        %add3A_2756 = arith.addi %add3A_2625, %masked_cumsum3A_2755 : vector<16xi32>
        tpu.vector_store_idx %arg11[%add3A_2756], %add3A_2743 masked %lt3A_2754 : memref<66048xi32, #tpu.memory_space<vmem>>[vector<16xi32>], vector<16xi32>, vector<16xi1>
        %all_reduce_population_count3A_2757 = tpu.all_reduce %lt3A_2754 {dim = 0 : i64, kind = #tpu.reduction_kind<sum>} : vector<16xi1> -> vector<16xi32>
        %add3A_2758 = arith.addi %add3A_2625, %all_reduce_population_count3A_2757 : vector<16xi32>
        %sub3A_2759 = arith.subf %get3A_2737, %gather3A_115 : vector<16xf32>
        %sub3A_2760 = arith.subf %get3A_2739, %gather3A_116 : vector<16xf32>
        %sub3A_2761 = arith.subf %get3A_2741, %gather3A_117 : vector<16xf32>
        %mul3A_2762 = arith.mulf %sub3A_2759, %sub3A_2759 : vector<16xf32>
        %mul3A_2763 = arith.mulf %sub3A_2760, %sub3A_2760 : vector<16xf32>
        %add3A_2764 = arith.addf %mul3A_2762, %mul3A_2763 : vector<16xf32>
        %mul3A_2765 = arith.mulf %sub3A_2761, %sub3A_2761 : vector<16xf32>
        %add3A_2766 = arith.addf %add3A_2764, %mul3A_2765 : vector<16xf32>
        %lt3A_2767 = arith.constant 4.000000e-02 : f32
        %lt3A_2768 = vector.broadcast %lt3A_2767 : f32 to vector<16xf32>
        %lt3A_2769 = arith.cmpf olt, %add3A_2766, %lt3A_2768 : vector<16xf32>
        %masked_cumsum3A_2770 = tpu.scan <sum>, %broadcast_in_dim3A_71 masked %lt3A_2769 : vector<16xi32>, vector<16xi1> -> vector<16xi32>
        %add3A_2771 = arith.addi %add3A_2640, %masked_cumsum3A_2770 : vector<16xi32>
        tpu.vector_store_idx %arg11[%add3A_2771], %add3A_2743 masked %lt3A_2769 : memref<66048xi32, #tpu.memory_space<vmem>>[vector<16xi32>], vector<16xi32>, vector<16xi1>
        %all_reduce_population_count3A_2772 = tpu.all_reduce %lt3A_2769 {dim = 0 : i64, kind = #tpu.reduction_kind<sum>} : vector<16xi1> -> vector<16xi32>
        %add3A_2773 = arith.addi %add3A_2640, %all_reduce_population_count3A_2772 : vector<16xi32>
        %sub3A_2774 = arith.subf %get3A_2737, %gather3A_128 : vector<16xf32>
        %sub3A_2775 = arith.subf %get3A_2739, %gather3A_129 : vector<16xf32>
        %sub3A_2776 = arith.subf %get3A_2741, %gather3A_130 : vector<16xf32>
        %mul3A_2777 = arith.mulf %sub3A_2774, %sub3A_2774 : vector<16xf32>
        %mul3A_2778 = arith.mulf %sub3A_2775, %sub3A_2775 : vector<16xf32>
        %add3A_2779 = arith.addf %mul3A_2777, %mul3A_2778 : vector<16xf32>
        %mul3A_2780 = arith.mulf %sub3A_2776, %sub3A_2776 : vector<16xf32>
        %add3A_2781 = arith.addf %add3A_2779, %mul3A_2780 : vector<16xf32>
        %lt3A_2782 = arith.constant 4.000000e-02 : f32
        %lt3A_2783 = vector.broadcast %lt3A_2782 : f32 to vector<16xf32>
        %lt3A_2784 = arith.cmpf olt, %add3A_2781, %lt3A_2783 : vector<16xf32>
        %masked_cumsum3A_2785 = tpu.scan <sum>, %broadcast_in_dim3A_71 masked %lt3A_2784 : vector<16xi32>, vector<16xi1> -> vector<16xi32>
        %add3A_2786 = arith.addi %add3A_2655, %masked_cumsum3A_2785 : vector<16xi32>
        tpu.vector_store_idx %arg11[%add3A_2786], %add3A_2743 masked %lt3A_2784 : memref<66048xi32, #tpu.memory_space<vmem>>[vector<16xi32>], vector<16xi32>, vector<16xi1>
        %all_reduce_population_count3A_2787 = tpu.all_reduce %lt3A_2784 {dim = 0 : i64, kind = #tpu.reduction_kind<sum>} : vector<16xi1> -> vector<16xi32>
        %add3A_2788 = arith.addi %add3A_2655, %all_reduce_population_count3A_2787 : vector<16xi32>
        %sub3A_2789 = arith.subf %get3A_2737, %gather3A_141 : vector<16xf32>
        %sub3A_2790 = arith.subf %get3A_2739, %gather3A_142 : vector<16xf32>
        %sub3A_2791 = arith.subf %get3A_2741, %gather3A_143 : vector<16xf32>
        %mul3A_2792 = arith.mulf %sub3A_2789, %sub3A_2789 : vector<16xf32>
        %mul3A_2793 = arith.mulf %sub3A_2790, %sub3A_2790 : vector<16xf32>
        %add3A_2794 = arith.addf %mul3A_2792, %mul3A_2793 : vector<16xf32>
        %mul3A_2795 = arith.mulf %sub3A_2791, %sub3A_2791 : vector<16xf32>
        %add3A_2796 = arith.addf %add3A_2794, %mul3A_2795 : vector<16xf32>
        %lt3A_2797 = arith.constant 4.000000e-02 : f32
        %lt3A_2798 = vector.broadcast %lt3A_2797 : f32 to vector<16xf32>
        %lt3A_2799 = arith.cmpf olt, %add3A_2796, %lt3A_2798 : vector<16xf32>
        %masked_cumsum3A_2800 = tpu.scan <sum>, %broadcast_in_dim3A_71 masked %lt3A_2799 : vector<16xi32>, vector<16xi1> -> vector<16xi32>
        %add3A_2801 = arith.addi %add3A_2670, %masked_cumsum3A_2800 : vector<16xi32>
        tpu.vector_store_idx %arg11[%add3A_2801], %add3A_2743 masked %lt3A_2799 : memref<66048xi32, #tpu.memory_space<vmem>>[vector<16xi32>], vector<16xi32>, vector<16xi1>
        %all_reduce_population_count3A_2802 = tpu.all_reduce %lt3A_2799 {dim = 0 : i64, kind = #tpu.reduction_kind<sum>} : vector<16xi1> -> vector<16xi32>
        %add3A_2803 = arith.addi %add3A_2670, %all_reduce_population_count3A_2802 : vector<16xi32>
        %sub3A_2804 = arith.subf %get3A_2737, %gather3A_154 : vector<16xf32>
        %sub3A_2805 = arith.subf %get3A_2739, %gather3A_155 : vector<16xf32>
        %sub3A_2806 = arith.subf %get3A_2741, %gather3A_156 : vector<16xf32>
        %mul3A_2807 = arith.mulf %sub3A_2804, %sub3A_2804 : vector<16xf32>
        %mul3A_2808 = arith.mulf %sub3A_2805, %sub3A_2805 : vector<16xf32>
        %add3A_2809 = arith.addf %mul3A_2807, %mul3A_2808 : vector<16xf32>
        %mul3A_2810 = arith.mulf %sub3A_2806, %sub3A_2806 : vector<16xf32>
        %add3A_2811 = arith.addf %add3A_2809, %mul3A_2810 : vector<16xf32>
        %lt3A_2812 = arith.constant 4.000000e-02 : f32
        %lt3A_2813 = vector.broadcast %lt3A_2812 : f32 to vector<16xf32>
        %lt3A_2814 = arith.cmpf olt, %add3A_2811, %lt3A_2813 : vector<16xf32>
        %masked_cumsum3A_2815 = tpu.scan <sum>, %broadcast_in_dim3A_71 masked %lt3A_2814 : vector<16xi32>, vector<16xi1> -> vector<16xi32>
        %add3A_2816 = arith.addi %add3A_2685, %masked_cumsum3A_2815 : vector<16xi32>
        tpu.vector_store_idx %arg11[%add3A_2816], %add3A_2743 masked %lt3A_2814 : memref<66048xi32, #tpu.memory_space<vmem>>[vector<16xi32>], vector<16xi32>, vector<16xi1>
        %all_reduce_population_count3A_2817 = tpu.all_reduce %lt3A_2814 {dim = 0 : i64, kind = #tpu.reduction_kind<sum>} : vector<16xi1> -> vector<16xi32>
        %add3A_2818 = arith.addi %add3A_2685, %all_reduce_population_count3A_2817 : vector<16xi32>
        %sub3A_2819 = arith.subf %get3A_2737, %gather3A_167 : vector<16xf32>
        %sub3A_2820 = arith.subf %get3A_2739, %gather3A_168 : vector<16xf32>
        %sub3A_2821 = arith.subf %get3A_2741, %gather3A_169 : vector<16xf32>
        %mul3A_2822 = arith.mulf %sub3A_2819, %sub3A_2819 : vector<16xf32>
        %mul3A_2823 = arith.mulf %sub3A_2820, %sub3A_2820 : vector<16xf32>
        %add3A_2824 = arith.addf %mul3A_2822, %mul3A_2823 : vector<16xf32>
        %mul3A_2825 = arith.mulf %sub3A_2821, %sub3A_2821 : vector<16xf32>
        %add3A_2826 = arith.addf %add3A_2824, %mul3A_2825 : vector<16xf32>
        %lt3A_2827 = arith.constant 4.000000e-02 : f32
        %lt3A_2828 = vector.broadcast %lt3A_2827 : f32 to vector<16xf32>
        %lt3A_2829 = arith.cmpf olt, %add3A_2826, %lt3A_2828 : vector<16xf32>
        %masked_cumsum3A_2830 = tpu.scan <sum>, %broadcast_in_dim3A_71 masked %lt3A_2829 : vector<16xi32>, vector<16xi1> -> vector<16xi32>
        %add3A_2831 = arith.addi %add3A_2700, %masked_cumsum3A_2830 : vector<16xi32>
        tpu.vector_store_idx %arg11[%add3A_2831], %add3A_2743 masked %lt3A_2829 : memref<66048xi32, #tpu.memory_space<vmem>>[vector<16xi32>], vector<16xi32>, vector<16xi1>
        %all_reduce_population_count3A_2832 = tpu.all_reduce %lt3A_2829 {dim = 0 : i64, kind = #tpu.reduction_kind<sum>} : vector<16xi1> -> vector<16xi32>
        %add3A_2833 = arith.addi %add3A_2700, %all_reduce_population_count3A_2832 : vector<16xi32>
        %sub3A_2834 = arith.subf %get3A_2737, %gather3A_180 : vector<16xf32>
        %sub3A_2835 = arith.subf %get3A_2739, %gather3A_181 : vector<16xf32>
        %sub3A_2836 = arith.subf %get3A_2741, %gather3A_182 : vector<16xf32>
        %mul3A_2837 = arith.mulf %sub3A_2834, %sub3A_2834 : vector<16xf32>
        %mul3A_2838 = arith.mulf %sub3A_2835, %sub3A_2835 : vector<16xf32>
        %add3A_2839 = arith.addf %mul3A_2837, %mul3A_2838 : vector<16xf32>
        %mul3A_2840 = arith.mulf %sub3A_2836, %sub3A_2836 : vector<16xf32>
        %add3A_2841 = arith.addf %add3A_2839, %mul3A_2840 : vector<16xf32>
        %lt3A_2842 = arith.constant 4.000000e-02 : f32
        %lt3A_2843 = vector.broadcast %lt3A_2842 : f32 to vector<16xf32>
        %lt3A_2844 = arith.cmpf olt, %add3A_2841, %lt3A_2843 : vector<16xf32>
        %masked_cumsum3A_2845 = tpu.scan <sum>, %broadcast_in_dim3A_71 masked %lt3A_2844 : vector<16xi32>, vector<16xi1> -> vector<16xi32>
        %add3A_2846 = arith.addi %add3A_2715, %masked_cumsum3A_2845 : vector<16xi32>
        tpu.vector_store_idx %arg11[%add3A_2846], %add3A_2743 masked %lt3A_2844 : memref<66048xi32, #tpu.memory_space<vmem>>[vector<16xi32>], vector<16xi32>, vector<16xi1>
        %all_reduce_population_count3A_2847 = tpu.all_reduce %lt3A_2844 {dim = 0 : i64, kind = #tpu.reduction_kind<sum>} : vector<16xi1> -> vector<16xi32>
        %add3A_2848 = arith.addi %add3A_2715, %all_reduce_population_count3A_2847 : vector<16xi32>
        %sub3A_2849 = arith.subf %get3A_2737, %gather3A_193 : vector<16xf32>
        %sub3A_2850 = arith.subf %get3A_2739, %gather3A_194 : vector<16xf32>
        %sub3A_2851 = arith.subf %get3A_2741, %gather3A_195 : vector<16xf32>
        %mul3A_2852 = arith.mulf %sub3A_2849, %sub3A_2849 : vector<16xf32>
        %mul3A_2853 = arith.mulf %sub3A_2850, %sub3A_2850 : vector<16xf32>
        %add3A_2854 = arith.addf %mul3A_2852, %mul3A_2853 : vector<16xf32>
        %mul3A_2855 = arith.mulf %sub3A_2851, %sub3A_2851 : vector<16xf32>
        %add3A_2856 = arith.addf %add3A_2854, %mul3A_2855 : vector<16xf32>
        %lt3A_2857 = arith.constant 4.000000e-02 : f32
        %lt3A_2858 = vector.broadcast %lt3A_2857 : f32 to vector<16xf32>
        %lt3A_2859 = arith.cmpf olt, %add3A_2856, %lt3A_2858 : vector<16xf32>
        %masked_cumsum3A_2860 = tpu.scan <sum>, %broadcast_in_dim3A_71 masked %lt3A_2859 : vector<16xi32>, vector<16xi1> -> vector<16xi32>
        %add3A_2861 = arith.addi %add3A_2730, %masked_cumsum3A_2860 : vector<16xi32>
        tpu.vector_store_idx %arg11[%add3A_2861], %add3A_2743 masked %lt3A_2859 : memref<66048xi32, #tpu.memory_space<vmem>>[vector<16xi32>], vector<16xi32>, vector<16xi1>
        %all_reduce_population_count3A_2862 = tpu.all_reduce %lt3A_2859 {dim = 0 : i64, kind = #tpu.reduction_kind<sum>} : vector<16xi1> -> vector<16xi32>
        %add3A_2863 = arith.addi %add3A_2730, %all_reduce_population_count3A_2862 : vector<16xi32>
        %add3A_2864 = arith.constant 15 : i32
        %add3A_2865 = arith.addi %while3A_862, %add3A_2864 : i32
        %mul3A_2866 = arith.constant 16 : i32
        %mul3A_2867 = arith.muli %add3A_2865, %mul3A_2866 : i32
        %multiple_of3A_2868 = tpu.assume_multiple %mul3A_2867, 16 : i32
        %get3A_2869 = arith.index_cast %multiple_of3A_2868 : i32 to index
        %get3A_2870 = tpu.vector_load %arg5[%get3A_2869] {strides = array<i32>} : memref<8192xf32, #tpu.memory_space<vmem>>, vector<16xf32>,
        %get3A_2871 = arith.index_cast %multiple_of3A_2868 : i32 to index
        %get3A_2872 = tpu.vector_load %arg6[%get3A_2871] {strides = array<i32>} : memref<8192xf32, #tpu.memory_space<vmem>>, vector<16xf32>,
        %get3A_2873 = arith.index_cast %multiple_of3A_2868 : i32 to index
        %get3A_2874 = tpu.vector_load %arg7[%get3A_2873] {strides = array<i32>} : memref<8192xf32, #tpu.memory_space<vmem>>, vector<16xf32>,
        %add3A_2875 = vector.broadcast %multiple_of3A_2868 : i32 to vector<16xi32>
        %add3A_2876 = arith.addi %add3A_2875, %iota3A : vector<16xi32>
        %sub3A_2877 = arith.subf %get3A_2870, %gather3A : vector<16xf32>
        %sub3A_2878 = arith.subf %get3A_2872, %gather3A_104 : vector<16xf32>
        %sub3A_2879 = arith.subf %get3A_2874, %gather3A_105 : vector<16xf32>
        %mul3A_2880 = arith.mulf %sub3A_2877, %sub3A_2877 : vector<16xf32>
        %mul3A_2881 = arith.mulf %sub3A_2878, %sub3A_2878 : vector<16xf32>
        %add3A_2882 = arith.addf %mul3A_2880, %mul3A_2881 : vector<16xf32>
        %mul3A_2883 = arith.mulf %sub3A_2879, %sub3A_2879 : vector<16xf32>
        %add3A_2884 = arith.addf %add3A_2882, %mul3A_2883 : vector<16xf32>
        %lt3A_2885 = arith.constant 4.000000e-02 : f32
        %lt3A_2886 = vector.broadcast %lt3A_2885 : f32 to vector<16xf32>
        %lt3A_2887 = arith.cmpf olt, %add3A_2884, %lt3A_2886 : vector<16xf32>
        %masked_cumsum3A_2888 = tpu.scan <sum>, %broadcast_in_dim3A_71 masked %lt3A_2887 : vector<16xi32>, vector<16xi1> -> vector<16xi32>
        %add3A_2889 = arith.addi %add3A_2758, %masked_cumsum3A_2888 : vector<16xi32>
        tpu.vector_store_idx %arg11[%add3A_2889], %add3A_2876 masked %lt3A_2887 : memref<66048xi32, #tpu.memory_space<vmem>>[vector<16xi32>], vector<16xi32>, vector<16xi1>
        %all_reduce_population_count3A_2890 = tpu.all_reduce %lt3A_2887 {dim = 0 : i64, kind = #tpu.reduction_kind<sum>} : vector<16xi1> -> vector<16xi32>
        %add3A_2891 = arith.addi %add3A_2758, %all_reduce_population_count3A_2890 : vector<16xi32>
        %sub3A_2892 = arith.subf %get3A_2870, %gather3A_115 : vector<16xf32>
        %sub3A_2893 = arith.subf %get3A_2872, %gather3A_116 : vector<16xf32>
        %sub3A_2894 = arith.subf %get3A_2874, %gather3A_117 : vector<16xf32>
        %mul3A_2895 = arith.mulf %sub3A_2892, %sub3A_2892 : vector<16xf32>
        %mul3A_2896 = arith.mulf %sub3A_2893, %sub3A_2893 : vector<16xf32>
        %add3A_2897 = arith.addf %mul3A_2895, %mul3A_2896 : vector<16xf32>
        %mul3A_2898 = arith.mulf %sub3A_2894, %sub3A_2894 : vector<16xf32>
        %add3A_2899 = arith.addf %add3A_2897, %mul3A_2898 : vector<16xf32>
        %lt3A_2900 = arith.constant 4.000000e-02 : f32
        %lt3A_2901 = vector.broadcast %lt3A_2900 : f32 to vector<16xf32>
        %lt3A_2902 = arith.cmpf olt, %add3A_2899, %lt3A_2901 : vector<16xf32>
        %masked_cumsum3A_2903 = tpu.scan <sum>, %broadcast_in_dim3A_71 masked %lt3A_2902 : vector<16xi32>, vector<16xi1> -> vector<16xi32>
        %add3A_2904 = arith.addi %add3A_2773, %masked_cumsum3A_2903 : vector<16xi32>
        tpu.vector_store_idx %arg11[%add3A_2904], %add3A_2876 masked %lt3A_2902 : memref<66048xi32, #tpu.memory_space<vmem>>[vector<16xi32>], vector<16xi32>, vector<16xi1>
        %all_reduce_population_count3A_2905 = tpu.all_reduce %lt3A_2902 {dim = 0 : i64, kind = #tpu.reduction_kind<sum>} : vector<16xi1> -> vector<16xi32>
        %add3A_2906 = arith.addi %add3A_2773, %all_reduce_population_count3A_2905 : vector<16xi32>
        %sub3A_2907 = arith.subf %get3A_2870, %gather3A_128 : vector<16xf32>
        %sub3A_2908 = arith.subf %get3A_2872, %gather3A_129 : vector<16xf32>
        %sub3A_2909 = arith.subf %get3A_2874, %gather3A_130 : vector<16xf32>
        %mul3A_2910 = arith.mulf %sub3A_2907, %sub3A_2907 : vector<16xf32>
        %mul3A_2911 = arith.mulf %sub3A_2908, %sub3A_2908 : vector<16xf32>
        %add3A_2912 = arith.addf %mul3A_2910, %mul3A_2911 : vector<16xf32>
        %mul3A_2913 = arith.mulf %sub3A_2909, %sub3A_2909 : vector<16xf32>
        %add3A_2914 = arith.addf %add3A_2912, %mul3A_2913 : vector<16xf32>
        %lt3A_2915 = arith.constant 4.000000e-02 : f32
        %lt3A_2916 = vector.broadcast %lt3A_2915 : f32 to vector<16xf32>
        %lt3A_2917 = arith.cmpf olt, %add3A_2914, %lt3A_2916 : vector<16xf32>
        %masked_cumsum3A_2918 = tpu.scan <sum>, %broadcast_in_dim3A_71 masked %lt3A_2917 : vector<16xi32>, vector<16xi1> -> vector<16xi32>
        %add3A_2919 = arith.addi %add3A_2788, %masked_cumsum3A_2918 : vector<16xi32>
        tpu.vector_store_idx %arg11[%add3A_2919], %add3A_2876 masked %lt3A_2917 : memref<66048xi32, #tpu.memory_space<vmem>>[vector<16xi32>], vector<16xi32>, vector<16xi1>
        %all_reduce_population_count3A_2920 = tpu.all_reduce %lt3A_2917 {dim = 0 : i64, kind = #tpu.reduction_kind<sum>} : vector<16xi1> -> vector<16xi32>
        %add3A_2921 = arith.addi %add3A_2788, %all_reduce_population_count3A_2920 : vector<16xi32>
        %sub3A_2922 = arith.subf %get3A_2870, %gather3A_141 : vector<16xf32>
        %sub3A_2923 = arith.subf %get3A_2872, %gather3A_142 : vector<16xf32>
        %sub3A_2924 = arith.subf %get3A_2874, %gather3A_143 : vector<16xf32>
        %mul3A_2925 = arith.mulf %sub3A_2922, %sub3A_2922 : vector<16xf32>
        %mul3A_2926 = arith.mulf %sub3A_2923, %sub3A_2923 : vector<16xf32>
        %add3A_2927 = arith.addf %mul3A_2925, %mul3A_2926 : vector<16xf32>
        %mul3A_2928 = arith.mulf %sub3A_2924, %sub3A_2924 : vector<16xf32>
        %add3A_2929 = arith.addf %add3A_2927, %mul3A_2928 : vector<16xf32>
        %lt3A_2930 = arith.constant 4.000000e-02 : f32
        %lt3A_2931 = vector.broadcast %lt3A_2930 : f32 to vector<16xf32>
        %lt3A_2932 = arith.cmpf olt, %add3A_2929, %lt3A_2931 : vector<16xf32>
        %masked_cumsum3A_2933 = tpu.scan <sum>, %broadcast_in_dim3A_71 masked %lt3A_2932 : vector<16xi32>, vector<16xi1> -> vector<16xi32>
        %add3A_2934 = arith.addi %add3A_2803, %masked_cumsum3A_2933 : vector<16xi32>
        tpu.vector_store_idx %arg11[%add3A_2934], %add3A_2876 masked %lt3A_2932 : memref<66048xi32, #tpu.memory_space<vmem>>[vector<16xi32>], vector<16xi32>, vector<16xi1>
        %all_reduce_population_count3A_2935 = tpu.all_reduce %lt3A_2932 {dim = 0 : i64, kind = #tpu.reduction_kind<sum>} : vector<16xi1> -> vector<16xi32>
        %add3A_2936 = arith.addi %add3A_2803, %all_reduce_population_count3A_2935 : vector<16xi32>
        %sub3A_2937 = arith.subf %get3A_2870, %gather3A_154 : vector<16xf32>
        %sub3A_2938 = arith.subf %get3A_2872, %gather3A_155 : vector<16xf32>
        %sub3A_2939 = arith.subf %get3A_2874, %gather3A_156 : vector<16xf32>
        %mul3A_2940 = arith.mulf %sub3A_2937, %sub3A_2937 : vector<16xf32>
        %mul3A_2941 = arith.mulf %sub3A_2938, %sub3A_2938 : vector<16xf32>
        %add3A_2942 = arith.addf %mul3A_2940, %mul3A_2941 : vector<16xf32>
        %mul3A_2943 = arith.mulf %sub3A_2939, %sub3A_2939 : vector<16xf32>
        %add3A_2944 = arith.addf %add3A_2942, %mul3A_2943 : vector<16xf32>
        %lt3A_2945 = arith.constant 4.000000e-02 : f32
        %lt3A_2946 = vector.broadcast %lt3A_2945 : f32 to vector<16xf32>
        %lt3A_2947 = arith.cmpf olt, %add3A_2944, %lt3A_2946 : vector<16xf32>
        %masked_cumsum3A_2948 = tpu.scan <sum>, %broadcast_in_dim3A_71 masked %lt3A_2947 : vector<16xi32>, vector<16xi1> -> vector<16xi32>
        %add3A_2949 = arith.addi %add3A_2818, %masked_cumsum3A_2948 : vector<16xi32>
        tpu.vector_store_idx %arg11[%add3A_2949], %add3A_2876 masked %lt3A_2947 : memref<66048xi32, #tpu.memory_space<vmem>>[vector<16xi32>], vector<16xi32>, vector<16xi1>
        %all_reduce_population_count3A_2950 = tpu.all_reduce %lt3A_2947 {dim = 0 : i64, kind = #tpu.reduction_kind<sum>} : vector<16xi1> -> vector<16xi32>
        %add3A_2951 = arith.addi %add3A_2818, %all_reduce_population_count3A_2950 : vector<16xi32>
        %sub3A_2952 = arith.subf %get3A_2870, %gather3A_167 : vector<16xf32>
        %sub3A_2953 = arith.subf %get3A_2872, %gather3A_168 : vector<16xf32>
        %sub3A_2954 = arith.subf %get3A_2874, %gather3A_169 : vector<16xf32>
        %mul3A_2955 = arith.mulf %sub3A_2952, %sub3A_2952 : vector<16xf32>
        %mul3A_2956 = arith.mulf %sub3A_2953, %sub3A_2953 : vector<16xf32>
        %add3A_2957 = arith.addf %mul3A_2955, %mul3A_2956 : vector<16xf32>
        %mul3A_2958 = arith.mulf %sub3A_2954, %sub3A_2954 : vector<16xf32>
        %add3A_2959 = arith.addf %add3A_2957, %mul3A_2958 : vector<16xf32>
        %lt3A_2960 = arith.constant 4.000000e-02 : f32
        %lt3A_2961 = vector.broadcast %lt3A_2960 : f32 to vector<16xf32>
        %lt3A_2962 = arith.cmpf olt, %add3A_2959, %lt3A_2961 : vector<16xf32>
        %masked_cumsum3A_2963 = tpu.scan <sum>, %broadcast_in_dim3A_71 masked %lt3A_2962 : vector<16xi32>, vector<16xi1> -> vector<16xi32>
        %add3A_2964 = arith.addi %add3A_2833, %masked_cumsum3A_2963 : vector<16xi32>
        tpu.vector_store_idx %arg11[%add3A_2964], %add3A_2876 masked %lt3A_2962 : memref<66048xi32, #tpu.memory_space<vmem>>[vector<16xi32>], vector<16xi32>, vector<16xi1>
        %all_reduce_population_count3A_2965 = tpu.all_reduce %lt3A_2962 {dim = 0 : i64, kind = #tpu.reduction_kind<sum>} : vector<16xi1> -> vector<16xi32>
        %add3A_2966 = arith.addi %add3A_2833, %all_reduce_population_count3A_2965 : vector<16xi32>
        %sub3A_2967 = arith.subf %get3A_2870, %gather3A_180 : vector<16xf32>
        %sub3A_2968 = arith.subf %get3A_2872, %gather3A_181 : vector<16xf32>
        %sub3A_2969 = arith.subf %get3A_2874, %gather3A_182 : vector<16xf32>
        %mul3A_2970 = arith.mulf %sub3A_2967, %sub3A_2967 : vector<16xf32>
        %mul3A_2971 = arith.mulf %sub3A_2968, %sub3A_2968 : vector<16xf32>
        %add3A_2972 = arith.addf %mul3A_2970, %mul3A_2971 : vector<16xf32>
        %mul3A_2973 = arith.mulf %sub3A_2969, %sub3A_2969 : vector<16xf32>
        %add3A_2974 = arith.addf %add3A_2972, %mul3A_2973 : vector<16xf32>
        %lt3A_2975 = arith.constant 4.000000e-02 : f32
        %lt3A_2976 = vector.broadcast %lt3A_2975 : f32 to vector<16xf32>
        %lt3A_2977 = arith.cmpf olt, %add3A_2974, %lt3A_2976 : vector<16xf32>
        %masked_cumsum3A_2978 = tpu.scan <sum>, %broadcast_in_dim3A_71 masked %lt3A_2977 : vector<16xi32>, vector<16xi1> -> vector<16xi32>
        %add3A_2979 = arith.addi %add3A_2848, %masked_cumsum3A_2978 : vector<16xi32>
        tpu.vector_store_idx %arg11[%add3A_2979], %add3A_2876 masked %lt3A_2977 : memref<66048xi32, #tpu.memory_space<vmem>>[vector<16xi32>], vector<16xi32>, vector<16xi1>
        %all_reduce_population_count3A_2980 = tpu.all_reduce %lt3A_2977 {dim = 0 : i64, kind = #tpu.reduction_kind<sum>} : vector<16xi1> -> vector<16xi32>
        %add3A_2981 = arith.addi %add3A_2848, %all_reduce_population_count3A_2980 : vector<16xi32>
        %sub3A_2982 = arith.subf %get3A_2870, %gather3A_193 : vector<16xf32>
        %sub3A_2983 = arith.subf %get3A_2872, %gather3A_194 : vector<16xf32>
        %sub3A_2984 = arith.subf %get3A_2874, %gather3A_195 : vector<16xf32>
        %mul3A_2985 = arith.mulf %sub3A_2982, %sub3A_2982 : vector<16xf32>
        %mul3A_2986 = arith.mulf %sub3A_2983, %sub3A_2983 : vector<16xf32>
        %add3A_2987 = arith.addf %mul3A_2985, %mul3A_2986 : vector<16xf32>
        %mul3A_2988 = arith.mulf %sub3A_2984, %sub3A_2984 : vector<16xf32>
        %add3A_2989 = arith.addf %add3A_2987, %mul3A_2988 : vector<16xf32>
        %lt3A_2990 = arith.constant 4.000000e-02 : f32
        %lt3A_2991 = vector.broadcast %lt3A_2990 : f32 to vector<16xf32>
        %lt3A_2992 = arith.cmpf olt, %add3A_2989, %lt3A_2991 : vector<16xf32>
        %masked_cumsum3A_2993 = tpu.scan <sum>, %broadcast_in_dim3A_71 masked %lt3A_2992 : vector<16xi32>, vector<16xi1> -> vector<16xi32>
        %add3A_2994 = arith.addi %add3A_2863, %masked_cumsum3A_2993 : vector<16xi32>
        tpu.vector_store_idx %arg11[%add3A_2994], %add3A_2876 masked %lt3A_2992 : memref<66048xi32, #tpu.memory_space<vmem>>[vector<16xi32>], vector<16xi32>, vector<16xi1>
        %all_reduce_population_count3A_2995 = tpu.all_reduce %lt3A_2992 {dim = 0 : i64, kind = #tpu.reduction_kind<sum>} : vector<16xi1> -> vector<16xi32>
        %add3A_2996 = arith.addi %add3A_2863, %all_reduce_population_count3A_2995 : vector<16xi32>
        %add3A_2997 = arith.constant 16 : i32
        %add3A_2998 = arith.addi %while3A_862, %add3A_2997 : i32
        scf.yield %add3A_2998, %add3A_2891, %add3A_2906, %add3A_2921, %add3A_2936, %add3A_2951, %add3A_2966, %add3A_2981, %add3A_2996 : i32, vector<16xi32>, vector<16xi32>, vector<16xi32>, vector<16xi32>, vector<16xi32>, vector<16xi32>, vector<16xi32>, vector<16xi32>
      }
      %sub3A_201 = arith.subi %while3A_200#1, %broadcast_in_dim3A_73 : vector<16xi32>
      %get3A = arith.constant 0 : index
      %get3A_202 = tpu.vector_load %arg11[%get3A] {strides = array<i32>} : memref<66048xi32, #tpu.memory_space<vmem>>, vector<16xi32>,
      %lt3A_203 = arith.constant 0 : i32
      %lt3A_204 = vector.broadcast %lt3A_203 : i32 to vector<16xi32>
      %lt3A_205 = arith.cmpi slt, %broadcast_in_dim3A_69, %lt3A_204 : vector<16xi32>
      %add3A_206 = arith.constant 16 : i32
      %add3A_207 = vector.broadcast %add3A_206 : i32 to vector<16xi32>
      %add3A_208 = arith.addi %broadcast_in_dim3A_69, %add3A_207 : vector<16xi32>
      %select_n3A_209 = arith.select %lt3A_205, %add3A_208, %broadcast_in_dim3A_69 : vector<16xi1>, vector<16xi32>
      %reshape3A = vector.shape_cast %select_n3A_209 : vector<16xi32> to vector<16x1xi32>
      %gather3A_210 = vector.shape_cast %reshape3A : vector<16x1xi32> to vector<16xi32>
      %gather3A_211 = tpu.dynamic_gather %get3A_202[%gather3A_210] in [0] : vector<16xi32>, vector<16xi32> -> vector<16xi32>
      %add3A_212 = arith.constant 0 : i32
      %add3A_213 = vector.broadcast %add3A_212 : i32 to vector<16xi32>
      %add3A_214 = arith.addi %iota3A, %add3A_213 : vector<16xi32>
      %lt3A_215 = arith.cmpi slt, %add3A_214, %sub3A_201 : vector<16xi32>
      %mul3A_216 = arith.constant 8 : i32
      %mul3A_217 = arith.muli %scan3A_97, %mul3A_216 : i32
      %add3A_218 = arith.constant 0 : i32
      %add3A_219 = arith.addi %mul3A_217, %add3A_218 : i32
      %mul3A_220 = arith.constant 64 : i32
      %mul3A_221 = arith.muli %add3A_219, %mul3A_220 : i32
      %add3A_222 = arith.constant 0 : i32
      %add3A_223 = arith.addi %mul3A_221, %add3A_222 : i32
      %multiple_of3A = tpu.assume_multiple %add3A_223, 16 : i32
      %select_n3A_224 = arith.select %lt3A_215, %get3A_202, %gather3A_211 : vector<16xi1>, vector<16xi32>
      %swap3A_225 = arith.index_cast %multiple_of3A : i32 to index
      %swap3A_226 = tpu.vector_load %arg12[%swap3A_225] {strides = array<i32>} : memref<8192xi32, #tpu.memory_space<vmem>>, vector<16xi32>,
      tpu.vector_store %arg12[%swap3A_225], %select_n3A_224 {strides = array<i32>} : memref<8192xi32, #tpu.memory_space<vmem>>, vector<16xi32>,
      %get3A_227 = arith.constant 16 : index
      %get3A_228 = tpu.vector_load %arg11[%get3A_227] {strides = array<i32>} : memref<66048xi32, #tpu.memory_space<vmem>>, vector<16xi32>,
      %add3A_229 = arith.constant 16 : i32
      %add3A_230 = vector.broadcast %add3A_229 : i32 to vector<16xi32>
      %add3A_231 = arith.addi %iota3A, %add3A_230 : vector<16xi32>
      %lt3A_232 = arith.cmpi slt, %add3A_231, %sub3A_201 : vector<16xi32>
      %mul3A_233 = arith.constant 8 : i32
      %mul3A_234 = arith.muli %scan3A_97, %mul3A_233 : i32
      %add3A_235 = arith.constant 0 : i32
      %add3A_236 = arith.addi %mul3A_234, %add3A_235 : i32
      %mul3A_237 = arith.constant 64 : i32
      %mul3A_238 = arith.muli %add3A_236, %mul3A_237 : i32
      %add3A_239 = arith.constant 16 : i32
      %add3A_240 = arith.addi %mul3A_238, %add3A_239 : i32
      %multiple_of3A_241 = tpu.assume_multiple %add3A_240, 16 : i32
      %select_n3A_242 = arith.select %lt3A_232, %get3A_228, %gather3A_211 : vector<16xi1>, vector<16xi32>
      %swap3A_243 = arith.index_cast %multiple_of3A_241 : i32 to index
      %swap3A_244 = tpu.vector_load %arg12[%swap3A_243] {strides = array<i32>} : memref<8192xi32, #tpu.memory_space<vmem>>, vector<16xi32>,
      tpu.vector_store %arg12[%swap3A_243], %select_n3A_242 {strides = array<i32>} : memref<8192xi32, #tpu.memory_space<vmem>>, vector<16xi32>,
      %get3A_245 = arith.constant 32 : index
      %get3A_246 = tpu.vector_load %arg11[%get3A_245] {strides = array<i32>} : memref<66048xi32, #tpu.memory_space<vmem>>, vector<16xi32>,
      %add3A_247 = arith.constant 32 : i32
      %add3A_248 = vector.broadcast %add3A_247 : i32 to vector<16xi32>
      %add3A_249 = arith.addi %iota3A, %add3A_248 : vector<16xi32>
      %lt3A_250 = arith.cmpi slt, %add3A_249, %sub3A_201 : vector<16xi32>
      %mul3A_251 = arith.constant 8 : i32
      %mul3A_252 = arith.muli %scan3A_97, %mul3A_251 : i32
      %add3A_253 = arith.constant 0 : i32
      %add3A_254 = arith.addi %mul3A_252, %add3A_253 : i32
      %mul3A_255 = arith.constant 64 : i32
      %mul3A_256 = arith.muli %add3A_254, %mul3A_255 : i32
      %add3A_257 = arith.constant 32 : i32
      %add3A_258 = arith.addi %mul3A_256, %add3A_257 : i32
      %multiple_of3A_259 = tpu.assume_multiple %add3A_258, 16 : i32
      %select_n3A_260 = arith.select %lt3A_250, %get3A_246, %gather3A_211 : vector<16xi1>, vector<16xi32>
      %swap3A_261 = arith.index_cast %multiple_of3A_259 : i32 to index
      %swap3A_262 = tpu.vector_load %arg12[%swap3A_261] {strides = array<i32>} : memref<8192xi32, #tpu.memory_space<vmem>>, vector<16xi32>,
      tpu.vector_store %arg12[%swap3A_261], %select_n3A_260 {strides = array<i32>} : memref<8192xi32, #tpu.memory_space<vmem>>, vector<16xi32>,
      %get3A_263 = arith.constant 48 : index
      %get3A_264 = tpu.vector_load %arg11[%get3A_263] {strides = array<i32>} : memref<66048xi32, #tpu.memory_space<vmem>>, vector<16xi32>,
      %add3A_265 = arith.constant 48 : i32
      %add3A_266 = vector.broadcast %add3A_265 : i32 to vector<16xi32>
      %add3A_267 = arith.addi %iota3A, %add3A_266 : vector<16xi32>
      %lt3A_268 = arith.cmpi slt, %add3A_267, %sub3A_201 : vector<16xi32>
      %mul3A_269 = arith.constant 8 : i32
      %mul3A_270 = arith.muli %scan3A_97, %mul3A_269 : i32
      %add3A_271 = arith.constant 0 : i32
      %add3A_272 = arith.addi %mul3A_270, %add3A_271 : i32
      %mul3A_273 = arith.constant 64 : i32
      %mul3A_274 = arith.muli %add3A_272, %mul3A_273 : i32
      %add3A_275 = arith.constant 48 : i32
      %add3A_276 = arith.addi %mul3A_274, %add3A_275 : i32
      %multiple_of3A_277 = tpu.assume_multiple %add3A_276, 16 : i32
      %select_n3A_278 = arith.select %lt3A_268, %get3A_264, %gather3A_211 : vector<16xi1>, vector<16xi32>
      %swap3A_279 = arith.index_cast %multiple_of3A_277 : i32 to index
      %swap3A_280 = tpu.vector_load %arg12[%swap3A_279] {strides = array<i32>} : memref<8192xi32, #tpu.memory_space<vmem>>, vector<16xi32>,
      tpu.vector_store %arg12[%swap3A_279], %select_n3A_278 {strides = array<i32>} : memref<8192xi32, #tpu.memory_space<vmem>>, vector<16xi32>,
      %sub3A_281 = arith.subi %while3A_200#2, %broadcast_in_dim3A_75 : vector<16xi32>
      %get3A_282 = arith.constant 8256 : index
      %get3A_283 = tpu.vector_load %arg11[%get3A_282] {strides = array<i32>} : memref<66048xi32, #tpu.memory_space<vmem>>, vector<16xi32>,
      %lt3A_284 = arith.constant 0 : i32
      %lt3A_285 = vector.broadcast %lt3A_284 : i32 to vector<16xi32>
      %lt3A_286 = arith.cmpi slt, %broadcast_in_dim3A_69, %lt3A_285 : vector<16xi32>
      %add3A_287 = arith.constant 16 : i32
      %add3A_288 = vector.broadcast %add3A_287 : i32 to vector<16xi32>
      %add3A_289 = arith.addi %broadcast_in_dim3A_69, %add3A_288 : vector<16xi32>
      %select_n3A_290 = arith.select %lt3A_286, %add3A_289, %broadcast_in_dim3A_69 : vector<16xi1>, vector<16xi32>
      %reshape3A_291 = vector.shape_cast %select_n3A_290 : vector<16xi32> to vector<16x1xi32>
      %gather3A_292 = vector.shape_cast %reshape3A_291 : vector<16x1xi32> to vector<16xi32>
      %gather3A_293 = tpu.dynamic_gather %get3A_283[%gather3A_292] in [0] : vector<16xi32>, vector<16xi32> -> vector<16xi32>
      %add3A_294 = arith.constant 0 : i32
      %add3A_295 = vector.broadcast %add3A_294 : i32 to vector<16xi32>
      %add3A_296 = arith.addi %iota3A, %add3A_295 : vector<16xi32>
      %lt3A_297 = arith.cmpi slt, %add3A_296, %sub3A_281 : vector<16xi32>
      %mul3A_298 = arith.constant 8 : i32
      %mul3A_299 = arith.muli %scan3A_97, %mul3A_298 : i32
      %add3A_300 = arith.constant 1 : i32
      %add3A_301 = arith.addi %mul3A_299, %add3A_300 : i32
      %mul3A_302 = arith.constant 64 : i32
      %mul3A_303 = arith.muli %add3A_301, %mul3A_302 : i32
      %add3A_304 = arith.constant 0 : i32
      %add3A_305 = arith.addi %mul3A_303, %add3A_304 : i32
      %multiple_of3A_306 = tpu.assume_multiple %add3A_305, 16 : i32
      %select_n3A_307 = arith.select %lt3A_297, %get3A_283, %gather3A_293 : vector<16xi1>, vector<16xi32>
      %swap3A_308 = arith.index_cast %multiple_of3A_306 : i32 to index
      %swap3A_309 = tpu.vector_load %arg12[%swap3A_308] {strides = array<i32>} : memref<8192xi32, #tpu.memory_space<vmem>>, vector<16xi32>,
      tpu.vector_store %arg12[%swap3A_308], %select_n3A_307 {strides = array<i32>} : memref<8192xi32, #tpu.memory_space<vmem>>, vector<16xi32>,
      %get3A_310 = arith.constant 8272 : index
      %get3A_311 = tpu.vector_load %arg11[%get3A_310] {strides = array<i32>} : memref<66048xi32, #tpu.memory_space<vmem>>, vector<16xi32>,
      %add3A_312 = arith.constant 16 : i32
      %add3A_313 = vector.broadcast %add3A_312 : i32 to vector<16xi32>
      %add3A_314 = arith.addi %iota3A, %add3A_313 : vector<16xi32>
      %lt3A_315 = arith.cmpi slt, %add3A_314, %sub3A_281 : vector<16xi32>
      %mul3A_316 = arith.constant 8 : i32
      %mul3A_317 = arith.muli %scan3A_97, %mul3A_316 : i32
      %add3A_318 = arith.constant 1 : i32
      %add3A_319 = arith.addi %mul3A_317, %add3A_318 : i32
      %mul3A_320 = arith.constant 64 : i32
      %mul3A_321 = arith.muli %add3A_319, %mul3A_320 : i32
      %add3A_322 = arith.constant 16 : i32
      %add3A_323 = arith.addi %mul3A_321, %add3A_322 : i32
      %multiple_of3A_324 = tpu.assume_multiple %add3A_323, 16 : i32
      %select_n3A_325 = arith.select %lt3A_315, %get3A_311, %gather3A_293 : vector<16xi1>, vector<16xi32>
      %swap3A_326 = arith.index_cast %multiple_of3A_324 : i32 to index
      %swap3A_327 = tpu.vector_load %arg12[%swap3A_326] {strides = array<i32>} : memref<8192xi32, #tpu.memory_space<vmem>>, vector<16xi32>,
      tpu.vector_store %arg12[%swap3A_326], %select_n3A_325 {strides = array<i32>} : memref<8192xi32, #tpu.memory_space<vmem>>, vector<16xi32>,
      %get3A_328 = arith.constant 8288 : index
      %get3A_329 = tpu.vector_load %arg11[%get3A_328] {strides = array<i32>} : memref<66048xi32, #tpu.memory_space<vmem>>, vector<16xi32>,
      %add3A_330 = arith.constant 32 : i32
      %add3A_331 = vector.broadcast %add3A_330 : i32 to vector<16xi32>
      %add3A_332 = arith.addi %iota3A, %add3A_331 : vector<16xi32>
      %lt3A_333 = arith.cmpi slt, %add3A_332, %sub3A_281 : vector<16xi32>
      %mul3A_334 = arith.constant 8 : i32
      %mul3A_335 = arith.muli %scan3A_97, %mul3A_334 : i32
      %add3A_336 = arith.constant 1 : i32
      %add3A_337 = arith.addi %mul3A_335, %add3A_336 : i32
      %mul3A_338 = arith.constant 64 : i32
      %mul3A_339 = arith.muli %add3A_337, %mul3A_338 : i32
      %add3A_340 = arith.constant 32 : i32
      %add3A_341 = arith.addi %mul3A_339, %add3A_340 : i32
      %multiple_of3A_342 = tpu.assume_multiple %add3A_341, 16 : i32
      %select_n3A_343 = arith.select %lt3A_333, %get3A_329, %gather3A_293 : vector<16xi1>, vector<16xi32>
      %swap3A_344 = arith.index_cast %multiple_of3A_342 : i32 to index
      %swap3A_345 = tpu.vector_load %arg12[%swap3A_344] {strides = array<i32>} : memref<8192xi32, #tpu.memory_space<vmem>>, vector<16xi32>,
      tpu.vector_store %arg12[%swap3A_344], %select_n3A_343 {strides = array<i32>} : memref<8192xi32, #tpu.memory_space<vmem>>, vector<16xi32>,
      %get3A_346 = arith.constant 8304 : index
      %get3A_347 = tpu.vector_load %arg11[%get3A_346] {strides = array<i32>} : memref<66048xi32, #tpu.memory_space<vmem>>, vector<16xi32>,
      %add3A_348 = arith.constant 48 : i32
      %add3A_349 = vector.broadcast %add3A_348 : i32 to vector<16xi32>
      %add3A_350 = arith.addi %iota3A, %add3A_349 : vector<16xi32>
      %lt3A_351 = arith.cmpi slt, %add3A_350, %sub3A_281 : vector<16xi32>
      %mul3A_352 = arith.constant 8 : i32
      %mul3A_353 = arith.muli %scan3A_97, %mul3A_352 : i32
      %add3A_354 = arith.constant 1 : i32
      %add3A_355 = arith.addi %mul3A_353, %add3A_354 : i32
      %mul3A_356 = arith.constant 64 : i32
      %mul3A_357 = arith.muli %add3A_355, %mul3A_356 : i32
      %add3A_358 = arith.constant 48 : i32
      %add3A_359 = arith.addi %mul3A_357, %add3A_358 : i32
      %multiple_of3A_360 = tpu.assume_multiple %add3A_359, 16 : i32
      %select_n3A_361 = arith.select %lt3A_351, %get3A_347, %gather3A_293 : vector<16xi1>, vector<16xi32>
      %swap3A_362 = arith.index_cast %multiple_of3A_360 : i32 to index
      %swap3A_363 = tpu.vector_load %arg12[%swap3A_362] {strides = array<i32>} : memref<8192xi32, #tpu.memory_space<vmem>>, vector<16xi32>,
      tpu.vector_store %arg12[%swap3A_362], %select_n3A_361 {strides = array<i32>} : memref<8192xi32, #tpu.memory_space<vmem>>, vector<16xi32>,
      %sub3A_364 = arith.subi %while3A_200#3, %broadcast_in_dim3A_77 : vector<16xi32>
      %get3A_365 = arith.constant 16512 : index
      %get3A_366 = tpu.vector_load %arg11[%get3A_365] {strides = array<i32>} : memref<66048xi32, #tpu.memory_space<vmem>>, vector<16xi32>,
      %lt3A_367 = arith.constant 0 : i32
      %lt3A_368 = vector.broadcast %lt3A_367 : i32 to vector<16xi32>
      %lt3A_369 = arith.cmpi slt, %broadcast_in_dim3A_69, %lt3A_368 : vector<16xi32>
      %add3A_370 = arith.constant 16 : i32
      %add3A_371 = vector.broadcast %add3A_370 : i32 to vector<16xi32>
      %add3A_372 = arith.addi %broadcast_in_dim3A_69, %add3A_371 : vector<16xi32>
      %select_n3A_373 = arith.select %lt3A_369, %add3A_372, %broadcast_in_dim3A_69 : vector<16xi1>, vector<16xi32>
      %reshape3A_374 = vector.shape_cast %select_n3A_373 : vector<16xi32> to vector<16x1xi32>
      %gather3A_375 = vector.shape_cast %reshape3A_374 : vector<16x1xi32> to vector<16xi32>
      %gather3A_376 = tpu.dynamic_gather %get3A_366[%gather3A_375] in [0] : vector<16xi32>, vector<16xi32> -> vector<16xi32>
      %add3A_377 = arith.constant 0 : i32
      %add3A_378 = vector.broadcast %add3A_377 : i32 to vector<16xi32>
      %add3A_379 = arith.addi %iota3A, %add3A_378 : vector<16xi32>
      %lt3A_380 = arith.cmpi slt, %add3A_379, %sub3A_364 : vector<16xi32>
      %mul3A_381 = arith.constant 8 : i32
      %mul3A_382 = arith.muli %scan3A_97, %mul3A_381 : i32
      %add3A_383 = arith.constant 2 : i32
      %add3A_384 = arith.addi %mul3A_382, %add3A_383 : i32
      %mul3A_385 = arith.constant 64 : i32
      %mul3A_386 = arith.muli %add3A_384, %mul3A_385 : i32
      %add3A_387 = arith.constant 0 : i32
      %add3A_388 = arith.addi %mul3A_386, %add3A_387 : i32
      %multiple_of3A_389 = tpu.assume_multiple %add3A_388, 16 : i32
      %select_n3A_390 = arith.select %lt3A_380, %get3A_366, %gather3A_376 : vector<16xi1>, vector<16xi32>
      %swap3A_391 = arith.index_cast %multiple_of3A_389 : i32 to index
      %swap3A_392 = tpu.vector_load %arg12[%swap3A_391] {strides = array<i32>} : memref<8192xi32, #tpu.memory_space<vmem>>, vector<16xi32>,
      tpu.vector_store %arg12[%swap3A_391], %select_n3A_390 {strides = array<i32>} : memref<8192xi32, #tpu.memory_space<vmem>>, vector<16xi32>,
      %get3A_393 = arith.constant 16528 : index
      %get3A_394 = tpu.vector_load %arg11[%get3A_393] {strides = array<i32>} : memref<66048xi32, #tpu.memory_space<vmem>>, vector<16xi32>,
      %add3A_395 = arith.constant 16 : i32
      %add3A_396 = vector.broadcast %add3A_395 : i32 to vector<16xi32>
      %add3A_397 = arith.addi %iota3A, %add3A_396 : vector<16xi32>
      %lt3A_398 = arith.cmpi slt, %add3A_397, %sub3A_364 : vector<16xi32>
      %mul3A_399 = arith.constant 8 : i32
      %mul3A_400 = arith.muli %scan3A_97, %mul3A_399 : i32
      %add3A_401 = arith.constant 2 : i32
      %add3A_402 = arith.addi %mul3A_400, %add3A_401 : i32
      %mul3A_403 = arith.constant 64 : i32
      %mul3A_404 = arith.muli %add3A_402, %mul3A_403 : i32
      %add3A_405 = arith.constant 16 : i32
      %add3A_406 = arith.addi %mul3A_404, %add3A_405 : i32
      %multiple_of3A_407 = tpu.assume_multiple %add3A_406, 16 : i32
      %select_n3A_408 = arith.select %lt3A_398, %get3A_394, %gather3A_376 : vector<16xi1>, vector<16xi32>
      %swap3A_409 = arith.index_cast %multiple_of3A_407 : i32 to index
      %swap3A_410 = tpu.vector_load %arg12[%swap3A_409] {strides = array<i32>} : memref<8192xi32, #tpu.memory_space<vmem>>, vector<16xi32>,
      tpu.vector_store %arg12[%swap3A_409], %select_n3A_408 {strides = array<i32>} : memref<8192xi32, #tpu.memory_space<vmem>>, vector<16xi32>,
      %get3A_411 = arith.constant 16544 : index
      %get3A_412 = tpu.vector_load %arg11[%get3A_411] {strides = array<i32>} : memref<66048xi32, #tpu.memory_space<vmem>>, vector<16xi32>,
      %add3A_413 = arith.constant 32 : i32
      %add3A_414 = vector.broadcast %add3A_413 : i32 to vector<16xi32>
      %add3A_415 = arith.addi %iota3A, %add3A_414 : vector<16xi32>
      %lt3A_416 = arith.cmpi slt, %add3A_415, %sub3A_364 : vector<16xi32>
      %mul3A_417 = arith.constant 8 : i32
      %mul3A_418 = arith.muli %scan3A_97, %mul3A_417 : i32
      %add3A_419 = arith.constant 2 : i32
      %add3A_420 = arith.addi %mul3A_418, %add3A_419 : i32
      %mul3A_421 = arith.constant 64 : i32
      %mul3A_422 = arith.muli %add3A_420, %mul3A_421 : i32
      %add3A_423 = arith.constant 32 : i32
      %add3A_424 = arith.addi %mul3A_422, %add3A_423 : i32
      %multiple_of3A_425 = tpu.assume_multiple %add3A_424, 16 : i32
      %select_n3A_426 = arith.select %lt3A_416, %get3A_412, %gather3A_376 : vector<16xi1>, vector<16xi32>
      %swap3A_427 = arith.index_cast %multiple_of3A_425 : i32 to index
      %swap3A_428 = tpu.vector_load %arg12[%swap3A_427] {strides = array<i32>} : memref<8192xi32, #tpu.memory_space<vmem>>, vector<16xi32>,
      tpu.vector_store %arg12[%swap3A_427], %select_n3A_426 {strides = array<i32>} : memref<8192xi32, #tpu.memory_space<vmem>>, vector<16xi32>,
      %get3A_429 = arith.constant 16560 : index
      %get3A_430 = tpu.vector_load %arg11[%get3A_429] {strides = array<i32>} : memref<66048xi32, #tpu.memory_space<vmem>>, vector<16xi32>,
      %add3A_431 = arith.constant 48 : i32
      %add3A_432 = vector.broadcast %add3A_431 : i32 to vector<16xi32>
      %add3A_433 = arith.addi %iota3A, %add3A_432 : vector<16xi32>
      %lt3A_434 = arith.cmpi slt, %add3A_433, %sub3A_364 : vector<16xi32>
      %mul3A_435 = arith.constant 8 : i32
      %mul3A_436 = arith.muli %scan3A_97, %mul3A_435 : i32
      %add3A_437 = arith.constant 2 : i32
      %add3A_438 = arith.addi %mul3A_436, %add3A_437 : i32
      %mul3A_439 = arith.constant 64 : i32
      %mul3A_440 = arith.muli %add3A_438, %mul3A_439 : i32
      %add3A_441 = arith.constant 48 : i32
      %add3A_442 = arith.addi %mul3A_440, %add3A_441 : i32
      %multiple_of3A_443 = tpu.assume_multiple %add3A_442, 16 : i32
      %select_n3A_444 = arith.select %lt3A_434, %get3A_430, %gather3A_376 : vector<16xi1>, vector<16xi32>
      %swap3A_445 = arith.index_cast %multiple_of3A_443 : i32 to index
      %swap3A_446 = tpu.vector_load %arg12[%swap3A_445] {strides = array<i32>} : memref<8192xi32, #tpu.memory_space<vmem>>, vector<16xi32>,
      tpu.vector_store %arg12[%swap3A_445], %select_n3A_444 {strides = array<i32>} : memref<8192xi32, #tpu.memory_space<vmem>>, vector<16xi32>,
      %sub3A_447 = arith.subi %while3A_200#4, %broadcast_in_dim3A_79 : vector<16xi32>
      %get3A_448 = arith.constant 24768 : index
      %get3A_449 = tpu.vector_load %arg11[%get3A_448] {strides = array<i32>} : memref<66048xi32, #tpu.memory_space<vmem>>, vector<16xi32>,
      %lt3A_450 = arith.constant 0 : i32
      %lt3A_451 = vector.broadcast %lt3A_450 : i32 to vector<16xi32>
      %lt3A_452 = arith.cmpi slt, %broadcast_in_dim3A_69, %lt3A_451 : vector<16xi32>
      %add3A_453 = arith.constant 16 : i32
      %add3A_454 = vector.broadcast %add3A_453 : i32 to vector<16xi32>
      %add3A_455 = arith.addi %broadcast_in_dim3A_69, %add3A_454 : vector<16xi32>
      %select_n3A_456 = arith.select %lt3A_452, %add3A_455, %broadcast_in_dim3A_69 : vector<16xi1>, vector<16xi32>
      %reshape3A_457 = vector.shape_cast %select_n3A_456 : vector<16xi32> to vector<16x1xi32>
      %gather3A_458 = vector.shape_cast %reshape3A_457 : vector<16x1xi32> to vector<16xi32>
      %gather3A_459 = tpu.dynamic_gather %get3A_449[%gather3A_458] in [0] : vector<16xi32>, vector<16xi32> -> vector<16xi32>
      %add3A_460 = arith.constant 0 : i32
      %add3A_461 = vector.broadcast %add3A_460 : i32 to vector<16xi32>
      %add3A_462 = arith.addi %iota3A, %add3A_461 : vector<16xi32>
      %lt3A_463 = arith.cmpi slt, %add3A_462, %sub3A_447 : vector<16xi32>
      %mul3A_464 = arith.constant 8 : i32
      %mul3A_465 = arith.muli %scan3A_97, %mul3A_464 : i32
      %add3A_466 = arith.constant 3 : i32
      %add3A_467 = arith.addi %mul3A_465, %add3A_466 : i32
      %mul3A_468 = arith.constant 64 : i32
      %mul3A_469 = arith.muli %add3A_467, %mul3A_468 : i32
      %add3A_470 = arith.constant 0 : i32
      %add3A_471 = arith.addi %mul3A_469, %add3A_470 : i32
      %multiple_of3A_472 = tpu.assume_multiple %add3A_471, 16 : i32
      %select_n3A_473 = arith.select %lt3A_463, %get3A_449, %gather3A_459 : vector<16xi1>, vector<16xi32>
      %swap3A_474 = arith.index_cast %multiple_of3A_472 : i32 to index
      %swap3A_475 = tpu.vector_load %arg12[%swap3A_474] {strides = array<i32>} : memref<8192xi32, #tpu.memory_space<vmem>>, vector<16xi32>,
      tpu.vector_store %arg12[%swap3A_474], %select_n3A_473 {strides = array<i32>} : memref<8192xi32, #tpu.memory_space<vmem>>, vector<16xi32>,
      %get3A_476 = arith.constant 24784 : index
      %get3A_477 = tpu.vector_load %arg11[%get3A_476] {strides = array<i32>} : memref<66048xi32, #tpu.memory_space<vmem>>, vector<16xi32>,
      %add3A_478 = arith.constant 16 : i32
      %add3A_479 = vector.broadcast %add3A_478 : i32 to vector<16xi32>
      %add3A_480 = arith.addi %iota3A, %add3A_479 : vector<16xi32>
      %lt3A_481 = arith.cmpi slt, %add3A_480, %sub3A_447 : vector<16xi32>
      %mul3A_482 = arith.constant 8 : i32
      %mul3A_483 = arith.muli %scan3A_97, %mul3A_482 : i32
      %add3A_484 = arith.constant 3 : i32
      %add3A_485 = arith.addi %mul3A_483, %add3A_484 : i32
      %mul3A_486 = arith.constant 64 : i32
      %mul3A_487 = arith.muli %add3A_485, %mul3A_486 : i32
      %add3A_488 = arith.constant 16 : i32
      %add3A_489 = arith.addi %mul3A_487, %add3A_488 : i32
      %multiple_of3A_490 = tpu.assume_multiple %add3A_489, 16 : i32
      %select_n3A_491 = arith.select %lt3A_481, %get3A_477, %gather3A_459 : vector<16xi1>, vector<16xi32>
      %swap3A_492 = arith.index_cast %multiple_of3A_490 : i32 to index
      %swap3A_493 = tpu.vector_load %arg12[%swap3A_492] {strides = array<i32>} : memref<8192xi32, #tpu.memory_space<vmem>>, vector<16xi32>,
      tpu.vector_store %arg12[%swap3A_492], %select_n3A_491 {strides = array<i32>} : memref<8192xi32, #tpu.memory_space<vmem>>, vector<16xi32>,
      %get3A_494 = arith.constant 24800 : index
      %get3A_495 = tpu.vector_load %arg11[%get3A_494] {strides = array<i32>} : memref<66048xi32, #tpu.memory_space<vmem>>, vector<16xi32>,
      %add3A_496 = arith.constant 32 : i32
      %add3A_497 = vector.broadcast %add3A_496 : i32 to vector<16xi32>
      %add3A_498 = arith.addi %iota3A, %add3A_497 : vector<16xi32>
      %lt3A_499 = arith.cmpi slt, %add3A_498, %sub3A_447 : vector<16xi32>
      %mul3A_500 = arith.constant 8 : i32
      %mul3A_501 = arith.muli %scan3A_97, %mul3A_500 : i32
      %add3A_502 = arith.constant 3 : i32
      %add3A_503 = arith.addi %mul3A_501, %add3A_502 : i32
      %mul3A_504 = arith.constant 64 : i32
      %mul3A_505 = arith.muli %add3A_503, %mul3A_504 : i32
      %add3A_506 = arith.constant 32 : i32
      %add3A_507 = arith.addi %mul3A_505, %add3A_506 : i32
      %multiple_of3A_508 = tpu.assume_multiple %add3A_507, 16 : i32
      %select_n3A_509 = arith.select %lt3A_499, %get3A_495, %gather3A_459 : vector<16xi1>, vector<16xi32>
      %swap3A_510 = arith.index_cast %multiple_of3A_508 : i32 to index
      %swap3A_511 = tpu.vector_load %arg12[%swap3A_510] {strides = array<i32>} : memref<8192xi32, #tpu.memory_space<vmem>>, vector<16xi32>,
      tpu.vector_store %arg12[%swap3A_510], %select_n3A_509 {strides = array<i32>} : memref<8192xi32, #tpu.memory_space<vmem>>, vector<16xi32>,
      %get3A_512 = arith.constant 24816 : index
      %get3A_513 = tpu.vector_load %arg11[%get3A_512] {strides = array<i32>} : memref<66048xi32, #tpu.memory_space<vmem>>, vector<16xi32>,
      %add3A_514 = arith.constant 48 : i32
      %add3A_515 = vector.broadcast %add3A_514 : i32 to vector<16xi32>
      %add3A_516 = arith.addi %iota3A, %add3A_515 : vector<16xi32>
      %lt3A_517 = arith.cmpi slt, %add3A_516, %sub3A_447 : vector<16xi32>
      %mul3A_518 = arith.constant 8 : i32
      %mul3A_519 = arith.muli %scan3A_97, %mul3A_518 : i32
      %add3A_520 = arith.constant 3 : i32
      %add3A_521 = arith.addi %mul3A_519, %add3A_520 : i32
      %mul3A_522 = arith.constant 64 : i32
      %mul3A_523 = arith.muli %add3A_521, %mul3A_522 : i32
      %add3A_524 = arith.constant 48 : i32
      %add3A_525 = arith.addi %mul3A_523, %add3A_524 : i32
      %multiple_of3A_526 = tpu.assume_multiple %add3A_525, 16 : i32
      %select_n3A_527 = arith.select %lt3A_517, %get3A_513, %gather3A_459 : vector<16xi1>, vector<16xi32>
      %swap3A_528 = arith.index_cast %multiple_of3A_526 : i32 to index
      %swap3A_529 = tpu.vector_load %arg12[%swap3A_528] {strides = array<i32>} : memref<8192xi32, #tpu.memory_space<vmem>>, vector<16xi32>,
      tpu.vector_store %arg12[%swap3A_528], %select_n3A_527 {strides = array<i32>} : memref<8192xi32, #tpu.memory_space<vmem>>, vector<16xi32>,
      %sub3A_530 = arith.subi %while3A_200#5, %broadcast_in_dim3A_81 : vector<16xi32>
      %get3A_531 = arith.constant 33024 : index
      %get3A_532 = tpu.vector_load %arg11[%get3A_531] {strides = array<i32>} : memref<66048xi32, #tpu.memory_space<vmem>>, vector<16xi32>,
      %lt3A_533 = arith.constant 0 : i32
      %lt3A_534 = vector.broadcast %lt3A_533 : i32 to vector<16xi32>
      %lt3A_535 = arith.cmpi slt, %broadcast_in_dim3A_69, %lt3A_534 : vector<16xi32>
      %add3A_536 = arith.constant 16 : i32
      %add3A_537 = vector.broadcast %add3A_536 : i32 to vector<16xi32>
      %add3A_538 = arith.addi %broadcast_in_dim3A_69, %add3A_537 : vector<16xi32>
      %select_n3A_539 = arith.select %lt3A_535, %add3A_538, %broadcast_in_dim3A_69 : vector<16xi1>, vector<16xi32>
      %reshape3A_540 = vector.shape_cast %select_n3A_539 : vector<16xi32> to vector<16x1xi32>
      %gather3A_541 = vector.shape_cast %reshape3A_540 : vector<16x1xi32> to vector<16xi32>
      %gather3A_542 = tpu.dynamic_gather %get3A_532[%gather3A_541] in [0] : vector<16xi32>, vector<16xi32> -> vector<16xi32>
      %add3A_543 = arith.constant 0 : i32
      %add3A_544 = vector.broadcast %add3A_543 : i32 to vector<16xi32>
      %add3A_545 = arith.addi %iota3A, %add3A_544 : vector<16xi32>
      %lt3A_546 = arith.cmpi slt, %add3A_545, %sub3A_530 : vector<16xi32>
      %mul3A_547 = arith.constant 8 : i32
      %mul3A_548 = arith.muli %scan3A_97, %mul3A_547 : i32
      %add3A_549 = arith.constant 4 : i32
      %add3A_550 = arith.addi %mul3A_548, %add3A_549 : i32
      %mul3A_551 = arith.constant 64 : i32
      %mul3A_552 = arith.muli %add3A_550, %mul3A_551 : i32
      %add3A_553 = arith.constant 0 : i32
      %add3A_554 = arith.addi %mul3A_552, %add3A_553 : i32
      %multiple_of3A_555 = tpu.assume_multiple %add3A_554, 16 : i32
      %select_n3A_556 = arith.select %lt3A_546, %get3A_532, %gather3A_542 : vector<16xi1>, vector<16xi32>
      %swap3A_557 = arith.index_cast %multiple_of3A_555 : i32 to index
      %swap3A_558 = tpu.vector_load %arg12[%swap3A_557] {strides = array<i32>} : memref<8192xi32, #tpu.memory_space<vmem>>, vector<16xi32>,
      tpu.vector_store %arg12[%swap3A_557], %select_n3A_556 {strides = array<i32>} : memref<8192xi32, #tpu.memory_space<vmem>>, vector<16xi32>,
      %get3A_559 = arith.constant 33040 : index
      %get3A_560 = tpu.vector_load %arg11[%get3A_559] {strides = array<i32>} : memref<66048xi32, #tpu.memory_space<vmem>>, vector<16xi32>,
      %add3A_561 = arith.constant 16 : i32
      %add3A_562 = vector.broadcast %add3A_561 : i32 to vector<16xi32>
      %add3A_563 = arith.addi %iota3A, %add3A_562 : vector<16xi32>
      %lt3A_564 = arith.cmpi slt, %add3A_563, %sub3A_530 : vector<16xi32>
      %mul3A_565 = arith.constant 8 : i32
      %mul3A_566 = arith.muli %scan3A_97, %mul3A_565 : i32
      %add3A_567 = arith.constant 4 : i32
      %add3A_568 = arith.addi %mul3A_566, %add3A_567 : i32
      %mul3A_569 = arith.constant 64 : i32
      %mul3A_570 = arith.muli %add3A_568, %mul3A_569 : i32
      %add3A_571 = arith.constant 16 : i32
      %add3A_572 = arith.addi %mul3A_570, %add3A_571 : i32
      %multiple_of3A_573 = tpu.assume_multiple %add3A_572, 16 : i32
      %select_n3A_574 = arith.select %lt3A_564, %get3A_560, %gather3A_542 : vector<16xi1>, vector<16xi32>
      %swap3A_575 = arith.index_cast %multiple_of3A_573 : i32 to index
      %swap3A_576 = tpu.vector_load %arg12[%swap3A_575] {strides = array<i32>} : memref<8192xi32, #tpu.memory_space<vmem>>, vector<16xi32>,
      tpu.vector_store %arg12[%swap3A_575], %select_n3A_574 {strides = array<i32>} : memref<8192xi32, #tpu.memory_space<vmem>>, vector<16xi32>,
      %get3A_577 = arith.constant 33056 : index
      %get3A_578 = tpu.vector_load %arg11[%get3A_577] {strides = array<i32>} : memref<66048xi32, #tpu.memory_space<vmem>>, vector<16xi32>,
      %add3A_579 = arith.constant 32 : i32
      %add3A_580 = vector.broadcast %add3A_579 : i32 to vector<16xi32>
      %add3A_581 = arith.addi %iota3A, %add3A_580 : vector<16xi32>
      %lt3A_582 = arith.cmpi slt, %add3A_581, %sub3A_530 : vector<16xi32>
      %mul3A_583 = arith.constant 8 : i32
      %mul3A_584 = arith.muli %scan3A_97, %mul3A_583 : i32
      %add3A_585 = arith.constant 4 : i32
      %add3A_586 = arith.addi %mul3A_584, %add3A_585 : i32
      %mul3A_587 = arith.constant 64 : i32
      %mul3A_588 = arith.muli %add3A_586, %mul3A_587 : i32
      %add3A_589 = arith.constant 32 : i32
      %add3A_590 = arith.addi %mul3A_588, %add3A_589 : i32
      %multiple_of3A_591 = tpu.assume_multiple %add3A_590, 16 : i32
      %select_n3A_592 = arith.select %lt3A_582, %get3A_578, %gather3A_542 : vector<16xi1>, vector<16xi32>
      %swap3A_593 = arith.index_cast %multiple_of3A_591 : i32 to index
      %swap3A_594 = tpu.vector_load %arg12[%swap3A_593] {strides = array<i32>} : memref<8192xi32, #tpu.memory_space<vmem>>, vector<16xi32>,
      tpu.vector_store %arg12[%swap3A_593], %select_n3A_592 {strides = array<i32>} : memref<8192xi32, #tpu.memory_space<vmem>>, vector<16xi32>,
      %get3A_595 = arith.constant 33072 : index
      %get3A_596 = tpu.vector_load %arg11[%get3A_595] {strides = array<i32>} : memref<66048xi32, #tpu.memory_space<vmem>>, vector<16xi32>,
      %add3A_597 = arith.constant 48 : i32
      %add3A_598 = vector.broadcast %add3A_597 : i32 to vector<16xi32>
      %add3A_599 = arith.addi %iota3A, %add3A_598 : vector<16xi32>
      %lt3A_600 = arith.cmpi slt, %add3A_599, %sub3A_530 : vector<16xi32>
      %mul3A_601 = arith.constant 8 : i32
      %mul3A_602 = arith.muli %scan3A_97, %mul3A_601 : i32
      %add3A_603 = arith.constant 4 : i32
      %add3A_604 = arith.addi %mul3A_602, %add3A_603 : i32
      %mul3A_605 = arith.constant 64 : i32
      %mul3A_606 = arith.muli %add3A_604, %mul3A_605 : i32
      %add3A_607 = arith.constant 48 : i32
      %add3A_608 = arith.addi %mul3A_606, %add3A_607 : i32
      %multiple_of3A_609 = tpu.assume_multiple %add3A_608, 16 : i32
      %select_n3A_610 = arith.select %lt3A_600, %get3A_596, %gather3A_542 : vector<16xi1>, vector<16xi32>
      %swap3A_611 = arith.index_cast %multiple_of3A_609 : i32 to index
      %swap3A_612 = tpu.vector_load %arg12[%swap3A_611] {strides = array<i32>} : memref<8192xi32, #tpu.memory_space<vmem>>, vector<16xi32>,
      tpu.vector_store %arg12[%swap3A_611], %select_n3A_610 {strides = array<i32>} : memref<8192xi32, #tpu.memory_space<vmem>>, vector<16xi32>,
      %sub3A_613 = arith.subi %while3A_200#6, %broadcast_in_dim3A_83 : vector<16xi32>
      %get3A_614 = arith.constant 41280 : index
      %get3A_615 = tpu.vector_load %arg11[%get3A_614] {strides = array<i32>} : memref<66048xi32, #tpu.memory_space<vmem>>, vector<16xi32>,
      %lt3A_616 = arith.constant 0 : i32
      %lt3A_617 = vector.broadcast %lt3A_616 : i32 to vector<16xi32>
      %lt3A_618 = arith.cmpi slt, %broadcast_in_dim3A_69, %lt3A_617 : vector<16xi32>
      %add3A_619 = arith.constant 16 : i32
      %add3A_620 = vector.broadcast %add3A_619 : i32 to vector<16xi32>
      %add3A_621 = arith.addi %broadcast_in_dim3A_69, %add3A_620 : vector<16xi32>
      %select_n3A_622 = arith.select %lt3A_618, %add3A_621, %broadcast_in_dim3A_69 : vector<16xi1>, vector<16xi32>
      %reshape3A_623 = vector.shape_cast %select_n3A_622 : vector<16xi32> to vector<16x1xi32>
      %gather3A_624 = vector.shape_cast %reshape3A_623 : vector<16x1xi32> to vector<16xi32>
      %gather3A_625 = tpu.dynamic_gather %get3A_615[%gather3A_624] in [0] : vector<16xi32>, vector<16xi32> -> vector<16xi32>
      %add3A_626 = arith.constant 0 : i32
      %add3A_627 = vector.broadcast %add3A_626 : i32 to vector<16xi32>
      %add3A_628 = arith.addi %iota3A, %add3A_627 : vector<16xi32>
      %lt3A_629 = arith.cmpi slt, %add3A_628, %sub3A_613 : vector<16xi32>
      %mul3A_630 = arith.constant 8 : i32
      %mul3A_631 = arith.muli %scan3A_97, %mul3A_630 : i32
      %add3A_632 = arith.constant 5 : i32
      %add3A_633 = arith.addi %mul3A_631, %add3A_632 : i32
      %mul3A_634 = arith.constant 64 : i32
      %mul3A_635 = arith.muli %add3A_633, %mul3A_634 : i32
      %add3A_636 = arith.constant 0 : i32
      %add3A_637 = arith.addi %mul3A_635, %add3A_636 : i32
      %multiple_of3A_638 = tpu.assume_multiple %add3A_637, 16 : i32
      %select_n3A_639 = arith.select %lt3A_629, %get3A_615, %gather3A_625 : vector<16xi1>, vector<16xi32>
      %swap3A_640 = arith.index_cast %multiple_of3A_638 : i32 to index
      %swap3A_641 = tpu.vector_load %arg12[%swap3A_640] {strides = array<i32>} : memref<8192xi32, #tpu.memory_space<vmem>>, vector<16xi32>,
      tpu.vector_store %arg12[%swap3A_640], %select_n3A_639 {strides = array<i32>} : memref<8192xi32, #tpu.memory_space<vmem>>, vector<16xi32>,
      %get3A_642 = arith.constant 41296 : index
      %get3A_643 = tpu.vector_load %arg11[%get3A_642] {strides = array<i32>} : memref<66048xi32, #tpu.memory_space<vmem>>, vector<16xi32>,
      %add3A_644 = arith.constant 16 : i32
      %add3A_645 = vector.broadcast %add3A_644 : i32 to vector<16xi32>
      %add3A_646 = arith.addi %iota3A, %add3A_645 : vector<16xi32>
      %lt3A_647 = arith.cmpi slt, %add3A_646, %sub3A_613 : vector<16xi32>
      %mul3A_648 = arith.constant 8 : i32
      %mul3A_649 = arith.muli %scan3A_97, %mul3A_648 : i32
      %add3A_650 = arith.constant 5 : i32
      %add3A_651 = arith.addi %mul3A_649, %add3A_650 : i32
      %mul3A_652 = arith.constant 64 : i32
      %mul3A_653 = arith.muli %add3A_651, %mul3A_652 : i32
      %add3A_654 = arith.constant 16 : i32
      %add3A_655 = arith.addi %mul3A_653, %add3A_654 : i32
      %multiple_of3A_656 = tpu.assume_multiple %add3A_655, 16 : i32
      %select_n3A_657 = arith.select %lt3A_647, %get3A_643, %gather3A_625 : vector<16xi1>, vector<16xi32>
      %swap3A_658 = arith.index_cast %multiple_of3A_656 : i32 to index
      %swap3A_659 = tpu.vector_load %arg12[%swap3A_658] {strides = array<i32>} : memref<8192xi32, #tpu.memory_space<vmem>>, vector<16xi32>,
      tpu.vector_store %arg12[%swap3A_658], %select_n3A_657 {strides = array<i32>} : memref<8192xi32, #tpu.memory_space<vmem>>, vector<16xi32>,
      %get3A_660 = arith.constant 41312 : index
      %get3A_661 = tpu.vector_load %arg11[%get3A_660] {strides = array<i32>} : memref<66048xi32, #tpu.memory_space<vmem>>, vector<16xi32>,
      %add3A_662 = arith.constant 32 : i32
      %add3A_663 = vector.broadcast %add3A_662 : i32 to vector<16xi32>
      %add3A_664 = arith.addi %iota3A, %add3A_663 : vector<16xi32>
      %lt3A_665 = arith.cmpi slt, %add3A_664, %sub3A_613 : vector<16xi32>
      %mul3A_666 = arith.constant 8 : i32
      %mul3A_667 = arith.muli %scan3A_97, %mul3A_666 : i32
      %add3A_668 = arith.constant 5 : i32
      %add3A_669 = arith.addi %mul3A_667, %add3A_668 : i32
      %mul3A_670 = arith.constant 64 : i32
      %mul3A_671 = arith.muli %add3A_669, %mul3A_670 : i32
      %add3A_672 = arith.constant 32 : i32
      %add3A_673 = arith.addi %mul3A_671, %add3A_672 : i32
      %multiple_of3A_674 = tpu.assume_multiple %add3A_673, 16 : i32
      %select_n3A_675 = arith.select %lt3A_665, %get3A_661, %gather3A_625 : vector<16xi1>, vector<16xi32>
      %swap3A_676 = arith.index_cast %multiple_of3A_674 : i32 to index
      %swap3A_677 = tpu.vector_load %arg12[%swap3A_676] {strides = array<i32>} : memref<8192xi32, #tpu.memory_space<vmem>>, vector<16xi32>,
      tpu.vector_store %arg12[%swap3A_676], %select_n3A_675 {strides = array<i32>} : memref<8192xi32, #tpu.memory_space<vmem>>, vector<16xi32>,
      %get3A_678 = arith.constant 41328 : index
      %get3A_679 = tpu.vector_load %arg11[%get3A_678] {strides = array<i32>} : memref<66048xi32, #tpu.memory_space<vmem>>, vector<16xi32>,
      %add3A_680 = arith.constant 48 : i32
      %add3A_681 = vector.broadcast %add3A_680 : i32 to vector<16xi32>
      %add3A_682 = arith.addi %iota3A, %add3A_681 : vector<16xi32>
      %lt3A_683 = arith.cmpi slt, %add3A_682, %sub3A_613 : vector<16xi32>
      %mul3A_684 = arith.constant 8 : i32
      %mul3A_685 = arith.muli %scan3A_97, %mul3A_684 : i32
      %add3A_686 = arith.constant 5 : i32
      %add3A_687 = arith.addi %mul3A_685, %add3A_686 : i32
      %mul3A_688 = arith.constant 64 : i32
      %mul3A_689 = arith.muli %add3A_687, %mul3A_688 : i32
      %add3A_690 = arith.constant 48 : i32
      %add3A_691 = arith.addi %mul3A_689, %add3A_690 : i32
      %multiple_of3A_692 = tpu.assume_multiple %add3A_691, 16 : i32
      %select_n3A_693 = arith.select %lt3A_683, %get3A_679, %gather3A_625 : vector<16xi1>, vector<16xi32>
      %swap3A_694 = arith.index_cast %multiple_of3A_692 : i32 to index
      %swap3A_695 = tpu.vector_load %arg12[%swap3A_694] {strides = array<i32>} : memref<8192xi32, #tpu.memory_space<vmem>>, vector<16xi32>,
      tpu.vector_store %arg12[%swap3A_694], %select_n3A_693 {strides = array<i32>} : memref<8192xi32, #tpu.memory_space<vmem>>, vector<16xi32>,
      %sub3A_696 = arith.subi %while3A_200#7, %broadcast_in_dim3A_85 : vector<16xi32>
      %get3A_697 = arith.constant 49536 : index
      %get3A_698 = tpu.vector_load %arg11[%get3A_697] {strides = array<i32>} : memref<66048xi32, #tpu.memory_space<vmem>>, vector<16xi32>,
      %lt3A_699 = arith.constant 0 : i32
      %lt3A_700 = vector.broadcast %lt3A_699 : i32 to vector<16xi32>
      %lt3A_701 = arith.cmpi slt, %broadcast_in_dim3A_69, %lt3A_700 : vector<16xi32>
      %add3A_702 = arith.constant 16 : i32
      %add3A_703 = vector.broadcast %add3A_702 : i32 to vector<16xi32>
      %add3A_704 = arith.addi %broadcast_in_dim3A_69, %add3A_703 : vector<16xi32>
      %select_n3A_705 = arith.select %lt3A_701, %add3A_704, %broadcast_in_dim3A_69 : vector<16xi1>, vector<16xi32>
      %reshape3A_706 = vector.shape_cast %select_n3A_705 : vector<16xi32> to vector<16x1xi32>
      %gather3A_707 = vector.shape_cast %reshape3A_706 : vector<16x1xi32> to vector<16xi32>
      %gather3A_708 = tpu.dynamic_gather %get3A_698[%gather3A_707] in [0] : vector<16xi32>, vector<16xi32> -> vector<16xi32>
      %add3A_709 = arith.constant 0 : i32
      %add3A_710 = vector.broadcast %add3A_709 : i32 to vector<16xi32>
      %add3A_711 = arith.addi %iota3A, %add3A_710 : vector<16xi32>
      %lt3A_712 = arith.cmpi slt, %add3A_711, %sub3A_696 : vector<16xi32>
      %mul3A_713 = arith.constant 8 : i32
      %mul3A_714 = arith.muli %scan3A_97, %mul3A_713 : i32
      %add3A_715 = arith.constant 6 : i32
      %add3A_716 = arith.addi %mul3A_714, %add3A_715 : i32
      %mul3A_717 = arith.constant 64 : i32
      %mul3A_718 = arith.muli %add3A_716, %mul3A_717 : i32
      %add3A_719 = arith.constant 0 : i32
      %add3A_720 = arith.addi %mul3A_718, %add3A_719 : i32
      %multiple_of3A_721 = tpu.assume_multiple %add3A_720, 16 : i32
      %select_n3A_722 = arith.select %lt3A_712, %get3A_698, %gather3A_708 : vector<16xi1>, vector<16xi32>
      %swap3A_723 = arith.index_cast %multiple_of3A_721 : i32 to index
      %swap3A_724 = tpu.vector_load %arg12[%swap3A_723] {strides = array<i32>} : memref<8192xi32, #tpu.memory_space<vmem>>, vector<16xi32>,
      tpu.vector_store %arg12[%swap3A_723], %select_n3A_722 {strides = array<i32>} : memref<8192xi32, #tpu.memory_space<vmem>>, vector<16xi32>,
      %get3A_725 = arith.constant 49552 : index
      %get3A_726 = tpu.vector_load %arg11[%get3A_725] {strides = array<i32>} : memref<66048xi32, #tpu.memory_space<vmem>>, vector<16xi32>,
      %add3A_727 = arith.constant 16 : i32
      %add3A_728 = vector.broadcast %add3A_727 : i32 to vector<16xi32>
      %add3A_729 = arith.addi %iota3A, %add3A_728 : vector<16xi32>
      %lt3A_730 = arith.cmpi slt, %add3A_729, %sub3A_696 : vector<16xi32>
      %mul3A_731 = arith.constant 8 : i32
      %mul3A_732 = arith.muli %scan3A_97, %mul3A_731 : i32
      %add3A_733 = arith.constant 6 : i32
      %add3A_734 = arith.addi %mul3A_732, %add3A_733 : i32
      %mul3A_735 = arith.constant 64 : i32
      %mul3A_736 = arith.muli %add3A_734, %mul3A_735 : i32
      %add3A_737 = arith.constant 16 : i32
      %add3A_738 = arith.addi %mul3A_736, %add3A_737 : i32
      %multiple_of3A_739 = tpu.assume_multiple %add3A_738, 16 : i32
      %select_n3A_740 = arith.select %lt3A_730, %get3A_726, %gather3A_708 : vector<16xi1>, vector<16xi32>
      %swap3A_741 = arith.index_cast %multiple_of3A_739 : i32 to index
      %swap3A_742 = tpu.vector_load %arg12[%swap3A_741] {strides = array<i32>} : memref<8192xi32, #tpu.memory_space<vmem>>, vector<16xi32>,
      tpu.vector_store %arg12[%swap3A_741], %select_n3A_740 {strides = array<i32>} : memref<8192xi32, #tpu.memory_space<vmem>>, vector<16xi32>,
      %get3A_743 = arith.constant 49568 : index
      %get3A_744 = tpu.vector_load %arg11[%get3A_743] {strides = array<i32>} : memref<66048xi32, #tpu.memory_space<vmem>>, vector<16xi32>,
      %add3A_745 = arith.constant 32 : i32
      %add3A_746 = vector.broadcast %add3A_745 : i32 to vector<16xi32>
      %add3A_747 = arith.addi %iota3A, %add3A_746 : vector<16xi32>
      %lt3A_748 = arith.cmpi slt, %add3A_747, %sub3A_696 : vector<16xi32>
      %mul3A_749 = arith.constant 8 : i32
      %mul3A_750 = arith.muli %scan3A_97, %mul3A_749 : i32
      %add3A_751 = arith.constant 6 : i32
      %add3A_752 = arith.addi %mul3A_750, %add3A_751 : i32
      %mul3A_753 = arith.constant 64 : i32
      %mul3A_754 = arith.muli %add3A_752, %mul3A_753 : i32
      %add3A_755 = arith.constant 32 : i32
      %add3A_756 = arith.addi %mul3A_754, %add3A_755 : i32
      %multiple_of3A_757 = tpu.assume_multiple %add3A_756, 16 : i32
      %select_n3A_758 = arith.select %lt3A_748, %get3A_744, %gather3A_708 : vector<16xi1>, vector<16xi32>
      %swap3A_759 = arith.index_cast %multiple_of3A_757 : i32 to index
      %swap3A_760 = tpu.vector_load %arg12[%swap3A_759] {strides = array<i32>} : memref<8192xi32, #tpu.memory_space<vmem>>, vector<16xi32>,
      tpu.vector_store %arg12[%swap3A_759], %select_n3A_758 {strides = array<i32>} : memref<8192xi32, #tpu.memory_space<vmem>>, vector<16xi32>,
      %get3A_761 = arith.constant 49584 : index
      %get3A_762 = tpu.vector_load %arg11[%get3A_761] {strides = array<i32>} : memref<66048xi32, #tpu.memory_space<vmem>>, vector<16xi32>,
      %add3A_763 = arith.constant 48 : i32
      %add3A_764 = vector.broadcast %add3A_763 : i32 to vector<16xi32>
      %add3A_765 = arith.addi %iota3A, %add3A_764 : vector<16xi32>
      %lt3A_766 = arith.cmpi slt, %add3A_765, %sub3A_696 : vector<16xi32>
      %mul3A_767 = arith.constant 8 : i32
      %mul3A_768 = arith.muli %scan3A_97, %mul3A_767 : i32
      %add3A_769 = arith.constant 6 : i32
      %add3A_770 = arith.addi %mul3A_768, %add3A_769 : i32
      %mul3A_771 = arith.constant 64 : i32
      %mul3A_772 = arith.muli %add3A_770, %mul3A_771 : i32
      %add3A_773 = arith.constant 48 : i32
      %add3A_774 = arith.addi %mul3A_772, %add3A_773 : i32
      %multiple_of3A_775 = tpu.assume_multiple %add3A_774, 16 : i32
      %select_n3A_776 = arith.select %lt3A_766, %get3A_762, %gather3A_708 : vector<16xi1>, vector<16xi32>
      %swap3A_777 = arith.index_cast %multiple_of3A_775 : i32 to index
      %swap3A_778 = tpu.vector_load %arg12[%swap3A_777] {strides = array<i32>} : memref<8192xi32, #tpu.memory_space<vmem>>, vector<16xi32>,
      tpu.vector_store %arg12[%swap3A_777], %select_n3A_776 {strides = array<i32>} : memref<8192xi32, #tpu.memory_space<vmem>>, vector<16xi32>,
      %sub3A_779 = arith.subi %while3A_200#8, %broadcast_in_dim3A_87 : vector<16xi32>
      %get3A_780 = arith.constant 57792 : index
      %get3A_781 = tpu.vector_load %arg11[%get3A_780] {strides = array<i32>} : memref<66048xi32, #tpu.memory_space<vmem>>, vector<16xi32>,
      %lt3A_782 = arith.constant 0 : i32
      %lt3A_783 = vector.broadcast %lt3A_782 : i32 to vector<16xi32>
      %lt3A_784 = arith.cmpi slt, %broadcast_in_dim3A_69, %lt3A_783 : vector<16xi32>
      %add3A_785 = arith.constant 16 : i32
      %add3A_786 = vector.broadcast %add3A_785 : i32 to vector<16xi32>
      %add3A_787 = arith.addi %broadcast_in_dim3A_69, %add3A_786 : vector<16xi32>
      %select_n3A_788 = arith.select %lt3A_784, %add3A_787, %broadcast_in_dim3A_69 : vector<16xi1>, vector<16xi32>
      %reshape3A_789 = vector.shape_cast %select_n3A_788 : vector<16xi32> to vector<16x1xi32>
      %gather3A_790 = vector.shape_cast %reshape3A_789 : vector<16x1xi32> to vector<16xi32>
      %gather3A_791 = tpu.dynamic_gather %get3A_781[%gather3A_790] in [0] : vector<16xi32>, vector<16xi32> -> vector<16xi32>
      %add3A_792 = arith.constant 0 : i32
      %add3A_793 = vector.broadcast %add3A_792 : i32 to vector<16xi32>
      %add3A_794 = arith.addi %iota3A, %add3A_793 : vector<16xi32>
      %lt3A_795 = arith.cmpi slt, %add3A_794, %sub3A_779 : vector<16xi32>
      %mul3A_796 = arith.constant 8 : i32
      %mul3A_797 = arith.muli %scan3A_97, %mul3A_796 : i32
      %add3A_798 = arith.constant 7 : i32
      %add3A_799 = arith.addi %mul3A_797, %add3A_798 : i32
      %mul3A_800 = arith.constant 64 : i32
      %mul3A_801 = arith.muli %add3A_799, %mul3A_800 : i32
      %add3A_802 = arith.constant 0 : i32
      %add3A_803 = arith.addi %mul3A_801, %add3A_802 : i32
      %multiple_of3A_804 = tpu.assume_multiple %add3A_803, 16 : i32
      %select_n3A_805 = arith.select %lt3A_795, %get3A_781, %gather3A_791 : vector<16xi1>, vector<16xi32>
      %swap3A_806 = arith.index_cast %multiple_of3A_804 : i32 to index
      %swap3A_807 = tpu.vector_load %arg12[%swap3A_806] {strides = array<i32>} : memref<8192xi32, #tpu.memory_space<vmem>>, vector<16xi32>,
      tpu.vector_store %arg12[%swap3A_806], %select_n3A_805 {strides = array<i32>} : memref<8192xi32, #tpu.memory_space<vmem>>, vector<16xi32>,
      %get3A_808 = arith.constant 57808 : index
      %get3A_809 = tpu.vector_load %arg11[%get3A_808] {strides = array<i32>} : memref<66048xi32, #tpu.memory_space<vmem>>, vector<16xi32>,
      %add3A_810 = arith.constant 16 : i32
      %add3A_811 = vector.broadcast %add3A_810 : i32 to vector<16xi32>
      %add3A_812 = arith.addi %iota3A, %add3A_811 : vector<16xi32>
      %lt3A_813 = arith.cmpi slt, %add3A_812, %sub3A_779 : vector<16xi32>
      %mul3A_814 = arith.constant 8 : i32
      %mul3A_815 = arith.muli %scan3A_97, %mul3A_814 : i32
      %add3A_816 = arith.constant 7 : i32
      %add3A_817 = arith.addi %mul3A_815, %add3A_816 : i32
      %mul3A_818 = arith.constant 64 : i32
      %mul3A_819 = arith.muli %add3A_817, %mul3A_818 : i32
      %add3A_820 = arith.constant 16 : i32
      %add3A_821 = arith.addi %mul3A_819, %add3A_820 : i32
      %multiple_of3A_822 = tpu.assume_multiple %add3A_821, 16 : i32
      %select_n3A_823 = arith.select %lt3A_813, %get3A_809, %gather3A_791 : vector<16xi1>, vector<16xi32>
      %swap3A_824 = arith.index_cast %multiple_of3A_822 : i32 to index
      %swap3A_825 = tpu.vector_load %arg12[%swap3A_824] {strides = array<i32>} : memref<8192xi32, #tpu.memory_space<vmem>>, vector<16xi32>,
      tpu.vector_store %arg12[%swap3A_824], %select_n3A_823 {strides = array<i32>} : memref<8192xi32, #tpu.memory_space<vmem>>, vector<16xi32>,
      %get3A_826 = arith.constant 57824 : index
      %get3A_827 = tpu.vector_load %arg11[%get3A_826] {strides = array<i32>} : memref<66048xi32, #tpu.memory_space<vmem>>, vector<16xi32>,
      %add3A_828 = arith.constant 32 : i32
      %add3A_829 = vector.broadcast %add3A_828 : i32 to vector<16xi32>
      %add3A_830 = arith.addi %iota3A, %add3A_829 : vector<16xi32>
      %lt3A_831 = arith.cmpi slt, %add3A_830, %sub3A_779 : vector<16xi32>
      %mul3A_832 = arith.constant 8 : i32
      %mul3A_833 = arith.muli %scan3A_97, %mul3A_832 : i32
      %add3A_834 = arith.constant 7 : i32
      %add3A_835 = arith.addi %mul3A_833, %add3A_834 : i32
      %mul3A_836 = arith.constant 64 : i32
      %mul3A_837 = arith.muli %add3A_835, %mul3A_836 : i32
      %add3A_838 = arith.constant 32 : i32
      %add3A_839 = arith.addi %mul3A_837, %add3A_838 : i32
      %multiple_of3A_840 = tpu.assume_multiple %add3A_839, 16 : i32
      %select_n3A_841 = arith.select %lt3A_831, %get3A_827, %gather3A_791 : vector<16xi1>, vector<16xi32>
      %swap3A_842 = arith.index_cast %multiple_of3A_840 : i32 to index
      %swap3A_843 = tpu.vector_load %arg12[%swap3A_842] {strides = array<i32>} : memref<8192xi32, #tpu.memory_space<vmem>>, vector<16xi32>,
      tpu.vector_store %arg12[%swap3A_842], %select_n3A_841 {strides = array<i32>} : memref<8192xi32, #tpu.memory_space<vmem>>, vector<16xi32>,
      %get3A_844 = arith.constant 57840 : index
      %get3A_845 = tpu.vector_load %arg11[%get3A_844] {strides = array<i32>} : memref<66048xi32, #tpu.memory_space<vmem>>, vector<16xi32>,
      %add3A_846 = arith.constant 48 : i32
      %add3A_847 = vector.broadcast %add3A_846 : i32 to vector<16xi32>
      %add3A_848 = arith.addi %iota3A, %add3A_847 : vector<16xi32>
      %lt3A_849 = arith.cmpi slt, %add3A_848, %sub3A_779 : vector<16xi32>
      %mul3A_850 = arith.constant 8 : i32
      %mul3A_851 = arith.muli %scan3A_97, %mul3A_850 : i32
      %add3A_852 = arith.constant 7 : i32
      %add3A_853 = arith.addi %mul3A_851, %add3A_852 : i32
      %mul3A_854 = arith.constant 64 : i32
      %mul3A_855 = arith.muli %add3A_853, %mul3A_854 : i32
      %add3A_856 = arith.constant 48 : i32
      %add3A_857 = arith.addi %mul3A_855, %add3A_856 : i32
      %multiple_of3A_858 = tpu.assume_multiple %add3A_857, 16 : i32
      %select_n3A_859 = arith.select %lt3A_849, %get3A_845, %gather3A_791 : vector<16xi1>, vector<16xi32>
      %swap3A_860 = arith.index_cast %multiple_of3A_858 : i32 to index
      %swap3A_861 = tpu.vector_load %arg12[%swap3A_860] {strides = array<i32>} : memref<8192xi32, #tpu.memory_space<vmem>>, vector<16xi32>,
      tpu.vector_store %arg12[%swap3A_860], %select_n3A_859 {strides = array<i32>} : memref<8192xi32, #tpu.memory_space<vmem>>, vector<16xi32>,
    }
    %scan3A_92 = arith.constant 16 : i32
    %mul3A_93 = arith.constant 128 : i32
    %mul3A_94 = arith.muli %add3A, %mul3A_93 : i32
    %mul3A_95 = arith.constant 64 : i32
    %mul3A_96 = arith.muli %mul3A_94, %mul3A_95 : i32
    "tpu.region"() ({
      %run_scoped3A = tpu.sem_alloc : memref<!tpu.dma_semaphore, #tpu.memory_space<semaphore_mem>>
      %dma_start3A = tpu.memref_slice %arg4[%mul3A_96] : memref<262144xi32, #tpu.memory_space<hbm>> -> memref<8192xi32, #tpu.memory_space<hbm>>
      %dma_start3A_97 = tpu.memref_slice %arg4[%mul3A_96] : memref<262144xi32, #tpu.memory_space<hbm>> -> memref<8192xi32, #tpu.memory_space<hbm>>
      tpu.enqueue_dma source(%arg12 : memref<8192xi32, #tpu.memory_space<vmem>>) target(%dma_start3A_97 : memref<8192xi32, #tpu.memory_space<hbm>>) target_semaphore(%run_scoped3A : memref<!tpu.dma_semaphore, #tpu.memory_space<semaphore_mem>>)
      %dma_wait3A = tpu.memref_slice %arg4[%mul3A_96] : memref<262144xi32, #tpu.memory_space<hbm>> -> memref<8192xi32, #tpu.memory_space<hbm>>
      %dma_wait3A_98 = tpu.memref_slice %arg4[%mul3A_96] : memref<262144xi32, #tpu.memory_space<hbm>> -> memref<8192xi32, #tpu.memory_space<hbm>>
      tpu.wait_dma2 semaphore(%run_scoped3A : memref<!tpu.dma_semaphore, #tpu.memory_space<semaphore_mem>>) src(%arg12 : memref<8192xi32, #tpu.memory_space<vmem>>) dst(%dma_wait3A_98 : memref<8192xi32, #tpu.memory_space<hbm>>)
      tpu.yield
    }) : () -> ()
    return
  }
}

</mosaic_0001>

<sc_bundles>
// kernel: gather_offload_async_start.1
scs
__scs_entry_jumppad:
0x0: {  	(pc) =	sbr.rel $0x88, $3  }
0x1: {  	(tag) =	ssettag $0x0;
	lr =	simm.s32 $0x1  }
0x2: {  	[smem:$0x3F9F] =	sst lr;
	_ =	strace $0xD0000000  }
0x3: {  	_ = 	snop  }
0x4: {  	_ = 	snop  }
0x5: {  	_ = 	snop  }
0x6: {  	_ = 	snop  }
0x7: {  	_ = 	snop  }
__scs_overlays_trampoline_lowered:
0x8: {  	[smem:$0x3FAE] =	sst s0  }
0x9: {  	[smem:$0x3FAF] =	sst s1  }
0xa: {  	[smem:$0x3FB0] =	sst s2  }
0xb: {  	[smem:$0x3FB1] =	sst s3  }
0xc: {  	[smem:$0x3FB2] =	sst s4  }
0xd: {  	[smem:$0x3FB3] =	sst s5  }
0xe: {  	[smem:$0x3FB4] =	sst s6  }
0xf: {  	[smem:$0x3FB5] =	sst s7  }
0x10: {  	[smem:$0x3FB6] =	sst s8  }
0x11: {  	[smem:$0x3FB7] =	sst s9;
	s0 =	simm.s32 @!p0 $0x0  }
0x12: {  	s1 =	sld [smem:$0x3F9D];
	s0 =	simm.s32 @p0 $0x1  }
0x13: {  	[smem:$0x3FB8] =	sst s0;
	s0 =	simm.s32 @!p1 $0x0  }
0x14: {  	s2 =	sld [smem:$0x3F9C];
	s0 =	simm.s32 @p1 $0x1  }
0x15: {  	[smem:$0x3FB9] =	sst s0;
	s0 =	simm.s32 @!p2 $0x0  }
0x16: {  	s3 =	sld [smem:$0x3FDB];
	s0 =	simm.s32 @p2 $0x1  }
0x17: {  	s4 =	simm.s32 $0x1BF5;
	[smem:$0x3FBB] =	sst s0  }
0x18: {  	s0 =	sld [smem:$0x3F9E];
	_ =	swait.ge [sflag:s4], $0x0  }
0x19: {  	s7 =	sld [smem:$0x3F9F]  }
0x1a: {  	s8 =	sadd.s32 $0xFFFFE003, lr  }
0x1b: {  	s9 =	sadd.s32 $0xFFFFFEF7, lr;
	s5 =	simm.s32 $0xFFFFFFFF;
	p2 =	slt.u32 s8, $0xFFFFF086  }
0x1c: {  	p1 =	slt.u32 s9, $0xF7A;
	s5 =	simm.s32 @!p2 $0x0  }
0x1d: {  	s5 =	simm.s32 @p1 $0x1;
	p0 =	seq.s32 s7, s2  }
0x1e: {  	s7 =	smul.u32 @!p0 $0xF7A, s2;
	p2 =	seq.s32 @!p0 s5, $0x0  }
0x1f: {  	s9 =	smul.u32 $0xF7A, s1;
	s8 =	simm.s32 @!p0 $0x1BF5;
	p2 =	por !p2, p0  }
0x20: {  	[sflag:s8] =	ssyncset.s32 @!p0 $0xFFFFF086;
	s6 =	sadd.s32 @!p0 s3, s7;
	s7 =	simm.s32 @!p0 $0x108  }
0x21: {  	s3 =	sadd.s32 s3, s9;
	s6 =	sadd.s32 @!p0 $0x88, s6;
	s7 =	simm.s32 @p2 $0x1082  }
0x22: {  	[simem:s7], [sflag:s8] =	dma.local @!p0 [hbm:s6], $0xF7A  }
0x23: {  	s9 =	sor.u32 $0xD0000000, s2;
	s6 =	simm.s32 $0x108;
	_ =	swait.ge @!p0 [sflag:s8], $0x0  }
0x24: {  	s3 =	sadd.s32 $0x88, s3;
	s6 =	simm.s32 @!p1 $0x1082;
	[sflag:s4] =	ssyncset.s32 $0xFFFFF086  }
0x25: {  	[simem:s6], [sflag:s4] =	dma.local [hbm:s3], $0xF7A  }
0x26: {  	[smem:$0x3F9F] =	sst s1;
	(tag) =	ssettag s2;
	_ =	strace s9  }
0x27: {  	s1 =	sld [smem:$0x3FAF]  }
0x28: {  	s2 =	sld [smem:$0x3FB0]  }
0x29: {  	s4 =	sld [smem:$0x3FB2]  }
0x2a: {  	p0 =	seq.s32 s5, $0x0;
	s5 =	sld [smem:$0x3FB3]  }
0x2b: {  	s6 =	sld [smem:$0x3FB4]  }
0x2c: {  	s7 =	sld [smem:$0x3FB5]  }
0x2d: {  	s3 =	simm.s32 $0x108;
	s8 =	sld [smem:$0x3FB6]  }
0x2e: {  	s3 =	simm.s32 @!p0 $0x1082;
	s9 =	sld [smem:$0x3FB7]  }
0x2f: {  	lr =	sadd.s32 s0, s3;
	s0 =	sld [smem:$0x3FAE]  }
0x30: {  	s3 =	sld [smem:$0x3FB1]  }
0x31: {  	[smem:$0x3FBA] =	sst s10  }
0x32: {  	s10 =	sld [smem:$0x3FB8];
	_ =	sdelay $0x3  }
0x33: {  	p0 =	seq.s32 s10, $0x1;
	s10 =	sld [smem:$0x3FBA];
	_ =	sdelay $0x3  }
0x34: {  	[smem:$0x3FBA] =	sst s10  }
0x35: {  	s10 =	sld [smem:$0x3FB9];
	_ =	sdelay $0x3  }
0x36: {  	p1 =	seq.s32 s10, $0x1;
	s10 =	sld [smem:$0x3FBA];
	_ =	sdelay $0x3  }
0x37: {  	[smem:$0x3FBA] =	sst s10  }
0x38: {  	s10 =	sld [smem:$0x3FBB]  }
0x39: {  	_ = 	snop;
	(pc) =	sbr.ind lr, $3  }
0x3a: {  	_ = 	snop  }
0x3b: {  	_ = 	snop  }
0x3c: {  	p2 =	seq.s32 s10, $0x1;
	s10 =	sld [smem:$0x3FBA]  }
0x3d: {  	_ =	shalt  }
0x3e: {  	_ =	shalt  }
0x3f: {  	_ =	shalt  }
0x40: {  	_ =	shalt  }
0x41: {  	_ =	shalt  }
0x42: {  	_ =	shalt  }
0x43: {  	_ =	shalt  }
0x44: {  	_ =	shalt  }
0x45: {  	_ =	shalt  }
0x46: {  	_ =	shalt  }
0x47: {  	_ =	shalt  }
0x48: {  	_ =	shalt  }
0x49: {  	_ =	shalt  }
0x4a: {  	_ =	shalt  }
0x4b: {  	_ =	shalt  }
0x4c: {  	_ =	shalt  }
0x4d: {  	_ =	shalt  }
0x4e: {  	_ =	shalt  }
0x4f: {  	_ =	shalt  }
0x50: {  	_ =	shalt  }
0x51: {  	_ =	shalt  }
0x52: {  	_ =	shalt  }
0x53: {  	_ =	shalt  }
0x54: {  	_ =	shalt  }
0x55: {  	_ =	shalt  }
0x56: {  	_ =	shalt  }
0x57: {  	_ =	shalt  }
0x58: {  	_ =	shalt  }
0x59: {  	_ =	shalt  }
0x5a: {  	_ =	shalt  }
0x5b: {  	_ =	shalt  }
0x5c: {  	_ =	shalt  }
0x5d: {  	_ =	shalt  }
0x5e: {  	_ =	shalt  }
0x5f: {  	_ =	shalt  }
0x60: {  	_ =	shalt  }
0x61: {  	_ =	shalt  }
0x62: {  	_ =	shalt  }
0x63: {  	_ =	shalt  }
0x64: {  	_ =	shalt  }
0x65: {  	_ =	shalt  }
0x66: {  	_ =	shalt  }
0x67: {  	_ =	shalt  }
0x68: {  	_ =	shalt  }
0x69: {  	_ =	shalt  }
0x6a: {  	_ =	shalt  }
0x6b: {  	_ =	shalt  }
0x6c: {  	_ =	shalt  }
0x6d: {  	_ =	shalt  }
0x6e: {  	_ =	shalt  }
0x6f: {  	_ =	shalt  }
0x70: {  	_ =	shalt  }
0x71: {  	_ =	shalt  }
0x72: {  	_ =	shalt  }
0x73: {  	_ =	shalt  }
0x74: {  	_ =	shalt  }
0x75: {  	_ =	shalt  }
0x76: {  	_ =	shalt  }
0x77: {  	_ =	shalt  }
0x78: {  	_ =	shalt  }
0x79: {  	_ =	shalt  }
0x7a: {  	_ =	shalt  }
0x7b: {  	_ =	shalt  }
0x7c: {  	_ =	shalt  }
0x7d: {  	_ =	shalt  }
0x7e: {  	_ =	shalt  }
0x7f: {  	_ =	shalt  }
0x80: {  	_ =	shalt  }
0x81: {  	_ =	shalt  }
0x82: {  	_ =	shalt  }
0x83: {  	_ =	shalt  }
0x84: {  	_ =	shalt  }
0x85: {  	_ =	shalt  }
0x86: {  	_ =	shalt  }
0x87: {  	_ =	shalt  }
.Lfunc_end0:
.L_simem_size_0:
called_computation.1_lowered:
.L_overlay_start_0:
0x88: {  	s2 =	sld [smem:$0x3FD9]  }
0x89: {  	s3 =	sld [smem:$0x3FFE];
	_ =	sdelay $0x1  }
0x8a: {  	s1 =	srdreg.scid  }
0x8b: {  	s0 =	sand.u32 $0x1, s1  }
0x8c: {  	s16 =	sshll.u32 s0, $0xA;
	s2 =	sadd.s32 s3, s2  }
0x8d: {  	s2 =	sadd.s32 s2, s16  }
0x8e: {  	[smem:$0x3FC6] =	sst s2  }
0x8f: {  	_ = 	snop  }
0x90: {  	(tm) =	ssettm $0x1  }
0x91: {  	s17 =	sld [smem:$0x3FFB];
	_ =	sdelay $0x3  }
0x92: {  	_ =	strace s17  }
0x93: {  	s2 =	sld [smem:$0x3FFC];
	_ =	sdelay $0x3  }
0x94: {  	_ =	strace s2  }
0x95: {  	s2 =	sld [smem:$0x3FFD];
	_ =	sdelay $0x3  }
0x96: {  	_ =	strace s2  }
0x97: {  	_ =	strace $0x8FFFFFFF  }
0x98: {  	s18 =	sld [smem:$0x3FDB];
	_ =	sdelay $0x1  }
0x99: {  	s19 =	simm.s32 $_scs_section_size  }
0x9a: {  	s4 =	simm.s32 $_size__tile_overlayer_lowered;
	s5 =	simm.s32 $_tile_overlayer_lowered  }
0x9b: {  	s22 =	simm.s32 $0x1BFF;
	s21 =	sshll.u32 s5, $0x1;
	s2 =	sadd.s32 s19, s18  }
0x9c: {  	s6 =	simm.s32 $0x0;
	s20 =	sshll.u32 s4, $0x1;
	s4 =	sadd.s32 s21, s2  }
0x9d: {  	[timem:s6], [sflag:s22] =	dma.local [hbm:s4], s20  }
0x9e: {  	_ =	swait.ge [sflag:s22], s20  }
0x9f: {  	s3 =	ssub.s32 $0x0, s20;
	[sflag:s22] =	ssyncset.done $0x0  }
0xa0: {  	[sflag:s22] =	ssyncadd.s32 s3;
	_ =	sdelay $0x1  }
0xa1: {  	s23 =	simm.s32 $0x1B8B  }
0xa2: {  	_ =	swait.ge [sflag:s23], $0x1  }
0xa3: {  	[sflag:s23] =	ssyncset.done $0x0  }
0xa4: {  	s25 =	simm.s32 $0x1B8E;
	s24 =	sld [smem:$0x3FFE];
	[sflag:s23] =	ssyncadd.s32 $0xFFFFFFFF  }
0xa5: {  	s26 =	simm.s32 $execute0_lowered;
	[smem:$0x3FD2] =	sst s25  }
0xa6: {  	s4 =	sshll.u32 s26, $0x1;
	_ =	strace $0x8000004C;
	[dreg:$0x1] =	wrdreg $0xFFFFFFFF  }
0xa7: {  	s28 =	simm.s32 $_size_execute0_lowered;
	s2 =	sadd.s32 s2, s4;
	[dreg:$0x0] =	wrdreg $0x0  }
0xa8: {  	s4 =	sshll.u32 s28, $0x1;
	[dreg:$0x2] =	wrdreg s2  }
0xa9: {  	[dreg:$0x3] =	wrdreg s4  }
0xaa: {  	[dreg:$0x4] =	wrdreg $0xC0  }
0xab: {  	_ =	task [dreg:s6], $0x5FFFF  }
0xac: {  	[dreg:$0x1] =	wrdreg $0xFFFFFFFF  }
0xad: {  	[dreg:$0x0] =	wrdreg $0x60  }
0xae: {  	[dreg:$0x2] =	wrdreg s24  }
0xaf: {  	[dreg:$0x3] =	wrdreg $0x9  }
0xb0: {  	_ =	task.clear_ibuf [dreg:s6], $0x4FFFF;
	_ =	strace $0x9000004C  }
0xb1: {  	s29 =	simm.s32 $0x9;
	_ =	strace $0x8000004E  }
0xb2: {  	_ =	swait.ge [sflag:s29], $0x1  }
0xb3: {  	[sflag:s29] =	ssyncadd.s32 $0xFFFFFFFF  }
0xb4: {  	_ =	strace $0x9000004E  }
0xb5: {  	_ =	sfence  }
0xb6: {  	s30 =	sld [smem:$0x0];
	_ =	sdelay $0x2  }
0xb7: {  	s31 =	sshll.u32 s1, $0xD;
	s1 =	sshrl.u32 s1, $0x2  }
0xb8: {  	s3 =	sand.u32 $0x4000, s31;
	s1 =	sadd.s32 s1, s30  }
0xb9: {  	s0 =	sor.u32 s3, s0;
	s1 =	sshll.u32 s1, $0x11  }
0xba: {  	s0 =	sor.u32 s1, s0  }
0xbb: {  	s0 =	sadd.s32 $0x8F2B, s0  }
0xbc: {  	[sflag:s0] =	ssyncadd.remote.s32 $0x1  }
0xbd: {  	_ =	sfence.sel $0xFFFF  }
0xbe: {  	[dreg:$0x0] =	wrdreg $0xFFFFFFFF;
	(pc) =	sbr.abs _section_cstart, $3  }
0xbf: {  	[dreg:$0x1] =	wrdreg $0xFFFFFFFF  }
0xc0: {  	_ =	task.clear_ibuf [dreg:s6], $0x2FFFF;
	_ =	strace $0x9FFFFFFF  }
0xc1: {  	(tm) =	ssettm $0x7FFFFFFF  }
tec
execute0_lowered:
.L_overlay_start_1:
0x0: {  	(tag) =	ssettag $0x1  }
0x1: {  	s7 =	rddreg [dreg:$0x0]  }
0x2: {  	s0 =	rddreg [dreg:$0x1];
	_ =	strace $0x8000004D  }
0x3: {  	s1 =	srdreg.scid;
	s4 =	simm.s32 $0x1;
	s9 =	simm.s32 $0x3  }
0x4: {  	s12 =	simm.s32 $0x0;
	s10 =	simm.s32 $0x0;
	s5 =	sshll.u32 s1, $0x4  }
.Ltmp0:
0x5: {  	s1 =	stileid.u32;
	s5 =	sand.u32 $0x10, s5;
	(pc) =	sbr.rel .LBB2_1-.Ltmp0, $4  }
0x6: {  	s2 =	sadd.s32 $0x3800, s7;
	s3 =	sadd.s32 $0x3600, s7;
	s6 =	sor.u32 s1, s5  }
0x7: {  	[sflag:s4] =	ssyncpa.u1 $0x0;
	s5 =	simm.s32 $0x2;
	s6 =	sshll.u32 s6, $0x7  }
0x8: {  	s7 =	sadd.s32 $0x13800, s7;
	[sflag:s5] =	ssyncpa.u1 $0x0;
	s8 =	sadd.s32 $0x80, s6  }
0x9: {  	vm0 =	vmmov $0xff;
	vm1 =	vcmask $0x3F20;
	[sflag:s9] =	ssyncpa.u1 $0x0;
	s9 =	simm.s32 $0x80;
	s11 =	smov.u32 s6  }
.LBB2_9:
0xa: {  	p0 =	seq.s32 s10, $0x2  }
.Ltmp1:
0xb: {  	_ = 	snop;
	(pc) =	sbr.rel @p0 .LBB2_11-.Ltmp1, $1  }
0xc: {  	_ =	sdelay $0x3  }
.LBB2_10:
0xd: {  	s12 =	sadd.s32 $0x80, s11  }
0xe: {  	s13 =	smov.u32 s6;
	p0 =	slt.s32 s12, s8  }
0xf: {  	s13 =	smov.u32 @p0 s12  }
0x10: {  	s10 =	sadd.s32 $0x1, s10;
	s12 =	smov.u32 s11;
	s11 =	smov.u32 s13  }
.LBB2_1:
0x11: {  	p0 =	sne.s32 s10, $0x0  }
.Ltmp2:
0x12: {  	_ = 	snop;
	(pc) =	sbr.rel @!p0 .LBB2_2-.Ltmp2, $1  }
0x13: {  	_ =	sdelay $0x3  }
0x14: {  	s13 =	sand.u32 $0x1, s10  }
0x15: {  	p0 =	seq.s32 s13, $0x0  }
.Ltmp3:
0x16: {  	_ = 	snop;
	(pc) =	sbr.rel @p0 .LBB2_9-.Ltmp3, $1  }
0x17: {  	_ =	sdelay $0x3  }
0x18: {  	_ =	swait.ge [sflag:s5], $0x80  }
0x19: {  	[sflag:s5] =	ssyncset.done $0x0  }
0x1a: {  	s13 =	simm.s32 $0x0;
	[sflag:s5] =	ssyncadd.s32 $0xFFFFFF80  }
0x1b: {  	v0 =	vld.msk [tilespmem:s13+$0x80 ss:$0x1], $0xffff;
	_ =	sdelay $0x4  }
0x1c: {  	v1 =	vshll.u32 v0, $0x5  }
0x1d: {  	vm2 =	veq.s32 v0, $0x80000000;
	v0 =	vshll.u32 v0, $0x11;
	v1 =	vand.u32 $0x1FF80, v1  }
0x1e: {  	v0 =	vand.u32 $0x60000, v0;
	v1 =	vsel vm2, $0xFFFFFF80, v1  }
0x1f: {  	v0 =	vsel vm2, $0xFFFE0000, v0;
	v2 =	vand.u32 $0xFFFFFC00, v1  }
0x20: {  	v1 =	vand.u32 $0x380, v1;
	v0 =	vadd.s32 v0, v2  }
0x21: {  	v0 =	vor.u32 v1, v0  }
0x22: {  	v0 =	vshrl.u32 v0, $0x3;
	_ =	sdelay $0x3  }
0x23: {  	s13 =	simm.s32 $0x4100  }
0x24: {  	[tilespmem:s13], [sflag:$0x1] =	stream.indirect_vreg.gather [hbm:s2], $0x80, v0, vm0, $0x38;
	[tilespmem:$0x8100] =	vst v63  }
0x25: {  	s14 =	simm.s32 $0x4500;
	s31 =	simm.s32 $0x10  }
0x26: {  	[tilespmem:s14], [sflag:$0x1] =	stream.indirect_vreg.gather [hbm:s2], $0x80, v0, vm1, $0x38;
	[tilespmem:$0x8100] =	vst v63  }
0x27: {  	s14 =	simm.s32 $0x80;
	v0 =	vld.msk [tilespmem:s31+$0x80 ss:$0x1], $0xffff  }
.LBB2_5:
0x28: {  	p0 =	sne.s32 s14, $0x1C0;
	_ =	sdelay $0x4  }
0x29: {  	v1 =	vshll.u32 v0, $0x5  }
0x2a: {  	vm2 =	veq.s32 v0, $0x80000000;
	v0 =	vshll.u32 v0, $0x11;
	v1 =	vand.u32 $0x1FF80, v1  }
0x2b: {  	v0 =	vand.u32 $0x60000, v0;
	v1 =	vsel vm2, $0xFFFFFF80, v1  }
0x2c: {  	v0 =	vsel vm2, $0xFFFE0000, v0;
	v2 =	vand.u32 $0xFFFFFC00, v1  }
0x2d: {  	v1 =	vand.u32 $0x380, v1;
	v0 =	vadd.s32 v0, v2  }
0x2e: {  	v0 =	vor.u32 v1, v0  }
0x2f: {  	v0 =	vshrl.u32 v0, $0x3;
	_ =	sdelay $0x3  }
.Ltmp4:
0x30: {  	s13 =	sadd.s32 $0x800, s13;
	(pc) =	sbr.rel @p0 .LBB2_5-.Ltmp4, $4  }
0x31: {  	[tilespmem:s13], [sflag:$0x1] =	stream.indirect_vreg.gather [hbm:s2], $0x80, v0, vm0, $0x38;
	[tilespmem:$0x8100] =	vst v63  }
0x32: {  	s15 =	sshra.s32 s14, $0x2;
	s16 =	sadd.s32 $0x400, s13  }
0x33: {  	[tilespmem:s16], [sflag:$0x1] =	stream.indirect_vreg.gather [hbm:s2], $0x80, v0, vm1, $0x38;
	[tilespmem:$0x8100] =	vst v63  }
0x34: {  	s14 =	sadd.s32 $0x40, s14;
	v0 =	vld.msk [tilespmem:s15+$0x80 ss:$0x1], $0xffff  }
0x35: {  	_ =	sdelay $0x3  }
0x36: {  	v1 =	vshll.u32 v0, $0x5  }
0x37: {  	vm2 =	veq.s32 v0, $0x80000000;
	v63 =	vshll.u32 v0, $0x11;
	v1 =	vand.u32 $0x1FF80, v1  }
0x38: {  	v0 =	vand.u32 $0x60000, v63;
	v1 =	vsel vm2, $0xFFFFFF80, v1  }
0x39: {  	v0 =	vsel vm2, $0xFFFE0000, v0;
	v2 =	vand.u32 $0xFFFFFC00, v1  }
0x3a: {  	v1 =	vand.u32 $0x380, v1;
	v0 =	vadd.s32 v0, v2  }
0x3b: {  	v0 =	vor.u32 v1, v0  }
0x3c: {  	v0 =	vshrl.u32 v0, $0x3;
	_ =	sdelay $0x3  }
0x3d: {  	s13 =	sadd.s32 $0x800, s13  }
0x3e: {  	[tilespmem:s13], [sflag:$0x1] =	stream.indirect_vreg.gather [hbm:s2], $0x80, v0, vm0, $0x38;
	[tilespmem:$0x8100] =	vst v63  }
0x3f: {  	s13 =	sadd.s32 $0x400, s13  }
0x40: {  	[tilespmem:s13], [sflag:$0x1] =	stream.indirect_vreg.gather [hbm:s2], $0x80, v0, vm1, $0x38;
	[tilespmem:$0x8100] =	vst v63  }
0x41: {  	s12 =	sshll.u32 s12, $0x4;
	s14 =	simm.s32 $0x80;
	_ =	swait.ge [sflag:s4], $0x4000  }
0x42: {  	s15 =	simm.s32 $0x4500;
	s12 =	sadd.s32 s12, s7;
	[sflag:s4] =	ssyncset.done $0x0  }
0x43: {  	s16 =	sadd.s32 $0x0, s12;
	s13 =	simm.s32 $0x4100;
	[sflag:s4] =	ssyncadd.s32 $0xFFFFC000  }
.LBB2_7:
0x44: {  	[hbm:s16] =	stream.linear.scatter [tilespmem:s13], [sflag:$0x3], $0x400, $0x38;
	[tilespmem:$0x8100] =	vst v63  }
0x45: {  	s16 =	smov.u32 s14;
	s13 =	smov.u32 s15;
	p0 =	sne.s32 s14, $0x780  }
.Ltmp5:
0x46: {  	s14 =	sadd.s32 $0x80, s14;
	(pc) =	sbr.rel @p0 .LBB2_7-.Ltmp5, $2  }
0x47: {  	_ =	sdelay $0x2  }
0x48: {  	s15 =	sadd.s32 $0x400, s15;
	s16 =	sadd.s32 s16, s12  }
.Ltmp6:
0x49: {  	(pc) =	sbr.rel .LBB2_9-.Ltmp6, $2  }
0x4a: {  	_ =	sdelay $0x2  }
0x4b: {  	[hbm:s16] =	stream.linear.scatter [tilespmem:s13], [sflag:$0x3], $0x400, $0x38;
	[tilespmem:$0x8100] =	vst v63  }
.LBB2_2:
.Ltmp7:
0x4c: {  	(pc) =	sbr.rel .LBB2_10-.Ltmp7, $4  }
0x4d: {  	_ = 	snop  }
0x4e: {  	s12 =	sshrl.u32 s11, $0x3  }
0x4f: {  	s13 =	sand.u32 $0x7, s11;
	s12 =	sadd.s32 s3, s12  }
0x50: {  	[tilespmem:s9], [sflag:$0x2] =	stream.linear.gather [hbm4b:s12+s13], $0x80, $0x38;
	[tilespmem:$0x8100] =	vst v63  }
.LBB2_11:
0x51: {  	s2 =	simm.s32 $0x3  }
0x52: {  	_ =	swait.ge [sflag:s2], $0x4000  }
0x53: {  	[sflag:s2] =	ssyncset.done $0x0  }
0x54: {  	[sflag:s2] =	ssyncadd.s32 $0xFFFFC000  }
0x55: {  	_ =	sfence.sel $0x180000  }
0x56: {  	s3 =	simm.s32 $0x2;
	[bflag:$0x0] =	sbarrier.arrive $0xFFFF  }
0x57: {  	[sflag:s3] =	ssyncpa.u1 $0x1  }
0x58: {  	s31 =	simm.s32 $0x1;
	[sflag:s2] =	ssyncpa.u1 $0x1  }
0x59: {  	[sflag:s31] =	ssyncpa.u1 $0x1  }
0x5a: {  	p0 =	sne.s32 s1, $0x0;
	_ =	strace $0x9000004D  }
0x5b: {  	s0 =	sadd.s32 @!p0 $0x100000, s0;
	[bflag:$0x2] =	sbarrier.arrive $0xFFFF  }
0x5c: {  	[sflag:s0] =	ssyncadd.tile.s32 @!p0 $0x1;
	_ =	shalt  }
.Lfunc_end2:
_tile_overlayer_lowered:
.L_overlay_start_2:
0x5d: {  	(tag) =	ssettag $0x2  }
0x5e: {  	s0 =	rddreg [dreg:$0x0];
	s2 =	stileid.u32  }
0x5f: {  	s1 =	rddreg [dreg:$0x1];
	p0 =	sne.s32 s2, $0x0  }
0x60: {  	s3 =	rddreg [dreg:$0x2];
	[bflag:$0x3] =	sbarrier.arrive $0xFFFF;
	s2 =	simm.s32 @!p0 $0x1C01  }
0x61: {  	[timem:s3], [sflag:s2] =	dma.local @!p0 [hbm:s0], s1  }
0x62: {  	s0 =	simm.s32 @!p0 $0x1  }
0x63: {  	_ =	swait.ge @!p0 [sflag:s0], s1  }
0x64: {  	s1 =	ssub.s32 @!p0 $0x0, s1;
	[sflag:s0] =	ssyncset.done @!p0 $0x0  }
0x65: {  	[sflag:s0] =	ssyncadd.s32 @!p0 s1  }
0x66: {  	[bflag:$0x3] =	sbarrier.arrive $0xFFFF  }
0x67: {  	_ =	shalt  }

// kernel: gather_offload_async_start
scs
__scs_entry_jumppad:
0x0: {  	(pc) =	sbr.rel $0x88, $3  }
0x1: {  	(tag) =	ssettag $0x0;
	lr =	simm.s32 $0x1  }
0x2: {  	[smem:$0x3F9F] =	sst lr;
	_ =	strace $0xD0000000  }
0x3: {  	_ = 	snop  }
0x4: {  	_ = 	snop  }
0x5: {  	_ = 	snop  }
0x6: {  	_ = 	snop  }
0x7: {  	_ = 	snop  }
__scs_overlays_trampoline_lowered:
0x8: {  	[smem:$0x3FAE] =	sst s0  }
0x9: {  	[smem:$0x3FAF] =	sst s1  }
0xa: {  	[smem:$0x3FB0] =	sst s2  }
0xb: {  	[smem:$0x3FB1] =	sst s3  }
0xc: {  	[smem:$0x3FB2] =	sst s4  }
0xd: {  	[smem:$0x3FB3] =	sst s5  }
0xe: {  	[smem:$0x3FB4] =	sst s6  }
0xf: {  	[smem:$0x3FB5] =	sst s7  }
0x10: {  	[smem:$0x3FB6] =	sst s8  }
0x11: {  	[smem:$0x3FB7] =	sst s9;
	s0 =	simm.s32 @!p0 $0x0  }
0x12: {  	s1 =	sld [smem:$0x3F9D];
	s0 =	simm.s32 @p0 $0x1  }
0x13: {  	[smem:$0x3FB8] =	sst s0;
	s0 =	simm.s32 @!p1 $0x0  }
0x14: {  	s2 =	sld [smem:$0x3F9C];
	s0 =	simm.s32 @p1 $0x1  }
0x15: {  	[smem:$0x3FB9] =	sst s0;
	s0 =	simm.s32 @!p2 $0x0  }
0x16: {  	s3 =	sld [smem:$0x3FDB];
	s0 =	simm.s32 @p2 $0x1  }
0x17: {  	s4 =	simm.s32 $0x1BF5;
	[smem:$0x3FBB] =	sst s0  }
0x18: {  	s0 =	sld [smem:$0x3F9E];
	_ =	swait.ge [sflag:s4], $0x0  }
0x19: {  	s7 =	sld [smem:$0x3F9F]  }
0x1a: {  	s8 =	sadd.s32 $0xFFFFE003, lr  }
0x1b: {  	s9 =	sadd.s32 $0xFFFFFEF7, lr;
	s5 =	simm.s32 $0xFFFFFFFF;
	p2 =	slt.u32 s8, $0xFFFFF086  }
0x1c: {  	p1 =	slt.u32 s9, $0xF7A;
	s5 =	simm.s32 @!p2 $0x0  }
0x1d: {  	s5 =	simm.s32 @p1 $0x1;
	p0 =	seq.s32 s7, s2  }
0x1e: {  	s7 =	smul.u32 @!p0 $0xF7A, s2;
	p2 =	seq.s32 @!p0 s5, $0x0  }
0x1f: {  	s9 =	smul.u32 $0xF7A, s1;
	s8 =	simm.s32 @!p0 $0x1BF5;
	p2 =	por !p2, p0  }
0x20: {  	[sflag:s8] =	ssyncset.s32 @!p0 $0xFFFFF086;
	s6 =	sadd.s32 @!p0 s3, s7;
	s7 =	simm.s32 @!p0 $0x108  }
0x21: {  	s3 =	sadd.s32 s3, s9;
	s6 =	sadd.s32 @!p0 $0x88, s6;
	s7 =	simm.s32 @p2 $0x1082  }
0x22: {  	[simem:s7], [sflag:s8] =	dma.local @!p0 [hbm:s6], $0xF7A  }
0x23: {  	s9 =	sor.u32 $0xD0000000, s2;
	s6 =	simm.s32 $0x108;
	_ =	swait.ge @!p0 [sflag:s8], $0x0  }
0x24: {  	s3 =	sadd.s32 $0x88, s3;
	s6 =	simm.s32 @!p1 $0x1082;
	[sflag:s4] =	ssyncset.s32 $0xFFFFF086  }
0x25: {  	[simem:s6], [sflag:s4] =	dma.local [hbm:s3], $0xF7A  }
0x26: {  	[smem:$0x3F9F] =	sst s1;
	(tag) =	ssettag s2;
	_ =	strace s9  }
0x27: {  	s1 =	sld [smem:$0x3FAF]  }
0x28: {  	s2 =	sld [smem:$0x3FB0]  }
0x29: {  	s4 =	sld [smem:$0x3FB2]  }
0x2a: {  	p0 =	seq.s32 s5, $0x0;
	s5 =	sld [smem:$0x3FB3]  }
0x2b: {  	s6 =	sld [smem:$0x3FB4]  }
0x2c: {  	s7 =	sld [smem:$0x3FB5]  }
0x2d: {  	s3 =	simm.s32 $0x108;
	s8 =	sld [smem:$0x3FB6]  }
0x2e: {  	s3 =	simm.s32 @!p0 $0x1082;
	s9 =	sld [smem:$0x3FB7]  }
0x2f: {  	lr =	sadd.s32 s0, s3;
	s0 =	sld [smem:$0x3FAE]  }
0x30: {  	s3 =	sld [smem:$0x3FB1]  }
0x31: {  	[smem:$0x3FBA] =	sst s10  }
0x32: {  	s10 =	sld [smem:$0x3FB8];
	_ =	sdelay $0x3  }
0x33: {  	p0 =	seq.s32 s10, $0x1;
	s10 =	sld [smem:$0x3FBA];
	_ =	sdelay $0x3  }
0x34: {  	[smem:$0x3FBA] =	sst s10  }
0x35: {  	s10 =	sld [smem:$0x3FB9];
	_ =	sdelay $0x3  }
0x36: {  	p1 =	seq.s32 s10, $0x1;
	s10 =	sld [smem:$0x3FBA];
	_ =	sdelay $0x3  }
0x37: {  	[smem:$0x3FBA] =	sst s10  }
0x38: {  	s10 =	sld [smem:$0x3FBB]  }
0x39: {  	_ = 	snop;
	(pc) =	sbr.ind lr, $3  }
0x3a: {  	_ = 	snop  }
0x3b: {  	_ = 	snop  }
0x3c: {  	p2 =	seq.s32 s10, $0x1;
	s10 =	sld [smem:$0x3FBA]  }
0x3d: {  	_ =	shalt  }
0x3e: {  	_ =	shalt  }
0x3f: {  	_ =	shalt  }
0x40: {  	_ =	shalt  }
0x41: {  	_ =	shalt  }
0x42: {  	_ =	shalt  }
0x43: {  	_ =	shalt  }
0x44: {  	_ =	shalt  }
0x45: {  	_ =	shalt  }
0x46: {  	_ =	shalt  }
0x47: {  	_ =	shalt  }
0x48: {  	_ =	shalt  }
0x49: {  	_ =	shalt  }
0x4a: {  	_ =	shalt  }
0x4b: {  	_ =	shalt  }
0x4c: {  	_ =	shalt  }
0x4d: {  	_ =	shalt  }
0x4e: {  	_ =	shalt  }
0x4f: {  	_ =	shalt  }
0x50: {  	_ =	shalt  }
0x51: {  	_ =	shalt  }
0x52: {  	_ =	shalt  }
0x53: {  	_ =	shalt  }
0x54: {  	_ =	shalt  }
0x55: {  	_ =	shalt  }
0x56: {  	_ =	shalt  }
0x57: {  	_ =	shalt  }
0x58: {  	_ =	shalt  }
0x59: {  	_ =	shalt  }
0x5a: {  	_ =	shalt  }
0x5b: {  	_ =	shalt  }
0x5c: {  	_ =	shalt  }
0x5d: {  	_ =	shalt  }
0x5e: {  	_ =	shalt  }
0x5f: {  	_ =	shalt  }
0x60: {  	_ =	shalt  }
0x61: {  	_ =	shalt  }
0x62: {  	_ =	shalt  }
0x63: {  	_ =	shalt  }
0x64: {  	_ =	shalt  }
0x65: {  	_ =	shalt  }
0x66: {  	_ =	shalt  }
0x67: {  	_ =	shalt  }
0x68: {  	_ =	shalt  }
0x69: {  	_ =	shalt  }
0x6a: {  	_ =	shalt  }
0x6b: {  	_ =	shalt  }
0x6c: {  	_ =	shalt  }
0x6d: {  	_ =	shalt  }
0x6e: {  	_ =	shalt  }
0x6f: {  	_ =	shalt  }
0x70: {  	_ =	shalt  }
0x71: {  	_ =	shalt  }
0x72: {  	_ =	shalt  }
0x73: {  	_ =	shalt  }
0x74: {  	_ =	shalt  }
0x75: {  	_ =	shalt  }
0x76: {  	_ =	shalt  }
0x77: {  	_ =	shalt  }
0x78: {  	_ =	shalt  }
0x79: {  	_ =	shalt  }
0x7a: {  	_ =	shalt  }
0x7b: {  	_ =	shalt  }
0x7c: {  	_ =	shalt  }
0x7d: {  	_ =	shalt  }
0x7e: {  	_ =	shalt  }
0x7f: {  	_ =	shalt  }
0x80: {  	_ =	shalt  }
0x81: {  	_ =	shalt  }
0x82: {  	_ =	shalt  }
0x83: {  	_ =	shalt  }
0x84: {  	_ =	shalt  }
0x85: {  	_ =	shalt  }
0x86: {  	_ =	shalt  }
0x87: {  	_ =	shalt  }
.Lfunc_end0:
.L_simem_size_0:
called_computation_lowered:
.L_overlay_start_0:
0x88: {  	s2 =	sld [smem:$0x3FD9]  }
0x89: {  	s3 =	sld [smem:$0x3FFE];
	_ =	sdelay $0x1  }
0x8a: {  	s1 =	srdreg.scid  }
0x8b: {  	s0 =	sand.u32 $0x1, s1  }
0x8c: {  	s17 =	sshll.u32 s0, $0xA;
	s2 =	sadd.s32 s3, s2  }
0x8d: {  	s2 =	sadd.s32 s2, s17  }
0x8e: {  	[smem:$0x3FC6] =	sst s2  }
0x8f: {  	_ = 	snop  }
0x90: {  	s2 =	sld [smem:$0x3FC8]  }
0x91: {  	s18 =	sld [smem:$0x3FD0];
	(tm) =	ssettm $0x1  }
0x92: {  	s4 =	sld [smem:$0x3FFB];
	_ =	sdelay $0x3  }
0x93: {  	_ =	strace s4  }
0x94: {  	s4 =	sld [smem:$0x3FFC];
	_ =	sdelay $0x3  }
0x95: {  	_ =	strace s4  }
0x96: {  	s4 =	sld [smem:$0x3FFD];
	_ =	sdelay $0x3  }
0x97: {  	_ =	strace s4  }
0x98: {  	_ =	strace $0x8FFFFFFF  }
0x99: {  	s19 =	sld [smem:$0x3FDB];
	_ =	sdelay $0x1  }
0x9a: {  	s5 =	simm.s32 $_scs_section_size  }
0x9b: {  	s6 =	simm.s32 $_size__tile_overlayer_lowered;
	s7 =	simm.s32 $_tile_overlayer_lowered  }
0x9c: {  	s22 =	simm.s32 $0x1BFF;
	s21 =	sshll.u32 s7, $0x1;
	s4 =	sadd.s32 s5, s19  }
0x9d: {  	s8 =	simm.s32 $0x0;
	s20 =	sshll.u32 s6, $0x1;
	s6 =	sadd.s32 s21, s4  }
0x9e: {  	[timem:s8], [sflag:s22] =	dma.local [hbm:s6], s20  }
0x9f: {  	_ =	swait.ge [sflag:s22], s20  }
0xa0: {  	s5 =	ssub.s32 $0x0, s20;
	[sflag:s22] =	ssyncset.done $0x0  }
0xa1: {  	[sflag:s22] =	ssyncadd.s32 s5;
	_ =	sdelay $0x1  }
0xa2: {  	s23 =	simm.s32 $0x1B8B  }
0xa3: {  	_ =	swait.ge [sflag:s23], $0x1  }
0xa4: {  	[sflag:s23] =	ssyncset.done $0x0  }
0xa5: {  	s25 =	simm.s32 $0x1B8E;
	s24 =	sld [smem:$0x3FFE];
	[sflag:s23] =	ssyncadd.s32 $0xFFFFFFFF  }
0xa6: {  	s26 =	simm.s32 $execute0_lowered;
	[smem:$0x3FD2] =	sst s25  }
0xa7: {  	s6 =	sshll.u32 s26, $0x1;
	_ =	strace $0x80000046;
	[dreg:$0x1] =	wrdreg $0xFFFFFFFF  }
0xa8: {  	s28 =	simm.s32 $_size_execute0_lowered;
	s4 =	sadd.s32 s4, s6;
	[dreg:$0x0] =	wrdreg $0x0  }
0xa9: {  	s6 =	sshll.u32 s28, $0x1;
	[dreg:$0x2] =	wrdreg s4  }
0xaa: {  	[dreg:$0x3] =	wrdreg s6  }
0xab: {  	[dreg:$0x4] =	wrdreg $0xC0  }
0xac: {  	_ =	task [dreg:s8], $0x5FFFF  }
0xad: {  	[dreg:$0x1] =	wrdreg $0xFFFFFFFF  }
0xae: {  	[dreg:$0x0] =	wrdreg $0x60  }
0xaf: {  	[dreg:$0x2] =	wrdreg s2  }
0xb0: {  	[dreg:$0x3] =	wrdreg s18  }
0xb1: {  	[dreg:$0x4] =	wrdreg s24  }
0xb2: {  	[dreg:$0x5] =	wrdreg $0x9  }
0xb3: {  	_ =	task.clear_ibuf [dreg:s8], $0x6FFFF;
	_ =	strace $0x90000046  }
0xb4: {  	s29 =	simm.s32 $0x9;
	_ =	strace $0x80000048  }
0xb5: {  	_ =	swait.ge [sflag:s29], $0x1  }
0xb6: {  	[sflag:s29] =	ssyncadd.s32 $0xFFFFFFFF  }
0xb7: {  	_ =	strace $0x90000048  }
0xb8: {  	_ =	sfence  }
0xb9: {  	s30 =	sld [smem:$0x0];
	_ =	sdelay $0x2  }
0xba: {  	s31 =	sshll.u32 s1, $0xD;
	s1 =	sshrl.u32 s1, $0x2  }
0xbb: {  	s3 =	sand.u32 $0x4000, s31;
	s1 =	sadd.s32 s1, s30  }
0xbc: {  	s0 =	sor.u32 s3, s0;
	s1 =	sshll.u32 s1, $0x11  }
0xbd: {  	s0 =	sor.u32 s1, s0  }
0xbe: {  	s0 =	sadd.s32 $0x8F2B, s0  }
0xbf: {  	[sflag:s0] =	ssyncadd.remote.s32 $0x1  }
0xc0: {  	_ =	sfence.sel $0xFFFF  }
0xc1: {  	[dreg:$0x0] =	wrdreg $0xFFFFFFFF;
	(pc) =	sbr.abs _section_cstart, $3  }
0xc2: {  	[dreg:$0x1] =	wrdreg $0xFFFFFFFF  }
0xc3: {  	_ =	task.clear_ibuf [dreg:s8], $0x2FFFF;
	_ =	strace $0x9FFFFFFF  }
0xc4: {  	(tm) =	ssettm $0x7FFFFFFF  }
0xc5: {  	_ =	shalt  }
tec
execute0_lowered:
.L_overlay_start_1:
0x0: {  	(tag) =	ssettag $0x1  }
0x1: {  	s1 =	srdreg.scid;
	s2 =	rddreg [dreg:$0x0]  }
0x2: {  	s0 =	stileid.u32;
	s3 =	rddreg [dreg:$0x1]  }
0x3: {  	s4 =	rddreg [dreg:$0x2];
	s6 =	simm.s32 $0x1;
	s1 =	sshll.u32 s1, $0x8  }
0x4: {  	s9 =	simm.s32 $0x1;
	s5 =	sshll.u32 s0, $0x9;
	s1 =	sand.u32 $0x100, s1  }
0x5: {  	s10 =	simm.s32 $0x3;
	s13 =	simm.s32 $0x0;
	s5 =	sor.u32 s5, s1  }
0x6: {  	s12 =	simm.s32 $0x0;
	s1 =	rddreg [dreg:$0x3];
	s8 =	ssub.s32 $0x3000, s5  }
.Ltmp0:
0x7: {  	_ =	strace $0x80000047;
	s7 =	sand.u32 $0x1F00, s8;
	(pc) =	sbr.rel .LBB2_1-.Ltmp0, $4  }
0x8: {  	[sflag:s6] =	ssyncpa.u1 $0x0;
	s11 =	smov.u32 s5;
	p0 =	sne.s32 s7, $0x0  }
0x9: {  	s8 =	sshrl.u32 s8, $0xD;
	s7 =	simm.s32 $0x2;
	s9 =	simm.s32 @!p0 $0x0  }
0xa: {  	[sflag:s7] =	ssyncpa.u1 $0x0;
	p0 =	por $0x0, $0x0;
	s8 =	sadd.s32 s9, s8  }
0xb: {  	vm0 =	vmmov $0xffff;
	[sflag:s10] =	ssyncpa.u1 $0x0;
	s10 =	simm.s32 $0x0;
	s9 =	sadd.s32 $0x1, s8  }
.LBB2_4:
0xc: {  	vm1 =	veq.s32 v0, $0x80000000;
	v3 =	vand.u32 $0x3, v0;
	v62 =	vshll.u32 v0, $0xA  }
0xd: {  	v2 =	vand.u32 $0x3FF, v2;
	v3 =	vsel vm1, $0xFFFFFFFF, v3;
	v0 =	vand.u32 $0x3000, v62  }
0xe: {  	v0 =	vsel vm1, $0xFFFFF000, v0;
	v4 =	vand.u32 $0xFFFFF000, v3;
	v3 =	vshll.u32 v3, $0x7  }
0xf: {  	v2 =	vsel vm1, $0xFFFFFFFF, v2;
	v0 =	vadd.s32 v4, v0;
	v3 =	vand.u32 $0x180, v3  }
0x10: {  	v63 =	vand.u32 $0x7F, v2;
	v2 =	vshll.u32 v2, $0x2;
	v0 =	vor.u32 v3, v0  }
0x11: {  	v2 =	vand.u32 $0xFFFFFE00, v2;
	v0 =	vor.u32 v63, v0  }
0x12: {  	v0 =	vadd.s32 v2, v0;
	_ =	sdelay $0x1  }
0x13: {  	(ifvalue) =	ssetifvalue $0x7FFFFFFF;
	s14 =	sadd.s32 $0x10, s14  }
0x14: {  	[tilespmem:s14], [sflag:$0x1] =	stream.indirect_vreg.gather [hbm4b:s2+s10], $0x1, v1, vm0, $0x4038;
	[tilespmem:$0x400] =	vst v63  }
0x15: {  	(ifvalue) =	ssetifvalue $0x7FFFFFFF;
	s14 =	sadd.s32 $0x10, s14  }
0x16: {  	[tilespmem:s14], [sflag:$0x1] =	stream.indirect_vreg.gather [hbm4b:s2+s10], $0x1, v0, vm0, $0x4038;
	[tilespmem:$0x400] =	vst v63  }
0x17: {  	_ =	swait.ge [sflag:s6], $0x100  }
0x18: {  	s30 =	sshrl.u32 s13, $0x3;
	[sflag:s6] =	ssyncset.done $0x0  }
0x19: {  	s31 =	sand.u32 $0x7, s13;
	s14 =	sadd.s32 s4, s30;
	[sflag:s6] =	ssyncadd.s32 $0xFFFFFF00  }
0x1a: {  	[hbm4b:s14+s31] =	stream.linear.scatter [tilespmem:s15], [sflag:$0x3], $0x100, $0x38;
	[tilespmem:$0x400] =	vst v63  }
.LBB2_5:
0x1b: {  	s15 =	sadd.s32 $0x2000, s11  }
0x1c: {  	p2 =	sgt.s32 s15, $0x2FFF  }
0x1d: {  	s15 =	smov.u32 @p2 s5;
	p2 =	sne.s32 s12, s9  }
.Ltmp1:
0x1e: {  	p1 =	slt.u32 s12, $0x2;
	(pc) =	sbr.rel @!p2 .LBB2_6-.Ltmp1, $4  }
0x1f: {  	s14 =	simm.s32 @!p1 $0x3  }
0x20: {  	s16 =	sadd.s32 $0x1, s12;
	_ =	swait.ge @!p1 [sflag:s14], $0x100  }
0x21: {  	s13 =	smov.u32 s11;
	p0 =	por !p0, !p0;
	[sflag:s14] =	ssyncset.done @!p1 $0x0  }
0x22: {  	s12 =	smov.u32 s16;
	s11 =	smov.u32 s15;
	[sflag:s14] =	ssyncadd.s32 @!p1 $0xFFFFFF00  }
.LBB2_1:
0x23: {  	p1 =	sge.u32 s12, s8  }
0x24: {  	s14 =	sxor.u32 @!p1 $0xFFFFFFFF, s12  }
0x25: {  	s31 =	sadd.s32 $0xFFFFFFFF, s12;
	s15 =	sshrl.u32 @!p1 s11, $0x3;
	s14 =	sshll.u32 @!p1 s14, $0x8  }
0x26: {  	s16 =	sand.u32 @!p1 $0x7, s11;
	s15 =	sadd.s32 @!p1 s3, s15;
	s14 =	sand.u32 @!p1 $0x100, s14  }
0x27: {  	[tilespmem:s14], [sflag:$0x2] =	stream.linear.gather @!p1 [hbm4b:s15+s16], $0x100, $0x38;
	[tilespmem:$0x400] =	vst v63  }
0x28: {  	p1 =	sge.u32 s31, s8  }
.Ltmp2:
0x29: {  	_ = 	snop;
	(pc) =	sbr.rel @p1 .LBB2_5-.Ltmp2, $1  }
0x2a: {  	_ =	sdelay $0x3  }
0x2b: {  	s14 =	simm.s32 $0x1  }
0x2c: {  	_ =	swait.ge [sflag:s7], $0x100;
	s14 =	simm.s32 @!p0 $0x0  }
0x2d: {  	[sflag:s7] =	ssyncset.done $0x0;
	s14 =	sshll.u32 s14, $0x8  }
0x2e: {  	[sflag:s7] =	ssyncadd.s32 $0xFFFFFF00;
	(ifvalue) =	ssetifvalue $0x7FFFFFFF;
	v0 =	vld.msk [tilespmem:s14+$0x0 ss:$0x1], $0xffff;
	_ =	sdelay $0x1  }
0x2f: {  	s15 =	sadd.s32 $0x10, s14  }
0x30: {  	v3 =	vld.msk [tilespmem:s15+$0x0 ss:$0x1], $0xffff;
	_ =	sdelay $0x1  }
0x31: {  	v1 =	vshrl.u32 v0, $0x4  }
0x32: {  	vm1 =	veq.s32 v0, $0x80000000;
	v2 =	vand.u32 $0x3, v0;
	v0 =	vshll.u32 v0, $0xA  }
0x33: {  	v2 =	vsel vm1, $0xFFFFFFFF, v2;
	v0 =	vand.u32 $0x3000, v0  }
0x34: {  	v1 =	vand.u32 $0x3FF, v1;
	v62 =	vand.u32 $0x3, v3;
	v0 =	vsel vm1, $0xFFFFF000, v0  }
0x35: {  	v4 =	vand.u32 $0xFFFFF000, v2;
	v2 =	vshll.u32 v2, $0x7;
	v1 =	vsel vm1, $0xFFFFFFFF, v1  }
0x36: {  	vm1 =	veq.s32 v3, $0x80000000;
	v0 =	vadd.s32 v4, v0;
	v2 =	vand.u32 $0x180, v2  }
0x37: {  	v61 =	vand.u32 $0x7F, v1;
	v1 =	vshll.u32 v1, $0x2;
	v0 =	vor.u32 v2, v0  }
0x38: {  	v4 =	vsel vm1, $0xFFFFFFFF, v62;
	v1 =	vand.u32 $0xFFFFFE00, v1;
	v0 =	vor.u32 v61, v0  }
0x39: {  	s17 =	sadd.s32 $0x10, s15;
	v2 =	vshrl.u32 v3, $0x4;
	v3 =	vshll.u32 v3, $0xA;
	v1 =	vadd.s32 v1, v0  }
0x3a: {  	v5 =	vand.u32 $0xFFFFF000, v4;
	v3 =	vand.u32 $0x3000, v3;
	v0 =	vld.msk [tilespmem:s17+$0x0 ss:$0x1], $0xffff  }
0x3b: {  	v4 =	vshll.u32 v4, $0x7;
	v2 =	vand.u32 $0x3FF, v2;
	v3 =	vsel vm1, $0xFFFFF000, v3  }
0x3c: {  	s31 =	sshll.u32 s12, $0x8;
	v4 =	vand.u32 $0x180, v4;
	v2 =	vsel vm1, $0xFFFFFFFF, v2;
	v3 =	vadd.s32 v5, v3  }
0x3d: {  	s14 =	sor.u32 $0x200, s14;
	s15 =	sand.u32 $0x100, s31;
	(ifvalue) =	ssetifvalue $0x7FFFFFFF;
	v63 =	vand.u32 $0x7F, v2;
	v2 =	vshll.u32 v2, $0x2;
	v3 =	vor.u32 v4, v3  }
0x3e: {  	v3 =	vor.u32 v63, v3;
	[tilespmem:s14], [sflag:$0x1] =	stream.indirect_vreg.gather [hbm4b:s2+s10], $0x1, v1, vm0, $0x4038;
	v1 =	vand.u32 $0xFFFFFE00, v2;
	[tilespmem:$0x400] =	vst v63  }
0x3f: {  	s16 =	simm.s32 $0x20;
	s15 =	sor.u32 $0x200, s15;
	s17 =	sadd.s32 $0x10, s17;
	v2 =	vshrl.u32 v0, $0x4;
	v1 =	vadd.s32 v1, v3  }
.LBB2_3:
0x40: {  	vm1 =	veq.s32 v0, $0x80000000;
	v3 =	vand.u32 $0x3, v0;
	v4 =	vshll.u32 v0, $0xA;
	v0 =	vld.msk [tilespmem:s17+$0x0 ss:$0x1], $0xffff;
	s16 =	sadd.s32 $0x10, s16  }
0x41: {  	v2 =	vand.u32 $0x3FF, v2;
	v3 =	vsel vm1, $0xFFFFFFFF, v3;
	v4 =	vand.u32 $0x3000, v4;
	p1 =	slt.u32 s16, $0xF0  }
.Ltmp3:
0x42: {  	v4 =	vsel vm1, $0xFFFFF000, v4;
	v5 =	vand.u32 $0xFFFFF000, v3;
	v3 =	vshll.u32 v3, $0x7;
	(pc) =	sbr.rel @p1 .LBB2_3-.Ltmp3, $4  }
0x43: {  	s14 =	sadd.s32 $0x10, s14;
	v2 =	vsel vm1, $0xFFFFFFFF, v2;
	v4 =	vadd.s32 v5, v4;
	v3 =	vand.u32 $0x180, v3;
	(ifvalue) =	ssetifvalue $0x7FFFFFFF  }
0x44: {  	v5 =	vand.u32 $0x7F, v2;
	v2 =	vshll.u32 v2, $0x2;
	v3 =	vor.u32 v3, v4;
	[tilespmem:s14], [sflag:$0x1] =	stream.indirect_vreg.gather [hbm4b:s2+s10], $0x1, v1, vm0, $0x4038;
	[tilespmem:$0x400] =	vst v63  }
0x45: {  	v1 =	vand.u32 $0xFFFFFE00, v2;
	v3 =	vor.u32 v5, v3  }
0x46: {  	s17 =	sadd.s32 $0x10, s17;
	v2 =	vshrl.u32 v0, $0x4;
	v1 =	vadd.s32 v1, v3  }
.Ltmp4:
0x47: {  	_ = 	snop;
	(pc) =	sbr.rel .LBB2_4-.Ltmp4, $1  }
0x48: {  	_ =	sdelay $0x3  }
.LBB2_6:
0x49: {  	_ =	sfence.sel $0x180000  }
0x4a: {  	s2 =	simm.s32 $0x2;
	[bflag:$0x0] =	sbarrier.arrive $0xFFFF  }
0x4b: {  	s30 =	simm.s32 $0x3;
	[sflag:s2] =	ssyncpa.u1 $0x1  }
0x4c: {  	s31 =	simm.s32 $0x1;
	[sflag:s30] =	ssyncpa.u1 $0x1  }
0x4d: {  	[sflag:s31] =	ssyncpa.u1 $0x1  }
0x4e: {  	p0 =	sne.s32 s0, $0x0;
	_ =	strace $0x90000047  }
0x4f: {  	s0 =	sadd.s32 @!p0 $0x100000, s1;
	[bflag:$0x2] =	sbarrier.arrive $0xFFFF  }
0x50: {  	[sflag:s0] =	ssyncadd.tile.s32 @!p0 $0x1;
	_ =	shalt  }
.Lfunc_end2:
_tile_overlayer_lowered:
.L_overlay_start_2:
0x51: {  	(tag) =	ssettag $0x2  }
0x52: {  	s0 =	rddreg [dreg:$0x0];
	s2 =	stileid.u32  }
0x53: {  	s1 =	rddreg [dreg:$0x1];
	p0 =	sne.s32 s2, $0x0  }
0x54: {  	s3 =	rddreg [dreg:$0x2];
	[bflag:$0x3] =	sbarrier.arrive $0xFFFF;
	s2 =	simm.s32 @!p0 $0x1C01  }
0x55: {  	[timem:s3], [sflag:s2] =	dma.local @!p0 [hbm:s0], s1  }
0x56: {  	s0 =	simm.s32 @!p0 $0x1  }
0x57: {  	_ =	swait.ge @!p0 [sflag:s0], s1  }
0x58: {  	s1 =	ssub.s32 @!p0 $0x0, s1;
	[sflag:s0] =	ssyncset.done @!p0 $0x0  }
0x59: {  	[sflag:s0] =	ssyncadd.s32 @!p0 s1  }
0x5a: {  	[bflag:$0x3] =	sbarrier.arrive $0xFFFF  }
0x5b: {  	_ =	shalt  }

// kernel: kernel.3.cloned.1.call-start
scs
__scs_entry_jumppad:
0x0: {  	(pc) =	sbr.rel $0x88, $3  }
0x1: {  	(tag) =	ssettag $0x0;
	lr =	simm.s32 $0x1  }
0x2: {  	[smem:$0x3F9F] =	sst lr;
	_ =	strace $0xD0000000  }
0x3: {  	_ = 	snop  }
0x4: {  	_ = 	snop  }
0x5: {  	_ = 	snop  }
0x6: {  	_ = 	snop  }
0x7: {  	_ = 	snop  }
__scs_overlays_trampoline_lowered:
0x8: {  	[smem:$0x3FAE] =	sst s0  }
0x9: {  	[smem:$0x3FAF] =	sst s1  }
0xa: {  	[smem:$0x3FB0] =	sst s2  }
0xb: {  	[smem:$0x3FB1] =	sst s3  }
0xc: {  	[smem:$0x3FB2] =	sst s4  }
0xd: {  	[smem:$0x3FB3] =	sst s5  }
0xe: {  	[smem:$0x3FB4] =	sst s6  }
0xf: {  	[smem:$0x3FB5] =	sst s7  }
0x10: {  	[smem:$0x3FB6] =	sst s8  }
0x11: {  	[smem:$0x3FB7] =	sst s9;
	s0 =	simm.s32 @!p0 $0x0  }
0x12: {  	s1 =	sld [smem:$0x3F9D];
	s0 =	simm.s32 @p0 $0x1  }
0x13: {  	[smem:$0x3FB8] =	sst s0;
	s0 =	simm.s32 @!p1 $0x0  }
0x14: {  	s2 =	sld [smem:$0x3F9C];
	s0 =	simm.s32 @p1 $0x1  }
0x15: {  	[smem:$0x3FB9] =	sst s0;
	s0 =	simm.s32 @!p2 $0x0  }
0x16: {  	s3 =	sld [smem:$0x3FDB];
	s0 =	simm.s32 @p2 $0x1  }
0x17: {  	s4 =	simm.s32 $0x1BF5;
	[smem:$0x3FBB] =	sst s0  }
0x18: {  	s0 =	sld [smem:$0x3F9E];
	_ =	swait.ge [sflag:s4], $0x0  }
0x19: {  	s7 =	sld [smem:$0x3F9F]  }
0x1a: {  	s8 =	sadd.s32 $0xFFFFE003, lr  }
0x1b: {  	s9 =	sadd.s32 $0xFFFFFEF7, lr;
	s5 =	simm.s32 $0xFFFFFFFF;
	p2 =	slt.u32 s8, $0xFFFFF086  }
0x1c: {  	p1 =	slt.u32 s9, $0xF7A;
	s5 =	simm.s32 @!p2 $0x0  }
0x1d: {  	s5 =	simm.s32 @p1 $0x1;
	p0 =	seq.s32 s7, s2  }
0x1e: {  	s7 =	smul.u32 @!p0 $0xF7A, s2;
	p2 =	seq.s32 @!p0 s5, $0x0  }
0x1f: {  	s9 =	smul.u32 $0xF7A, s1;
	s8 =	simm.s32 @!p0 $0x1BF5;
	p2 =	por !p2, p0  }
0x20: {  	[sflag:s8] =	ssyncset.s32 @!p0 $0xFFFFF086;
	s6 =	sadd.s32 @!p0 s3, s7;
	s7 =	simm.s32 @!p0 $0x108  }
0x21: {  	s3 =	sadd.s32 s3, s9;
	s6 =	sadd.s32 @!p0 $0x88, s6;
	s7 =	simm.s32 @p2 $0x1082  }
0x22: {  	[simem:s7], [sflag:s8] =	dma.local @!p0 [hbm:s6], $0xF7A  }
0x23: {  	s9 =	sor.u32 $0xD0000000, s2;
	s6 =	simm.s32 $0x108;
	_ =	swait.ge @!p0 [sflag:s8], $0x0  }
0x24: {  	s3 =	sadd.s32 $0x88, s3;
	s6 =	simm.s32 @!p1 $0x1082;
	[sflag:s4] =	ssyncset.s32 $0xFFFFF086  }
0x25: {  	[simem:s6], [sflag:s4] =	dma.local [hbm:s3], $0xF7A  }
0x26: {  	[smem:$0x3F9F] =	sst s1;
	(tag) =	ssettag s2;
	_ =	strace s9  }
0x27: {  	s1 =	sld [smem:$0x3FAF]  }
0x28: {  	s2 =	sld [smem:$0x3FB0]  }
0x29: {  	s4 =	sld [smem:$0x3FB2]  }
0x2a: {  	p0 =	seq.s32 s5, $0x0;
	s5 =	sld [smem:$0x3FB3]  }
0x2b: {  	s6 =	sld [smem:$0x3FB4]  }
0x2c: {  	s7 =	sld [smem:$0x3FB5]  }
0x2d: {  	s3 =	simm.s32 $0x108;
	s8 =	sld [smem:$0x3FB6]  }
0x2e: {  	s3 =	simm.s32 @!p0 $0x1082;
	s9 =	sld [smem:$0x3FB7]  }
0x2f: {  	lr =	sadd.s32 s0, s3;
	s0 =	sld [smem:$0x3FAE]  }
0x30: {  	s3 =	sld [smem:$0x3FB1]  }
0x31: {  	[smem:$0x3FBA] =	sst s10  }
0x32: {  	s10 =	sld [smem:$0x3FB8];
	_ =	sdelay $0x3  }
0x33: {  	p0 =	seq.s32 s10, $0x1;
	s10 =	sld [smem:$0x3FBA];
	_ =	sdelay $0x3  }
0x34: {  	[smem:$0x3FBA] =	sst s10  }
0x35: {  	s10 =	sld [smem:$0x3FB9];
	_ =	sdelay $0x3  }
0x36: {  	p1 =	seq.s32 s10, $0x1;
	s10 =	sld [smem:$0x3FBA];
	_ =	sdelay $0x3  }
0x37: {  	[smem:$0x3FBA] =	sst s10  }
0x38: {  	s10 =	sld [smem:$0x3FBB]  }
0x39: {  	_ = 	snop;
	(pc) =	sbr.ind lr, $3  }
0x3a: {  	_ = 	snop  }
0x3b: {  	_ = 	snop  }
0x3c: {  	p2 =	seq.s32 s10, $0x1;
	s10 =	sld [smem:$0x3FBA]  }
0x3d: {  	_ =	shalt  }
0x3e: {  	_ =	shalt  }
0x3f: {  	_ =	shalt  }
0x40: {  	_ =	shalt  }
0x41: {  	_ =	shalt  }
0x42: {  	_ =	shalt  }
0x43: {  	_ =	shalt  }
0x44: {  	_ =	shalt  }
0x45: {  	_ =	shalt  }
0x46: {  	_ =	shalt  }
0x47: {  	_ =	shalt  }
0x48: {  	_ =	shalt  }
0x49: {  	_ =	shalt  }
0x4a: {  	_ =	shalt  }
0x4b: {  	_ =	shalt  }
0x4c: {  	_ =	shalt  }
0x4d: {  	_ =	shalt  }
0x4e: {  	_ =	shalt  }
0x4f: {  	_ =	shalt  }
0x50: {  	_ =	shalt  }
0x51: {  	_ =	shalt  }
0x52: {  	_ =	shalt  }
0x53: {  	_ =	shalt  }
0x54: {  	_ =	shalt  }
0x55: {  	_ =	shalt  }
0x56: {  	_ =	shalt  }
0x57: {  	_ =	shalt  }
0x58: {  	_ =	shalt  }
0x59: {  	_ =	shalt  }
0x5a: {  	_ =	shalt  }
0x5b: {  	_ =	shalt  }
0x5c: {  	_ =	shalt  }
0x5d: {  	_ =	shalt  }
0x5e: {  	_ =	shalt  }
0x5f: {  	_ =	shalt  }
0x60: {  	_ =	shalt  }
0x61: {  	_ =	shalt  }
0x62: {  	_ =	shalt  }
0x63: {  	_ =	shalt  }
0x64: {  	_ =	shalt  }
0x65: {  	_ =	shalt  }
0x66: {  	_ =	shalt  }
0x67: {  	_ =	shalt  }
0x68: {  	_ =	shalt  }
0x69: {  	_ =	shalt  }
0x6a: {  	_ =	shalt  }
0x6b: {  	_ =	shalt  }
0x6c: {  	_ =	shalt  }
0x6d: {  	_ =	shalt  }
0x6e: {  	_ =	shalt  }
0x6f: {  	_ =	shalt  }
0x70: {  	_ =	shalt  }
0x71: {  	_ =	shalt  }
0x72: {  	_ =	shalt  }
0x73: {  	_ =	shalt  }
0x74: {  	_ =	shalt  }
0x75: {  	_ =	shalt  }
0x76: {  	_ =	shalt  }
0x77: {  	_ =	shalt  }
0x78: {  	_ =	shalt  }
0x79: {  	_ =	shalt  }
0x7a: {  	_ =	shalt  }
0x7b: {  	_ =	shalt  }
0x7c: {  	_ =	shalt  }
0x7d: {  	_ =	shalt  }
0x7e: {  	_ =	shalt  }
0x7f: {  	_ =	shalt  }
0x80: {  	_ =	shalt  }
0x81: {  	_ =	shalt  }
0x82: {  	_ =	shalt  }
0x83: {  	_ =	shalt  }
0x84: {  	_ =	shalt  }
0x85: {  	_ =	shalt  }
0x86: {  	_ =	shalt  }
0x87: {  	_ =	shalt  }
.Lfunc_end0:
.L_simem_size_0:
called_computation.2_lowered:
.L_overlay_start_0:
0x88: {  	s2 =	sld [smem:$0x3FD9]  }
0x89: {  	s3 =	sld [smem:$0x3FFE];
	_ =	sdelay $0x1  }
0x8a: {  	s1 =	srdreg.scid  }
0x8b: {  	s0 =	sand.u32 $0x1, s1  }
0x8c: {  	s17 =	sshll.u32 s0, $0xA;
	s2 =	sadd.s32 s3, s2  }
0x8d: {  	s2 =	sadd.s32 s2, s17  }
0x8e: {  	[smem:$0x3FC6] =	sst s2  }
0x8f: {  	_ = 	snop  }
0x90: {  	s2 =	sld [smem:$0x3FD0];
	(tm) =	ssettm $0x1  }
0x91: {  	s18 =	sld [smem:$0x3FFB];
	_ =	sdelay $0x3  }
0x92: {  	_ =	strace s18  }
0x93: {  	s3 =	sld [smem:$0x3FFC];
	_ =	sdelay $0x3  }
0x94: {  	_ =	strace s3  }
0x95: {  	s3 =	sld [smem:$0x3FFD];
	_ =	sdelay $0x3  }
0x96: {  	_ =	strace s3  }
0x97: {  	_ =	strace $0x8FFFFFFF  }
0x98: {  	s19 =	sld [smem:$0x3FDB];
	_ =	sdelay $0x1  }
0x99: {  	s4 =	simm.s32 $_scs_section_size  }
0x9a: {  	s5 =	simm.s32 $_size__tile_overlayer_lowered;
	s6 =	simm.s32 $_tile_overlayer_lowered  }
0x9b: {  	s22 =	simm.s32 $0x1BFF;
	s21 =	sshll.u32 s6, $0x1;
	s3 =	sadd.s32 s4, s19  }
0x9c: {  	s7 =	simm.s32 $0x0;
	s20 =	sshll.u32 s5, $0x1;
	s5 =	sadd.s32 s21, s3  }
0x9d: {  	[timem:s7], [sflag:s22] =	dma.local [hbm:s5], s20  }
0x9e: {  	_ =	swait.ge [sflag:s22], s20  }
0x9f: {  	s4 =	ssub.s32 $0x0, s20;
	[sflag:s22] =	ssyncset.done $0x0  }
0xa0: {  	[sflag:s22] =	ssyncadd.s32 s4;
	_ =	sdelay $0x1  }
0xa1: {  	s23 =	simm.s32 $0x1B8B  }
0xa2: {  	_ =	swait.ge [sflag:s23], $0x1  }
0xa3: {  	[sflag:s23] =	ssyncset.done $0x0  }
0xa4: {  	s25 =	simm.s32 $0x1B8E;
	s24 =	sld [smem:$0x3FFE];
	[sflag:s23] =	ssyncadd.s32 $0xFFFFFFFF  }
0xa5: {  	s26 =	simm.s32 $execute0_lowered;
	[smem:$0x3FD2] =	sst s25  }
0xa6: {  	s5 =	sshll.u32 s26, $0x1;
	_ =	strace $0x80000049;
	[dreg:$0x1] =	wrdreg $0xFFFFFFFF  }
0xa7: {  	s28 =	simm.s32 $_size_execute0_lowered;
	s3 =	sadd.s32 s3, s5;
	[dreg:$0x0] =	wrdreg $0x0  }
0xa8: {  	s5 =	sshll.u32 s28, $0x1;
	[dreg:$0x2] =	wrdreg s3  }
0xa9: {  	[dreg:$0x3] =	wrdreg s5  }
0xaa: {  	[dreg:$0x4] =	wrdreg $0xC0  }
0xab: {  	_ =	task [dreg:s7], $0x5FFFF  }
0xac: {  	[dreg:$0x1] =	wrdreg $0xFFFFFFFF  }
0xad: {  	[dreg:$0x0] =	wrdreg $0x60  }
0xae: {  	[dreg:$0x2] =	wrdreg s24  }
0xaf: {  	[dreg:$0x3] =	wrdreg s2  }
0xb0: {  	[dreg:$0x4] =	wrdreg $0x9  }
0xb1: {  	_ =	task.clear_ibuf [dreg:s7], $0x5FFFF;
	_ =	strace $0x90000049  }
0xb2: {  	s29 =	simm.s32 $0x9;
	_ =	strace $0x8000004B  }
0xb3: {  	_ =	swait.ge [sflag:s29], $0x1  }
0xb4: {  	[sflag:s29] =	ssyncadd.s32 $0xFFFFFFFF  }
0xb5: {  	_ =	strace $0x9000004B  }
0xb6: {  	_ =	sfence  }
0xb7: {  	s30 =	sld [smem:$0x0];
	_ =	sdelay $0x2  }
0xb8: {  	s31 =	sshll.u32 s1, $0xD;
	s1 =	sshrl.u32 s1, $0x2  }
0xb9: {  	s3 =	sand.u32 $0x4000, s31;
	s1 =	sadd.s32 s1, s30  }
0xba: {  	s0 =	sor.u32 s3, s0;
	s1 =	sshll.u32 s1, $0x11  }
0xbb: {  	s0 =	sor.u32 s1, s0  }
0xbc: {  	s0 =	sadd.s32 $0x8F2B, s0  }
0xbd: {  	[sflag:s0] =	ssyncadd.remote.s32 $0x1  }
0xbe: {  	_ =	sfence.sel $0xFFFF  }
0xbf: {  	[dreg:$0x0] =	wrdreg $0xFFFFFFFF;
	(pc) =	sbr.abs _section_cstart, $3  }
0xc0: {  	[dreg:$0x1] =	wrdreg $0xFFFFFFFF  }
0xc1: {  	_ =	task.clear_ibuf [dreg:s7], $0x2FFFF;
	_ =	strace $0x9FFFFFFF  }
0xc2: {  	(tm) =	ssettm $0x7FFFFFFF  }
0xc3: {  	_ =	shalt  }
tec
execute0_lowered:
.L_overlay_start_1:
0x0: {  	(tag) =	ssettag $0x1  }
0x1: {  	s9 =	rddreg [dreg:$0x0]  }
0x2: {  	s10 =	rddreg [dreg:$0x1]  }
0x3: {  	s0 =	rddreg [dreg:$0x2];
	s2 =	simm.s32 $0x0  }
0x4: {  	s3 =	srdreg.scid;
	s1 =	stileid.u32;
	s16 =	simm.s32 $0x6400  }
0x5: {  	s17 =	simm.s32 $0x6800;
	s18 =	simm.s32 $0x6C00;
	s19 =	simm.s32 $0x16E00  }
0x6: {  	s20 =	simm.s32 $0x0;
	[smem:$0x7FF] =	sst s2;
	s6 =	sshrl.u32 s1, $0x2  }
0x7: {  	s3 =	sand.u32 $0x1, s3;
	s5 =	sshll.u32 s1, $0x1;
	s25 =	smul.u32 $0x3, s6  }
0x8: {  	s8 =	sadd.s32 $0x600, s9;
	_ =	strace $0x8000004A;
	s26 =	smul.u32 $0xC00, s6  }
0x9: {  	s4 =	ssub.s32 $0x2, s3;
	s11 =	sor.u32 s3, s5;
	s15 =	smul.u32 $0x180, s6  }
0xa: {  	s7 =	sshrl.u32 s4, $0x1;
	s3 =	sshll.u32 s11, $0x7;
	s11 =	sshll.u32 s11, $0xA  }
0xb: {  	s12 =	ssub.s32 s4, s7;
	s3 =	sand.u32 $0x380, s3;
	s13 =	sadd.s32 $0x1, s25  }
0xc: {  	s14 =	sadd.s32 $0x2, s25;
	s4 =	sadd.s32 s8, s26;
	s7 =	sadd.s32 s9, s15  }
.Ltmp0:
0xd: {  	s10 =	sadd.s32 s10, s11;
	s15 =	simm.s32 $0x6000;
	(pc) =	sbr.rel .LBB2_1-.Ltmp0, $4  }
0xe: {  	s28 =	sshll.u32 s13, $0xA;
	s29 =	sshll.u32 s14, $0xA;
	s30 =	sshll.u32 s13, $0x7  }
0xf: {  	s31 =	sshll.u32 s14, $0x7;
	s11 =	smax.u32 s12, $0x1;
	s12 =	simm.s32 $0x1  }
0x10: {  	v0 =	vimm.s32 $0x2001;
	s13 =	simm.s32 $0x2000;
	s14 =	simm.s32 $0x4000;
	s5 =	sadd.s32 s8, s28  }
0x11: {  	v1 =	vlaneseq.u32;
	v2 =	vimm.s32 $0x1;
	v3 =	vimm.s32 $0x0;
	s6 =	sadd.s32 s8, s29;
	s8 =	sadd.s32 s9, s30;
	s9 =	sadd.s32 s9, s31  }
.LBB2_6:
0x12: {  	s20 =	sadd.s32 $0x1, s20  }
0x13: {  	p0 =	sne.s32 s20, s11  }
.Ltmp1:
0x14: {  	_ = 	snop;
	(pc) =	sbr.rel @!p0 .LBB2_7-.Ltmp1, $4  }
0x15: {  	[hbm4b:s10+s2] =	stream.linear.scatter [tilespmem:s19], [sflag:$0x1], $0x2000, $0x38;
	[tilespmem:$0x18E00] =	vst v63  }
0x16: {  	_ =	swait.ge [sflag:s12], $0x2000  }
0x17: {  	[sflag:s12] =	ssyncset.done $0x0  }
0x18: {  	[sflag:s12] =	ssyncadd.s32 $0xFFFFE000  }
.LBB2_1:
0x19: {  	[tilespmem:s2], [sflag:$0x1] =	stream.linear.gather [hbm4b:s4+s2], $0x2000, $0x38;
	[tilespmem:$0x18E00] =	vst v63  }
0x1a: {  	_ =	swait.ge [sflag:s12], $0x2000  }
0x1b: {  	[sflag:s12] =	ssyncset.done $0x0  }
0x1c: {  	[sflag:s12] =	ssyncadd.s32 $0xFFFFE000  }
0x1d: {  	[tilespmem:s13], [sflag:$0x1] =	stream.linear.gather [hbm4b:s5+s2], $0x2000, $0x38;
	[tilespmem:$0x18E00] =	vst v63  }
0x1e: {  	_ =	swait.ge [sflag:s12], $0x2000  }
0x1f: {  	[sflag:s12] =	ssyncset.done $0x0  }
0x20: {  	[sflag:s12] =	ssyncadd.s32 $0xFFFFE000  }
0x21: {  	[tilespmem:s14], [sflag:$0x1] =	stream.linear.gather [hbm4b:s6+s2], $0x2000, $0x38;
	[tilespmem:$0x18E00] =	vst v63  }
0x22: {  	_ =	swait.ge [sflag:s12], $0x2000  }
0x23: {  	[sflag:s12] =	ssyncset.done $0x0  }
0x24: {  	[sflag:s12] =	ssyncadd.s32 $0xFFFFE000  }
0x25: {  	[tilespmem:s15], [sflag:$0x1] =	stream.linear.gather [hbm4b:s7+s2], $0x400, $0x38;
	[tilespmem:$0x18E00] =	vst v63  }
0x26: {  	_ =	swait.ge [sflag:s12], $0x400  }
0x27: {  	[sflag:s12] =	ssyncset.done $0x0  }
0x28: {  	[sflag:s12] =	ssyncadd.s32 $0xFFFFFC00  }
0x29: {  	[tilespmem:s16], [sflag:$0x1] =	stream.linear.gather [hbm4b:s8+s2], $0x400, $0x38;
	[tilespmem:$0x18E00] =	vst v63  }
0x2a: {  	_ =	swait.ge [sflag:s12], $0x400  }
0x2b: {  	[sflag:s12] =	ssyncset.done $0x0  }
.Ltmp2:
0x2c: {  	[sflag:s12] =	ssyncadd.s32 $0xFFFFFC00;
	(pc) =	sbr.rel .LBB2_2-.Ltmp2, $4  }
0x2d: {  	[tilespmem:s17], [sflag:$0x1] =	stream.linear.gather [hbm4b:s9+s2], $0x400, $0x38;
	[tilespmem:$0x18E00] =	vst v63  }
0x2e: {  	_ =	swait.ge [sflag:s12], $0x400  }
0x2f: {  	[sflag:s12] =	ssyncset.done $0x0  }
0x30: {  	s21 =	simm.s32 $0x0;
	[sflag:s12] =	ssyncadd.s32 $0xFFFFFC00  }
.LBB2_5:
0x31: {  	v4 =	vld [tilespmem:$0x6C00];
	_ =	sdelay $0x4  }
0x32: {  	v5 =	vperm.xlane v4, v3  }
0x33: {  	vm0 =	vgt.s32 v43, v1;
	s22 =	sshll.u32 s21, $0x9  }
0x34: {  	s22 =	sand.u32 $0x3FFFFE00, s22;
	v4 =	vsel vm0, v4, v5  }
0x35: {  	[tilespmem:s22+$0x16E00] =	vst v4  }
0x36: {  	v4 =	vld [tilespmem:$0x6C10];
	_ =	sdelay $0x2  }
0x37: {  	v6 =	vor.u32 $0x10, v1  }
0x38: {  	vm9 =	vgt.s32 v43, v6  }
0x39: {  	v4 =	vsel vm9, v4, v5  }
0x3a: {  	[tilespmem:s22+$0x16E10] =	vst v4  }
0x3b: {  	v4 =	vld [tilespmem:$0x6C20];
	_ =	sdelay $0x2  }
0x3c: {  	v7 =	vor.u32 $0x20, v1  }
0x3d: {  	vm10 =	vgt.s32 v43, v7  }
0x3e: {  	v4 =	vsel vm10, v4, v5  }
0x3f: {  	[tilespmem:s22+$0x16E20] =	vst v4  }
0x40: {  	v4 =	vld [tilespmem:$0x6C30];
	_ =	sdelay $0x2  }
0x41: {  	v8 =	vor.u32 $0x30, v1  }
0x42: {  	vm11 =	vgt.s32 v43, v8  }
0x43: {  	v4 =	vsel vm11, v4, v5  }
0x44: {  	[tilespmem:s22+$0x16E30] =	vst v4  }
0x45: {  	v4 =	vld [tilespmem:$0x8C40];
	_ =	sdelay $0x4  }
0x46: {  	v5 =	vperm.xlane v4, v3  }
0x47: {  	vm12 =	vgt.s32 v42, v1  }
0x48: {  	v4 =	vsel vm12, v4, v5  }
0x49: {  	[tilespmem:s22+$0x16E40] =	vst v4  }
0x4a: {  	v4 =	vld [tilespmem:$0x8C50];
	_ =	sdelay $0x3  }
0x4b: {  	vm13 =	vgt.s32 v42, v6  }
0x4c: {  	v4 =	vsel vm13, v4, v5  }
0x4d: {  	[tilespmem:s22+$0x16E50] =	vst v4  }
0x4e: {  	v4 =	vld [tilespmem:$0x8C60];
	_ =	sdelay $0x3  }
0x4f: {  	vm14 =	vgt.s32 v42, v7  }
0x50: {  	v4 =	vsel vm14, v4, v5  }
0x51: {  	[tilespmem:s22+$0x16E60] =	vst v4  }
0x52: {  	v4 =	vld [tilespmem:$0x8C70];
	_ =	sdelay $0x3  }
0x53: {  	vm15 =	vgt.s32 v42, v8  }
0x54: {  	v4 =	vsel vm15, v4, v5  }
0x55: {  	[tilespmem:s22+$0x16E70] =	vst v4  }
0x56: {  	v4 =	vld [tilespmem:$0xAC80];
	_ =	sdelay $0x4  }
0x57: {  	v5 =	vperm.xlane v4, v3  }
0x58: {  	vm4 =	vgt.s32 v41, v1  }
0x59: {  	v4 =	vsel vm4, v4, v5  }
0x5a: {  	[tilespmem:s22+$0x16E80] =	vst v4  }
0x5b: {  	v4 =	vld [tilespmem:$0xAC90];
	_ =	sdelay $0x3  }
0x5c: {  	vm5 =	vgt.s32 v41, v6  }
0x5d: {  	v4 =	vsel vm5, v4, v5  }
0x5e: {  	[tilespmem:s22+$0x16E90] =	vst v4  }
0x5f: {  	v4 =	vld [tilespmem:$0xACA0];
	_ =	sdelay $0x3  }
0x60: {  	vm6 =	vgt.s32 v41, v7  }
0x61: {  	v4 =	vsel vm6, v4, v5  }
0x62: {  	[tilespmem:s22+$0x16EA0] =	vst v4  }
0x63: {  	v4 =	vld [tilespmem:$0xACB0];
	_ =	sdelay $0x3  }
0x64: {  	vm7 =	vgt.s32 v41, v8  }
0x65: {  	v4 =	vsel vm7, v4, v5  }
0x66: {  	[tilespmem:s22+$0x16EB0] =	vst v4  }
0x67: {  	v4 =	vld [tilespmem:$0xCCC0];
	_ =	sdelay $0x4  }
0x68: {  	v5 =	vperm.xlane v4, v3  }
0x69: {  	vm8 =	vgt.s32 v40, v1  }
0x6a: {  	v4 =	vsel vm8, v4, v5  }
0x6b: {  	[tilespmem:s22+$0x16EC0] =	vst v4  }
0x6c: {  	v4 =	vld [tilespmem:$0xCCD0];
	_ =	sdelay $0x3  }
0x6d: {  	vm9 =	vgt.s32 v40, v6  }
0x6e: {  	v4 =	vsel vm9, v4, v5  }
0x6f: {  	[tilespmem:s22+$0x16ED0] =	vst v4  }
0x70: {  	v4 =	vld [tilespmem:$0xCCE0];
	_ =	sdelay $0x3  }
0x71: {  	vm10 =	vgt.s32 v40, v7  }
0x72: {  	v4 =	vsel vm10, v4, v5  }
0x73: {  	[tilespmem:s22+$0x16EE0] =	vst v4  }
0x74: {  	v4 =	vld [tilespmem:$0xCCF0];
	_ =	sdelay $0x3  }
0x75: {  	vm11 =	vgt.s32 v40, v8  }
0x76: {  	v4 =	vsel vm11, v4, v5  }
0x77: {  	[tilespmem:s22+$0x16EF0] =	vst v4  }
0x78: {  	v4 =	vld [tilespmem:$0xED00];
	_ =	sdelay $0x4  }
0x79: {  	v5 =	vperm.xlane v4, v3  }
0x7a: {  	vm12 =	vgt.s32 v39, v1  }
0x7b: {  	v4 =	vsel vm12, v4, v5  }
0x7c: {  	[tilespmem:s22+$0x16F00] =	vst v4  }
0x7d: {  	v4 =	vld [tilespmem:$0xED10];
	_ =	sdelay $0x3  }
0x7e: {  	vm13 =	vgt.s32 v39, v6  }
0x7f: {  	v4 =	vsel vm13, v4, v5  }
0x80: {  	[tilespmem:s22+$0x16F10] =	vst v4  }
0x81: {  	v4 =	vld [tilespmem:$0xED20];
	_ =	sdelay $0x3  }
0x82: {  	vm14 =	vgt.s32 v39, v7  }
0x83: {  	v4 =	vsel vm14, v4, v5  }
0x84: {  	[tilespmem:s22+$0x16F20] =	vst v4  }
0x85: {  	v4 =	vld [tilespmem:$0xED30];
	_ =	sdelay $0x3  }
0x86: {  	vm15 =	vgt.s32 v39, v8  }
0x87: {  	v4 =	vsel vm15, v4, v5  }
0x88: {  	[tilespmem:s22+$0x16F30] =	vst v4  }
0x89: {  	v4 =	vld [tilespmem:$0x10D40];
	_ =	sdelay $0x4  }
0x8a: {  	v5 =	vperm.xlane v4, v3  }
0x8b: {  	vm4 =	vgt.s32 v38, v1  }
0x8c: {  	v4 =	vsel vm4, v4, v5  }
0x8d: {  	[tilespmem:s22+$0x16F40] =	vst v4  }
0x8e: {  	v4 =	vld [tilespmem:$0x10D50];
	_ =	sdelay $0x3  }
0x8f: {  	vm5 =	vgt.s32 v38, v6  }
0x90: {  	v4 =	vsel vm5, v4, v5  }
0x91: {  	[tilespmem:s22+$0x16F50] =	vst v4  }
0x92: {  	v4 =	vld [tilespmem:$0x10D60];
	_ =	sdelay $0x3  }
0x93: {  	vm6 =	vgt.s32 v38, v7  }
0x94: {  	v4 =	vsel vm6, v4, v5  }
0x95: {  	[tilespmem:s22+$0x16F60] =	vst v4  }
0x96: {  	v4 =	vld [tilespmem:$0x10D70];
	_ =	sdelay $0x3  }
0x97: {  	vm7 =	vgt.s32 v38, v8  }
0x98: {  	v4 =	vsel vm7, v4, v5  }
0x99: {  	[tilespmem:s22+$0x16F70] =	vst v4  }
0x9a: {  	v4 =	vld [tilespmem:$0x12D80];
	_ =	sdelay $0x4  }
0x9b: {  	v5 =	vperm.xlane v4, v3  }
0x9c: {  	vm8 =	vgt.s32 v37, v1  }
0x9d: {  	v4 =	vsel vm8, v4, v5  }
0x9e: {  	[tilespmem:s22+$0x16F80] =	vst v4  }
0x9f: {  	v4 =	vld [tilespmem:$0x12D90];
	_ =	sdelay $0x3  }
0xa0: {  	vm9 =	vgt.s32 v37, v6  }
0xa1: {  	v4 =	vsel vm9, v4, v5  }
0xa2: {  	[tilespmem:s22+$0x16F90] =	vst v4  }
0xa3: {  	v4 =	vld [tilespmem:$0x12DA0];
	_ =	sdelay $0x3  }
0xa4: {  	vm10 =	vgt.s32 v37, v7  }
0xa5: {  	v4 =	vsel vm10, v4, v5  }
0xa6: {  	[tilespmem:s22+$0x16FA0] =	vst v4  }
0xa7: {  	v4 =	vld [tilespmem:$0x12DB0];
	_ =	sdelay $0x3  }
0xa8: {  	vm11 =	vgt.s32 v37, v8  }
0xa9: {  	v4 =	vsel vm11, v4, v5  }
0xaa: {  	[tilespmem:s22+$0x16FB0] =	vst v4  }
0xab: {  	v4 =	vld [tilespmem:$0x14DC0];
	_ =	sdelay $0x4  }
0xac: {  	v5 =	vperm.xlane v4, v3  }
0xad: {  	vm12 =	vgt.s32 v36, v1  }
0xae: {  	v4 =	vsel vm12, v4, v5  }
0xaf: {  	[tilespmem:s22+$0x16FC0] =	vst v4  }
0xb0: {  	v4 =	vld [tilespmem:$0x14DD0];
	_ =	sdelay $0x3  }
0xb1: {  	vm13 =	vgt.s32 v36, v6  }
0xb2: {  	v4 =	vsel vm13, v4, v5  }
0xb3: {  	[tilespmem:s22+$0x16FD0] =	vst v4  }
0xb4: {  	v4 =	vld [tilespmem:$0x14DE0];
	_ =	sdelay $0x3  }
0xb5: {  	vm14 =	vgt.s32 v36, v7  }
0xb6: {  	v4 =	vsel vm14, v4, v5  }
0xb7: {  	[tilespmem:s22+$0x16FE0] =	vst v4  }
0xb8: {  	s21 =	sadd.s32 $0x1, s21;
	v4 =	vld [tilespmem:$0x14DF0]  }
0xb9: {  	p0 =	sne.s32 s21, $0x10  }
.Ltmp3:
0xba: {  	_ = 	snop;
	(pc) =	sbr.rel @!p0 .LBB2_6-.Ltmp3, $4  }
0xbb: {  	_ = 	snop  }
0xbc: {  	vm15 =	vgt.s32 v36, v8  }
0xbd: {  	v4 =	vsel vm15, v4, v5  }
0xbe: {  	[tilespmem:s22+$0x16FF0] =	vst v4  }
.LBB2_2:
0xbf: {  	s22 =	sshll.u32 s21, $0x3  }
0xc0: {  	s22 =	sadd.s32 s3, s22  }
0xc1: {  	v4 =	vmov s22  }
0xc2: {  	v4 =	vand.u32 $0xFFFFFFF8, v4  }
0xc3: {  	s23 =	sor.u32 $0x1, s22;
	v6 =	vbroadcast v4, $0x0  }
0xc4: {  	v4 =	vmov s23  }
0xc5: {  	v4 =	vand.u32 $0xFFFFFFF9, v4  }
0xc6: {  	s26 =	sor.u32 $0x2, s22;
	v9 =	vbroadcast v4, $0x0  }
0xc7: {  	v7 =	vmov s26  }
0xc8: {  	v7 =	vand.u32 $0xFFFFFFFA, v7  }
0xc9: {  	s28 =	sor.u32 $0x3, s22;
	v12 =	vbroadcast v7, $0x0;
	v4 =	vld.idx.msk [tilespmem:v6+s15+$0x0], $0xffff  }
0xca: {  	v10 =	vmov s28;
	v5 =	vld.idx.msk [tilespmem:v6+s16+$0x0], $0xffff  }
0xcb: {  	v10 =	vand.u32 $0xFFFFFFFB, v10;
	v6 =	vld.idx.msk [tilespmem:v6+s17+$0x0], $0xffff;
	[tilespmem:$0x6C00] =	vst v0  }
0xcc: {  	s29 =	sor.u32 $0x4, s22;
	v15 =	vbroadcast v10, $0x0;
	v7 =	vld.idx.msk [tilespmem:v9+s15+$0x0], $0xffff  }
0xcd: {  	v13 =	vmov s29;
	v8 =	vld.idx.msk [tilespmem:v9+s16+$0x0], $0xffff  }
0xce: {  	v13 =	vand.u32 $0xFFFFFFFC, v13;
	v9 =	vld.idx.msk [tilespmem:v9+s17+$0x0], $0xffff;
	[tilespmem:$0x8C40] =	vst v0  }
0xcf: {  	s30 =	sor.u32 $0x5, s22;
	v18 =	vbroadcast v13, $0x0;
	v10 =	vld.idx.msk [tilespmem:v12+s15+$0x0], $0xffff  }
0xd0: {  	v16 =	vmov s30;
	v11 =	vld.idx.msk [tilespmem:v12+s16+$0x0], $0xffff  }
0xd1: {  	v16 =	vand.u32 $0xFFFFFFFD, v16;
	v12 =	vld.idx.msk [tilespmem:v12+s17+$0x0], $0xffff;
	[tilespmem:$0xAC80] =	vst v0  }
0xd2: {  	s31 =	sor.u32 $0x6, s22;
	v21 =	vbroadcast v16, $0x0;
	v13 =	vld.idx.msk [tilespmem:v15+s15+$0x0], $0xffff  }
0xd3: {  	v19 =	vmov s31;
	v14 =	vld.idx.msk [tilespmem:v15+s16+$0x0], $0xffff  }
0xd4: {  	v19 =	vand.u32 $0xFFFFFFFE, v19;
	v15 =	vld.idx.msk [tilespmem:v15+s17+$0x0], $0xffff;
	[tilespmem:$0xCCC0] =	vst v0  }
0xd5: {  	v24 =	vbroadcast v19, $0x0;
	v16 =	vld.idx.msk [tilespmem:v18+s15+$0x0], $0xffff  }
0xd6: {  	v17 =	vld.idx.msk [tilespmem:v18+s16+$0x0], $0xffff  }
0xd7: {  	v18 =	vld.idx.msk [tilespmem:v18+s17+$0x0], $0xffff;
	[tilespmem:$0xED00] =	vst v0  }
0xd8: {  	s22 =	sor.u32 $0x7, s22;
	v19 =	vld.idx.msk [tilespmem:v21+s15+$0x0], $0xffff  }
0xd9: {  	v27 =	vmov s22;
	v20 =	vld.idx.msk [tilespmem:v21+s16+$0x0], $0xffff  }
0xda: {  	v21 =	vld.idx.msk [tilespmem:v21+s17+$0x0], $0xffff;
	[tilespmem:$0x10D40] =	vst v0  }
0xdb: {  	v22 =	vld.idx.msk [tilespmem:v24+s15+$0x0], $0xffff  }
0xdc: {  	v23 =	vld.idx.msk [tilespmem:v24+s16+$0x0], $0xffff  }
0xdd: {  	v24 =	vld.idx.msk [tilespmem:v24+s17+$0x0], $0xffff;
	[tilespmem:$0x12D80] =	vst v0  }
0xde: {  	v28 =	vimm.s32 $0xE1BF;
	v29 =	vimm.s32 $0xC17F;
	v25 =	vld.idx.msk [tilespmem:v27+s15+$0x0], $0xffff  }
0xdf: {  	v30 =	vimm.s32 $0xA13F;
	v31 =	vimm.s32 $0x80FF;
	v32 =	vimm.s32 $0x60BF;
	s24 =	simm.s32 $0x4080;
	s25 =	simm.s32 $0x2080;
	v26 =	vld.idx.msk [tilespmem:v27+s16+$0x0], $0xffff  }
0xe0: {  	v33 =	vimm.s32 $0x407F;
	v34 =	vimm.s32 $0x203F;
	v35 =	vimm.s32 $0xFFFFFFFF;
	s22 =	simm.s32 $0x0;
	s26 =	simm.s32 $0x80;
	s23 =	simm.s32 $0xF0;
	v27 =	vld.idx.msk [tilespmem:v27+s17+$0x0], $0xffff;
	[tilespmem:$0x14DC0] =	vst v0  }
.LBB2_3:
0xe1: {  	v43 =	vadd.s32 $0x1, v35;
	v42 =	vadd.s32 $0xFFFFDFC1, v34  }
0xe2: {  	vm0 =	vlt.s32 v43, v42  }
0xe3: {  	v41 =	vadd.s32 $0xFFFFBF81, v33;
	v36 =	vsel vm0, v43, v42  }
0xe4: {  	vm0 =	vlt.s32 v36, v41  }
0xe5: {  	v40 =	vadd.s32 $0xFFFF9F41, v32;
	v36 =	vsel vm0, v36, v41  }
0xe6: {  	vm0 =	vlt.s32 v36, v40  }
0xe7: {  	v39 =	vadd.s32 $0xFFFF7F01, v31;
	v36 =	vsel vm0, v36, v40  }
0xe8: {  	vm0 =	vlt.s32 v36, v39  }
0xe9: {  	v38 =	vadd.s32 $0xFFFF5EC1, v30;
	v36 =	vsel vm0, v36, v39  }
0xea: {  	vm0 =	vlt.s32 v36, v38  }
0xeb: {  	v37 =	vadd.s32 $0xFFFF3E81, v29;
	v36 =	vsel vm0, v36, v38  }
0xec: {  	vm0 =	vlt.s32 v36, v37  }
0xed: {  	v44 =	vsel vm0, v36, v37;
	v36 =	vadd.s32 $0xFFFF1E41, v28  }
0xee: {  	vm0 =	vlt.s32 v44, v36  }
0xef: {  	v44 =	vsel vm0, v44, v36  }
0xf0: {  	(v2sf) =	vpush v44, $0x0;
	_ =	sdelay $0xe  }
0xf1: {  	p0 =	sgt.u32 s22, $0x1FF;
	s28 =	spop (v2sf)  }
0xf2: {  	p1 =	sgt.s32 @!p0 s28, $0x3F  }
0xf3: {  	p0 =	por p0, p1  }
.Ltmp4:
0xf4: {  	_ = 	snop;
	(pc) =	sbr.rel @p0 .LBB2_5-.Ltmp4, $1  }
0xf5: {  	_ =	sdelay $0x3  }
0xf6: {  	v36 =	vld [tilespmem:s26+$0xFFFFFF80]  }
0xf7: {  	v37 =	vld [tilespmem:s25+$0xFFFFFF80];
	_ =	sdelay $0x1  }
0xf8: {  	v38 =	vld [tilespmem:s24+$0xFFFFFF80];
	_ =	sdelay $0x2  }
0xf9: {  	v39 =	vsub.f32 v36, v4;
	v40 =	vsub.f32 v37, v5  }
0xfa: {  	v41 =	vsub.f32 v36, v7;
	v42 =	vsub.f32 v37, v8  }
0xfb: {  	v43 =	vsub.f32 v38, v6;
	v61 =	vsub.f32 v38, v9  }
0xfc: {  	v63 =	vsub.f32 v36, v10;
	v44 =	vsub.f32 v37, v11  }
0xfd: {  	v45 =	vsub.f32 v36, v13;
	v46 =	vsub.f32 v37, v14  }
0xfe: {  	v52 =	vsub.f32 v38, v12;
	v53 =	vsub.f32 v38, v15  }
0xff: {  	v54 =	vsub.f32 v36, v16;
	v39 =	vmul.f32 v39, v39;
	v40 =	vmul.f32 v40, v40  }
0x100: {  	v55 =	vsub.f32 v37, v17;
	v41 =	vmul.f32 v41, v41;
	v42 =	vmul.f32 v42, v42  }
0x101: {  	v56 =	vsub.f32 v36, v19;
	v62 =	vmul.f32 v43, v43;
	v48 =	vmul.f32 v63, v63  }
0x102: {  	v57 =	vsub.f32 v37, v20;
	v49 =	vmul.f32 v44, v44;
	v50 =	vmul.f32 v45, v45  }
0x103: {  	v51 =	vmul.f32 v46, v46;
	v63 =	vsub.f32 v38, v21;
	v39 =	vadd.f32 v40, v39  }
0x104: {  	v58 =	vmul.f32 v54, v54;
	v41 =	vadd.f32 v42, v41;
	v42 =	vadd.f32 v49, v48  }
0x105: {  	v40 =	vmul.f32 v61, v61;
	v48 =	vsub.f32 v36, v22;
	v49 =	vsub.f32 v37, v23  }
0x106: {  	v59 =	vmul.f32 v55, v55;
	v36 =	vsub.f32 v36, v25;
	v37 =	vsub.f32 v37, v26  }
0x107: {  	v60 =	vmul.f32 v56, v56;
	v39 =	vadd.f32 v62, v39;
	v40 =	vadd.f32 v40, v41  }
0x108: {  	v61 =	vmul.f32 v57, v57;
	v41 =	vadd.f32 v51, v50;
	v62 =	vsub.f32 v38, v18  }
0x109: {  	v50 =	vsub.f32 v38, v24;
	vm3 =	vlt.f32 v39, $3.999999910e-02;
	v39 =	vmul.f32 v52, v52  }
0x10a: {  	v43 =	vmul.f32 v48, v48;
	vm1 =	vlt.f32 v40, $3.999999910e-02;
	v40 =	vmul.f32 v53, v53  }
0x10b: {  	v44 =	vmul.f32 v49, v49;
	v38 =	vsub.f32 v38, v27;
	v39 =	vadd.f32 v39, v42  }
0x10c: {  	v36 =	vmul.f32 v36, v36;
	v37 =	vmul.f32 v37, v37;
	v40 =	vadd.f32 v40, v41  }
0x10d: {  	v42 =	vadd.f32 v59, v58;
	vm7 =	vlt.f32 v39, $3.999999910e-02;
	v39 =	vmul.f32 v62, v62  }
0x10e: {  	(xrf0) =	vadd.scan.msk.s32 vm3, v2;
	v41 =	vadd.f32 v61, v60;
	vm5 =	vlt.f32 v40, $3.999999910e-02;
	v40 =	vmul.f32 v63, v63  }
0x10f: {  	v51 =	vadd.f32 v44, v43;
	v52 =	vmul.f32 v50, v50;
	(xrf0) =	vadd.scan.msk.s32 vm1, v2;
	v39 =	vadd.f32 v39, v42  }
0x110: {  	v36 =	vadd.f32 v37, v36;
	v53 =	vmul.f32 v38, v38;
	(xrf0) =	vadd.scan.msk.s32 vm7, v2;
	v40 =	vadd.f32 v40, v41  }
0x111: {  	v54 =	vadd.f32 v52, v51;
	(xrf0) =	vadd.scan.msk.s32 vm5, v2;
	vm15 =	vlt.f32 v39, $3.999999910e-02  }
0x112: {  	v36 =	vadd.f32 v53, v36;
	vm13 =	vlt.f32 v40, $3.999999910e-02;
	(xrf0) =	vadd.scan.msk.s32 vm15, v2  }
0x113: {  	vm11 =	vlt.f32 v54, $3.999999910e-02;
	(xrf0) =	vadd.scan.msk.s32 vm13, v2  }
0x114: {  	vm9 =	vlt.f32 v36, $3.999999910e-02;
	v55, _, _ =	vpop (xrf0);
	(xrf0) =	vadd.scan.msk.s32 vm11, v2  }
0x115: {  	v56 =	vadd.s32 v35, v55;
	v57, _, _ =	vpop (xrf0);
	(xrf0) =	vadd.scan.msk.s32 vm9, v2  }
0x116: {  	v37 =	vadd.s32 v34, v57;
	v58, _, _ =	vpop (xrf0)  }
0x117: {  	v38 =	vadd.s32 v33, v58;
	v59, _, _ =	vpop (xrf0)  }
0x118: {  	s28 =	sadd.s32 $0xFFFFFF10, s23;
	v39 =	vadd.s32 v32, v59;
	v60, _, _ =	vpop (xrf0)  }
0x119: {  	v61 =	vor.u32 s28, v1;
	v40 =	vadd.s32 v31, v60;
	v62, _, _ =	vpop (xrf0)  }
0x11a: {  	[tilespmem:v56+s18+$0x0] =	vst.idx.msk vm3, v61;
	v63 =	vadd.s32 v30, v62;
	v45, _, _ =	vpop (xrf0)  }
0x11b: {  	[tilespmem:v37+s18+$0x0] =	vst.idx.msk vm1, v61;
	v46 =	vadd.s32 v29, v45;
	v47, _, _ =	vpop (xrf0)  }
0x11c: {  	[tilespmem:v38+s18+$0x0] =	vst.idx.msk vm7, v61;
	v48 =	vadd.s32 v28, v47  }
0x11d: {  	[tilespmem:v39+s18+$0x0] =	vst.idx.msk vm5, v61  }
0x11e: {  	[tilespmem:v40+s18+$0x0] =	vst.idx.msk vm15, v61  }
0x11f: {  	[tilespmem:v63+s18+$0x0] =	vst.idx.msk vm13, v61  }
0x120: {  	[tilespmem:v46+s18+$0x0] =	vst.idx.msk vm11, v61  }
0x121: {  	[tilespmem:v48+s18+$0x0] =	vst.idx.msk vm9, v61  }
0x122: {  	v36 =	vld [tilespmem:s26+$0xFFFFFF90]  }
0x123: {  	v37 =	vld [tilespmem:s25+$0xFFFFFF90]  }
0x124: {  	v38 =	vld [tilespmem:s24+$0xFFFFFF90];
	_ =	sdelay $0x2  }
0x125: {  	v49 =	vsub.f32 v36, v4  }
0x126: {  	v50 =	vsub.f32 v37, v5;
	v51 =	vsub.f32 v36, v7  }
0x127: {  	v52 =	vsub.f32 v37, v8;
	v53 =	vsub.f32 v38, v6  }
0x128: {  	v54 =	vsub.f32 v38, v9;
	v56 =	vsub.f32 v36, v10  }
0x129: {  	v57 =	vsub.f32 v37, v11;
	v58 =	vsub.f32 v36, v13  }
0x12a: {  	v59 =	vsub.f32 v37, v14;
	v39 =	vmul.f32 v49, v49;
	v40 =	vmul.f32 v50, v50  }
0x12b: {  	v48 =	vsub.f32 v38, v12;
	v41 =	vmul.f32 v51, v51;
	v42 =	vmul.f32 v52, v52  }
0x12c: {  	v55 =	vmul.f32 v53, v53;
	v60 =	vmul.f32 v56, v56;
	v49 =	vsub.f32 v38, v15  }
0x12d: {  	v61 =	vmul.f32 v57, v57;
	v50 =	vsub.f32 v36, v16;
	v51 =	vsub.f32 v37, v17  }
0x12e: {  	v62 =	vmul.f32 v58, v58;
	v52 =	vsub.f32 v36, v19;
	v53 =	vsub.f32 v37, v20  }
0x12f: {  	v63 =	vmul.f32 v59, v59;
	v58 =	vsub.f32 v38, v18;
	v59 =	vsub.f32 v38, v21  }
0x130: {  	v39 =	vadd.f32 v40, v39;
	v41 =	vadd.f32 v42, v41;
	v40 =	vmul.f32 v54, v54  }
0x131: {  	v42 =	vadd.f32 v61, v60;
	v54 =	vmul.f32 v50, v50;
	v60 =	vsub.f32 v36, v22  }
0x132: {  	v56 =	vmul.f32 v52, v52;
	v61 =	vsub.f32 v37, v23;
	v36 =	vsub.f32 v36, v25  }
0x133: {  	v57 =	vmul.f32 v53, v53;
	v37 =	vsub.f32 v37, v26;
	v39 =	vadd.f32 v55, v39  }
0x134: {  	v40 =	vadd.f32 v40, v41;
	v41 =	vadd.f32 v63, v62;
	v55 =	vmul.f32 v51, v51  }
0x135: {  	v62 =	vsub.f32 v38, v24;
	vm2 =	vlt.f32 v39, $3.999999910e-02;
	v39 =	vmul.f32 v48, v48  }
0x136: {  	v43 =	vmul.f32 v60, v60;
	vm0 =	vlt.f32 v40, $3.999999910e-02;
	v40 =	vmul.f32 v49, v49  }
0x137: {  	v44 =	vmul.f32 v61, v61;
	v38 =	vsub.f32 v38, v27;
	v39 =	vadd.f32 v39, v42  }
0x138: {  	v36 =	vmul.f32 v36, v36;
	v37 =	vmul.f32 v37, v37;
	v40 =	vadd.f32 v40, v41  }
0x139: {  	v42 =	vadd.f32 v55, v54;
	vm6 =	vlt.f32 v39, $3.999999910e-02;
	v39 =	vmul.f32 v58, v58  }
0x13a: {  	(xrf0) =	vadd.scan.msk.s32 vm2, v2;
	v41 =	vadd.f32 v57, v56;
	vm4 =	vlt.f32 v40, $3.999999910e-02;
	v40 =	vmul.f32 v59, v59  }
0x13b: {  	v63 =	vadd.f32 v44, v43;
	v45 =	vmul.f32 v62, v62;
	(xrf0) =	vadd.scan.msk.s32 vm0, v2;
	v39 =	vadd.f32 v39, v42  }
0x13c: {  	v36 =	vadd.f32 v37, v36;
	v46 =	vmul.f32 v38, v38;
	(xrf0) =	vadd.scan.msk.s32 vm6, v2;
	v40 =	vadd.f32 v40, v41  }
0x13d: {  	v47 =	vmpcnt.ones.xlane vm3;
	v48 =	vadd.f32 v45, v63;
	(xrf0) =	vadd.scan.msk.s32 vm4, v2;
	vm14 =	vlt.f32 v39, $3.999999910e-02  }
0x13e: {  	v36 =	vadd.f32 v46, v36;
	vm12 =	vlt.f32 v40, $3.999999910e-02;
	(xrf0) =	vadd.scan.msk.s32 vm14, v2  }
0x13f: {  	v35 =	vadd.s32 v35, v47;
	v49 =	vmpcnt.ones.xlane vm1;
	vm8 =	vlt.f32 v48, $3.999999910e-02;
	(xrf0) =	vadd.scan.msk.s32 vm12, v2  }
0x140: {  	v50 =	vmpcnt.ones.xlane vm7;
	v52 =	vmpcnt.ones.xlane vm5;
	vm10 =	vlt.f32 v36, $3.999999910e-02;
	v51, _, _ =	vpop (xrf0);
	(xrf0) =	vadd.scan.msk.s32 vm8, v2  }
0x141: {  	v53 =	vmpcnt.ones.xlane vm15;
	v34 =	vadd.s32 v34, v49;
	v38 =	vadd.s32 v35, v51;
	v54, _, _ =	vpop (xrf0);
	(xrf0) =	vadd.scan.msk.s32 vm10, v2  }
0x142: {  	v33 =	vadd.s32 v33, v50;
	v32 =	vadd.s32 v32, v52;
	v40 =	vadd.s32 v34, v54;
	v56, _, _ =	vpop (xrf0)  }
0x143: {  	v31 =	vadd.s32 v31, v53;
	v55 =	vmpcnt.ones.xlane vm13;
	v57 =	vadd.s32 v33, v56;
	v58, _, _ =	vpop (xrf0)  }
0x144: {  	s30 =	sadd.s32 $0xFFFFFF20, s23;
	v61 =	vmpcnt.ones.xlane vm9;
	v59 =	vmpcnt.ones.xlane vm11;
	v39 =	vadd.s32 v32, v58;
	v60, _, _ =	vpop (xrf0)  }
0x145: {  	v62 =	vor.u32 s30, v1;
	v30 =	vadd.s32 v30, v55;
	v41 =	vadd.s32 v31, v60;
	v63, _, _ =	vpop (xrf0)  }
0x146: {  	v29 =	vadd.s32 v29, v59;
	[tilespmem:v38+s18+$0x0] =	vst.idx.msk vm2, v62;
	v45 =	vadd.s32 v30, v63;
	v46, _, _ =	vpop (xrf0)  }
0x147: {  	v28 =	vadd.s32 v28, v61;
	[tilespmem:v40+s18+$0x0] =	vst.idx.msk vm0, v62;
	v38 =	vadd.s32 v29, v46;
	v47, _, _ =	vpop (xrf0)  }
0x148: {  	[tilespmem:v57+s18+$0x0] =	vst.idx.msk vm6, v62;
	v48 =	vadd.s32 v28, v47  }
0x149: {  	[tilespmem:v39+s18+$0x0] =	vst.idx.msk vm4, v62  }
0x14a: {  	[tilespmem:v41+s18+$0x0] =	vst.idx.msk vm14, v62  }
0x14b: {  	[tilespmem:v45+s18+$0x0] =	vst.idx.msk vm12, v62  }
0x14c: {  	[tilespmem:v38+s18+$0x0] =	vst.idx.msk vm8, v62  }
0x14d: {  	[tilespmem:v48+s18+$0x0] =	vst.idx.msk vm10, v62  }
0x14e: {  	v36 =	vld [tilespmem:s26+$0xFFFFFFA0]  }
0x14f: {  	v37 =	vld [tilespmem:s25+$0xFFFFFFA0]  }
0x150: {  	v38 =	vld [tilespmem:s24+$0xFFFFFFA0];
	_ =	sdelay $0x2  }
0x151: {  	v49 =	vsub.f32 v36, v4  }
0x152: {  	v50 =	vsub.f32 v37, v5;
	v51 =	vsub.f32 v36, v7  }
0x153: {  	v52 =	vsub.f32 v37, v8;
	v53 =	vsub.f32 v38, v6  }
0x154: {  	v54 =	vsub.f32 v38, v9;
	v56 =	vsub.f32 v36, v10  }
0x155: {  	v57 =	vsub.f32 v37, v11;
	v58 =	vsub.f32 v36, v13  }
0x156: {  	v59 =	vsub.f32 v37, v14;
	v39 =	vmul.f32 v49, v49;
	v40 =	vmul.f32 v50, v50  }
0x157: {  	v48 =	vsub.f32 v38, v12;
	v41 =	vmul.f32 v51, v51;
	v42 =	vmul.f32 v52, v52  }
0x158: {  	v55 =	vmul.f32 v53, v53;
	v60 =	vmul.f32 v56, v56;
	v49 =	vsub.f32 v38, v15  }
0x159: {  	v61 =	vmul.f32 v57, v57;
	v50 =	vsub.f32 v36, v16;
	v51 =	vsub.f32 v37, v17  }
0x15a: {  	v62 =	vmul.f32 v58, v58;
	v52 =	vsub.f32 v36, v19;
	v53 =	vsub.f32 v37, v20  }
0x15b: {  	v63 =	vmul.f32 v59, v59;
	v58 =	vsub.f32 v38, v18;
	v59 =	vsub.f32 v38, v21  }
0x15c: {  	v39 =	vadd.f32 v40, v39;
	v41 =	vadd.f32 v42, v41;
	v40 =	vmul.f32 v54, v54  }
0x15d: {  	v42 =	vadd.f32 v61, v60;
	v54 =	vmul.f32 v50, v50;
	v60 =	vsub.f32 v36, v22  }
0x15e: {  	v56 =	vmul.f32 v52, v52;
	v61 =	vsub.f32 v37, v23;
	v36 =	vsub.f32 v36, v25  }
0x15f: {  	v57 =	vmul.f32 v53, v53;
	v37 =	vsub.f32 v37, v26;
	v39 =	vadd.f32 v55, v39  }
0x160: {  	v40 =	vadd.f32 v40, v41;
	v41 =	vadd.f32 v63, v62;
	v55 =	vmul.f32 v51, v51  }
0x161: {  	v62 =	vsub.f32 v38, v24;
	vm3 =	vlt.f32 v39, $3.999999910e-02;
	v39 =	vmul.f32 v48, v48  }
0x162: {  	v43 =	vmul.f32 v60, v60;
	vm1 =	vlt.f32 v40, $3.999999910e-02;
	v40 =	vmul.f32 v49, v49  }
0x163: {  	v44 =	vmul.f32 v61, v61;
	v38 =	vsub.f32 v38, v27;
	v39 =	vadd.f32 v39, v42  }
0x164: {  	v36 =	vmul.f32 v36, v36;
	v37 =	vmul.f32 v37, v37;
	v40 =	vadd.f32 v40, v41  }
0x165: {  	v42 =	vadd.f32 v55, v54;
	vm7 =	vlt.f32 v39, $3.999999910e-02;
	v39 =	vmul.f32 v58, v58  }
0x166: {  	(xrf0) =	vadd.scan.msk.s32 vm3, v2;
	v41 =	vadd.f32 v57, v56;
	vm5 =	vlt.f32 v40, $3.999999910e-02;
	v40 =	vmul.f32 v59, v59  }
0x167: {  	v63 =	vadd.f32 v44, v43;
	v45 =	vmul.f32 v62, v62;
	(xrf0) =	vadd.scan.msk.s32 vm1, v2;
	v39 =	vadd.f32 v39, v42  }
0x168: {  	v36 =	vadd.f32 v37, v36;
	v46 =	vmul.f32 v38, v38;
	(xrf0) =	vadd.scan.msk.s32 vm7, v2;
	v40 =	vadd.f32 v40, v41  }
0x169: {  	v47 =	vmpcnt.ones.xlane vm2;
	v48 =	vadd.f32 v45, v63;
	(xrf0) =	vadd.scan.msk.s32 vm5, v2;
	vm15 =	vlt.f32 v39, $3.999999910e-02  }
0x16a: {  	v36 =	vadd.f32 v46, v36;
	vm13 =	vlt.f32 v40, $3.999999910e-02;
	(xrf0) =	vadd.scan.msk.s32 vm15, v2  }
0x16b: {  	v35 =	vadd.s32 v35, v47;
	v49 =	vmpcnt.ones.xlane vm0;
	vm9 =	vlt.f32 v48, $3.999999910e-02;
	(xrf0) =	vadd.scan.msk.s32 vm13, v2  }
0x16c: {  	v50 =	vmpcnt.ones.xlane vm6;
	v52 =	vmpcnt.ones.xlane vm4;
	vm11 =	vlt.f32 v36, $3.999999910e-02;
	v51, _, _ =	vpop (xrf0);
	(xrf0) =	vadd.scan.msk.s32 vm9, v2  }
0x16d: {  	v53 =	vmpcnt.ones.xlane vm14;
	v34 =	vadd.s32 v34, v49;
	v38 =	vadd.s32 v35, v51;
	v54, _, _ =	vpop (xrf0);
	(xrf0) =	vadd.scan.msk.s32 vm11, v2  }
0x16e: {  	v33 =	vadd.s32 v33, v50;
	v32 =	vadd.s32 v32, v52;
	v40 =	vadd.s32 v34, v54;
	v56, _, _ =	vpop (xrf0)  }
0x16f: {  	v31 =	vadd.s32 v31, v53;
	v55 =	vmpcnt.ones.xlane vm12;
	v57 =	vadd.s32 v33, v56;
	v58, _, _ =	vpop (xrf0)  }
0x170: {  	s31 =	sadd.s32 $0xFFFFFF30, s23;
	v61 =	vmpcnt.ones.xlane vm10;
	v59 =	vmpcnt.ones.xlane vm8;
	v39 =	vadd.s32 v32, v58;
	v60, _, _ =	vpop (xrf0)  }
0x171: {  	v62 =	vor.u32 s31, v1;
	v30 =	vadd.s32 v30, v55;
	v41 =	vadd.s32 v31, v60;
	v63, _, _ =	vpop (xrf0)  }
0x172: {  	v29 =	vadd.s32 v29, v59;
	[tilespmem:v38+s18+$0x0] =	vst.idx.msk vm3, v62;
	v45 =	vadd.s32 v30, v63;
	v46, _, _ =	vpop (xrf0)  }
0x173: {  	v28 =	vadd.s32 v28, v61;
	[tilespmem:v40+s18+$0x0] =	vst.idx.msk vm1, v62;
	v38 =	vadd.s32 v29, v46;
	v47, _, _ =	vpop (xrf0)  }
0x174: {  	[tilespmem:v57+s18+$0x0] =	vst.idx.msk vm7, v62;
	v48 =	vadd.s32 v28, v47  }
0x175: {  	[tilespmem:v39+s18+$0x0] =	vst.idx.msk vm5, v62  }
0x176: {  	[tilespmem:v41+s18+$0x0] =	vst.idx.msk vm15, v62  }
0x177: {  	[tilespmem:v45+s18+$0x0] =	vst.idx.msk vm13, v62  }
0x178: {  	[tilespmem:v38+s18+$0x0] =	vst.idx.msk vm9, v62  }
0x179: {  	[tilespmem:v48+s18+$0x0] =	vst.idx.msk vm11, v62  }
0x17a: {  	v36 =	vld [tilespmem:s26+$0xFFFFFFB0]  }
0x17b: {  	v37 =	vld [tilespmem:s25+$0xFFFFFFB0]  }
0x17c: {  	v38 =	vld [tilespmem:s24+$0xFFFFFFB0];
	_ =	sdelay $0x2  }
0x17d: {  	v49 =	vsub.f32 v36, v4  }
0x17e: {  	v50 =	vsub.f32 v37, v5;
	v51 =	vsub.f32 v36, v7  }
0x17f: {  	v52 =	vsub.f32 v37, v8;
	v53 =	vsub.f32 v38, v6  }
0x180: {  	v54 =	vsub.f32 v38, v9;
	v56 =	vsub.f32 v36, v10  }
0x181: {  	v57 =	vsub.f32 v37, v11;
	v58 =	vsub.f32 v36, v13  }
0x182: {  	v59 =	vsub.f32 v37, v14;
	v39 =	vmul.f32 v49, v49;
	v40 =	vmul.f32 v50, v50  }
0x183: {  	v48 =	vsub.f32 v38, v12;
	v41 =	vmul.f32 v51, v51;
	v42 =	vmul.f32 v52, v52  }
0x184: {  	v55 =	vmul.f32 v53, v53;
	v60 =	vmul.f32 v56, v56;
	v49 =	vsub.f32 v38, v15  }
0x185: {  	v61 =	vmul.f32 v57, v57;
	v50 =	vsub.f32 v36, v16;
	v51 =	vsub.f32 v37, v17  }
0x186: {  	v62 =	vmul.f32 v58, v58;
	v52 =	vsub.f32 v36, v19;
	v53 =	vsub.f32 v37, v20  }
0x187: {  	v63 =	vmul.f32 v59, v59;
	v58 =	vsub.f32 v38, v18;
	v59 =	vsub.f32 v38, v21  }
0x188: {  	v39 =	vadd.f32 v40, v39;
	v41 =	vadd.f32 v42, v41;
	v40 =	vmul.f32 v54, v54  }
0x189: {  	v42 =	vadd.f32 v61, v60;
	v54 =	vmul.f32 v50, v50;
	v60 =	vsub.f32 v36, v22  }
0x18a: {  	v56 =	vmul.f32 v52, v52;
	v61 =	vsub.f32 v37, v23;
	v36 =	vsub.f32 v36, v25  }
0x18b: {  	v57 =	vmul.f32 v53, v53;
	v37 =	vsub.f32 v37, v26;
	v39 =	vadd.f32 v55, v39  }
0x18c: {  	v40 =	vadd.f32 v40, v41;
	v41 =	vadd.f32 v63, v62;
	v55 =	vmul.f32 v51, v51  }
0x18d: {  	v62 =	vsub.f32 v38, v24;
	vm2 =	vlt.f32 v39, $3.999999910e-02;
	v39 =	vmul.f32 v48, v48  }
0x18e: {  	v43 =	vmul.f32 v60, v60;
	vm0 =	vlt.f32 v40, $3.999999910e-02;
	v40 =	vmul.f32 v49, v49  }
0x18f: {  	v44 =	vmul.f32 v61, v61;
	v38 =	vsub.f32 v38, v27;
	v39 =	vadd.f32 v39, v42  }
0x190: {  	v36 =	vmul.f32 v36, v36;
	v37 =	vmul.f32 v37, v37;
	v40 =	vadd.f32 v40, v41  }
0x191: {  	v42 =	vadd.f32 v55, v54;
	vm6 =	vlt.f32 v39, $3.999999910e-02;
	v39 =	vmul.f32 v58, v58  }
0x192: {  	(xrf0) =	vadd.scan.msk.s32 vm2, v2;
	v41 =	vadd.f32 v57, v56;
	vm4 =	vlt.f32 v40, $3.999999910e-02;
	v40 =	vmul.f32 v59, v59  }
0x193: {  	v63 =	vadd.f32 v44, v43;
	v45 =	vmul.f32 v62, v62;
	(xrf0) =	vadd.scan.msk.s32 vm0, v2;
	v39 =	vadd.f32 v39, v42  }
0x194: {  	v36 =	vadd.f32 v37, v36;
	v46 =	vmul.f32 v38, v38;
	(xrf0) =	vadd.scan.msk.s32 vm6, v2;
	v40 =	vadd.f32 v40, v41  }
0x195: {  	v47 =	vmpcnt.ones.xlane vm3;
	v48 =	vadd.f32 v45, v63;
	(xrf0) =	vadd.scan.msk.s32 vm4, v2;
	vm14 =	vlt.f32 v39, $3.999999910e-02  }
0x196: {  	v36 =	vadd.f32 v46, v36;
	vm12 =	vlt.f32 v40, $3.999999910e-02;
	(xrf0) =	vadd.scan.msk.s32 vm14, v2  }
0x197: {  	v35 =	vadd.s32 v35, v47;
	v49 =	vmpcnt.ones.xlane vm1;
	vm8 =	vlt.f32 v48, $3.999999910e-02;
	(xrf0) =	vadd.scan.msk.s32 vm12, v2  }
0x198: {  	v50 =	vmpcnt.ones.xlane vm7;
	v52 =	vmpcnt.ones.xlane vm5;
	vm10 =	vlt.f32 v36, $3.999999910e-02;
	v51, _, _ =	vpop (xrf0);
	(xrf0) =	vadd.scan.msk.s32 vm8, v2  }
0x199: {  	v53 =	vmpcnt.ones.xlane vm15;
	v34 =	vadd.s32 v34, v49;
	v38 =	vadd.s32 v35, v51;
	v54, _, _ =	vpop (xrf0);
	(xrf0) =	vadd.scan.msk.s32 vm10, v2  }
0x19a: {  	v33 =	vadd.s32 v33, v50;
	v32 =	vadd.s32 v32, v52;
	v40 =	vadd.s32 v34, v54;
	v56, _, _ =	vpop (xrf0)  }
0x19b: {  	v31 =	vadd.s32 v31, v53;
	v55 =	vmpcnt.ones.xlane vm13;
	v57 =	vadd.s32 v33, v56;
	v58, _, _ =	vpop (xrf0)  }
0x19c: {  	s29 =	sadd.s32 $0xFFFFFF40, s23;
	v61 =	vmpcnt.ones.xlane vm11;
	v59 =	vmpcnt.ones.xlane vm9;
	v39 =	vadd.s32 v32, v58;
	v60, _, _ =	vpop (xrf0)  }
0x19d: {  	v62 =	vor.u32 s29, v1;
	v30 =	vadd.s32 v30, v55;
	v41 =	vadd.s32 v31, v60;
	v63, _, _ =	vpop (xrf0)  }
0x19e: {  	v29 =	vadd.s32 v29, v59;
	[tilespmem:v38+s18+$0x0] =	vst.idx.msk vm2, v62;
	v45 =	vadd.s32 v30, v63;
	v46, _, _ =	vpop (xrf0)  }
0x19f: {  	v28 =	vadd.s32 v28, v61;
	[tilespmem:v40+s18+$0x0] =	vst.idx.msk vm0, v62;
	v38 =	vadd.s32 v29, v46;
	v47, _, _ =	vpop (xrf0)  }
0x1a0: {  	[tilespmem:v57+s18+$0x0] =	vst.idx.msk vm6, v62;
	v48 =	vadd.s32 v28, v47  }
0x1a1: {  	[tilespmem:v39+s18+$0x0] =	vst.idx.msk vm4, v62  }
0x1a2: {  	[tilespmem:v41+s18+$0x0] =	vst.idx.msk vm14, v62  }
0x1a3: {  	[tilespmem:v45+s18+$0x0] =	vst.idx.msk vm12, v62  }
0x1a4: {  	[tilespmem:v38+s18+$0x0] =	vst.idx.msk vm8, v62  }
0x1a5: {  	[tilespmem:v48+s18+$0x0] =	vst.idx.msk vm10, v62  }
0x1a6: {  	v36 =	vld [tilespmem:s26+$0xFFFFFFC0]  }
0x1a7: {  	v37 =	vld [tilespmem:s25+$0xFFFFFFC0]  }
0x1a8: {  	v38 =	vld [tilespmem:s24+$0xFFFFFFC0];
	_ =	sdelay $0x2  }
0x1a9: {  	v49 =	vsub.f32 v36, v4  }
0x1aa: {  	v50 =	vsub.f32 v37, v5;
	v51 =	vsub.f32 v36, v7  }
0x1ab: {  	v52 =	vsub.f32 v37, v8;
	v53 =	vsub.f32 v38, v6  }
0x1ac: {  	v54 =	vsub.f32 v38, v9;
	v56 =	vsub.f32 v36, v10  }
0x1ad: {  	v57 =	vsub.f32 v37, v11;
	v58 =	vsub.f32 v36, v13  }
0x1ae: {  	v59 =	vsub.f32 v37, v14;
	v39 =	vmul.f32 v49, v49;
	v40 =	vmul.f32 v50, v50  }
0x1af: {  	v48 =	vsub.f32 v38, v12;
	v41 =	vmul.f32 v51, v51;
	v42 =	vmul.f32 v52, v52  }
0x1b0: {  	v55 =	vmul.f32 v53, v53;
	v60 =	vmul.f32 v56, v56;
	v49 =	vsub.f32 v38, v15  }
0x1b1: {  	v61 =	vmul.f32 v57, v57;
	v50 =	vsub.f32 v36, v16;
	v51 =	vsub.f32 v37, v17  }
0x1b2: {  	v62 =	vmul.f32 v58, v58;
	v52 =	vsub.f32 v36, v19;
	v53 =	vsub.f32 v37, v20  }
0x1b3: {  	v63 =	vmul.f32 v59, v59;
	v58 =	vsub.f32 v38, v18;
	v59 =	vsub.f32 v38, v21  }
0x1b4: {  	v39 =	vadd.f32 v40, v39;
	v41 =	vadd.f32 v42, v41;
	v40 =	vmul.f32 v54, v54  }
0x1b5: {  	v42 =	vadd.f32 v61, v60;
	v54 =	vmul.f32 v50, v50;
	v60 =	vsub.f32 v36, v22  }
0x1b6: {  	v56 =	vmul.f32 v52, v52;
	v61 =	vsub.f32 v37, v23;
	v36 =	vsub.f32 v36, v25  }
0x1b7: {  	v57 =	vmul.f32 v53, v53;
	v37 =	vsub.f32 v37, v26;
	v39 =	vadd.f32 v55, v39  }
0x1b8: {  	v40 =	vadd.f32 v40, v41;
	v41 =	vadd.f32 v63, v62;
	v55 =	vmul.f32 v51, v51  }
0x1b9: {  	v62 =	vsub.f32 v38, v24;
	vm3 =	vlt.f32 v39, $3.999999910e-02;
	v39 =	vmul.f32 v48, v48  }
0x1ba: {  	v43 =	vmul.f32 v60, v60;
	vm1 =	vlt.f32 v40, $3.999999910e-02;
	v40 =	vmul.f32 v49, v49  }
0x1bb: {  	v44 =	vmul.f32 v61, v61;
	v38 =	vsub.f32 v38, v27;
	v39 =	vadd.f32 v39, v42  }
0x1bc: {  	v36 =	vmul.f32 v36, v36;
	v37 =	vmul.f32 v37, v37;
	v40 =	vadd.f32 v40, v41  }
0x1bd: {  	v42 =	vadd.f32 v55, v54;
	vm7 =	vlt.f32 v39, $3.999999910e-02;
	v39 =	vmul.f32 v58, v58  }
0x1be: {  	(xrf0) =	vadd.scan.msk.s32 vm3, v2;
	v41 =	vadd.f32 v57, v56;
	vm5 =	vlt.f32 v40, $3.999999910e-02;
	v40 =	vmul.f32 v59, v59  }
0x1bf: {  	v63 =	vadd.f32 v44, v43;
	v45 =	vmul.f32 v62, v62;
	(xrf0) =	vadd.scan.msk.s32 vm1, v2;
	v39 =	vadd.f32 v39, v42  }
0x1c0: {  	v36 =	vadd.f32 v37, v36;
	v46 =	vmul.f32 v38, v38;
	(xrf0) =	vadd.scan.msk.s32 vm7, v2;
	v40 =	vadd.f32 v40, v41  }
0x1c1: {  	v47 =	vmpcnt.ones.xlane vm2;
	v48 =	vadd.f32 v45, v63;
	(xrf0) =	vadd.scan.msk.s32 vm5, v2;
	vm15 =	vlt.f32 v39, $3.999999910e-02  }
0x1c2: {  	v36 =	vadd.f32 v46, v36;
	vm13 =	vlt.f32 v40, $3.999999910e-02;
	(xrf0) =	vadd.scan.msk.s32 vm15, v2  }
0x1c3: {  	v35 =	vadd.s32 v35, v47;
	v49 =	vmpcnt.ones.xlane vm0;
	vm9 =	vlt.f32 v48, $3.999999910e-02;
	(xrf0) =	vadd.scan.msk.s32 vm13, v2  }
0x1c4: {  	v50 =	vmpcnt.ones.xlane vm6;
	v52 =	vmpcnt.ones.xlane vm4;
	vm11 =	vlt.f32 v36, $3.999999910e-02;
	v51, _, _ =	vpop (xrf0);
	(xrf0) =	vadd.scan.msk.s32 vm9, v2  }
0x1c5: {  	v53 =	vmpcnt.ones.xlane vm14;
	v34 =	vadd.s32 v34, v49;
	v38 =	vadd.s32 v35, v51;
	v54, _, _ =	vpop (xrf0);
	(xrf0) =	vadd.scan.msk.s32 vm11, v2  }
0x1c6: {  	v33 =	vadd.s32 v33, v50;
	v32 =	vadd.s32 v32, v52;
	v40 =	vadd.s32 v34, v54;
	v56, _, _ =	vpop (xrf0)  }
0x1c7: {  	v31 =	vadd.s32 v31, v53;
	v55 =	vmpcnt.ones.xlane vm12;
	v57 =	vadd.s32 v33, v56;
	v58, _, _ =	vpop (xrf0)  }
0x1c8: {  	s30 =	sadd.s32 $0xFFFFFF50, s23;
	v61 =	vmpcnt.ones.xlane vm10;
	v59 =	vmpcnt.ones.xlane vm8;
	v39 =	vadd.s32 v32, v58;
	v60, _, _ =	vpop (xrf0)  }
0x1c9: {  	v62 =	vor.u32 s30, v1;
	v30 =	vadd.s32 v30, v55;
	v41 =	vadd.s32 v31, v60;
	v63, _, _ =	vpop (xrf0)  }
0x1ca: {  	v29 =	vadd.s32 v29, v59;
	[tilespmem:v38+s18+$0x0] =	vst.idx.msk vm3, v62;
	v45 =	vadd.s32 v30, v63;
	v46, _, _ =	vpop (xrf0)  }
0x1cb: {  	v28 =	vadd.s32 v28, v61;
	[tilespmem:v40+s18+$0x0] =	vst.idx.msk vm1, v62;
	v38 =	vadd.s32 v29, v46;
	v47, _, _ =	vpop (xrf0)  }
0x1cc: {  	[tilespmem:v57+s18+$0x0] =	vst.idx.msk vm7, v62;
	v48 =	vadd.s32 v28, v47  }
0x1cd: {  	[tilespmem:v39+s18+$0x0] =	vst.idx.msk vm5, v62  }
0x1ce: {  	[tilespmem:v41+s18+$0x0] =	vst.idx.msk vm15, v62  }
0x1cf: {  	[tilespmem:v45+s18+$0x0] =	vst.idx.msk vm13, v62  }
0x1d0: {  	[tilespmem:v38+s18+$0x0] =	vst.idx.msk vm9, v62  }
0x1d1: {  	[tilespmem:v48+s18+$0x0] =	vst.idx.msk vm11, v62  }
0x1d2: {  	v36 =	vld [tilespmem:s26+$0xFFFFFFD0]  }
0x1d3: {  	v37 =	vld [tilespmem:s25+$0xFFFFFFD0]  }
0x1d4: {  	v38 =	vld [tilespmem:s24+$0xFFFFFFD0];
	_ =	sdelay $0x2  }
0x1d5: {  	v49 =	vsub.f32 v36, v4  }
0x1d6: {  	v50 =	vsub.f32 v37, v5;
	v51 =	vsub.f32 v36, v7  }
0x1d7: {  	v52 =	vsub.f32 v37, v8;
	v53 =	vsub.f32 v38, v6  }
0x1d8: {  	v54 =	vsub.f32 v38, v9;
	v56 =	vsub.f32 v36, v10  }
0x1d9: {  	v57 =	vsub.f32 v37, v11;
	v58 =	vsub.f32 v36, v13  }
0x1da: {  	v59 =	vsub.f32 v37, v14;
	v39 =	vmul.f32 v49, v49;
	v40 =	vmul.f32 v50, v50  }
0x1db: {  	v48 =	vsub.f32 v38, v12;
	v41 =	vmul.f32 v51, v51;
	v42 =	vmul.f32 v52, v52  }
0x1dc: {  	v55 =	vmul.f32 v53, v53;
	v60 =	vmul.f32 v56, v56;
	v49 =	vsub.f32 v38, v15  }
0x1dd: {  	v61 =	vmul.f32 v57, v57;
	v50 =	vsub.f32 v36, v16;
	v51 =	vsub.f32 v37, v17  }
0x1de: {  	v62 =	vmul.f32 v58, v58;
	v52 =	vsub.f32 v36, v19;
	v53 =	vsub.f32 v37, v20  }
0x1df: {  	v63 =	vmul.f32 v59, v59;
	v58 =	vsub.f32 v38, v18;
	v59 =	vsub.f32 v38, v21  }
0x1e0: {  	v39 =	vadd.f32 v40, v39;
	v41 =	vadd.f32 v42, v41;
	v40 =	vmul.f32 v54, v54  }
0x1e1: {  	v42 =	vadd.f32 v61, v60;
	v54 =	vmul.f32 v50, v50;
	v60 =	vsub.f32 v36, v22  }
0x1e2: {  	v56 =	vmul.f32 v52, v52;
	v61 =	vsub.f32 v37, v23;
	v36 =	vsub.f32 v36, v25  }
0x1e3: {  	v57 =	vmul.f32 v53, v53;
	v37 =	vsub.f32 v37, v26;
	v39 =	vadd.f32 v55, v39  }
0x1e4: {  	v40 =	vadd.f32 v40, v41;
	v41 =	vadd.f32 v63, v62;
	v55 =	vmul.f32 v51, v51  }
0x1e5: {  	v62 =	vsub.f32 v38, v24;
	vm2 =	vlt.f32 v39, $3.999999910e-02;
	v39 =	vmul.f32 v48, v48  }
0x1e6: {  	v43 =	vmul.f32 v60, v60;
	vm0 =	vlt.f32 v40, $3.999999910e-02;
	v40 =	vmul.f32 v49, v49  }
0x1e7: {  	v44 =	vmul.f32 v61, v61;
	v38 =	vsub.f32 v38, v27;
	v39 =	vadd.f32 v39, v42  }
0x1e8: {  	v36 =	vmul.f32 v36, v36;
	v37 =	vmul.f32 v37, v37;
	v40 =	vadd.f32 v40, v41  }
0x1e9: {  	v42 =	vadd.f32 v55, v54;
	vm6 =	vlt.f32 v39, $3.999999910e-02;
	v39 =	vmul.f32 v58, v58  }
0x1ea: {  	(xrf0) =	vadd.scan.msk.s32 vm2, v2;
	v41 =	vadd.f32 v57, v56;
	vm4 =	vlt.f32 v40, $3.999999910e-02;
	v40 =	vmul.f32 v59, v59  }
0x1eb: {  	v63 =	vadd.f32 v44, v43;
	v45 =	vmul.f32 v62, v62;
	(xrf0) =	vadd.scan.msk.s32 vm0, v2;
	v39 =	vadd.f32 v39, v42  }
0x1ec: {  	v36 =	vadd.f32 v37, v36;
	v46 =	vmul.f32 v38, v38;
	(xrf0) =	vadd.scan.msk.s32 vm6, v2;
	v40 =	vadd.f32 v40, v41  }
0x1ed: {  	v47 =	vmpcnt.ones.xlane vm3;
	v48 =	vadd.f32 v45, v63;
	(xrf0) =	vadd.scan.msk.s32 vm4, v2;
	vm14 =	vlt.f32 v39, $3.999999910e-02  }
0x1ee: {  	v36 =	vadd.f32 v46, v36;
	vm12 =	vlt.f32 v40, $3.999999910e-02;
	(xrf0) =	vadd.scan.msk.s32 vm14, v2  }
0x1ef: {  	v35 =	vadd.s32 v35, v47;
	v49 =	vmpcnt.ones.xlane vm1;
	vm8 =	vlt.f32 v48, $3.999999910e-02;
	(xrf0) =	vadd.scan.msk.s32 vm12, v2  }
0x1f0: {  	v50 =	vmpcnt.ones.xlane vm7;
	v52 =	vmpcnt.ones.xlane vm5;
	vm10 =	vlt.f32 v36, $3.999999910e-02;
	v51, _, _ =	vpop (xrf0);
	(xrf0) =	vadd.scan.msk.s32 vm8, v2  }
0x1f1: {  	v53 =	vmpcnt.ones.xlane vm15;
	v34 =	vadd.s32 v34, v49;
	v38 =	vadd.s32 v35, v51;
	v54, _, _ =	vpop (xrf0);
	(xrf0) =	vadd.scan.msk.s32 vm10, v2  }
0x1f2: {  	v33 =	vadd.s32 v33, v50;
	v32 =	vadd.s32 v32, v52;
	v40 =	vadd.s32 v34, v54;
	v56, _, _ =	vpop (xrf0)  }
0x1f3: {  	v31 =	vadd.s32 v31, v53;
	v55 =	vmpcnt.ones.xlane vm13;
	v57 =	vadd.s32 v33, v56;
	v58, _, _ =	vpop (xrf0)  }
0x1f4: {  	s31 =	sadd.s32 $0xFFFFFF60, s23;
	v61 =	vmpcnt.ones.xlane vm11;
	v59 =	vmpcnt.ones.xlane vm9;
	v39 =	vadd.s32 v32, v58;
	v60, _, _ =	vpop (xrf0)  }
0x1f5: {  	v62 =	vor.u32 s31, v1;
	v30 =	vadd.s32 v30, v55;
	v41 =	vadd.s32 v31, v60;
	v63, _, _ =	vpop (xrf0)  }
0x1f6: {  	v29 =	vadd.s32 v29, v59;
	[tilespmem:v38+s18+$0x0] =	vst.idx.msk vm2, v62;
	v45 =	vadd.s32 v30, v63;
	v46, _, _ =	vpop (xrf0)  }
0x1f7: {  	v28 =	vadd.s32 v28, v61;
	[tilespmem:v40+s18+$0x0] =	vst.idx.msk vm0, v62;
	v38 =	vadd.s32 v29, v46;
	v47, _, _ =	vpop (xrf0)  }
0x1f8: {  	[tilespmem:v57+s18+$0x0] =	vst.idx.msk vm6, v62;
	v48 =	vadd.s32 v28, v47  }
0x1f9: {  	[tilespmem:v39+s18+$0x0] =	vst.idx.msk vm4, v62  }
0x1fa: {  	[tilespmem:v41+s18+$0x0] =	vst.idx.msk vm14, v62  }
0x1fb: {  	[tilespmem:v45+s18+$0x0] =	vst.idx.msk vm12, v62  }
0x1fc: {  	[tilespmem:v38+s18+$0x0] =	vst.idx.msk vm8, v62  }
0x1fd: {  	[tilespmem:v48+s18+$0x0] =	vst.idx.msk vm10, v62  }
0x1fe: {  	v36 =	vld [tilespmem:s26+$0xFFFFFFE0]  }
0x1ff: {  	v37 =	vld [tilespmem:s25+$0xFFFFFFE0]  }
0x200: {  	v38 =	vld [tilespmem:s24+$0xFFFFFFE0];
	_ =	sdelay $0x2  }
0x201: {  	v49 =	vsub.f32 v36, v4  }
0x202: {  	v50 =	vsub.f32 v37, v5;
	v51 =	vsub.f32 v36, v7  }
0x203: {  	v52 =	vsub.f32 v37, v8;
	v53 =	vsub.f32 v38, v6  }
0x204: {  	v54 =	vsub.f32 v38, v9;
	v56 =	vsub.f32 v36, v10  }
0x205: {  	v57 =	vsub.f32 v37, v11;
	v58 =	vsub.f32 v36, v13  }
0x206: {  	v59 =	vsub.f32 v37, v14;
	v39 =	vmul.f32 v49, v49;
	v40 =	vmul.f32 v50, v50  }
0x207: {  	v48 =	vsub.f32 v38, v12;
	v41 =	vmul.f32 v51, v51;
	v42 =	vmul.f32 v52, v52  }
0x208: {  	v55 =	vmul.f32 v53, v53;
	v60 =	vmul.f32 v56, v56;
	v49 =	vsub.f32 v38, v15  }
0x209: {  	v61 =	vmul.f32 v57, v57;
	v50 =	vsub.f32 v36, v16;
	v51 =	vsub.f32 v37, v17  }
0x20a: {  	v62 =	vmul.f32 v58, v58;
	v52 =	vsub.f32 v36, v19;
	v53 =	vsub.f32 v37, v20  }
0x20b: {  	v63 =	vmul.f32 v59, v59;
	v58 =	vsub.f32 v38, v18;
	v59 =	vsub.f32 v38, v21  }
0x20c: {  	v39 =	vadd.f32 v40, v39;
	v41 =	vadd.f32 v42, v41;
	v40 =	vmul.f32 v54, v54  }
0x20d: {  	v42 =	vadd.f32 v61, v60;
	v54 =	vmul.f32 v50, v50;
	v60 =	vsub.f32 v36, v22  }
0x20e: {  	v56 =	vmul.f32 v52, v52;
	v61 =	vsub.f32 v37, v23;
	v36 =	vsub.f32 v36, v25  }
0x20f: {  	v57 =	vmul.f32 v53, v53;
	v37 =	vsub.f32 v37, v26;
	v39 =	vadd.f32 v55, v39  }
0x210: {  	v40 =	vadd.f32 v40, v41;
	v41 =	vadd.f32 v63, v62;
	v55 =	vmul.f32 v51, v51  }
0x211: {  	v62 =	vsub.f32 v38, v24;
	vm3 =	vlt.f32 v39, $3.999999910e-02;
	v39 =	vmul.f32 v48, v48  }
0x212: {  	v43 =	vmul.f32 v60, v60;
	vm1 =	vlt.f32 v40, $3.999999910e-02;
	v40 =	vmul.f32 v49, v49  }
0x213: {  	v44 =	vmul.f32 v61, v61;
	v38 =	vsub.f32 v38, v27;
	v39 =	vadd.f32 v39, v42  }
0x214: {  	v36 =	vmul.f32 v36, v36;
	v37 =	vmul.f32 v37, v37;
	v40 =	vadd.f32 v40, v41  }
0x215: {  	v42 =	vadd.f32 v55, v54;
	vm7 =	vlt.f32 v39, $3.999999910e-02;
	v39 =	vmul.f32 v58, v58  }
0x216: {  	(xrf0) =	vadd.scan.msk.s32 vm3, v2;
	v41 =	vadd.f32 v57, v56;
	vm5 =	vlt.f32 v40, $3.999999910e-02;
	v40 =	vmul.f32 v59, v59  }
0x217: {  	v63 =	vadd.f32 v44, v43;
	v45 =	vmul.f32 v62, v62;
	(xrf0) =	vadd.scan.msk.s32 vm1, v2;
	v39 =	vadd.f32 v39, v42  }
0x218: {  	v36 =	vadd.f32 v37, v36;
	v46 =	vmul.f32 v38, v38;
	(xrf0) =	vadd.scan.msk.s32 vm7, v2;
	v40 =	vadd.f32 v40, v41  }
0x219: {  	v47 =	vmpcnt.ones.xlane vm2;
	v48 =	vadd.f32 v45, v63;
	(xrf0) =	vadd.scan.msk.s32 vm5, v2;
	vm15 =	vlt.f32 v39, $3.999999910e-02  }
0x21a: {  	v36 =	vadd.f32 v46, v36;
	vm13 =	vlt.f32 v40, $3.999999910e-02;
	(xrf0) =	vadd.scan.msk.s32 vm15, v2  }
0x21b: {  	v35 =	vadd.s32 v35, v47;
	v49 =	vmpcnt.ones.xlane vm0;
	vm9 =	vlt.f32 v48, $3.999999910e-02;
	(xrf0) =	vadd.scan.msk.s32 vm13, v2  }
0x21c: {  	v50 =	vmpcnt.ones.xlane vm6;
	v52 =	vmpcnt.ones.xlane vm4;
	vm11 =	vlt.f32 v36, $3.999999910e-02;
	v51, _, _ =	vpop (xrf0);
	(xrf0) =	vadd.scan.msk.s32 vm9, v2  }
0x21d: {  	v53 =	vmpcnt.ones.xlane vm14;
	v34 =	vadd.s32 v34, v49;
	v38 =	vadd.s32 v35, v51;
	v54, _, _ =	vpop (xrf0);
	(xrf0) =	vadd.scan.msk.s32 vm11, v2  }
0x21e: {  	v33 =	vadd.s32 v33, v50;
	v32 =	vadd.s32 v32, v52;
	v40 =	vadd.s32 v34, v54;
	v56, _, _ =	vpop (xrf0)  }
0x21f: {  	v31 =	vadd.s32 v31, v53;
	v55 =	vmpcnt.ones.xlane vm12;
	v57 =	vadd.s32 v33, v56;
	v58, _, _ =	vpop (xrf0)  }
0x220: {  	s29 =	sadd.s32 $0xFFFFFF70, s23;
	v61 =	vmpcnt.ones.xlane vm10;
	v59 =	vmpcnt.ones.xlane vm8;
	v39 =	vadd.s32 v32, v58;
	v60, _, _ =	vpop (xrf0)  }
0x221: {  	v62 =	vor.u32 s29, v1;
	v30 =	vadd.s32 v30, v55;
	v41 =	vadd.s32 v31, v60;
	v63, _, _ =	vpop (xrf0)  }
0x222: {  	v29 =	vadd.s32 v29, v59;
	[tilespmem:v38+s18+$0x0] =	vst.idx.msk vm3, v62;
	v45 =	vadd.s32 v30, v63;
	v46, _, _ =	vpop (xrf0)  }
0x223: {  	v28 =	vadd.s32 v28, v61;
	[tilespmem:v40+s18+$0x0] =	vst.idx.msk vm1, v62;
	v38 =	vadd.s32 v29, v46;
	v47, _, _ =	vpop (xrf0)  }
0x224: {  	[tilespmem:v57+s18+$0x0] =	vst.idx.msk vm7, v62;
	v48 =	vadd.s32 v28, v47  }
0x225: {  	[tilespmem:v39+s18+$0x0] =	vst.idx.msk vm5, v62  }
0x226: {  	[tilespmem:v41+s18+$0x0] =	vst.idx.msk vm15, v62  }
0x227: {  	[tilespmem:v45+s18+$0x0] =	vst.idx.msk vm13, v62  }
0x228: {  	[tilespmem:v38+s18+$0x0] =	vst.idx.msk vm9, v62  }
0x229: {  	[tilespmem:v48+s18+$0x0] =	vst.idx.msk vm11, v62  }
0x22a: {  	v36 =	vld [tilespmem:s26+$0xFFFFFFF0]  }
0x22b: {  	v37 =	vld [tilespmem:s25+$0xFFFFFFF0]  }
0x22c: {  	v38 =	vld [tilespmem:s24+$0xFFFFFFF0];
	_ =	sdelay $0x2  }
0x22d: {  	v49 =	vsub.f32 v36, v4  }
0x22e: {  	v50 =	vsub.f32 v37, v5;
	v51 =	vsub.f32 v36, v7  }
0x22f: {  	v52 =	vsub.f32 v37, v8;
	v53 =	vsub.f32 v38, v6  }
0x230: {  	v54 =	vsub.f32 v38, v9;
	v56 =	vsub.f32 v36, v10  }
0x231: {  	v57 =	vsub.f32 v37, v11;
	v58 =	vsub.f32 v36, v13  }
0x232: {  	v59 =	vsub.f32 v37, v14;
	v39 =	vmul.f32 v49, v49;
	v40 =	vmul.f32 v50, v50  }
0x233: {  	v48 =	vsub.f32 v38, v12;
	v41 =	vmul.f32 v51, v51;
	v42 =	vmul.f32 v52, v52  }
0x234: {  	v55 =	vmul.f32 v53, v53;
	v60 =	vmul.f32 v56, v56;
	v49 =	vsub.f32 v38, v15  }
0x235: {  	v61 =	vmul.f32 v57, v57;
	v50 =	vsub.f32 v36, v16;
	v51 =	vsub.f32 v37, v17  }
0x236: {  	v62 =	vmul.f32 v58, v58;
	v52 =	vsub.f32 v36, v19;
	v53 =	vsub.f32 v37, v20  }
0x237: {  	v63 =	vmul.f32 v59, v59;
	v58 =	vsub.f32 v38, v18;
	v59 =	vsub.f32 v38, v21  }
0x238: {  	v39 =	vadd.f32 v40, v39;
	v41 =	vadd.f32 v42, v41;
	v40 =	vmul.f32 v54, v54  }
0x239: {  	v42 =	vadd.f32 v61, v60;
	v54 =	vmul.f32 v50, v50;
	v60 =	vsub.f32 v36, v22  }
0x23a: {  	v56 =	vmul.f32 v52, v52;
	v61 =	vsub.f32 v37, v23;
	v36 =	vsub.f32 v36, v25  }
0x23b: {  	v57 =	vmul.f32 v53, v53;
	v37 =	vsub.f32 v37, v26;
	v39 =	vadd.f32 v55, v39  }
0x23c: {  	v40 =	vadd.f32 v40, v41;
	v41 =	vadd.f32 v63, v62;
	v55 =	vmul.f32 v51, v51  }
0x23d: {  	v62 =	vsub.f32 v38, v24;
	vm2 =	vlt.f32 v39, $3.999999910e-02;
	v39 =	vmul.f32 v48, v48  }
0x23e: {  	v43 =	vmul.f32 v60, v60;
	vm0 =	vlt.f32 v40, $3.999999910e-02;
	v40 =	vmul.f32 v49, v49  }
0x23f: {  	v44 =	vmul.f32 v61, v61;
	v38 =	vsub.f32 v38, v27;
	v39 =	vadd.f32 v39, v42  }
0x240: {  	v36 =	vmul.f32 v36, v36;
	v37 =	vmul.f32 v37, v37;
	v40 =	vadd.f32 v40, v41  }
0x241: {  	v42 =	vadd.f32 v55, v54;
	vm6 =	vlt.f32 v39, $3.999999910e-02;
	v39 =	vmul.f32 v58, v58  }
0x242: {  	(xrf0) =	vadd.scan.msk.s32 vm2, v2;
	v41 =	vadd.f32 v57, v56;
	vm4 =	vlt.f32 v40, $3.999999910e-02;
	v40 =	vmul.f32 v59, v59  }
0x243: {  	v63 =	vadd.f32 v44, v43;
	v45 =	vmul.f32 v62, v62;
	(xrf0) =	vadd.scan.msk.s32 vm0, v2;
	v39 =	vadd.f32 v39, v42  }
0x244: {  	v36 =	vadd.f32 v37, v36;
	v46 =	vmul.f32 v38, v38;
	(xrf0) =	vadd.scan.msk.s32 vm6, v2;
	v40 =	vadd.f32 v40, v41  }
0x245: {  	v47 =	vmpcnt.ones.xlane vm3;
	v48 =	vadd.f32 v45, v63;
	(xrf0) =	vadd.scan.msk.s32 vm4, v2;
	vm14 =	vlt.f32 v39, $3.999999910e-02  }
0x246: {  	v36 =	vadd.f32 v46, v36;
	vm12 =	vlt.f32 v40, $3.999999910e-02;
	(xrf0) =	vadd.scan.msk.s32 vm14, v2  }
0x247: {  	v35 =	vadd.s32 v35, v47;
	v49 =	vmpcnt.ones.xlane vm1;
	vm8 =	vlt.f32 v48, $3.999999910e-02;
	(xrf0) =	vadd.scan.msk.s32 vm12, v2  }
0x248: {  	v50 =	vmpcnt.ones.xlane vm7;
	v52 =	vmpcnt.ones.xlane vm5;
	vm10 =	vlt.f32 v36, $3.999999910e-02;
	v51, _, _ =	vpop (xrf0);
	(xrf0) =	vadd.scan.msk.s32 vm8, v2  }
0x249: {  	v53 =	vmpcnt.ones.xlane vm15;
	v34 =	vadd.s32 v34, v49;
	v38 =	vadd.s32 v35, v51;
	v54, _, _ =	vpop (xrf0);
	(xrf0) =	vadd.scan.msk.s32 vm10, v2  }
0x24a: {  	v33 =	vadd.s32 v33, v50;
	v32 =	vadd.s32 v32, v52;
	v40 =	vadd.s32 v34, v54;
	v56, _, _ =	vpop (xrf0)  }
0x24b: {  	v31 =	vadd.s32 v31, v53;
	v55 =	vmpcnt.ones.xlane vm13;
	v57 =	vadd.s32 v33, v56;
	v58, _, _ =	vpop (xrf0)  }
0x24c: {  	s30 =	sadd.s32 $0xFFFFFF80, s23;
	v61 =	vmpcnt.ones.xlane vm11;
	v59 =	vmpcnt.ones.xlane vm9;
	v39 =	vadd.s32 v32, v58;
	v60, _, _ =	vpop (xrf0)  }
0x24d: {  	v62 =	vor.u32 s30, v1;
	v30 =	vadd.s32 v30, v55;
	v41 =	vadd.s32 v31, v60;
	v63, _, _ =	vpop (xrf0)  }
0x24e: {  	v29 =	vadd.s32 v29, v59;
	[tilespmem:v38+s18+$0x0] =	vst.idx.msk vm2, v62;
	v45 =	vadd.s32 v30, v63;
	v46, _, _ =	vpop (xrf0)  }
0x24f: {  	v28 =	vadd.s32 v28, v61;
	[tilespmem:v40+s18+$0x0] =	vst.idx.msk vm0, v62;
	v38 =	vadd.s32 v29, v46;
	v47, _, _ =	vpop (xrf0)  }
0x250: {  	[tilespmem:v57+s18+$0x0] =	vst.idx.msk vm6, v62;
	v48 =	vadd.s32 v28, v47  }
0x251: {  	[tilespmem:v39+s18+$0x0] =	vst.idx.msk vm4, v62  }
0x252: {  	[tilespmem:v41+s18+$0x0] =	vst.idx.msk vm14, v62  }
0x253: {  	[tilespmem:v45+s18+$0x0] =	vst.idx.msk vm12, v62  }
0x254: {  	[tilespmem:v38+s18+$0x0] =	vst.idx.msk vm8, v62  }
0x255: {  	[tilespmem:v48+s18+$0x0] =	vst.idx.msk vm10, v62  }
0x256: {  	v36 =	vld [tilespmem:s26+$0x0]  }
0x257: {  	v37 =	vld [tilespmem:s25+$0x0]  }
0x258: {  	v38 =	vld [tilespmem:s24+$0x0];
	_ =	sdelay $0x2  }
0x259: {  	v49 =	vsub.f32 v36, v4  }
0x25a: {  	v50 =	vsub.f32 v37, v5;
	v51 =	vsub.f32 v36, v7  }
0x25b: {  	v52 =	vsub.f32 v37, v8;
	v53 =	vsub.f32 v38, v6  }
0x25c: {  	v54 =	vsub.f32 v38, v9;
	v56 =	vsub.f32 v36, v10  }
0x25d: {  	v57 =	vsub.f32 v37, v11;
	v58 =	vsub.f32 v36, v13  }
0x25e: {  	v59 =	vsub.f32 v37, v14;
	v39 =	vmul.f32 v49, v49;
	v40 =	vmul.f32 v50, v50  }
0x25f: {  	v48 =	vsub.f32 v38, v12;
	v41 =	vmul.f32 v51, v51;
	v42 =	vmul.f32 v52, v52  }
0x260: {  	v55 =	vmul.f32 v53, v53;
	v60 =	vmul.f32 v56, v56;
	v49 =	vsub.f32 v38, v15  }
0x261: {  	v61 =	vmul.f32 v57, v57;
	v50 =	vsub.f32 v36, v16;
	v51 =	vsub.f32 v37, v17  }
0x262: {  	v62 =	vmul.f32 v58, v58;
	v52 =	vsub.f32 v36, v19;
	v53 =	vsub.f32 v37, v20  }
0x263: {  	v63 =	vmul.f32 v59, v59;
	v58 =	vsub.f32 v38, v18;
	v59 =	vsub.f32 v38, v21  }
0x264: {  	v39 =	vadd.f32 v40, v39;
	v41 =	vadd.f32 v42, v41;
	v40 =	vmul.f32 v54, v54  }
0x265: {  	v42 =	vadd.f32 v61, v60;
	v54 =	vmul.f32 v50, v50;
	v60 =	vsub.f32 v36, v22  }
0x266: {  	v56 =	vmul.f32 v52, v52;
	v61 =	vsub.f32 v37, v23;
	v36 =	vsub.f32 v36, v25  }
0x267: {  	v57 =	vmul.f32 v53, v53;
	v37 =	vsub.f32 v37, v26;
	v39 =	vadd.f32 v55, v39  }
0x268: {  	v40 =	vadd.f32 v40, v41;
	v41 =	vadd.f32 v63, v62;
	v55 =	vmul.f32 v51, v51  }
0x269: {  	v62 =	vsub.f32 v38, v24;
	vm3 =	vlt.f32 v39, $3.999999910e-02;
	v39 =	vmul.f32 v48, v48  }
0x26a: {  	v43 =	vmul.f32 v60, v60;
	vm1 =	vlt.f32 v40, $3.999999910e-02;
	v40 =	vmul.f32 v49, v49  }
0x26b: {  	v44 =	vmul.f32 v61, v61;
	v38 =	vsub.f32 v38, v27;
	v39 =	vadd.f32 v39, v42  }
0x26c: {  	v36 =	vmul.f32 v36, v36;
	v37 =	vmul.f32 v37, v37;
	v40 =	vadd.f32 v40, v41  }
0x26d: {  	v42 =	vadd.f32 v55, v54;
	vm7 =	vlt.f32 v39, $3.999999910e-02;
	v39 =	vmul.f32 v58, v58  }
0x26e: {  	(xrf0) =	vadd.scan.msk.s32 vm3, v2;
	v41 =	vadd.f32 v57, v56;
	vm5 =	vlt.f32 v40, $3.999999910e-02;
	v40 =	vmul.f32 v59, v59  }
0x26f: {  	v63 =	vadd.f32 v44, v43;
	v45 =	vmul.f32 v62, v62;
	(xrf0) =	vadd.scan.msk.s32 vm1, v2;
	v39 =	vadd.f32 v39, v42  }
0x270: {  	v36 =	vadd.f32 v37, v36;
	v46 =	vmul.f32 v38, v38;
	(xrf0) =	vadd.scan.msk.s32 vm7, v2;
	v40 =	vadd.f32 v40, v41  }
0x271: {  	v47 =	vmpcnt.ones.xlane vm2;
	v48 =	vadd.f32 v45, v63;
	(xrf0) =	vadd.scan.msk.s32 vm5, v2;
	vm15 =	vlt.f32 v39, $3.999999910e-02  }
0x272: {  	v36 =	vadd.f32 v46, v36;
	vm13 =	vlt.f32 v40, $3.999999910e-02;
	(xrf0) =	vadd.scan.msk.s32 vm15, v2  }
0x273: {  	v35 =	vadd.s32 v35, v47;
	v49 =	vmpcnt.ones.xlane vm0;
	vm9 =	vlt.f32 v48, $3.999999910e-02;
	(xrf0) =	vadd.scan.msk.s32 vm13, v2  }
0x274: {  	v50 =	vmpcnt.ones.xlane vm6;
	v52 =	vmpcnt.ones.xlane vm4;
	vm11 =	vlt.f32 v36, $3.999999910e-02;
	v51, _, _ =	vpop (xrf0);
	(xrf0) =	vadd.scan.msk.s32 vm9, v2  }
0x275: {  	v53 =	vmpcnt.ones.xlane vm14;
	v34 =	vadd.s32 v34, v49;
	v38 =	vadd.s32 v35, v51;
	v54, _, _ =	vpop (xrf0);
	(xrf0) =	vadd.scan.msk.s32 vm11, v2  }
0x276: {  	v33 =	vadd.s32 v33, v50;
	v32 =	vadd.s32 v32, v52;
	v40 =	vadd.s32 v34, v54;
	v56, _, _ =	vpop (xrf0)  }
0x277: {  	v31 =	vadd.s32 v31, v53;
	v55 =	vmpcnt.ones.xlane vm12;
	v57 =	vadd.s32 v33, v56;
	v58, _, _ =	vpop (xrf0)  }
0x278: {  	s31 =	sadd.s32 $0xFFFFFF90, s23;
	v61 =	vmpcnt.ones.xlane vm10;
	v59 =	vmpcnt.ones.xlane vm8;
	v39 =	vadd.s32 v32, v58;
	v60, _, _ =	vpop (xrf0)  }
0x279: {  	v62 =	vor.u32 s31, v1;
	v30 =	vadd.s32 v30, v55;
	v41 =	vadd.s32 v31, v60;
	v63, _, _ =	vpop (xrf0)  }
0x27a: {  	v29 =	vadd.s32 v29, v59;
	[tilespmem:v38+s18+$0x0] =	vst.idx.msk vm3, v62;
	v45 =	vadd.s32 v30, v63;
	v46, _, _ =	vpop (xrf0)  }
0x27b: {  	v28 =	vadd.s32 v28, v61;
	[tilespmem:v40+s18+$0x0] =	vst.idx.msk vm1, v62;
	v38 =	vadd.s32 v29, v46;
	v47, _, _ =	vpop (xrf0)  }
0x27c: {  	[tilespmem:v57+s18+$0x0] =	vst.idx.msk vm7, v62;
	v48 =	vadd.s32 v28, v47  }
0x27d: {  	[tilespmem:v39+s18+$0x0] =	vst.idx.msk vm5, v62  }
0x27e: {  	[tilespmem:v41+s18+$0x0] =	vst.idx.msk vm15, v62  }
0x27f: {  	[tilespmem:v45+s18+$0x0] =	vst.idx.msk vm13, v62  }
0x280: {  	[tilespmem:v38+s18+$0x0] =	vst.idx.msk vm9, v62  }
0x281: {  	[tilespmem:v48+s18+$0x0] =	vst.idx.msk vm11, v62  }
0x282: {  	v36 =	vld [tilespmem:s26+$0x10]  }
0x283: {  	v37 =	vld [tilespmem:s25+$0x10]  }
0x284: {  	v38 =	vld [tilespmem:s24+$0x10];
	_ =	sdelay $0x2  }
0x285: {  	v49 =	vsub.f32 v36, v4  }
0x286: {  	v50 =	vsub.f32 v37, v5;
	v51 =	vsub.f32 v36, v7  }
0x287: {  	v52 =	vsub.f32 v37, v8;
	v53 =	vsub.f32 v38, v6  }
0x288: {  	v54 =	vsub.f32 v38, v9;
	v56 =	vsub.f32 v36, v10  }
0x289: {  	v57 =	vsub.f32 v37, v11;
	v58 =	vsub.f32 v36, v13  }
0x28a: {  	v59 =	vsub.f32 v37, v14;
	v39 =	vmul.f32 v49, v49;
	v40 =	vmul.f32 v50, v50  }
0x28b: {  	v48 =	vsub.f32 v38, v12;
	v41 =	vmul.f32 v51, v51;
	v42 =	vmul.f32 v52, v52  }
0x28c: {  	v55 =	vmul.f32 v53, v53;
	v60 =	vmul.f32 v56, v56;
	v49 =	vsub.f32 v38, v15  }
0x28d: {  	v61 =	vmul.f32 v57, v57;
	v50 =	vsub.f32 v36, v16;
	v51 =	vsub.f32 v37, v17  }
0x28e: {  	v62 =	vmul.f32 v58, v58;
	v52 =	vsub.f32 v36, v19;
	v53 =	vsub.f32 v37, v20  }
0x28f: {  	v63 =	vmul.f32 v59, v59;
	v58 =	vsub.f32 v38, v18;
	v59 =	vsub.f32 v38, v21  }
0x290: {  	v39 =	vadd.f32 v40, v39;
	v41 =	vadd.f32 v42, v41;
	v40 =	vmul.f32 v54, v54  }
0x291: {  	v42 =	vadd.f32 v61, v60;
	v54 =	vmul.f32 v50, v50;
	v60 =	vsub.f32 v36, v22  }
0x292: {  	v56 =	vmul.f32 v52, v52;
	v61 =	vsub.f32 v37, v23;
	v36 =	vsub.f32 v36, v25  }
0x293: {  	v57 =	vmul.f32 v53, v53;
	v37 =	vsub.f32 v37, v26;
	v39 =	vadd.f32 v55, v39  }
0x294: {  	v40 =	vadd.f32 v40, v41;
	v41 =	vadd.f32 v63, v62;
	v55 =	vmul.f32 v51, v51  }
0x295: {  	v62 =	vsub.f32 v38, v24;
	vm2 =	vlt.f32 v39, $3.999999910e-02;
	v39 =	vmul.f32 v48, v48  }
0x296: {  	v43 =	vmul.f32 v60, v60;
	vm0 =	vlt.f32 v40, $3.999999910e-02;
	v40 =	vmul.f32 v49, v49  }
0x297: {  	v44 =	vmul.f32 v61, v61;
	v38 =	vsub.f32 v38, v27;
	v39 =	vadd.f32 v39, v42  }
0x298: {  	v36 =	vmul.f32 v36, v36;
	v37 =	vmul.f32 v37, v37;
	v40 =	vadd.f32 v40, v41  }
0x299: {  	v42 =	vadd.f32 v55, v54;
	vm6 =	vlt.f32 v39, $3.999999910e-02;
	v39 =	vmul.f32 v58, v58  }
0x29a: {  	(xrf0) =	vadd.scan.msk.s32 vm2, v2;
	v41 =	vadd.f32 v57, v56;
	vm4 =	vlt.f32 v40, $3.999999910e-02;
	v40 =	vmul.f32 v59, v59  }
0x29b: {  	v63 =	vadd.f32 v44, v43;
	v45 =	vmul.f32 v62, v62;
	(xrf0) =	vadd.scan.msk.s32 vm0, v2;
	v39 =	vadd.f32 v39, v42  }
0x29c: {  	v36 =	vadd.f32 v37, v36;
	v46 =	vmul.f32 v38, v38;
	(xrf0) =	vadd.scan.msk.s32 vm6, v2;
	v40 =	vadd.f32 v40, v41  }
0x29d: {  	v47 =	vmpcnt.ones.xlane vm3;
	v48 =	vadd.f32 v45, v63;
	(xrf0) =	vadd.scan.msk.s32 vm4, v2;
	vm14 =	vlt.f32 v39, $3.999999910e-02  }
0x29e: {  	v36 =	vadd.f32 v46, v36;
	vm12 =	vlt.f32 v40, $3.999999910e-02;
	(xrf0) =	vadd.scan.msk.s32 vm14, v2  }
0x29f: {  	v35 =	vadd.s32 v35, v47;
	v49 =	vmpcnt.ones.xlane vm1;
	vm8 =	vlt.f32 v48, $3.999999910e-02;
	(xrf0) =	vadd.scan.msk.s32 vm12, v2  }
0x2a0: {  	v50 =	vmpcnt.ones.xlane vm7;
	v52 =	vmpcnt.ones.xlane vm5;
	vm10 =	vlt.f32 v36, $3.999999910e-02;
	v51, _, _ =	vpop (xrf0);
	(xrf0) =	vadd.scan.msk.s32 vm8, v2  }
0x2a1: {  	v53 =	vmpcnt.ones.xlane vm15;
	v34 =	vadd.s32 v34, v49;
	v38 =	vadd.s32 v35, v51;
	v54, _, _ =	vpop (xrf0);
	(xrf0) =	vadd.scan.msk.s32 vm10, v2  }
0x2a2: {  	v33 =	vadd.s32 v33, v50;
	v32 =	vadd.s32 v32, v52;
	v40 =	vadd.s32 v34, v54;
	v56, _, _ =	vpop (xrf0)  }
0x2a3: {  	v31 =	vadd.s32 v31, v53;
	v55 =	vmpcnt.ones.xlane vm13;
	v57 =	vadd.s32 v33, v56;
	v58, _, _ =	vpop (xrf0)  }
0x2a4: {  	s29 =	sadd.s32 $0xFFFFFFA0, s23;
	v61 =	vmpcnt.ones.xlane vm11;
	v59 =	vmpcnt.ones.xlane vm9;
	v39 =	vadd.s32 v32, v58;
	v60, _, _ =	vpop (xrf0)  }
0x2a5: {  	v62 =	vor.u32 s29, v1;
	v30 =	vadd.s32 v30, v55;
	v41 =	vadd.s32 v31, v60;
	v63, _, _ =	vpop (xrf0)  }
0x2a6: {  	v29 =	vadd.s32 v29, v59;
	[tilespmem:v38+s18+$0x0] =	vst.idx.msk vm2, v62;
	v45 =	vadd.s32 v30, v63;
	v46, _, _ =	vpop (xrf0)  }
0x2a7: {  	v28 =	vadd.s32 v28, v61;
	[tilespmem:v40+s18+$0x0] =	vst.idx.msk vm0, v62;
	v38 =	vadd.s32 v29, v46;
	v47, _, _ =	vpop (xrf0)  }
0x2a8: {  	[tilespmem:v57+s18+$0x0] =	vst.idx.msk vm6, v62;
	v48 =	vadd.s32 v28, v47  }
0x2a9: {  	[tilespmem:v39+s18+$0x0] =	vst.idx.msk vm4, v62  }
0x2aa: {  	[tilespmem:v41+s18+$0x0] =	vst.idx.msk vm14, v62  }
0x2ab: {  	[tilespmem:v45+s18+$0x0] =	vst.idx.msk vm12, v62  }
0x2ac: {  	[tilespmem:v38+s18+$0x0] =	vst.idx.msk vm8, v62  }
0x2ad: {  	[tilespmem:v48+s18+$0x0] =	vst.idx.msk vm10, v62  }
0x2ae: {  	v36 =	vld [tilespmem:s26+$0x20]  }
0x2af: {  	v37 =	vld [tilespmem:s25+$0x20]  }
0x2b0: {  	v38 =	vld [tilespmem:s24+$0x20];
	_ =	sdelay $0x2  }
0x2b1: {  	v49 =	vsub.f32 v36, v4  }
0x2b2: {  	v50 =	vsub.f32 v37, v5;
	v51 =	vsub.f32 v36, v7  }
0x2b3: {  	v52 =	vsub.f32 v37, v8;
	v53 =	vsub.f32 v38, v6  }
0x2b4: {  	v54 =	vsub.f32 v38, v9;
	v56 =	vsub.f32 v36, v10  }
0x2b5: {  	v57 =	vsub.f32 v37, v11;
	v58 =	vsub.f32 v36, v13  }
0x2b6: {  	v59 =	vsub.f32 v37, v14;
	v39 =	vmul.f32 v49, v49;
	v40 =	vmul.f32 v50, v50  }
0x2b7: {  	v48 =	vsub.f32 v38, v12;
	v41 =	vmul.f32 v51, v51;
	v42 =	vmul.f32 v52, v52  }
0x2b8: {  	v55 =	vmul.f32 v53, v53;
	v60 =	vmul.f32 v56, v56;
	v49 =	vsub.f32 v38, v15  }
0x2b9: {  	v61 =	vmul.f32 v57, v57;
	v50 =	vsub.f32 v36, v16;
	v51 =	vsub.f32 v37, v17  }
0x2ba: {  	v62 =	vmul.f32 v58, v58;
	v52 =	vsub.f32 v36, v19;
	v53 =	vsub.f32 v37, v20  }
0x2bb: {  	v63 =	vmul.f32 v59, v59;
	v58 =	vsub.f32 v38, v18;
	v59 =	vsub.f32 v38, v21  }
0x2bc: {  	v39 =	vadd.f32 v40, v39;
	v41 =	vadd.f32 v42, v41;
	v40 =	vmul.f32 v54, v54  }
0x2bd: {  	v42 =	vadd.f32 v61, v60;
	v54 =	vmul.f32 v50, v50;
	v60 =	vsub.f32 v36, v22  }
0x2be: {  	v56 =	vmul.f32 v52, v52;
	v61 =	vsub.f32 v37, v23;
	v36 =	vsub.f32 v36, v25  }
0x2bf: {  	v57 =	vmul.f32 v53, v53;
	v37 =	vsub.f32 v37, v26;
	v39 =	vadd.f32 v55, v39  }
0x2c0: {  	v40 =	vadd.f32 v40, v41;
	v41 =	vadd.f32 v63, v62;
	v55 =	vmul.f32 v51, v51  }
0x2c1: {  	v62 =	vsub.f32 v38, v24;
	vm3 =	vlt.f32 v39, $3.999999910e-02;
	v39 =	vmul.f32 v48, v48  }
0x2c2: {  	v43 =	vmul.f32 v60, v60;
	vm1 =	vlt.f32 v40, $3.999999910e-02;
	v40 =	vmul.f32 v49, v49  }
0x2c3: {  	v44 =	vmul.f32 v61, v61;
	v38 =	vsub.f32 v38, v27;
	v39 =	vadd.f32 v39, v42  }
0x2c4: {  	v36 =	vmul.f32 v36, v36;
	v37 =	vmul.f32 v37, v37;
	v40 =	vadd.f32 v40, v41  }
0x2c5: {  	v42 =	vadd.f32 v55, v54;
	vm7 =	vlt.f32 v39, $3.999999910e-02;
	v39 =	vmul.f32 v58, v58  }
0x2c6: {  	(xrf0) =	vadd.scan.msk.s32 vm3, v2;
	v41 =	vadd.f32 v57, v56;
	vm5 =	vlt.f32 v40, $3.999999910e-02;
	v40 =	vmul.f32 v59, v59  }
0x2c7: {  	v63 =	vadd.f32 v44, v43;
	v45 =	vmul.f32 v62, v62;
	(xrf0) =	vadd.scan.msk.s32 vm1, v2;
	v39 =	vadd.f32 v39, v42  }
0x2c8: {  	v36 =	vadd.f32 v37, v36;
	v46 =	vmul.f32 v38, v38;
	(xrf0) =	vadd.scan.msk.s32 vm7, v2;
	v40 =	vadd.f32 v40, v41  }
0x2c9: {  	v47 =	vmpcnt.ones.xlane vm2;
	v48 =	vadd.f32 v45, v63;
	(xrf0) =	vadd.scan.msk.s32 vm5, v2;
	vm15 =	vlt.f32 v39, $3.999999910e-02  }
0x2ca: {  	v36 =	vadd.f32 v46, v36;
	vm13 =	vlt.f32 v40, $3.999999910e-02;
	(xrf0) =	vadd.scan.msk.s32 vm15, v2  }
0x2cb: {  	v35 =	vadd.s32 v35, v47;
	v49 =	vmpcnt.ones.xlane vm0;
	vm9 =	vlt.f32 v48, $3.999999910e-02;
	(xrf0) =	vadd.scan.msk.s32 vm13, v2  }
0x2cc: {  	v50 =	vmpcnt.ones.xlane vm6;
	v52 =	vmpcnt.ones.xlane vm4;
	vm11 =	vlt.f32 v36, $3.999999910e-02;
	v51, _, _ =	vpop (xrf0);
	(xrf0) =	vadd.scan.msk.s32 vm9, v2  }
0x2cd: {  	v53 =	vmpcnt.ones.xlane vm14;
	v34 =	vadd.s32 v34, v49;
	v38 =	vadd.s32 v35, v51;
	v54, _, _ =	vpop (xrf0);
	(xrf0) =	vadd.scan.msk.s32 vm11, v2  }
0x2ce: {  	v33 =	vadd.s32 v33, v50;
	v32 =	vadd.s32 v32, v52;
	v40 =	vadd.s32 v34, v54;
	v56, _, _ =	vpop (xrf0)  }
0x2cf: {  	v31 =	vadd.s32 v31, v53;
	v55 =	vmpcnt.ones.xlane vm12;
	v57 =	vadd.s32 v33, v56;
	v58, _, _ =	vpop (xrf0)  }
0x2d0: {  	s30 =	sadd.s32 $0xFFFFFFB0, s23;
	v61 =	vmpcnt.ones.xlane vm10;
	v59 =	vmpcnt.ones.xlane vm8;
	v39 =	vadd.s32 v32, v58;
	v60, _, _ =	vpop (xrf0)  }
0x2d1: {  	v62 =	vor.u32 s30, v1;
	v30 =	vadd.s32 v30, v55;
	v41 =	vadd.s32 v31, v60;
	v63, _, _ =	vpop (xrf0)  }
0x2d2: {  	v29 =	vadd.s32 v29, v59;
	[tilespmem:v38+s18+$0x0] =	vst.idx.msk vm3, v62;
	v45 =	vadd.s32 v30, v63;
	v46, _, _ =	vpop (xrf0)  }
0x2d3: {  	v28 =	vadd.s32 v28, v61;
	[tilespmem:v40+s18+$0x0] =	vst.idx.msk vm1, v62;
	v38 =	vadd.s32 v29, v46;
	v47, _, _ =	vpop (xrf0)  }
0x2d4: {  	[tilespmem:v57+s18+$0x0] =	vst.idx.msk vm7, v62;
	v48 =	vadd.s32 v28, v47  }
0x2d5: {  	[tilespmem:v39+s18+$0x0] =	vst.idx.msk vm5, v62  }
0x2d6: {  	[tilespmem:v41+s18+$0x0] =	vst.idx.msk vm15, v62  }
0x2d7: {  	[tilespmem:v45+s18+$0x0] =	vst.idx.msk vm13, v62  }
0x2d8: {  	[tilespmem:v38+s18+$0x0] =	vst.idx.msk vm9, v62  }
0x2d9: {  	[tilespmem:v48+s18+$0x0] =	vst.idx.msk vm11, v62  }
0x2da: {  	v36 =	vld [tilespmem:s26+$0x30]  }
0x2db: {  	v37 =	vld [tilespmem:s25+$0x30]  }
0x2dc: {  	v38 =	vld [tilespmem:s24+$0x30];
	_ =	sdelay $0x2  }
0x2dd: {  	v49 =	vsub.f32 v36, v4  }
0x2de: {  	v50 =	vsub.f32 v37, v5;
	v51 =	vsub.f32 v36, v7  }
0x2df: {  	v52 =	vsub.f32 v37, v8;
	v53 =	vsub.f32 v38, v6  }
0x2e0: {  	v54 =	vsub.f32 v38, v9;
	v56 =	vsub.f32 v36, v10  }
0x2e1: {  	v57 =	vsub.f32 v37, v11;
	v58 =	vsub.f32 v36, v13  }
0x2e2: {  	v59 =	vsub.f32 v37, v14;
	v39 =	vmul.f32 v49, v49;
	v40 =	vmul.f32 v50, v50  }
0x2e3: {  	v48 =	vsub.f32 v38, v12;
	v41 =	vmul.f32 v51, v51;
	v42 =	vmul.f32 v52, v52  }
0x2e4: {  	v55 =	vmul.f32 v53, v53;
	v60 =	vmul.f32 v56, v56;
	v49 =	vsub.f32 v38, v15  }
0x2e5: {  	v61 =	vmul.f32 v57, v57;
	v50 =	vsub.f32 v36, v16;
	v51 =	vsub.f32 v37, v17  }
0x2e6: {  	v62 =	vmul.f32 v58, v58;
	v52 =	vsub.f32 v36, v19;
	v53 =	vsub.f32 v37, v20  }
0x2e7: {  	v63 =	vmul.f32 v59, v59;
	v58 =	vsub.f32 v38, v18;
	v59 =	vsub.f32 v38, v21  }
0x2e8: {  	v39 =	vadd.f32 v40, v39;
	v41 =	vadd.f32 v42, v41;
	v40 =	vmul.f32 v54, v54  }
0x2e9: {  	v42 =	vadd.f32 v61, v60;
	v54 =	vmul.f32 v50, v50;
	v60 =	vsub.f32 v36, v22  }
0x2ea: {  	v56 =	vmul.f32 v52, v52;
	v61 =	vsub.f32 v37, v23;
	v36 =	vsub.f32 v36, v25  }
0x2eb: {  	v57 =	vmul.f32 v53, v53;
	v37 =	vsub.f32 v37, v26;
	v39 =	vadd.f32 v55, v39  }
0x2ec: {  	v40 =	vadd.f32 v40, v41;
	v41 =	vadd.f32 v63, v62;
	v55 =	vmul.f32 v51, v51  }
0x2ed: {  	v62 =	vsub.f32 v38, v24;
	vm2 =	vlt.f32 v39, $3.999999910e-02;
	v39 =	vmul.f32 v48, v48  }
0x2ee: {  	v43 =	vmul.f32 v60, v60;
	vm0 =	vlt.f32 v40, $3.999999910e-02;
	v40 =	vmul.f32 v49, v49  }
0x2ef: {  	v44 =	vmul.f32 v61, v61;
	v38 =	vsub.f32 v38, v27;
	v39 =	vadd.f32 v39, v42  }
0x2f0: {  	v36 =	vmul.f32 v36, v36;
	v37 =	vmul.f32 v37, v37;
	v40 =	vadd.f32 v40, v41  }
0x2f1: {  	v42 =	vadd.f32 v55, v54;
	vm6 =	vlt.f32 v39, $3.999999910e-02;
	v39 =	vmul.f32 v58, v58  }
0x2f2: {  	(xrf0) =	vadd.scan.msk.s32 vm2, v2;
	v41 =	vadd.f32 v57, v56;
	vm4 =	vlt.f32 v40, $3.999999910e-02;
	v40 =	vmul.f32 v59, v59  }
0x2f3: {  	v63 =	vadd.f32 v44, v43;
	v45 =	vmul.f32 v62, v62;
	(xrf0) =	vadd.scan.msk.s32 vm0, v2;
	v39 =	vadd.f32 v39, v42  }
0x2f4: {  	v36 =	vadd.f32 v37, v36;
	v46 =	vmul.f32 v38, v38;
	(xrf0) =	vadd.scan.msk.s32 vm6, v2;
	v40 =	vadd.f32 v40, v41  }
0x2f5: {  	v47 =	vmpcnt.ones.xlane vm3;
	v48 =	vadd.f32 v45, v63;
	(xrf0) =	vadd.scan.msk.s32 vm4, v2;
	vm14 =	vlt.f32 v39, $3.999999910e-02  }
0x2f6: {  	v36 =	vadd.f32 v46, v36;
	vm12 =	vlt.f32 v40, $3.999999910e-02;
	(xrf0) =	vadd.scan.msk.s32 vm14, v2  }
0x2f7: {  	v35 =	vadd.s32 v35, v47;
	v49 =	vmpcnt.ones.xlane vm1;
	vm8 =	vlt.f32 v48, $3.999999910e-02;
	(xrf0) =	vadd.scan.msk.s32 vm12, v2  }
0x2f8: {  	v50 =	vmpcnt.ones.xlane vm7;
	v52 =	vmpcnt.ones.xlane vm5;
	vm10 =	vlt.f32 v36, $3.999999910e-02;
	v51, _, _ =	vpop (xrf0);
	(xrf0) =	vadd.scan.msk.s32 vm8, v2  }
0x2f9: {  	v53 =	vmpcnt.ones.xlane vm15;
	v34 =	vadd.s32 v34, v49;
	v38 =	vadd.s32 v35, v51;
	v54, _, _ =	vpop (xrf0);
	(xrf0) =	vadd.scan.msk.s32 vm10, v2  }
0x2fa: {  	v33 =	vadd.s32 v33, v50;
	v32 =	vadd.s32 v32, v52;
	v40 =	vadd.s32 v34, v54;
	v56, _, _ =	vpop (xrf0)  }
0x2fb: {  	v31 =	vadd.s32 v31, v53;
	v55 =	vmpcnt.ones.xlane vm13;
	v57 =	vadd.s32 v33, v56;
	v58, _, _ =	vpop (xrf0)  }
0x2fc: {  	s31 =	sadd.s32 $0xFFFFFFC0, s23;
	v61 =	vmpcnt.ones.xlane vm11;
	v59 =	vmpcnt.ones.xlane vm9;
	v39 =	vadd.s32 v32, v58;
	v60, _, _ =	vpop (xrf0)  }
0x2fd: {  	v62 =	vor.u32 s31, v1;
	v30 =	vadd.s32 v30, v55;
	v41 =	vadd.s32 v31, v60;
	v63, _, _ =	vpop (xrf0)  }
0x2fe: {  	v29 =	vadd.s32 v29, v59;
	[tilespmem:v38+s18+$0x0] =	vst.idx.msk vm2, v62;
	v45 =	vadd.s32 v30, v63;
	v46, _, _ =	vpop (xrf0)  }
0x2ff: {  	v28 =	vadd.s32 v28, v61;
	[tilespmem:v40+s18+$0x0] =	vst.idx.msk vm0, v62;
	v38 =	vadd.s32 v29, v46;
	v47, _, _ =	vpop (xrf0)  }
0x300: {  	[tilespmem:v57+s18+$0x0] =	vst.idx.msk vm6, v62;
	v48 =	vadd.s32 v28, v47  }
0x301: {  	[tilespmem:v39+s18+$0x0] =	vst.idx.msk vm4, v62  }
0x302: {  	[tilespmem:v41+s18+$0x0] =	vst.idx.msk vm14, v62  }
0x303: {  	[tilespmem:v45+s18+$0x0] =	vst.idx.msk vm12, v62  }
0x304: {  	[tilespmem:v38+s18+$0x0] =	vst.idx.msk vm8, v62  }
0x305: {  	[tilespmem:v48+s18+$0x0] =	vst.idx.msk vm10, v62  }
0x306: {  	v36 =	vld [tilespmem:s26+$0x40]  }
0x307: {  	v37 =	vld [tilespmem:s25+$0x40]  }
0x308: {  	v38 =	vld [tilespmem:s24+$0x40];
	_ =	sdelay $0x2  }
0x309: {  	v49 =	vsub.f32 v36, v4  }
0x30a: {  	v50 =	vsub.f32 v37, v5;
	v51 =	vsub.f32 v36, v7  }
0x30b: {  	v52 =	vsub.f32 v37, v8;
	v53 =	vsub.f32 v38, v6  }
0x30c: {  	v54 =	vsub.f32 v38, v9;
	v56 =	vsub.f32 v36, v10  }
0x30d: {  	v57 =	vsub.f32 v37, v11;
	v58 =	vsub.f32 v36, v13  }
0x30e: {  	v59 =	vsub.f32 v37, v14;
	v47 =	vsub.f32 v38, v12;
	v39 =	vmul.f32 v49, v49  }
0x30f: {  	v48 =	vsub.f32 v38, v15;
	v40 =	vmul.f32 v50, v50;
	v41 =	vmul.f32 v51, v51  }
0x310: {  	v42 =	vmul.f32 v52, v52;
	v60 =	vmul.f32 v56, v56;
	v49 =	vsub.f32 v36, v16  }
0x311: {  	v61 =	vmul.f32 v57, v57;
	v50 =	vsub.f32 v37, v17;
	v51 =	vsub.f32 v36, v19  }
0x312: {  	v62 =	vmul.f32 v58, v58;
	v52 =	vsub.f32 v37, v20;
	v57 =	vsub.f32 v38, v18  }
0x313: {  	v63 =	vmul.f32 v59, v59;
	v58 =	vsub.f32 v38, v21;
	v59 =	vsub.f32 v36, v22  }
0x314: {  	v55 =	vmul.f32 v53, v53;
	v36 =	vsub.f32 v36, v25;
	v39 =	vadd.f32 v40, v39  }
0x315: {  	v41 =	vadd.f32 v42, v41;
	v40 =	vmul.f32 v54, v54;
	v42 =	vadd.f32 v61, v60  }
0x316: {  	v53 =	vmul.f32 v49, v49;
	v54 =	vmul.f32 v50, v50;
	v60 =	vsub.f32 v37, v23  }
0x317: {  	v56 =	vmul.f32 v52, v52;
	v37 =	vsub.f32 v37, v26;
	v39 =	vadd.f32 v55, v39  }
0x318: {  	v61 =	vsub.f32 v38, v24;
	v43 =	vmul.f32 v59, v59;
	v40 =	vadd.f32 v40, v41  }
0x319: {  	v38 =	vsub.f32 v38, v27;
	vm3 =	vlt.f32 v39, $3.999999910e-02;
	v39 =	vmul.f32 v47, v47  }
0x31a: {  	v41 =	vadd.f32 v63, v62;
	vm1 =	vlt.f32 v40, $3.999999910e-02;
	v40 =	vmul.f32 v48, v48  }
0x31b: {  	v36 =	vmul.f32 v36, v36;
	v55 =	vmul.f32 v51, v51;
	v39 =	vadd.f32 v39, v42  }
0x31c: {  	v44 =	vmul.f32 v60, v60;
	v37 =	vmul.f32 v37, v37;
	v40 =	vadd.f32 v40, v41  }
0x31d: {  	v42 =	vadd.f32 v54, v53;
	vm7 =	vlt.f32 v39, $3.999999910e-02;
	v39 =	vmul.f32 v57, v57  }
0x31e: {  	(xrf0) =	vadd.scan.msk.s32 vm3, v2;
	v41 =	vadd.f32 v56, v55;
	vm5 =	vlt.f32 v40, $3.999999910e-02;
	v40 =	vmul.f32 v58, v58  }
0x31f: {  	v63 =	vmul.f32 v61, v61;
	v62 =	vadd.f32 v44, v43;
	(xrf0) =	vadd.scan.msk.s32 vm1, v2;
	v39 =	vadd.f32 v39, v42  }
0x320: {  	v36 =	vadd.f32 v37, v36;
	v44 =	vmul.f32 v38, v38;
	(xrf0) =	vadd.scan.msk.s32 vm7, v2;
	v40 =	vadd.f32 v40, v41  }
0x321: {  	v45 =	vmpcnt.ones.xlane vm2;
	v46 =	vadd.f32 v63, v62;
	(xrf0) =	vadd.scan.msk.s32 vm5, v2;
	vm15 =	vlt.f32 v39, $3.999999910e-02  }
0x322: {  	v36 =	vadd.f32 v44, v36;
	vm13 =	vlt.f32 v40, $3.999999910e-02;
	(xrf0) =	vadd.scan.msk.s32 vm15, v2  }
0x323: {  	v35 =	vadd.s32 v35, v45;
	v47 =	vmpcnt.ones.xlane vm0;
	vm0 =	vlt.f32 v46, $3.999999910e-02;
	(xrf0) =	vadd.scan.msk.s32 vm13, v2  }
0x324: {  	v50 =	vmpcnt.ones.xlane vm4;
	v48 =	vmpcnt.ones.xlane vm6;
	vm11 =	vlt.f32 v36, $3.999999910e-02;
	v49, _, _ =	vpop (xrf0);
	(xrf0) =	vadd.scan.msk.s32 vm0, v2  }
0x325: {  	v59 =	vmpcnt.ones.xlane vm10;
	v34 =	vadd.s32 v34, v47;
	v38 =	vadd.s32 v35, v49;
	v52, _, _ =	vpop (xrf0);
	(xrf0) =	vadd.scan.msk.s32 vm11, v2  }
0x326: {  	v51 =	vmpcnt.ones.xlane vm14;
	v33 =	vadd.s32 v33, v48;
	v40 =	vadd.s32 v34, v52;
	v54, _, _ =	vpop (xrf0)  }
0x327: {  	v32 =	vadd.s32 v32, v50;
	v53 =	vmpcnt.ones.xlane vm12;
	v55 =	vadd.s32 v33, v54;
	v56, _, _ =	vpop (xrf0)  }
0x328: {  	s29 =	sadd.s32 $0xFFFFFFD0, s23;
	v31 =	vadd.s32 v31, v51;
	v57 =	vmpcnt.ones.xlane vm8;
	v39 =	vadd.s32 v32, v56;
	v58, _, _ =	vpop (xrf0)  }
0x329: {  	v60 =	vor.u32 s29, v1;
	v30 =	vadd.s32 v30, v53;
	v41 =	vadd.s32 v31, v58;
	v61, _, _ =	vpop (xrf0)  }
0x32a: {  	v29 =	vadd.s32 v29, v57;
	[tilespmem:v38+s18+$0x0] =	vst.idx.msk vm3, v60;
	v62 =	vadd.s32 v30, v61;
	v63, _, _ =	vpop (xrf0)  }
0x32b: {  	v28 =	vadd.s32 v28, v59;
	[tilespmem:v40+s18+$0x0] =	vst.idx.msk vm1, v60;
	v38 =	vadd.s32 v29, v63;
	v44, _, _ =	vpop (xrf0)  }
0x32c: {  	[tilespmem:v55+s18+$0x0] =	vst.idx.msk vm7, v60;
	v45 =	vadd.s32 v28, v44  }
0x32d: {  	[tilespmem:v39+s18+$0x0] =	vst.idx.msk vm5, v60  }
0x32e: {  	[tilespmem:v41+s18+$0x0] =	vst.idx.msk vm15, v60  }
0x32f: {  	[tilespmem:v62+s18+$0x0] =	vst.idx.msk vm13, v60  }
0x330: {  	[tilespmem:v38+s18+$0x0] =	vst.idx.msk vm0, v60  }
0x331: {  	[tilespmem:v45+s18+$0x0] =	vst.idx.msk vm11, v60  }
0x332: {  	v36 =	vld [tilespmem:s26+$0x50]  }
0x333: {  	v37 =	vld [tilespmem:s25+$0x50]  }
0x334: {  	v38 =	vld [tilespmem:s24+$0x50];
	_ =	sdelay $0x2  }
0x335: {  	v46 =	vsub.f32 v36, v4  }
0x336: {  	v47 =	vsub.f32 v37, v5;
	v48 =	vsub.f32 v36, v7  }
0x337: {  	v49 =	vsub.f32 v37, v8;
	v50 =	vsub.f32 v38, v6  }
0x338: {  	v51 =	vsub.f32 v38, v9;
	v53 =	vsub.f32 v36, v10  }
0x339: {  	v54 =	vsub.f32 v37, v11;
	v55 =	vsub.f32 v36, v13  }
0x33a: {  	v56 =	vsub.f32 v37, v14;
	v61 =	vsub.f32 v38, v12;
	v39 =	vmul.f32 v46, v46  }
0x33b: {  	v62 =	vsub.f32 v38, v15;
	v40 =	vmul.f32 v47, v47;
	v41 =	vmul.f32 v48, v48  }
0x33c: {  	v63 =	vsub.f32 v36, v16;
	v42 =	vmul.f32 v49, v49;
	v52 =	vmul.f32 v50, v50  }
0x33d: {  	v57 =	vmul.f32 v53, v53;
	v58 =	vmul.f32 v54, v54;
	v48 =	vsub.f32 v37, v17  }
0x33e: {  	v59 =	vmul.f32 v55, v55;
	v49 =	vsub.f32 v36, v19;
	v50 =	vsub.f32 v37, v20  }
0x33f: {  	v60 =	vmul.f32 v56, v56;
	v55 =	vsub.f32 v38, v18;
	v56 =	vsub.f32 v38, v21  }
0x340: {  	v39 =	vadd.f32 v40, v39;
	v41 =	vadd.f32 v42, v41;
	v40 =	vmul.f32 v51, v51  }
0x341: {  	v42 =	vadd.f32 v58, v57;
	v51 =	vmul.f32 v63, v63;
	v57 =	vsub.f32 v36, v22  }
0x342: {  	v53 =	vmul.f32 v49, v49;
	v58 =	vsub.f32 v37, v23;
	v36 =	vsub.f32 v36, v25  }
0x343: {  	v54 =	vmul.f32 v50, v50;
	v37 =	vsub.f32 v37, v26;
	v39 =	vadd.f32 v52, v39  }
0x344: {  	v40 =	vadd.f32 v40, v41;
	v41 =	vadd.f32 v60, v59;
	v52 =	vmul.f32 v48, v48  }
0x345: {  	v59 =	vsub.f32 v38, v24;
	vm4 =	vlt.f32 v39, $3.999999910e-02;
	v39 =	vmul.f32 v61, v61  }
0x346: {  	v43 =	vmul.f32 v57, v57;
	vm2 =	vlt.f32 v40, $3.999999910e-02;
	v40 =	vmul.f32 v62, v62  }
0x347: {  	v44 =	vmul.f32 v58, v58;
	v38 =	vsub.f32 v38, v27;
	v39 =	vadd.f32 v39, v42  }
0x348: {  	v36 =	vmul.f32 v36, v36;
	v37 =	vmul.f32 v37, v37;
	v40 =	vadd.f32 v40, v41  }
0x349: {  	v42 =	vadd.f32 v52, v51;
	vm8 =	vlt.f32 v39, $3.999999910e-02;
	v39 =	vmul.f32 v55, v55  }
0x34a: {  	(xrf0) =	vadd.scan.msk.s32 vm4, v2;
	v41 =	vadd.f32 v54, v53;
	vm6 =	vlt.f32 v40, $3.999999910e-02;
	v40 =	vmul.f32 v56, v56  }
0x34b: {  	v60 =	vadd.f32 v44, v43;
	v61 =	vmul.f32 v59, v59;
	(xrf0) =	vadd.scan.msk.s32 vm2, v2;
	v39 =	vadd.f32 v39, v42  }
0x34c: {  	v36 =	vadd.f32 v37, v36;
	v62 =	vmul.f32 v38, v38;
	(xrf0) =	vadd.scan.msk.s32 vm8, v2;
	v40 =	vadd.f32 v40, v41  }
0x34d: {  	v44 =	vadd.f32 v61, v60;
	(xrf0) =	vadd.scan.msk.s32 vm6, v2;
	vm14 =	vlt.f32 v39, $3.999999910e-02  }
0x34e: {  	v63 =	vmpcnt.ones.xlane vm3;
	v36 =	vadd.f32 v62, v36;
	vm12 =	vlt.f32 v40, $3.999999910e-02;
	(xrf0) =	vadd.scan.msk.s32 vm14, v2  }
0x34f: {  	v45 =	vmpcnt.ones.xlane vm1;
	v46 =	vmpcnt.ones.xlane vm7;
	vm9 =	vlt.f32 v44, $3.999999910e-02;
	(xrf0) =	vadd.scan.msk.s32 vm12, v2  }
0x350: {  	v49 =	vmpcnt.ones.xlane vm15;
	v35 =	vadd.s32 v35, v63;
	vm7 =	vlt.f32 v36, $3.999999910e-02;
	v47, _, _ =	vpop (xrf0);
	(xrf0) =	vadd.scan.msk.s32 vm9, v2  }
0x351: {  	v34 =	vadd.s32 v34, v45;
	v48 =	vmpcnt.ones.xlane vm5;
	v38 =	vadd.s32 v35, v47;
	v50, _, _ =	vpop (xrf0);
	(xrf0) =	vadd.scan.msk.s32 vm7, v2  }
0x352: {  	v33 =	vadd.s32 v33, v46;
	v31 =	vadd.s32 v31, v49;
	v40 =	vadd.s32 v34, v50;
	v52, _, _ =	vpop (xrf0)  }
0x353: {  	v32 =	vadd.s32 v32, v48;
	v51 =	vmpcnt.ones.xlane vm13;
	v53 =	vadd.s32 v33, v52;
	v54, _, _ =	vpop (xrf0)  }
0x354: {  	s30 =	sadd.s32 $0xFFFFFFE0, s23;
	v57 =	vmpcnt.ones.xlane vm11;
	v55 =	vmpcnt.ones.xlane vm0;
	v39 =	vadd.s32 v32, v54;
	v56, _, _ =	vpop (xrf0)  }
0x355: {  	v58 =	vor.u32 s30, v1;
	v30 =	vadd.s32 v30, v51;
	v41 =	vadd.s32 v31, v56;
	v59, _, _ =	vpop (xrf0)  }
0x356: {  	v37 =	vadd.s32 v29, v55;
	[tilespmem:v38+s18+$0x0] =	vst.idx.msk vm4, v58;
	v29 =	vadd.s32 v30, v59;
	v60, _, _ =	vpop (xrf0)  }
0x357: {  	v42 =	vadd.s32 v28, v57;
	[tilespmem:v40+s18+$0x0] =	vst.idx.msk vm2, v58;
	v28 =	vadd.s32 v37, v60;
	v61, _, _ =	vpop (xrf0)  }
0x358: {  	[tilespmem:v53+s18+$0x0] =	vst.idx.msk vm8, v58;
	v62 =	vadd.s32 v42, v61  }
0x359: {  	[tilespmem:v39+s18+$0x0] =	vst.idx.msk vm6, v58  }
0x35a: {  	[tilespmem:v41+s18+$0x0] =	vst.idx.msk vm14, v58  }
0x35b: {  	[tilespmem:v29+s18+$0x0] =	vst.idx.msk vm12, v58  }
0x35c: {  	[tilespmem:v28+s18+$0x0] =	vst.idx.msk vm9, v58  }
0x35d: {  	[tilespmem:v62+s18+$0x0] =	vst.idx.msk vm7, v58  }
0x35e: {  	v28 =	vld [tilespmem:s26+$0x60]  }
0x35f: {  	v29 =	vld [tilespmem:s25+$0x60];
	_ =	sdelay $0x1  }
0x360: {  	v36 =	vld [tilespmem:s24+$0x60];
	_ =	sdelay $0x2  }
0x361: {  	v63 =	vsub.f32 v28, v4;
	v44 =	vsub.f32 v29, v5  }
0x362: {  	v45 =	vsub.f32 v28, v7;
	v46 =	vsub.f32 v29, v8  }
0x363: {  	v47 =	vsub.f32 v36, v6;
	v48 =	vsub.f32 v36, v9  }
0x364: {  	v50 =	vsub.f32 v28, v10;
	v51 =	vsub.f32 v29, v11  }
0x365: {  	v52 =	vsub.f32 v28, v13;
	v53 =	vsub.f32 v29, v14  }
0x366: {  	v58 =	vsub.f32 v36, v12;
	v59 =	vsub.f32 v36, v15  }
0x367: {  	v60 =	vsub.f32 v28, v16;
	v38 =	vmul.f32 v63, v63;
	v39 =	vmul.f32 v44, v44  }
0x368: {  	v61 =	vsub.f32 v29, v17;
	v40 =	vmul.f32 v45, v45;
	v41 =	vmul.f32 v46, v46  }
0x369: {  	v62 =	vsub.f32 v28, v19;
	v49 =	vmul.f32 v47, v47;
	v54 =	vmul.f32 v50, v50  }
0x36a: {  	v55 =	vmul.f32 v51, v51;
	v56 =	vmul.f32 v52, v52;
	v63 =	vsub.f32 v29, v20  }
0x36b: {  	v57 =	vmul.f32 v53, v53;
	v52 =	vsub.f32 v36, v18;
	v53 =	vsub.f32 v36, v21  }
0x36c: {  	v50 =	vmul.f32 v62, v62;
	v38 =	vadd.f32 v39, v38;
	v40 =	vadd.f32 v41, v40  }
0x36d: {  	v39 =	vmul.f32 v48, v48;
	v41 =	vadd.f32 v55, v54;
	v54 =	vsub.f32 v28, v22  }
0x36e: {  	v48 =	vmul.f32 v60, v60;
	v55 =	vsub.f32 v29, v23;
	v28 =	vsub.f32 v28, v25  }
0x36f: {  	v51 =	vmul.f32 v63, v63;
	v29 =	vsub.f32 v29, v26;
	v38 =	vadd.f32 v49, v38  }
0x370: {  	v39 =	vadd.f32 v39, v40;
	v40 =	vadd.f32 v57, v56;
	v49 =	vmul.f32 v61, v61  }
0x371: {  	v56 =	vsub.f32 v36, v24;
	vm0 =	vlt.f32 v38, $3.999999910e-02;
	v38 =	vmul.f32 v58, v58  }
0x372: {  	v43 =	vmul.f32 v54, v54;
	vm1 =	vlt.f32 v39, $3.999999910e-02;
	v39 =	vmul.f32 v59, v59  }
0x373: {  	v44 =	vmul.f32 v55, v55;
	v36 =	vsub.f32 v36, v27;
	v38 =	vadd.f32 v38, v41  }
0x374: {  	v28 =	vmul.f32 v28, v28;
	v29 =	vmul.f32 v29, v29;
	v39 =	vadd.f32 v39, v40  }
0x375: {  	v41 =	vadd.f32 v49, v48;
	vm5 =	vlt.f32 v38, $3.999999910e-02;
	v38 =	vmul.f32 v52, v52  }
0x376: {  	(xrf0) =	vadd.scan.msk.s32 vm0, v2;
	v40 =	vadd.f32 v51, v50;
	vm3 =	vlt.f32 v39, $3.999999910e-02;
	v39 =	vmul.f32 v53, v53  }
0x377: {  	v57 =	vadd.f32 v44, v43;
	v58 =	vmul.f32 v56, v56;
	(xrf0) =	vadd.scan.msk.s32 vm1, v2;
	v38 =	vadd.f32 v38, v41  }
0x378: {  	v28 =	vadd.f32 v29, v28;
	v29 =	vmul.f32 v36, v36;
	(xrf0) =	vadd.scan.msk.s32 vm5, v2;
	v39 =	vadd.f32 v39, v40  }
0x379: {  	v60 =	vadd.f32 v58, v57;
	(xrf0) =	vadd.scan.msk.s32 vm3, v2;
	vm11 =	vlt.f32 v38, $3.999999910e-02  }
0x37a: {  	v59 =	vmpcnt.ones.xlane vm4;
	v28 =	vadd.f32 v29, v28;
	vm4 =	vlt.f32 v39, $3.999999910e-02;
	(xrf0) =	vadd.scan.msk.s32 vm11, v2  }
0x37b: {  	v63 =	vmpcnt.ones.xlane vm14;
	v61 =	vmpcnt.ones.xlane vm2;
	vm10 =	vlt.f32 v60, $3.999999910e-02;
	(xrf0) =	vadd.scan.msk.s32 vm4, v2  }
0x37c: {  	v35 =	vadd.s32 v35, v59;
	v29 =	vmpcnt.ones.xlane vm8;
	vm2 =	vlt.f32 v28, $3.999999910e-02;
	v62, _, _ =	vpop (xrf0);
	(xrf0) =	vadd.scan.msk.s32 vm10, v2  }
0x37d: {  	v34 =	vadd.s32 v34, v61;
	v28 =	vmpcnt.ones.xlane vm6;
	v36 =	vadd.s32 v35, v62;
	v44, _, _ =	vpop (xrf0);
	(xrf0) =	vadd.scan.msk.s32 vm2, v2  }
0x37e: {  	v33 =	vadd.s32 v33, v29;
	v29 =	vmpcnt.ones.xlane vm12;
	v39 =	vadd.s32 v34, v44;
	v45, _, _ =	vpop (xrf0)  }
0x37f: {  	v32 =	vadd.s32 v32, v28;
	v28 =	vadd.s32 v31, v63;
	v31 =	vadd.s32 v33, v45;
	v46, _, _ =	vpop (xrf0)  }
0x380: {  	s31 =	sadd.s32 $0xFFFFFFF0, s23;
	v29 =	vadd.s32 v30, v29;
	v30 =	vmpcnt.ones.xlane vm9;
	v38 =	vadd.s32 v32, v46;
	v47, _, _ =	vpop (xrf0)  }
0x381: {  	v48 =	vmpcnt.ones.xlane vm7;
	v49 =	vor.u32 s31, v1;
	v40 =	vadd.s32 v28, v47;
	v50, _, _ =	vpop (xrf0)  }
0x382: {  	v30 =	vadd.s32 v37, v30;
	[tilespmem:v36+s18+$0x0] =	vst.idx.msk vm0, v49;
	v51 =	vadd.s32 v29, v50;
	v52, _, _ =	vpop (xrf0)  }
0x383: {  	v41 =	vadd.s32 v42, v48;
	[tilespmem:v39+s18+$0x0] =	vst.idx.msk vm1, v49;
	v37 =	vadd.s32 v30, v52;
	v53, _, _ =	vpop (xrf0)  }
0x384: {  	[tilespmem:v31+s18+$0x0] =	vst.idx.msk vm5, v49;
	v31 =	vadd.s32 v41, v53  }
0x385: {  	[tilespmem:v38+s18+$0x0] =	vst.idx.msk vm3, v49  }
0x386: {  	[tilespmem:v40+s18+$0x0] =	vst.idx.msk vm11, v49  }
0x387: {  	[tilespmem:v51+s18+$0x0] =	vst.idx.msk vm4, v49  }
0x388: {  	[tilespmem:v37+s18+$0x0] =	vst.idx.msk vm10, v49  }
0x389: {  	[tilespmem:v31+s18+$0x0] =	vst.idx.msk vm2, v49  }
0x38a: {  	v31 =	vld [tilespmem:s26+$0x70]  }
0x38b: {  	v36 =	vld [tilespmem:s25+$0x70]  }
0x38c: {  	v37 =	vld [tilespmem:s24+$0x70];
	_ =	sdelay $0x3  }
0x38d: {  	v54 =	vsub.f32 v31, v4  }
0x38e: {  	v55 =	vsub.f32 v36, v5;
	v56 =	vsub.f32 v37, v6  }
0x38f: {  	v57 =	vsub.f32 v31, v7;
	v58 =	vsub.f32 v36, v8  }
0x390: {  	v59 =	vsub.f32 v31, v10;
	v60 =	vsub.f32 v36, v11  }
0x391: {  	v63 =	vsub.f32 v37, v9;
	v48 =	vsub.f32 v37, v12  }
0x392: {  	v50 =	vsub.f32 v31, v13;
	v38 =	vmul.f32 v54, v54;
	v39 =	vmul.f32 v55, v55  }
0x393: {  	v51 =	vsub.f32 v36, v14;
	v40 =	vmul.f32 v56, v56;
	v42 =	vmul.f32 v58, v58  }
0x394: {  	v52 =	vsub.f32 v31, v16;
	v61 =	vmul.f32 v59, v59;
	v62 =	vmul.f32 v60, v60  }
0x395: {  	v47 =	vsub.f32 v36, v17;
	v49 =	vmul.f32 v63, v63;
	v53 =	vmul.f32 v50, v50  }
0x396: {  	v54 =	vmul.f32 v51, v51;
	v58 =	vsub.f32 v37, v18;
	v60 =	vsub.f32 v31, v19  }
0x397: {  	v55 =	vmul.f32 v52, v52;
	v51 =	vsub.f32 v37, v21;
	v38 =	vadd.f32 v39, v38  }
0x398: {  	v39 =	vmul.f32 v57, v57;
	v57 =	vsub.f32 v37, v15;
	v43 =	vadd.f32 v54, v53  }
0x399: {  	v56 =	vmul.f32 v47, v47;
	v53 =	vsub.f32 v37, v24;
	v37 =	vsub.f32 v37, v27  }
0x39a: {  	v44 =	vmul.f32 v58, v58;
	v38 =	vadd.f32 v40, v38;
	v39 =	vadd.f32 v42, v39  }
0x39b: {  	v40 =	vadd.f32 v62, v61;
	v42 =	vmul.f32 v48, v48;
	v61 =	vsub.f32 v36, v20  }
0x39c: {  	v54 =	vmul.f32 v51, v51;
	v48 =	vsub.f32 v31, v22;
	v31 =	vsub.f32 v31, v25  }
0x39d: {  	v59 =	vmul.f32 v57, v57;
	v39 =	vadd.f32 v49, v39;
	v40 =	vadd.f32 v42, v40  }
0x39e: {  	v62 =	vmul.f32 v60, v60;
	v42 =	vadd.f32 v56, v55;
	v49 =	vsub.f32 v36, v23  }
0x39f: {  	v43 =	vadd.f32 v59, v43;
	v63 =	vmul.f32 v61, v61;
	v48 =	vmul.f32 v48, v48  }
0x3a0: {  	v36 =	vsub.f32 v36, v26;
	v55 =	vmul.f32 v53, v53;
	v31 =	vmul.f32 v31, v31  }
0x3a1: {  	vm7 =	vlt.f32 v38, $3.999999910e-02;
	v56 =	vmul.f32 v37, v37;
	v50 =	vmul.f32 v49, v49  }
0x3a2: {  	(xrf0) =	vadd.scan.msk.s32 vm7, v2;
	v45 =	vadd.f32 v63, v62;
	vm6 =	vlt.f32 v39, $3.999999910e-02;
	v36 =	vmul.f32 v36, v36  }
0x3a3: {  	v42 =	vadd.f32 v44, v42;
	vm8 =	vlt.f32 v40, $3.999999910e-02;
	(xrf0) =	vadd.scan.msk.s32 vm6, v2;
	v52 =	vadd.f32 v50, v48  }
0x3a4: {  	vm9 =	vlt.f32 v43, $3.999999910e-02;
	v39 =	vadd.f32 v54, v45;
	(xrf0) =	vadd.scan.msk.s32 vm8, v2;
	v31 =	vadd.f32 v36, v31  }
0x3a5: {  	v58 =	vmpcnt.ones.xlane vm1;
	vm12 =	vlt.f32 v42, $3.999999910e-02;
	(xrf0) =	vadd.scan.msk.s32 vm9, v2;
	v38 =	vadd.f32 v55, v52  }
0x3a6: {  	v57 =	vmpcnt.ones.xlane vm0;
	(xrf0) =	vadd.scan.msk.s32 vm12, v2;
	vm13 =	vlt.f32 v39, $3.999999910e-02;
	v31 =	vadd.f32 v56, v31  }
0x3a7: {  	v59 =	vmpcnt.ones.xlane vm5;
	(xrf0) =	vadd.scan.msk.s32 vm13, v2;
	vm14 =	vlt.f32 v38, $3.999999910e-02  }
0x3a8: {  	v34 =	vadd.s32 v34, v58;
	v35 =	vadd.s32 v35, v57;
	v60, _, _ =	vpop (xrf0);
	vm15 =	vlt.f32 v31, $3.999999910e-02;
	(xrf0) =	vadd.scan.msk.s32 vm14, v2  }
0x3a9: {  	v62 =	vmpcnt.ones.xlane vm3;
	v33 =	vadd.s32 v33, v59;
	v37 =	vadd.s32 v35, v60;
	v61, _, _ =	vpop (xrf0);
	(xrf0) =	vadd.scan.msk.s32 vm15, v2  }
0x3aa: {  	v48 =	vmpcnt.ones.xlane vm4;
	v31 =	vmpcnt.ones.xlane vm11;
	v63 =	vadd.s32 v34, v61;
	v46, _, _ =	vpop (xrf0)  }
0x3ab: {  	v32 =	vadd.s32 v32, v62;
	v50 =	vmpcnt.ones.xlane vm10;
	v47, _, _ =	vpop (xrf0);
	v38 =	vadd.s32 v33, v46  }
0x3ac: {  	v54 =	vmpcnt.ones.xlane vm2;
	v28 =	vadd.s32 v28, v31;
	v49, _, _ =	vpop (xrf0);
	v31 =	vadd.s32 v32, v47  }
0x3ad: {  	v29 =	vadd.s32 v29, v48;
	v52 =	vor.u32 s23, v1;
	v51, _, _ =	vpop (xrf0);
	v39 =	vadd.s32 v28, v49  }
0x3ae: {  	v43 =	vadd.s32 v30, v50;
	[tilespmem:v37+s18+$0x0] =	vst.idx.msk vm7, v52;
	v30 =	vadd.s32 v29, v51;
	v53, _, _ =	vpop (xrf0)  }
0x3af: {  	v56 =	vmpcnt.ones.xlane vm7;
	v57 =	vadd.s32 v41, v54;
	[tilespmem:v63+s18+$0x0] =	vst.idx.msk vm6, v52;
	v55 =	vadd.s32 v43, v53;
	v58, _, _ =	vpop (xrf0)  }
0x3b0: {  	v59 =	vmpcnt.ones.xlane vm6;
	v60 =	vmpcnt.ones.xlane vm8;
	[tilespmem:v38+s18+$0x0] =	vst.idx.msk vm8, v52;
	v38 =	vadd.s32 v57, v58  }
.Ltmp5:
0x3b1: {  	v35 =	vadd.s32 v35, v56;
	v62 =	vmpcnt.ones.xlane vm14;
	[tilespmem:v31+s18+$0x0] =	vst.idx.msk vm9, v52;
	v31 =	vmpcnt.ones.xlane vm9;
	(pc) =	sbr.rel .LBB2_3-.Ltmp5, $4  }
0x3b2: {  	v61 =	vmpcnt.ones.xlane vm12;
	v34 =	vadd.s32 v34, v59;
	v63 =	vmpcnt.ones.xlane vm15;
	[tilespmem:v39+s18+$0x0] =	vst.idx.msk vm12, v52  }
0x3b3: {  	v33 =	vadd.s32 v33, v60;
	[tilespmem:v30+s18+$0x0] =	vst.idx.msk vm13, v52;
	v30 =	vmpcnt.ones.xlane vm13;
	v32 =	vadd.s32 v32, v31  }
0x3b4: {  	s22 =	sadd.s32 $0x10, s22;
	s24 =	sadd.s32 $0x100, s24;
	v31 =	vadd.s32 v28, v61;
	v28 =	vadd.s32 v57, v63;
	[tilespmem:v55+s18+$0x0] =	vst.idx.msk vm14, v52  }
0x3b5: {  	s25 =	sadd.s32 $0x100, s25;
	s26 =	sadd.s32 $0x100, s26;
	s23 =	sadd.s32 $0x100, s23;
	v30 =	vadd.s32 v29, v30;
	v29 =	vadd.s32 v43, v62;
	[tilespmem:v38+s18+$0x0] =	vst.idx.msk vm15, v52  }
.LBB2_7:
0x3b6: {  	_ =	sfence.sel $0x180000  }
0x3b7: {  	[bflag:$0x0] =	sbarrier.arrive $0xFFFF  }
0x3b8: {  	p0 =	sne.s32 s1, $0x0;
	_ =	strace $0x9000004A  }
0x3b9: {  	s0 =	sadd.s32 @!p0 $0x100000, s0;
	[bflag:$0x2] =	sbarrier.arrive $0xFFFF  }
0x3ba: {  	[sflag:s0] =	ssyncadd.tile.s32 @!p0 $0x1;
	_ =	shalt  }
.Lfunc_end2:
_tile_overlayer_lowered:
.L_overlay_start_2:
0x3bb: {  	(tag) =	ssettag $0x2  }
0x3bc: {  	s0 =	rddreg [dreg:$0x0];
	s2 =	stileid.u32  }
0x3bd: {  	s1 =	rddreg [dreg:$0x1];
	p0 =	sne.s32 s2, $0x0  }
0x3be: {  	s3 =	rddreg [dreg:$0x2];
	[bflag:$0x3] =	sbarrier.arrive $0xFFFF;
	s2 =	simm.s32 @!p0 $0x1C01  }
0x3bf: {  	[timem:s3], [sflag:s2] =	dma.local @!p0 [hbm:s0], s1  }
0x3c0: {  	s0 =	simm.s32 @!p0 $0x1  }
0x3c1: {  	_ =	swait.ge @!p0 [sflag:s0], s1  }
0x3c2: {  	s1 =	ssub.s32 @!p0 $0x0, s1;
	[sflag:s0] =	ssyncset.done @!p0 $0x0  }
0x3c3: {  	[sflag:s0] =	ssyncadd.s32 @!p0 s1  }
0x3c4: {  	[bflag:$0x3] =	sbarrier.arrive $0xFFFF  }
0x3c5: {  	_ =	shalt  }

</sc_bundles>
